<compile_context>
chip_gen: v7x
topology: tpu7x:2x2x1
jax: 0.10.2.dev20260603
libtpu: 0.0.44.dev20260713+nightly
codegen_flags: <defaults>
</compile_context>

<pallas_src>
import jax
import jax.numpy as jnp
from jax import lax
from jax.experimental import pallas as pl
from jax.experimental.pallas import tpu as pltpu
from jax.experimental.pallas import tpu_sc as plsc

VOCAB = 1000000
D = 64
S = 200
B = 4096

NC, NS = 2, 16
NW = NC * NS
BT = B // NW
LANES = 16
DT = D // 8
GRP = 8
CC = D // LANES


def _body(xa_hbm, tok_hbm, pos_hbm, out_hbm,
          idx_v, pos_v, g0, g1, g2, g3, t0, t1, t2, t3,
          gs0, gs1, gs2, gs3, ss0, ss1, ss2, ss3):
    gath = (g0, g1, g2, g3)
    tbuf = (t0, t1, t2, t3)
    g_sems = (gs0, gs1, gs2, gs3)
    s_sems = (ss0, ss1, ss2, ss3)

    wid = lax.axis_index("s") * NC + lax.axis_index("c")
    pltpu.sync_copy(xa_hbm.at[wid], idx_v)
    pltpu.sync_copy(pos_hbm, pos_v)

    iota = lax.iota(jnp.int32, LANES)
    dvec = [16 * cc + iota for cc in range(CC)]

    def fire_gather(s, p):
        pltpu.async_copy(tok_hbm.at[idx_v.at[s]], gath[p], g_sems[p])

    def wait_gather(s, p):
        pltpu.make_async_copy(tok_hbm.at[idx_v.at[s]], gath[p],
                              g_sems[p]).wait()

    def fire_store(s, p):
        for dt in range(DT):
            pltpu.async_copy(tbuf[p].at[pl.ds(dt * 8, 8), pl.ds(0, BT)],
                             out_hbm.at[s, dt, wid], s_sems[p])

    def wait_store(s, p):
        for dt in range(DT):
            pltpu.make_async_copy(tbuf[p].at[pl.ds(dt * 8, 8), pl.ds(0, BT)],
                                  out_hbm.at[s, dt, wid], s_sems[p]).wait()

    def compute(s, p):
        pr = [pos_v[s, pl.ds(16 * cc, LANES)] for cc in range(CC)]

        @pl.loop(0, BT, step=GRP)
        def _grp(b0):
            vals = []
            for r in range(GRP):
                for cc in range(CC):
                    vals.append(gath[p][b0 + r, pl.ds(16 * cc, LANES)])
            sums = []
            for r in range(GRP):
                for cc in range(CC):
                    sums.append(vals[r * CC + cc] + pr[cc])
            cols = [(b0 + r) + 0 * iota for r in range(GRP)]
            for r in range(GRP):
                for cc in range(CC):
                    plsc.store_scatter(tbuf[p], [dvec[cc], cols[r]],
                                       sums[r * CC + cc])

    for k in range(4):
        fire_gather(k, k)

    @pl.loop(0, S, step=4)
    def _s0(s0):
        for par in range(4):
            s = s0 + par
            wait_gather(s, par)

            @pl.when(s >= 4)
            def _():
                wait_store(s - 4, par)

            compute(s, par)
            fire_store(s, par)

            @pl.when(s + 4 < S)
            def _():
                fire_gather(s + 4, par)

    for k in range(4):
        wait_store(S - 4 + k, k)


@jax.jit
def _run(xa, token_emb, pos_emb):
    mesh = plsc.VectorSubcoreMesh(core_axis_name="c", subcore_axis_name="s",
                                  num_cores=NC, num_subcores=NS)
    return pl.kernel(
        _body,
        out_type=jax.ShapeDtypeStruct((S, DT, NW, 8, BT), jnp.float32),
        mesh=mesh,
        compiler_params=pltpu.CompilerParams(use_tc_tiling_on_sc=False,
                                             needs_layout_passes=False),
        scratch_types=(
            [pltpu.VMEM((S, BT), jnp.int32),
             pltpu.VMEM((S, D), jnp.float32),
             pltpu.VMEM((BT, D), jnp.float32),
             pltpu.VMEM((BT, D), jnp.float32),
             pltpu.VMEM((BT, D), jnp.float32),
             pltpu.VMEM((BT, D), jnp.float32),
             pltpu.VMEM((D, BT + 1), jnp.float32),
             pltpu.VMEM((D, BT + 1), jnp.float32),
             pltpu.VMEM((D, BT + 1), jnp.float32),
             pltpu.VMEM((D, BT + 1), jnp.float32)]
            + [pltpu.SemaphoreType.DMA for _ in range(8)]
        ),
    )(xa, token_emb, pos_emb)


def kernel(x, token_emb, pos_emb):
    xa = x.T.reshape(S, NW, BT).transpose(1, 0, 2)
    out5 = _run(xa, token_emb, pos_emb)
    return out5.transpose(2, 4, 0, 1, 3).reshape(B, S, D)

# --- scband reference (transcript-rebuilt; emitter-appended) ---
"""Pipeline reference for scband-embedding-31602369364369 (READ-ONLY COPY).

The authoritative reference and input builder live on the scoring server;
editing this copy changes nothing except your own understanding.
"""

import jax, jax.numpy as jnp
import numpy as np

VOCAB_SIZE = 1000000
EMB_DIM = 64
MAX_LENGTH = 200
BATCH = 4096
SEQ_LEN = 200


def setup_inputs(seed: int = 0) -> dict:
    key = jax.random.key(seed)
    k_x, k_tok, k_pos = jax.random.split(key, 3)
    x = jax.random.randint(k_x, (BATCH, SEQ_LEN), 0, VOCAB_SIZE, dtype=jnp.int64 if jax.config.jax_enable_x64 else jnp.int32).astype(jnp.int32)
    token_emb = jax.random.normal(k_tok, (VOCAB_SIZE, EMB_DIM), dtype=jnp.float32)
    pos_emb = jax.random.normal(k_pos, (MAX_LENGTH, EMB_DIM), dtype=jnp.float32)
    return {"x": x, "token_emb": token_emb, "pos_emb": pos_emb}


def reference(x, token_emb, pos_emb):
    # token embedding lookup: gather rows from table
    tok = jnp.take(token_emb, x, axis=0)  # [B, S, D]
    # positional embedding for positions 0..S-1
    positions = jnp.arange(0, x.shape[1])  # [S]
    pos = jnp.take(pos_emb, positions, axis=0)[None, :, :]  # [1, S, D]
    return tok + pos

if __name__ == "__main__":
    import jax
    _d = setup_inputs()
    print(jax.jit(kernel)(*tuple(_d.values())))

</pallas_src>

<mosaic_0001>
#map = affine_map<(d0, d1) -> (0, 0, 0)>
#map1 = affine_map<(d0, d1) -> (0, 0)>
#map2 = affine_map<(d0, d1) -> (0, 0, 0, 0, 0)>
module attributes {stable_mosaic.version = 14 : i64} {
  func.func @_body(%arg0: i32, %arg1: i32, %arg2: memref<32x200x128xi32, #tpu.memory_space<hbm>>, %arg3: memref<1000000x64xf32, #tpu.memory_space<hbm>>, %arg4: memref<200x64xf32, #tpu.memory_space<hbm>>, %arg5: memref<200x8x32x8x128xf32, #tpu.memory_space<hbm>>, %arg6: memref<200x128xi32, #tpu.memory_space<vmem>>, %arg7: memref<200x64xf32, #tpu.memory_space<vmem>>, %arg8: memref<128x64xf32, #tpu.memory_space<vmem>>, %arg9: memref<128x64xf32, #tpu.memory_space<vmem>>, %arg10: memref<128x64xf32, #tpu.memory_space<vmem>>, %arg11: memref<128x64xf32, #tpu.memory_space<vmem>>, %arg12: memref<64x129xf32, #tpu.memory_space<vmem>>, %arg13: memref<64x129xf32, #tpu.memory_space<vmem>>, %arg14: memref<64x129xf32, #tpu.memory_space<vmem>>, %arg15: memref<64x129xf32, #tpu.memory_space<vmem>>, %arg16: memref<!tpu.dma_semaphore, #tpu.memory_space<semaphore_mem>>, %arg17: memref<!tpu.dma_semaphore, #tpu.memory_space<semaphore_mem>>, %arg18: memref<!tpu.dma_semaphore, #tpu.memory_space<semaphore_mem>>, %arg19: memref<!tpu.dma_semaphore, #tpu.memory_space<semaphore_mem>>, %arg20: memref<!tpu.dma_semaphore, #tpu.memory_space<semaphore_mem>>, %arg21: memref<!tpu.dma_semaphore, #tpu.memory_space<semaphore_mem>>, %arg22: memref<!tpu.dma_semaphore, #tpu.memory_space<semaphore_mem>>, %arg23: memref<!tpu.dma_semaphore, #tpu.memory_space<semaphore_mem>>) attributes {dimension_semantics = [#tpu.dimension_semantics<core_parallel>, #tpu.dimension_semantics<subcore_parallel>], iteration_bounds = array<i64: 2, 16>, scalar_prefetch = 0 : i64, scratch_operands = 18 : i64, tpu.core_type = #tpu.core_type<sc_vector_subcore>, window_params = [{transform_indices = #map}, {transform_indices = #map1}, {transform_indices = #map1}, {transform_indices = #map2}]} {
    %mul3A = arith.constant 2 : i32
    %mul3A_0 = arith.muli %arg1, %mul3A : i32
    %add3A = arith.addi %mul3A_0, %arg0 : i32
    "tpu.region"() ({
      %run_scoped3A = tpu.sem_alloc : memref<!tpu.dma_semaphore, #tpu.memory_space<semaphore_mem>>
      %dma_start3A_555 = arith.constant 0 : i32
      %dma_start3A_556 = arith.constant 0 : i32
      %dma_start3A_557 = tpu.memref_slice %arg2[%add3A, %dma_start3A_555, %dma_start3A_556] : memref<32x200x128xi32, #tpu.memory_space<hbm>> -> memref<1x200x128xi32, #tpu.memory_space<hbm>>
      %dma_start3A_558 = tpu.memref_squeeze %dma_start3A_557 : memref<1x200x128xi32, #tpu.memory_space<hbm>> -> memref<200x128xi32, #tpu.memory_space<hbm>>
      %dma_start3A_559 = arith.constant 0 : i32
      %dma_start3A_560 = arith.constant 0 : i32
      %dma_start3A_561 = tpu.memref_slice %arg2[%add3A, %dma_start3A_559, %dma_start3A_560] : memref<32x200x128xi32, #tpu.memory_space<hbm>> -> memref<1x200x128xi32, #tpu.memory_space<hbm>>
      %dma_start3A_562 = tpu.memref_squeeze %dma_start3A_561 : memref<1x200x128xi32, #tpu.memory_space<hbm>> -> memref<200x128xi32, #tpu.memory_space<hbm>>
      tpu.enqueue_dma source(%dma_start3A_562 : memref<200x128xi32, #tpu.memory_space<hbm>>) target(%arg6 : memref<200x128xi32, #tpu.memory_space<vmem>>) target_semaphore(%run_scoped3A : memref<!tpu.dma_semaphore, #tpu.memory_space<semaphore_mem>>)
      %dma_wait3A_563 = arith.constant 0 : i32
      %dma_wait3A_564 = arith.constant 0 : i32
      %dma_wait3A_565 = tpu.memref_slice %arg2[%add3A, %dma_wait3A_563, %dma_wait3A_564] : memref<32x200x128xi32, #tpu.memory_space<hbm>> -> memref<1x200x128xi32, #tpu.memory_space<hbm>>
      %dma_wait3A_566 = tpu.memref_squeeze %dma_wait3A_565 : memref<1x200x128xi32, #tpu.memory_space<hbm>> -> memref<200x128xi32, #tpu.memory_space<hbm>>
      %dma_wait3A_567 = arith.constant 0 : i32
      %dma_wait3A_568 = arith.constant 0 : i32
      %dma_wait3A_569 = tpu.memref_slice %arg2[%add3A, %dma_wait3A_567, %dma_wait3A_568] : memref<32x200x128xi32, #tpu.memory_space<hbm>> -> memref<1x200x128xi32, #tpu.memory_space<hbm>>
      %dma_wait3A_570 = tpu.memref_squeeze %dma_wait3A_569 : memref<1x200x128xi32, #tpu.memory_space<hbm>> -> memref<200x128xi32, #tpu.memory_space<hbm>>
      tpu.wait_dma2 semaphore(%run_scoped3A : memref<!tpu.dma_semaphore, #tpu.memory_space<semaphore_mem>>) src(%dma_wait3A_570 : memref<200x128xi32, #tpu.memory_space<hbm>>) dst(%arg6 : memref<200x128xi32, #tpu.memory_space<vmem>>)
      tpu.yield
    }) : () -> ()
    "tpu.region"() ({
      %run_scoped3A = tpu.sem_alloc : memref<!tpu.dma_semaphore, #tpu.memory_space<semaphore_mem>>
      tpu.enqueue_dma source(%arg4 : memref<200x64xf32, #tpu.memory_space<hbm>>) target(%arg7 : memref<200x64xf32, #tpu.memory_space<vmem>>) target_semaphore(%run_scoped3A : memref<!tpu.dma_semaphore, #tpu.memory_space<semaphore_mem>>)
      tpu.wait_dma2 semaphore(%run_scoped3A : memref<!tpu.dma_semaphore, #tpu.memory_space<semaphore_mem>>) src(%arg4 : memref<200x64xf32, #tpu.memory_space<hbm>>) dst(%arg7 : memref<200x64xf32, #tpu.memory_space<vmem>>)
      tpu.yield
    }) : () -> ()
    %iota3A = tpu.iota {dimensions = array<i32: 0>} : vector<16xi32>
    %add3A_1 = arith.constant 0 : i32
    %add3A_2 = vector.broadcast %add3A_1 : i32 to vector<16xi32>
    %add3A_3 = arith.addi %add3A_2, %iota3A : vector<16xi32>
    %add3A_4 = arith.constant 16 : i32
    %add3A_5 = vector.broadcast %add3A_4 : i32 to vector<16xi32>
    %add3A_6 = arith.addi %add3A_5, %iota3A : vector<16xi32>
    %add3A_7 = arith.constant 32 : i32
    %add3A_8 = vector.broadcast %add3A_7 : i32 to vector<16xi32>
    %add3A_9 = arith.addi %add3A_8, %iota3A : vector<16xi32>
    %add3A_10 = arith.constant 48 : i32
    %add3A_11 = vector.broadcast %add3A_10 : i32 to vector<16xi32>
    %add3A_12 = arith.addi %add3A_11, %iota3A : vector<16xi32>
    %dma_start3A = arith.constant 0 : i32
    %dma_start3A_13 = arith.constant 0 : i32
    %dma_start3A_14 = tpu.memref_slice %arg6[%dma_start3A, %dma_start3A_13] : memref<200x128xi32, #tpu.memory_space<vmem>> -> memref<1x128xi32, #tpu.memory_space<vmem>>
    %dma_start3A_15 = tpu.memref_squeeze %dma_start3A_14 : memref<1x128xi32, #tpu.memory_space<vmem>> -> memref<128xi32, #tpu.memory_space<vmem>>
    %dma_start3A_16 = arith.constant 0 : i32
    %dma_start3A_17 = arith.constant 0 : i32
    %dma_start3A_18 = tpu.memref_slice %arg3[%dma_start3A_16, %dma_start3A_17] : memref<1000000x64xf32, #tpu.memory_space<hbm>> -> memref<1000000x64xf32, #tpu.memory_space<hbm>>
    tpu.enqueue_indirect_dma source(%dma_start3A_18 : memref<1000000x64xf32, #tpu.memory_space<hbm>>) target(%arg8 : memref<128x64xf32, #tpu.memory_space<vmem>>) offsets(%dma_start3A_15 : memref<128xi32, #tpu.memory_space<vmem>>) semaphore(%arg16 : memref<!tpu.dma_semaphore, #tpu.memory_space<semaphore_mem>>)
    %dma_start3A_19 = arith.constant 1 : i32
    %dma_start3A_20 = arith.constant 0 : i32
    %dma_start3A_21 = tpu.memref_slice %arg6[%dma_start3A_19, %dma_start3A_20] : memref<200x128xi32, #tpu.memory_space<vmem>> -> memref<1x128xi32, #tpu.memory_space<vmem>>
    %dma_start3A_22 = tpu.memref_squeeze %dma_start3A_21 : memref<1x128xi32, #tpu.memory_space<vmem>> -> memref<128xi32, #tpu.memory_space<vmem>>
    %dma_start3A_23 = arith.constant 0 : i32
    %dma_start3A_24 = arith.constant 0 : i32
    %dma_start3A_25 = tpu.memref_slice %arg3[%dma_start3A_23, %dma_start3A_24] : memref<1000000x64xf32, #tpu.memory_space<hbm>> -> memref<1000000x64xf32, #tpu.memory_space<hbm>>
    tpu.enqueue_indirect_dma source(%dma_start3A_25 : memref<1000000x64xf32, #tpu.memory_space<hbm>>) target(%arg9 : memref<128x64xf32, #tpu.memory_space<vmem>>) offsets(%dma_start3A_22 : memref<128xi32, #tpu.memory_space<vmem>>) semaphore(%arg17 : memref<!tpu.dma_semaphore, #tpu.memory_space<semaphore_mem>>)
    %dma_start3A_26 = arith.constant 2 : i32
    %dma_start3A_27 = arith.constant 0 : i32
    %dma_start3A_28 = tpu.memref_slice %arg6[%dma_start3A_26, %dma_start3A_27] : memref<200x128xi32, #tpu.memory_space<vmem>> -> memref<1x128xi32, #tpu.memory_space<vmem>>
    %dma_start3A_29 = tpu.memref_squeeze %dma_start3A_28 : memref<1x128xi32, #tpu.memory_space<vmem>> -> memref<128xi32, #tpu.memory_space<vmem>>
    %dma_start3A_30 = arith.constant 0 : i32
    %dma_start3A_31 = arith.constant 0 : i32
    %dma_start3A_32 = tpu.memref_slice %arg3[%dma_start3A_30, %dma_start3A_31] : memref<1000000x64xf32, #tpu.memory_space<hbm>> -> memref<1000000x64xf32, #tpu.memory_space<hbm>>
    tpu.enqueue_indirect_dma source(%dma_start3A_32 : memref<1000000x64xf32, #tpu.memory_space<hbm>>) target(%arg10 : memref<128x64xf32, #tpu.memory_space<vmem>>) offsets(%dma_start3A_29 : memref<128xi32, #tpu.memory_space<vmem>>) semaphore(%arg18 : memref<!tpu.dma_semaphore, #tpu.memory_space<semaphore_mem>>)
    %dma_start3A_33 = arith.constant 3 : i32
    %dma_start3A_34 = arith.constant 0 : i32
    %dma_start3A_35 = tpu.memref_slice %arg6[%dma_start3A_33, %dma_start3A_34] : memref<200x128xi32, #tpu.memory_space<vmem>> -> memref<1x128xi32, #tpu.memory_space<vmem>>
    %dma_start3A_36 = tpu.memref_squeeze %dma_start3A_35 : memref<1x128xi32, #tpu.memory_space<vmem>> -> memref<128xi32, #tpu.memory_space<vmem>>
    %dma_start3A_37 = arith.constant 0 : i32
    %dma_start3A_38 = arith.constant 0 : i32
    %dma_start3A_39 = tpu.memref_slice %arg3[%dma_start3A_37, %dma_start3A_38] : memref<1000000x64xf32, #tpu.memory_space<hbm>> -> memref<1000000x64xf32, #tpu.memory_space<hbm>>
    tpu.enqueue_indirect_dma source(%dma_start3A_39 : memref<1000000x64xf32, #tpu.memory_space<hbm>>) target(%arg11 : memref<128x64xf32, #tpu.memory_space<vmem>>) offsets(%dma_start3A_36 : memref<128xi32, #tpu.memory_space<vmem>>) semaphore(%arg19 : memref<!tpu.dma_semaphore, #tpu.memory_space<semaphore_mem>>)
    %scan3A = arith.constant 0 : i32
    %scan3A_40 = arith.constant 50 : i32
    %scan3A_41 = arith.addi %scan3A, %scan3A_40 : i32
    %scan3A_42 = arith.constant 1 : i32
    scf.for %scan3A_555 = %scan3A to %scan3A_41 step %scan3A_42  : i32 {
      %mul3A_556 = arith.constant 4 : i32
      %mul3A_557 = arith.muli %scan3A_555, %mul3A_556 : i32
      %add3A_558 = arith.constant 0 : i32
      %add3A_559 = arith.addi %add3A_558, %mul3A_557 : i32
      %add3A_560 = arith.constant 0 : i32
      %add3A_561 = arith.addi %add3A_559, %add3A_560 : i32
      %dma_wait3A_562 = arith.constant 0 : i32
      %dma_wait3A_563 = tpu.memref_slice %arg6[%add3A_561, %dma_wait3A_562] : memref<200x128xi32, #tpu.memory_space<vmem>> -> memref<1x128xi32, #tpu.memory_space<vmem>>
      %dma_wait3A_564 = tpu.memref_squeeze %dma_wait3A_563 : memref<1x128xi32, #tpu.memory_space<vmem>> -> memref<128xi32, #tpu.memory_space<vmem>>
      %dma_wait3A_565 = arith.constant 0 : i32
      %dma_wait3A_566 = arith.constant 0 : i32
      %dma_wait3A_567 = tpu.memref_slice %arg3[%dma_wait3A_565, %dma_wait3A_566] : memref<1000000x64xf32, #tpu.memory_space<hbm>> -> memref<1000000x64xf32, #tpu.memory_space<hbm>>
      tpu.wait_indirect_dma semaphore(%arg16 : memref<!tpu.dma_semaphore, #tpu.memory_space<semaphore_mem>>) src(%dma_wait3A_567 : memref<1000000x64xf32, #tpu.memory_space<hbm>>) dst(%arg8 : memref<128x64xf32, #tpu.memory_space<vmem>>)
      %ge3A = arith.constant 4 : i32
      %ge3A_568 = arith.cmpi sge, %add3A_561, %ge3A : i32
      %convert_element_type3A = arith.extui %ge3A_568 : i1 to i32
      %cond3A = arith.constant 0 : i32
      %cond3A_569 = arith.cmpi ne, %convert_element_type3A, %cond3A : i32
      scf.if %cond3A_569 {
        %sub3A = arith.constant 4 : i32
        %sub3A_1183 = arith.subi %add3A_561, %sub3A : i32
        %dma_wait3A_1184 = arith.constant 0 : i32
        %dma_wait3A_1185 = arith.constant 0 : i32
        %dma_wait3A_1186 = arith.constant 0 : i32
        %dma_wait3A_1187 = tpu.memref_slice %arg12[%dma_wait3A_1185, %dma_wait3A_1186] : memref<64x129xf32, #tpu.memory_space<vmem>> -> memref<8x128xf32, #tpu.memory_space<vmem>>
        %dma_wait3A_1188 = arith.constant 0 : i32
        %dma_wait3A_1189 = arith.constant 0 : i32
        %dma_wait3A_1190 = tpu.memref_slice %arg5[%sub3A_1183, %dma_wait3A_1184, %add3A, %dma_wait3A_1188, %dma_wait3A_1189] : memref<200x8x32x8x128xf32, #tpu.memory_space<hbm>> -> memref<1x1x1x8x128xf32, #tpu.memory_space<hbm>>
        %dma_wait3A_1191 = tpu.memref_squeeze %dma_wait3A_1190 : memref<1x1x1x8x128xf32, #tpu.memory_space<hbm>> -> memref<8x128xf32, #tpu.memory_space<hbm>>
        %dma_wait3A_1192 = arith.constant 0 : i32
        %dma_wait3A_1193 = arith.constant 0 : i32
        %dma_wait3A_1194 = tpu.memref_slice %arg5[%sub3A_1183, %dma_wait3A_1184, %add3A, %dma_wait3A_1192, %dma_wait3A_1193] : memref<200x8x32x8x128xf32, #tpu.memory_space<hbm>> -> memref<1x1x1x8x128xf32, #tpu.memory_space<hbm>>
        %dma_wait3A_1195 = tpu.memref_squeeze %dma_wait3A_1194 : memref<1x1x1x8x128xf32, #tpu.memory_space<hbm>> -> memref<8x128xf32, #tpu.memory_space<hbm>>
        %dma_wait3A_1196 = arith.constant 0 : i32
        %dma_wait3A_1197 = arith.constant 0 : i32
        %dma_wait3A_1198 = tpu.memref_slice %arg12[%dma_wait3A_1196, %dma_wait3A_1197] : memref<64x129xf32, #tpu.memory_space<vmem>> -> memref<8x128xf32, #tpu.memory_space<vmem>>
        tpu.wait_dma2 semaphore(%arg20 : memref<!tpu.dma_semaphore, #tpu.memory_space<semaphore_mem>>) src(%dma_wait3A_1198 : memref<8x128xf32, #tpu.memory_space<vmem>>) dst(%dma_wait3A_1195 : memref<8x128xf32, #tpu.memory_space<hbm>>)
        %dma_wait3A_1199 = arith.constant 1 : i32
        %dma_wait3A_1200 = arith.constant 8 : i32
        %dma_wait3A_1201 = arith.constant 0 : i32
        %dma_wait3A_1202 = tpu.memref_slice %arg12[%dma_wait3A_1200, %dma_wait3A_1201] : memref<64x129xf32, #tpu.memory_space<vmem>> -> memref<8x128xf32, #tpu.memory_space<vmem>>
        %dma_wait3A_1203 = arith.constant 0 : i32
        %dma_wait3A_1204 = arith.constant 0 : i32
        %dma_wait3A_1205 = tpu.memref_slice %arg5[%sub3A_1183, %dma_wait3A_1199, %add3A, %dma_wait3A_1203, %dma_wait3A_1204] : memref<200x8x32x8x128xf32, #tpu.memory_space<hbm>> -> memref<1x1x1x8x128xf32, #tpu.memory_space<hbm>>
        %dma_wait3A_1206 = tpu.memref_squeeze %dma_wait3A_1205 : memref<1x1x1x8x128xf32, #tpu.memory_space<hbm>> -> memref<8x128xf32, #tpu.memory_space<hbm>>
        %dma_wait3A_1207 = arith.constant 0 : i32
        %dma_wait3A_1208 = arith.constant 0 : i32
        %dma_wait3A_1209 = tpu.memref_slice %arg5[%sub3A_1183, %dma_wait3A_1199, %add3A, %dma_wait3A_1207, %dma_wait3A_1208] : memref<200x8x32x8x128xf32, #tpu.memory_space<hbm>> -> memref<1x1x1x8x128xf32, #tpu.memory_space<hbm>>
        %dma_wait3A_1210 = tpu.memref_squeeze %dma_wait3A_1209 : memref<1x1x1x8x128xf32, #tpu.memory_space<hbm>> -> memref<8x128xf32, #tpu.memory_space<hbm>>
        %dma_wait3A_1211 = arith.constant 8 : i32
        %dma_wait3A_1212 = arith.constant 0 : i32
        %dma_wait3A_1213 = tpu.memref_slice %arg12[%dma_wait3A_1211, %dma_wait3A_1212] : memref<64x129xf32, #tpu.memory_space<vmem>> -> memref<8x128xf32, #tpu.memory_space<vmem>>
        tpu.wait_dma2 semaphore(%arg20 : memref<!tpu.dma_semaphore, #tpu.memory_space<semaphore_mem>>) src(%dma_wait3A_1213 : memref<8x128xf32, #tpu.memory_space<vmem>>) dst(%dma_wait3A_1210 : memref<8x128xf32, #tpu.memory_space<hbm>>)
        %dma_wait3A_1214 = arith.constant 2 : i32
        %dma_wait3A_1215 = arith.constant 16 : i32
        %dma_wait3A_1216 = arith.constant 0 : i32
        %dma_wait3A_1217 = tpu.memref_slice %arg12[%dma_wait3A_1215, %dma_wait3A_1216] : memref<64x129xf32, #tpu.memory_space<vmem>> -> memref<8x128xf32, #tpu.memory_space<vmem>>
        %dma_wait3A_1218 = arith.constant 0 : i32
        %dma_wait3A_1219 = arith.constant 0 : i32
        %dma_wait3A_1220 = tpu.memref_slice %arg5[%sub3A_1183, %dma_wait3A_1214, %add3A, %dma_wait3A_1218, %dma_wait3A_1219] : memref<200x8x32x8x128xf32, #tpu.memory_space<hbm>> -> memref<1x1x1x8x128xf32, #tpu.memory_space<hbm>>
        %dma_wait3A_1221 = tpu.memref_squeeze %dma_wait3A_1220 : memref<1x1x1x8x128xf32, #tpu.memory_space<hbm>> -> memref<8x128xf32, #tpu.memory_space<hbm>>
        %dma_wait3A_1222 = arith.constant 0 : i32
        %dma_wait3A_1223 = arith.constant 0 : i32
        %dma_wait3A_1224 = tpu.memref_slice %arg5[%sub3A_1183, %dma_wait3A_1214, %add3A, %dma_wait3A_1222, %dma_wait3A_1223] : memref<200x8x32x8x128xf32, #tpu.memory_space<hbm>> -> memref<1x1x1x8x128xf32, #tpu.memory_space<hbm>>
        %dma_wait3A_1225 = tpu.memref_squeeze %dma_wait3A_1224 : memref<1x1x1x8x128xf32, #tpu.memory_space<hbm>> -> memref<8x128xf32, #tpu.memory_space<hbm>>
        %dma_wait3A_1226 = arith.constant 16 : i32
        %dma_wait3A_1227 = arith.constant 0 : i32
        %dma_wait3A_1228 = tpu.memref_slice %arg12[%dma_wait3A_1226, %dma_wait3A_1227] : memref<64x129xf32, #tpu.memory_space<vmem>> -> memref<8x128xf32, #tpu.memory_space<vmem>>
        tpu.wait_dma2 semaphore(%arg20 : memref<!tpu.dma_semaphore, #tpu.memory_space<semaphore_mem>>) src(%dma_wait3A_1228 : memref<8x128xf32, #tpu.memory_space<vmem>>) dst(%dma_wait3A_1225 : memref<8x128xf32, #tpu.memory_space<hbm>>)
        %dma_wait3A_1229 = arith.constant 3 : i32
        %dma_wait3A_1230 = arith.constant 24 : i32
        %dma_wait3A_1231 = arith.constant 0 : i32
        %dma_wait3A_1232 = tpu.memref_slice %arg12[%dma_wait3A_1230, %dma_wait3A_1231] : memref<64x129xf32, #tpu.memory_space<vmem>> -> memref<8x128xf32, #tpu.memory_space<vmem>>
        %dma_wait3A_1233 = arith.constant 0 : i32
        %dma_wait3A_1234 = arith.constant 0 : i32
        %dma_wait3A_1235 = tpu.memref_slice %arg5[%sub3A_1183, %dma_wait3A_1229, %add3A, %dma_wait3A_1233, %dma_wait3A_1234] : memref<200x8x32x8x128xf32, #tpu.memory_space<hbm>> -> memref<1x1x1x8x128xf32, #tpu.memory_space<hbm>>
        %dma_wait3A_1236 = tpu.memref_squeeze %dma_wait3A_1235 : memref<1x1x1x8x128xf32, #tpu.memory_space<hbm>> -> memref<8x128xf32, #tpu.memory_space<hbm>>
        %dma_wait3A_1237 = arith.constant 0 : i32
        %dma_wait3A_1238 = arith.constant 0 : i32
        %dma_wait3A_1239 = tpu.memref_slice %arg5[%sub3A_1183, %dma_wait3A_1229, %add3A, %dma_wait3A_1237, %dma_wait3A_1238] : memref<200x8x32x8x128xf32, #tpu.memory_space<hbm>> -> memref<1x1x1x8x128xf32, #tpu.memory_space<hbm>>
        %dma_wait3A_1240 = tpu.memref_squeeze %dma_wait3A_1239 : memref<1x1x1x8x128xf32, #tpu.memory_space<hbm>> -> memref<8x128xf32, #tpu.memory_space<hbm>>
        %dma_wait3A_1241 = arith.constant 24 : i32
        %dma_wait3A_1242 = arith.constant 0 : i32
        %dma_wait3A_1243 = tpu.memref_slice %arg12[%dma_wait3A_1241, %dma_wait3A_1242] : memref<64x129xf32, #tpu.memory_space<vmem>> -> memref<8x128xf32, #tpu.memory_space<vmem>>
        tpu.wait_dma2 semaphore(%arg20 : memref<!tpu.dma_semaphore, #tpu.memory_space<semaphore_mem>>) src(%dma_wait3A_1243 : memref<8x128xf32, #tpu.memory_space<vmem>>) dst(%dma_wait3A_1240 : memref<8x128xf32, #tpu.memory_space<hbm>>)
        %dma_wait3A_1244 = arith.constant 4 : i32
        %dma_wait3A_1245 = arith.constant 32 : i32
        %dma_wait3A_1246 = arith.constant 0 : i32
        %dma_wait3A_1247 = tpu.memref_slice %arg12[%dma_wait3A_1245, %dma_wait3A_1246] : memref<64x129xf32, #tpu.memory_space<vmem>> -> memref<8x128xf32, #tpu.memory_space<vmem>>
        %dma_wait3A_1248 = arith.constant 0 : i32
        %dma_wait3A_1249 = arith.constant 0 : i32
        %dma_wait3A_1250 = tpu.memref_slice %arg5[%sub3A_1183, %dma_wait3A_1244, %add3A, %dma_wait3A_1248, %dma_wait3A_1249] : memref<200x8x32x8x128xf32, #tpu.memory_space<hbm>> -> memref<1x1x1x8x128xf32, #tpu.memory_space<hbm>>
        %dma_wait3A_1251 = tpu.memref_squeeze %dma_wait3A_1250 : memref<1x1x1x8x128xf32, #tpu.memory_space<hbm>> -> memref<8x128xf32, #tpu.memory_space<hbm>>
        %dma_wait3A_1252 = arith.constant 0 : i32
        %dma_wait3A_1253 = arith.constant 0 : i32
        %dma_wait3A_1254 = tpu.memref_slice %arg5[%sub3A_1183, %dma_wait3A_1244, %add3A, %dma_wait3A_1252, %dma_wait3A_1253] : memref<200x8x32x8x128xf32, #tpu.memory_space<hbm>> -> memref<1x1x1x8x128xf32, #tpu.memory_space<hbm>>
        %dma_wait3A_1255 = tpu.memref_squeeze %dma_wait3A_1254 : memref<1x1x1x8x128xf32, #tpu.memory_space<hbm>> -> memref<8x128xf32, #tpu.memory_space<hbm>>
        %dma_wait3A_1256 = arith.constant 32 : i32
        %dma_wait3A_1257 = arith.constant 0 : i32
        %dma_wait3A_1258 = tpu.memref_slice %arg12[%dma_wait3A_1256, %dma_wait3A_1257] : memref<64x129xf32, #tpu.memory_space<vmem>> -> memref<8x128xf32, #tpu.memory_space<vmem>>
        tpu.wait_dma2 semaphore(%arg20 : memref<!tpu.dma_semaphore, #tpu.memory_space<semaphore_mem>>) src(%dma_wait3A_1258 : memref<8x128xf32, #tpu.memory_space<vmem>>) dst(%dma_wait3A_1255 : memref<8x128xf32, #tpu.memory_space<hbm>>)
        %dma_wait3A_1259 = arith.constant 5 : i32
        %dma_wait3A_1260 = arith.constant 40 : i32
        %dma_wait3A_1261 = arith.constant 0 : i32
        %dma_wait3A_1262 = tpu.memref_slice %arg12[%dma_wait3A_1260, %dma_wait3A_1261] : memref<64x129xf32, #tpu.memory_space<vmem>> -> memref<8x128xf32, #tpu.memory_space<vmem>>
        %dma_wait3A_1263 = arith.constant 0 : i32
        %dma_wait3A_1264 = arith.constant 0 : i32
        %dma_wait3A_1265 = tpu.memref_slice %arg5[%sub3A_1183, %dma_wait3A_1259, %add3A, %dma_wait3A_1263, %dma_wait3A_1264] : memref<200x8x32x8x128xf32, #tpu.memory_space<hbm>> -> memref<1x1x1x8x128xf32, #tpu.memory_space<hbm>>
        %dma_wait3A_1266 = tpu.memref_squeeze %dma_wait3A_1265 : memref<1x1x1x8x128xf32, #tpu.memory_space<hbm>> -> memref<8x128xf32, #tpu.memory_space<hbm>>
        %dma_wait3A_1267 = arith.constant 0 : i32
        %dma_wait3A_1268 = arith.constant 0 : i32
        %dma_wait3A_1269 = tpu.memref_slice %arg5[%sub3A_1183, %dma_wait3A_1259, %add3A, %dma_wait3A_1267, %dma_wait3A_1268] : memref<200x8x32x8x128xf32, #tpu.memory_space<hbm>> -> memref<1x1x1x8x128xf32, #tpu.memory_space<hbm>>
        %dma_wait3A_1270 = tpu.memref_squeeze %dma_wait3A_1269 : memref<1x1x1x8x128xf32, #tpu.memory_space<hbm>> -> memref<8x128xf32, #tpu.memory_space<hbm>>
        %dma_wait3A_1271 = arith.constant 40 : i32
        %dma_wait3A_1272 = arith.constant 0 : i32
        %dma_wait3A_1273 = tpu.memref_slice %arg12[%dma_wait3A_1271, %dma_wait3A_1272] : memref<64x129xf32, #tpu.memory_space<vmem>> -> memref<8x128xf32, #tpu.memory_space<vmem>>
        tpu.wait_dma2 semaphore(%arg20 : memref<!tpu.dma_semaphore, #tpu.memory_space<semaphore_mem>>) src(%dma_wait3A_1273 : memref<8x128xf32, #tpu.memory_space<vmem>>) dst(%dma_wait3A_1270 : memref<8x128xf32, #tpu.memory_space<hbm>>)
        %dma_wait3A_1274 = arith.constant 6 : i32
        %dma_wait3A_1275 = arith.constant 48 : i32
        %dma_wait3A_1276 = arith.constant 0 : i32
        %dma_wait3A_1277 = tpu.memref_slice %arg12[%dma_wait3A_1275, %dma_wait3A_1276] : memref<64x129xf32, #tpu.memory_space<vmem>> -> memref<8x128xf32, #tpu.memory_space<vmem>>
        %dma_wait3A_1278 = arith.constant 0 : i32
        %dma_wait3A_1279 = arith.constant 0 : i32
        %dma_wait3A_1280 = tpu.memref_slice %arg5[%sub3A_1183, %dma_wait3A_1274, %add3A, %dma_wait3A_1278, %dma_wait3A_1279] : memref<200x8x32x8x128xf32, #tpu.memory_space<hbm>> -> memref<1x1x1x8x128xf32, #tpu.memory_space<hbm>>
        %dma_wait3A_1281 = tpu.memref_squeeze %dma_wait3A_1280 : memref<1x1x1x8x128xf32, #tpu.memory_space<hbm>> -> memref<8x128xf32, #tpu.memory_space<hbm>>
        %dma_wait3A_1282 = arith.constant 0 : i32
        %dma_wait3A_1283 = arith.constant 0 : i32
        %dma_wait3A_1284 = tpu.memref_slice %arg5[%sub3A_1183, %dma_wait3A_1274, %add3A, %dma_wait3A_1282, %dma_wait3A_1283] : memref<200x8x32x8x128xf32, #tpu.memory_space<hbm>> -> memref<1x1x1x8x128xf32, #tpu.memory_space<hbm>>
        %dma_wait3A_1285 = tpu.memref_squeeze %dma_wait3A_1284 : memref<1x1x1x8x128xf32, #tpu.memory_space<hbm>> -> memref<8x128xf32, #tpu.memory_space<hbm>>
        %dma_wait3A_1286 = arith.constant 48 : i32
        %dma_wait3A_1287 = arith.constant 0 : i32
        %dma_wait3A_1288 = tpu.memref_slice %arg12[%dma_wait3A_1286, %dma_wait3A_1287] : memref<64x129xf32, #tpu.memory_space<vmem>> -> memref<8x128xf32, #tpu.memory_space<vmem>>
        tpu.wait_dma2 semaphore(%arg20 : memref<!tpu.dma_semaphore, #tpu.memory_space<semaphore_mem>>) src(%dma_wait3A_1288 : memref<8x128xf32, #tpu.memory_space<vmem>>) dst(%dma_wait3A_1285 : memref<8x128xf32, #tpu.memory_space<hbm>>)
        %dma_wait3A_1289 = arith.constant 7 : i32
        %dma_wait3A_1290 = arith.constant 56 : i32
        %dma_wait3A_1291 = arith.constant 0 : i32
        %dma_wait3A_1292 = tpu.memref_slice %arg12[%dma_wait3A_1290, %dma_wait3A_1291] : memref<64x129xf32, #tpu.memory_space<vmem>> -> memref<8x128xf32, #tpu.memory_space<vmem>>
        %dma_wait3A_1293 = arith.constant 0 : i32
        %dma_wait3A_1294 = arith.constant 0 : i32
        %dma_wait3A_1295 = tpu.memref_slice %arg5[%sub3A_1183, %dma_wait3A_1289, %add3A, %dma_wait3A_1293, %dma_wait3A_1294] : memref<200x8x32x8x128xf32, #tpu.memory_space<hbm>> -> memref<1x1x1x8x128xf32, #tpu.memory_space<hbm>>
        %dma_wait3A_1296 = tpu.memref_squeeze %dma_wait3A_1295 : memref<1x1x1x8x128xf32, #tpu.memory_space<hbm>> -> memref<8x128xf32, #tpu.memory_space<hbm>>
        %dma_wait3A_1297 = arith.constant 0 : i32
        %dma_wait3A_1298 = arith.constant 0 : i32
        %dma_wait3A_1299 = tpu.memref_slice %arg5[%sub3A_1183, %dma_wait3A_1289, %add3A, %dma_wait3A_1297, %dma_wait3A_1298] : memref<200x8x32x8x128xf32, #tpu.memory_space<hbm>> -> memref<1x1x1x8x128xf32, #tpu.memory_space<hbm>>
        %dma_wait3A_1300 = tpu.memref_squeeze %dma_wait3A_1299 : memref<1x1x1x8x128xf32, #tpu.memory_space<hbm>> -> memref<8x128xf32, #tpu.memory_space<hbm>>
        %dma_wait3A_1301 = arith.constant 56 : i32
        %dma_wait3A_1302 = arith.constant 0 : i32
        %dma_wait3A_1303 = tpu.memref_slice %arg12[%dma_wait3A_1301, %dma_wait3A_1302] : memref<64x129xf32, #tpu.memory_space<vmem>> -> memref<8x128xf32, #tpu.memory_space<vmem>>
        tpu.wait_dma2 semaphore(%arg20 : memref<!tpu.dma_semaphore, #tpu.memory_space<semaphore_mem>>) src(%dma_wait3A_1303 : memref<8x128xf32, #tpu.memory_space<vmem>>) dst(%dma_wait3A_1300 : memref<8x128xf32, #tpu.memory_space<hbm>>)
      } else {
      }
      %get3A = arith.index_cast %add3A_561 : i32 to index
      %get3A_570 = arith.constant 0 : index
      %get3A_571 = tpu.vector_load %arg7[%get3A, %get3A_570] {strides = array<i32>} : memref<200x64xf32, #tpu.memory_space<vmem>>, vector<16xf32>,
      %get3A_572 = arith.index_cast %add3A_561 : i32 to index
      %get3A_573 = arith.constant 16 : index
      %get3A_574 = tpu.vector_load %arg7[%get3A_572, %get3A_573] {strides = array<i32>} : memref<200x64xf32, #tpu.memory_space<vmem>>, vector<16xf32>,
      %get3A_575 = arith.index_cast %add3A_561 : i32 to index
      %get3A_576 = arith.constant 32 : index
      %get3A_577 = tpu.vector_load %arg7[%get3A_575, %get3A_576] {strides = array<i32>} : memref<200x64xf32, #tpu.memory_space<vmem>>, vector<16xf32>,
      %get3A_578 = arith.index_cast %add3A_561 : i32 to index
      %get3A_579 = arith.constant 48 : index
      %get3A_580 = tpu.vector_load %arg7[%get3A_578, %get3A_579] {strides = array<i32>} : memref<200x64xf32, #tpu.memory_space<vmem>>, vector<16xf32>,
      %scan3A_581 = arith.constant 0 : i32
      %scan3A_582 = arith.constant 16 : i32
      %scan3A_583 = arith.addi %scan3A_581, %scan3A_582 : i32
      %scan3A_584 = arith.constant 1 : i32
      scf.for %scan3A_1183 = %scan3A_581 to %scan3A_583 step %scan3A_584  : i32 {
        %mul3A_1184 = arith.constant 8 : i32
        %mul3A_1185 = arith.muli %scan3A_1183, %mul3A_1184 : i32
        %add3A_1186 = arith.constant 0 : i32
        %add3A_1187 = arith.addi %add3A_1186, %mul3A_1185 : i32
        %add3A_1188 = arith.constant 0 : i32
        %add3A_1189 = arith.addi %add3A_1187, %add3A_1188 : i32
        %get3A_1190 = arith.index_cast %add3A_1189 : i32 to index
        %get3A_1191 = arith.constant 0 : index
        %get3A_1192 = tpu.vector_load %arg8[%get3A_1190, %get3A_1191] {strides = array<i32>} : memref<128x64xf32, #tpu.memory_space<vmem>>, vector<16xf32>,
        %add3A_1193 = arith.constant 0 : i32
        %add3A_1194 = arith.addi %add3A_1187, %add3A_1193 : i32
        %get3A_1195 = arith.index_cast %add3A_1194 : i32 to index
        %get3A_1196 = arith.constant 16 : index
        %get3A_1197 = tpu.vector_load %arg8[%get3A_1195, %get3A_1196] {strides = array<i32>} : memref<128x64xf32, #tpu.memory_space<vmem>>, vector<16xf32>,
        %add3A_1198 = arith.constant 0 : i32
        %add3A_1199 = arith.addi %add3A_1187, %add3A_1198 : i32
        %get3A_1200 = arith.index_cast %add3A_1199 : i32 to index
        %get3A_1201 = arith.constant 32 : index
        %get3A_1202 = tpu.vector_load %arg8[%get3A_1200, %get3A_1201] {strides = array<i32>} : memref<128x64xf32, #tpu.memory_space<vmem>>, vector<16xf32>,
        %add3A_1203 = arith.constant 0 : i32
        %add3A_1204 = arith.addi %add3A_1187, %add3A_1203 : i32
        %get3A_1205 = arith.index_cast %add3A_1204 : i32 to index
        %get3A_1206 = arith.constant 48 : index
        %get3A_1207 = tpu.vector_load %arg8[%get3A_1205, %get3A_1206] {strides = array<i32>} : memref<128x64xf32, #tpu.memory_space<vmem>>, vector<16xf32>,
        %add3A_1208 = arith.constant 1 : i32
        %add3A_1209 = arith.addi %add3A_1187, %add3A_1208 : i32
        %get3A_1210 = arith.index_cast %add3A_1209 : i32 to index
        %get3A_1211 = arith.constant 0 : index
        %get3A_1212 = tpu.vector_load %arg8[%get3A_1210, %get3A_1211] {strides = array<i32>} : memref<128x64xf32, #tpu.memory_space<vmem>>, vector<16xf32>,
        %add3A_1213 = arith.constant 1 : i32
        %add3A_1214 = arith.addi %add3A_1187, %add3A_1213 : i32
        %get3A_1215 = arith.index_cast %add3A_1214 : i32 to index
        %get3A_1216 = arith.constant 16 : index
        %get3A_1217 = tpu.vector_load %arg8[%get3A_1215, %get3A_1216] {strides = array<i32>} : memref<128x64xf32, #tpu.memory_space<vmem>>, vector<16xf32>,
        %add3A_1218 = arith.constant 1 : i32
        %add3A_1219 = arith.addi %add3A_1187, %add3A_1218 : i32
        %get3A_1220 = arith.index_cast %add3A_1219 : i32 to index
        %get3A_1221 = arith.constant 32 : index
        %get3A_1222 = tpu.vector_load %arg8[%get3A_1220, %get3A_1221] {strides = array<i32>} : memref<128x64xf32, #tpu.memory_space<vmem>>, vector<16xf32>,
        %add3A_1223 = arith.constant 1 : i32
        %add3A_1224 = arith.addi %add3A_1187, %add3A_1223 : i32
        %get3A_1225 = arith.index_cast %add3A_1224 : i32 to index
        %get3A_1226 = arith.constant 48 : index
        %get3A_1227 = tpu.vector_load %arg8[%get3A_1225, %get3A_1226] {strides = array<i32>} : memref<128x64xf32, #tpu.memory_space<vmem>>, vector<16xf32>,
        %add3A_1228 = arith.constant 2 : i32
        %add3A_1229 = arith.addi %add3A_1187, %add3A_1228 : i32
        %get3A_1230 = arith.index_cast %add3A_1229 : i32 to index
        %get3A_1231 = arith.constant 0 : index
        %get3A_1232 = tpu.vector_load %arg8[%get3A_1230, %get3A_1231] {strides = array<i32>} : memref<128x64xf32, #tpu.memory_space<vmem>>, vector<16xf32>,
        %add3A_1233 = arith.constant 2 : i32
        %add3A_1234 = arith.addi %add3A_1187, %add3A_1233 : i32
        %get3A_1235 = arith.index_cast %add3A_1234 : i32 to index
        %get3A_1236 = arith.constant 16 : index
        %get3A_1237 = tpu.vector_load %arg8[%get3A_1235, %get3A_1236] {strides = array<i32>} : memref<128x64xf32, #tpu.memory_space<vmem>>, vector<16xf32>,
        %add3A_1238 = arith.constant 2 : i32
        %add3A_1239 = arith.addi %add3A_1187, %add3A_1238 : i32
        %get3A_1240 = arith.index_cast %add3A_1239 : i32 to index
        %get3A_1241 = arith.constant 32 : index
        %get3A_1242 = tpu.vector_load %arg8[%get3A_1240, %get3A_1241] {strides = array<i32>} : memref<128x64xf32, #tpu.memory_space<vmem>>, vector<16xf32>,
        %add3A_1243 = arith.constant 2 : i32
        %add3A_1244 = arith.addi %add3A_1187, %add3A_1243 : i32
        %get3A_1245 = arith.index_cast %add3A_1244 : i32 to index
        %get3A_1246 = arith.constant 48 : index
        %get3A_1247 = tpu.vector_load %arg8[%get3A_1245, %get3A_1246] {strides = array<i32>} : memref<128x64xf32, #tpu.memory_space<vmem>>, vector<16xf32>,
        %add3A_1248 = arith.constant 3 : i32
        %add3A_1249 = arith.addi %add3A_1187, %add3A_1248 : i32
        %get3A_1250 = arith.index_cast %add3A_1249 : i32 to index
        %get3A_1251 = arith.constant 0 : index
        %get3A_1252 = tpu.vector_load %arg8[%get3A_1250, %get3A_1251] {strides = array<i32>} : memref<128x64xf32, #tpu.memory_space<vmem>>, vector<16xf32>,
        %add3A_1253 = arith.constant 3 : i32
        %add3A_1254 = arith.addi %add3A_1187, %add3A_1253 : i32
        %get3A_1255 = arith.index_cast %add3A_1254 : i32 to index
        %get3A_1256 = arith.constant 16 : index
        %get3A_1257 = tpu.vector_load %arg8[%get3A_1255, %get3A_1256] {strides = array<i32>} : memref<128x64xf32, #tpu.memory_space<vmem>>, vector<16xf32>,
        %add3A_1258 = arith.constant 3 : i32
        %add3A_1259 = arith.addi %add3A_1187, %add3A_1258 : i32
        %get3A_1260 = arith.index_cast %add3A_1259 : i32 to index
        %get3A_1261 = arith.constant 32 : index
        %get3A_1262 = tpu.vector_load %arg8[%get3A_1260, %get3A_1261] {strides = array<i32>} : memref<128x64xf32, #tpu.memory_space<vmem>>, vector<16xf32>,
        %add3A_1263 = arith.constant 3 : i32
        %add3A_1264 = arith.addi %add3A_1187, %add3A_1263 : i32
        %get3A_1265 = arith.index_cast %add3A_1264 : i32 to index
        %get3A_1266 = arith.constant 48 : index
        %get3A_1267 = tpu.vector_load %arg8[%get3A_1265, %get3A_1266] {strides = array<i32>} : memref<128x64xf32, #tpu.memory_space<vmem>>, vector<16xf32>,
        %add3A_1268 = arith.constant 4 : i32
        %add3A_1269 = arith.addi %add3A_1187, %add3A_1268 : i32
        %get3A_1270 = arith.index_cast %add3A_1269 : i32 to index
        %get3A_1271 = arith.constant 0 : index
        %get3A_1272 = tpu.vector_load %arg8[%get3A_1270, %get3A_1271] {strides = array<i32>} : memref<128x64xf32, #tpu.memory_space<vmem>>, vector<16xf32>,
        %add3A_1273 = arith.constant 4 : i32
        %add3A_1274 = arith.addi %add3A_1187, %add3A_1273 : i32
        %get3A_1275 = arith.index_cast %add3A_1274 : i32 to index
        %get3A_1276 = arith.constant 16 : index
        %get3A_1277 = tpu.vector_load %arg8[%get3A_1275, %get3A_1276] {strides = array<i32>} : memref<128x64xf32, #tpu.memory_space<vmem>>, vector<16xf32>,
        %add3A_1278 = arith.constant 4 : i32
        %add3A_1279 = arith.addi %add3A_1187, %add3A_1278 : i32
        %get3A_1280 = arith.index_cast %add3A_1279 : i32 to index
        %get3A_1281 = arith.constant 32 : index
        %get3A_1282 = tpu.vector_load %arg8[%get3A_1280, %get3A_1281] {strides = array<i32>} : memref<128x64xf32, #tpu.memory_space<vmem>>, vector<16xf32>,
        %add3A_1283 = arith.constant 4 : i32
        %add3A_1284 = arith.addi %add3A_1187, %add3A_1283 : i32
        %get3A_1285 = arith.index_cast %add3A_1284 : i32 to index
        %get3A_1286 = arith.constant 48 : index
        %get3A_1287 = tpu.vector_load %arg8[%get3A_1285, %get3A_1286] {strides = array<i32>} : memref<128x64xf32, #tpu.memory_space<vmem>>, vector<16xf32>,
        %add3A_1288 = arith.constant 5 : i32
        %add3A_1289 = arith.addi %add3A_1187, %add3A_1288 : i32
        %get3A_1290 = arith.index_cast %add3A_1289 : i32 to index
        %get3A_1291 = arith.constant 0 : index
        %get3A_1292 = tpu.vector_load %arg8[%get3A_1290, %get3A_1291] {strides = array<i32>} : memref<128x64xf32, #tpu.memory_space<vmem>>, vector<16xf32>,
        %add3A_1293 = arith.constant 5 : i32
        %add3A_1294 = arith.addi %add3A_1187, %add3A_1293 : i32
        %get3A_1295 = arith.index_cast %add3A_1294 : i32 to index
        %get3A_1296 = arith.constant 16 : index
        %get3A_1297 = tpu.vector_load %arg8[%get3A_1295, %get3A_1296] {strides = array<i32>} : memref<128x64xf32, #tpu.memory_space<vmem>>, vector<16xf32>,
        %add3A_1298 = arith.constant 5 : i32
        %add3A_1299 = arith.addi %add3A_1187, %add3A_1298 : i32
        %get3A_1300 = arith.index_cast %add3A_1299 : i32 to index
        %get3A_1301 = arith.constant 32 : index
        %get3A_1302 = tpu.vector_load %arg8[%get3A_1300, %get3A_1301] {strides = array<i32>} : memref<128x64xf32, #tpu.memory_space<vmem>>, vector<16xf32>,
        %add3A_1303 = arith.constant 5 : i32
        %add3A_1304 = arith.addi %add3A_1187, %add3A_1303 : i32
        %get3A_1305 = arith.index_cast %add3A_1304 : i32 to index
        %get3A_1306 = arith.constant 48 : index
        %get3A_1307 = tpu.vector_load %arg8[%get3A_1305, %get3A_1306] {strides = array<i32>} : memref<128x64xf32, #tpu.memory_space<vmem>>, vector<16xf32>,
        %add3A_1308 = arith.constant 6 : i32
        %add3A_1309 = arith.addi %add3A_1187, %add3A_1308 : i32
        %get3A_1310 = arith.index_cast %add3A_1309 : i32 to index
        %get3A_1311 = arith.constant 0 : index
        %get3A_1312 = tpu.vector_load %arg8[%get3A_1310, %get3A_1311] {strides = array<i32>} : memref<128x64xf32, #tpu.memory_space<vmem>>, vector<16xf32>,
        %add3A_1313 = arith.constant 6 : i32
        %add3A_1314 = arith.addi %add3A_1187, %add3A_1313 : i32
        %get3A_1315 = arith.index_cast %add3A_1314 : i32 to index
        %get3A_1316 = arith.constant 16 : index
        %get3A_1317 = tpu.vector_load %arg8[%get3A_1315, %get3A_1316] {strides = array<i32>} : memref<128x64xf32, #tpu.memory_space<vmem>>, vector<16xf32>,
        %add3A_1318 = arith.constant 6 : i32
        %add3A_1319 = arith.addi %add3A_1187, %add3A_1318 : i32
        %get3A_1320 = arith.index_cast %add3A_1319 : i32 to index
        %get3A_1321 = arith.constant 32 : index
        %get3A_1322 = tpu.vector_load %arg8[%get3A_1320, %get3A_1321] {strides = array<i32>} : memref<128x64xf32, #tpu.memory_space<vmem>>, vector<16xf32>,
        %add3A_1323 = arith.constant 6 : i32
        %add3A_1324 = arith.addi %add3A_1187, %add3A_1323 : i32
        %get3A_1325 = arith.index_cast %add3A_1324 : i32 to index
        %get3A_1326 = arith.constant 48 : index
        %get3A_1327 = tpu.vector_load %arg8[%get3A_1325, %get3A_1326] {strides = array<i32>} : memref<128x64xf32, #tpu.memory_space<vmem>>, vector<16xf32>,
        %add3A_1328 = arith.constant 7 : i32
        %add3A_1329 = arith.addi %add3A_1187, %add3A_1328 : i32
        %get3A_1330 = arith.index_cast %add3A_1329 : i32 to index
        %get3A_1331 = arith.constant 0 : index
        %get3A_1332 = tpu.vector_load %arg8[%get3A_1330, %get3A_1331] {strides = array<i32>} : memref<128x64xf32, #tpu.memory_space<vmem>>, vector<16xf32>,
        %add3A_1333 = arith.constant 7 : i32
        %add3A_1334 = arith.addi %add3A_1187, %add3A_1333 : i32
        %get3A_1335 = arith.index_cast %add3A_1334 : i32 to index
        %get3A_1336 = arith.constant 16 : index
        %get3A_1337 = tpu.vector_load %arg8[%get3A_1335, %get3A_1336] {strides = array<i32>} : memref<128x64xf32, #tpu.memory_space<vmem>>, vector<16xf32>,
        %add3A_1338 = arith.constant 7 : i32
        %add3A_1339 = arith.addi %add3A_1187, %add3A_1338 : i32
        %get3A_1340 = arith.index_cast %add3A_1339 : i32 to index
        %get3A_1341 = arith.constant 32 : index
        %get3A_1342 = tpu.vector_load %arg8[%get3A_1340, %get3A_1341] {strides = array<i32>} : memref<128x64xf32, #tpu.memory_space<vmem>>, vector<16xf32>,
        %add3A_1343 = arith.constant 7 : i32
        %add3A_1344 = arith.addi %add3A_1187, %add3A_1343 : i32
        %get3A_1345 = arith.index_cast %add3A_1344 : i32 to index
        %get3A_1346 = arith.constant 48 : index
        %get3A_1347 = tpu.vector_load %arg8[%get3A_1345, %get3A_1346] {strides = array<i32>} : memref<128x64xf32, #tpu.memory_space<vmem>>, vector<16xf32>,
        %add3A_1348 = arith.addf %get3A_1192, %get3A_571 : vector<16xf32>
        %add3A_1349 = arith.addf %get3A_1197, %get3A_574 : vector<16xf32>
        %add3A_1350 = arith.addf %get3A_1202, %get3A_577 : vector<16xf32>
        %add3A_1351 = arith.addf %get3A_1207, %get3A_580 : vector<16xf32>
        %add3A_1352 = arith.addf %get3A_1212, %get3A_571 : vector<16xf32>
        %add3A_1353 = arith.addf %get3A_1217, %get3A_574 : vector<16xf32>
        %add3A_1354 = arith.addf %get3A_1222, %get3A_577 : vector<16xf32>
        %add3A_1355 = arith.addf %get3A_1227, %get3A_580 : vector<16xf32>
        %add3A_1356 = arith.addf %get3A_1232, %get3A_571 : vector<16xf32>
        %add3A_1357 = arith.addf %get3A_1237, %get3A_574 : vector<16xf32>
        %add3A_1358 = arith.addf %get3A_1242, %get3A_577 : vector<16xf32>
        %add3A_1359 = arith.addf %get3A_1247, %get3A_580 : vector<16xf32>
        %add3A_1360 = arith.addf %get3A_1252, %get3A_571 : vector<16xf32>
        %add3A_1361 = arith.addf %get3A_1257, %get3A_574 : vector<16xf32>
        %add3A_1362 = arith.addf %get3A_1262, %get3A_577 : vector<16xf32>
        %add3A_1363 = arith.addf %get3A_1267, %get3A_580 : vector<16xf32>
        %add3A_1364 = arith.addf %get3A_1272, %get3A_571 : vector<16xf32>
        %add3A_1365 = arith.addf %get3A_1277, %get3A_574 : vector<16xf32>
        %add3A_1366 = arith.addf %get3A_1282, %get3A_577 : vector<16xf32>
        %add3A_1367 = arith.addf %get3A_1287, %get3A_580 : vector<16xf32>
        %add3A_1368 = arith.addf %get3A_1292, %get3A_571 : vector<16xf32>
        %add3A_1369 = arith.addf %get3A_1297, %get3A_574 : vector<16xf32>
        %add3A_1370 = arith.addf %get3A_1302, %get3A_577 : vector<16xf32>
        %add3A_1371 = arith.addf %get3A_1307, %get3A_580 : vector<16xf32>
        %add3A_1372 = arith.addf %get3A_1312, %get3A_571 : vector<16xf32>
        %add3A_1373 = arith.addf %get3A_1317, %get3A_574 : vector<16xf32>
        %add3A_1374 = arith.addf %get3A_1322, %get3A_577 : vector<16xf32>
        %add3A_1375 = arith.addf %get3A_1327, %get3A_580 : vector<16xf32>
        %add3A_1376 = arith.addf %get3A_1332, %get3A_571 : vector<16xf32>
        %add3A_1377 = arith.addf %get3A_1337, %get3A_574 : vector<16xf32>
        %add3A_1378 = arith.addf %get3A_1342, %get3A_577 : vector<16xf32>
        %add3A_1379 = arith.addf %get3A_1347, %get3A_580 : vector<16xf32>
        %add3A_1380 = arith.constant 0 : i32
        %add3A_1381 = arith.addi %add3A_1187, %add3A_1380 : i32
        %mul3A_1382 = arith.constant 0 : i32
        %mul3A_1383 = vector.broadcast %mul3A_1382 : i32 to vector<16xi32>
        %mul3A_1384 = arith.muli %mul3A_1383, %iota3A : vector<16xi32>
        %add3A_1385 = vector.broadcast %add3A_1381 : i32 to vector<16xi32>
        %add3A_1386 = arith.addi %add3A_1385, %mul3A_1384 : vector<16xi32>
        %add3A_1387 = arith.constant 1 : i32
        %add3A_1388 = arith.addi %add3A_1187, %add3A_1387 : i32
        %mul3A_1389 = arith.constant 0 : i32
        %mul3A_1390 = vector.broadcast %mul3A_1389 : i32 to vector<16xi32>
        %mul3A_1391 = arith.muli %mul3A_1390, %iota3A : vector<16xi32>
        %add3A_1392 = vector.broadcast %add3A_1388 : i32 to vector<16xi32>
        %add3A_1393 = arith.addi %add3A_1392, %mul3A_1391 : vector<16xi32>
        %add3A_1394 = arith.constant 2 : i32
        %add3A_1395 = arith.addi %add3A_1187, %add3A_1394 : i32
        %mul3A_1396 = arith.constant 0 : i32
        %mul3A_1397 = vector.broadcast %mul3A_1396 : i32 to vector<16xi32>
        %mul3A_1398 = arith.muli %mul3A_1397, %iota3A : vector<16xi32>
        %add3A_1399 = vector.broadcast %add3A_1395 : i32 to vector<16xi32>
        %add3A_1400 = arith.addi %add3A_1399, %mul3A_1398 : vector<16xi32>
        %add3A_1401 = arith.constant 3 : i32
        %add3A_1402 = arith.addi %add3A_1187, %add3A_1401 : i32
        %mul3A_1403 = arith.constant 0 : i32
        %mul3A_1404 = vector.broadcast %mul3A_1403 : i32 to vector<16xi32>
        %mul3A_1405 = arith.muli %mul3A_1404, %iota3A : vector<16xi32>
        %add3A_1406 = vector.broadcast %add3A_1402 : i32 to vector<16xi32>
        %add3A_1407 = arith.addi %add3A_1406, %mul3A_1405 : vector<16xi32>
        %add3A_1408 = arith.constant 4 : i32
        %add3A_1409 = arith.addi %add3A_1187, %add3A_1408 : i32
        %mul3A_1410 = arith.constant 0 : i32
        %mul3A_1411 = vector.broadcast %mul3A_1410 : i32 to vector<16xi32>
        %mul3A_1412 = arith.muli %mul3A_1411, %iota3A : vector<16xi32>
        %add3A_1413 = vector.broadcast %add3A_1409 : i32 to vector<16xi32>
        %add3A_1414 = arith.addi %add3A_1413, %mul3A_1412 : vector<16xi32>
        %add3A_1415 = arith.constant 5 : i32
        %add3A_1416 = arith.addi %add3A_1187, %add3A_1415 : i32
        %mul3A_1417 = arith.constant 0 : i32
        %mul3A_1418 = vector.broadcast %mul3A_1417 : i32 to vector<16xi32>
        %mul3A_1419 = arith.muli %mul3A_1418, %iota3A : vector<16xi32>
        %add3A_1420 = vector.broadcast %add3A_1416 : i32 to vector<16xi32>
        %add3A_1421 = arith.addi %add3A_1420, %mul3A_1419 : vector<16xi32>
        %add3A_1422 = arith.constant 6 : i32
        %add3A_1423 = arith.addi %add3A_1187, %add3A_1422 : i32
        %mul3A_1424 = arith.constant 0 : i32
        %mul3A_1425 = vector.broadcast %mul3A_1424 : i32 to vector<16xi32>
        %mul3A_1426 = arith.muli %mul3A_1425, %iota3A : vector<16xi32>
        %add3A_1427 = vector.broadcast %add3A_1423 : i32 to vector<16xi32>
        %add3A_1428 = arith.addi %add3A_1427, %mul3A_1426 : vector<16xi32>
        %add3A_1429 = arith.constant 7 : i32
        %add3A_1430 = arith.addi %add3A_1187, %add3A_1429 : i32
        %mul3A_1431 = arith.constant 0 : i32
        %mul3A_1432 = vector.broadcast %mul3A_1431 : i32 to vector<16xi32>
        %mul3A_1433 = arith.muli %mul3A_1432, %iota3A : vector<16xi32>
        %add3A_1434 = vector.broadcast %add3A_1430 : i32 to vector<16xi32>
        %add3A_1435 = arith.addi %add3A_1434, %mul3A_1433 : vector<16xi32>
        tpu.vector_store_idx %arg12[%add3A_3, %add3A_1386], %add3A_1348 : memref<64x129xf32, #tpu.memory_space<vmem>>[vector<16xi32>, vector<16xi32>], vector<16xf32>,
        tpu.vector_store_idx %arg12[%add3A_6, %add3A_1386], %add3A_1349 : memref<64x129xf32, #tpu.memory_space<vmem>>[vector<16xi32>, vector<16xi32>], vector<16xf32>,
        tpu.vector_store_idx %arg12[%add3A_9, %add3A_1386], %add3A_1350 : memref<64x129xf32, #tpu.memory_space<vmem>>[vector<16xi32>, vector<16xi32>], vector<16xf32>,
        tpu.vector_store_idx %arg12[%add3A_12, %add3A_1386], %add3A_1351 : memref<64x129xf32, #tpu.memory_space<vmem>>[vector<16xi32>, vector<16xi32>], vector<16xf32>,
        tpu.vector_store_idx %arg12[%add3A_3, %add3A_1393], %add3A_1352 : memref<64x129xf32, #tpu.memory_space<vmem>>[vector<16xi32>, vector<16xi32>], vector<16xf32>,
        tpu.vector_store_idx %arg12[%add3A_6, %add3A_1393], %add3A_1353 : memref<64x129xf32, #tpu.memory_space<vmem>>[vector<16xi32>, vector<16xi32>], vector<16xf32>,
        tpu.vector_store_idx %arg12[%add3A_9, %add3A_1393], %add3A_1354 : memref<64x129xf32, #tpu.memory_space<vmem>>[vector<16xi32>, vector<16xi32>], vector<16xf32>,
        tpu.vector_store_idx %arg12[%add3A_12, %add3A_1393], %add3A_1355 : memref<64x129xf32, #tpu.memory_space<vmem>>[vector<16xi32>, vector<16xi32>], vector<16xf32>,
        tpu.vector_store_idx %arg12[%add3A_3, %add3A_1400], %add3A_1356 : memref<64x129xf32, #tpu.memory_space<vmem>>[vector<16xi32>, vector<16xi32>], vector<16xf32>,
        tpu.vector_store_idx %arg12[%add3A_6, %add3A_1400], %add3A_1357 : memref<64x129xf32, #tpu.memory_space<vmem>>[vector<16xi32>, vector<16xi32>], vector<16xf32>,
        tpu.vector_store_idx %arg12[%add3A_9, %add3A_1400], %add3A_1358 : memref<64x129xf32, #tpu.memory_space<vmem>>[vector<16xi32>, vector<16xi32>], vector<16xf32>,
        tpu.vector_store_idx %arg12[%add3A_12, %add3A_1400], %add3A_1359 : memref<64x129xf32, #tpu.memory_space<vmem>>[vector<16xi32>, vector<16xi32>], vector<16xf32>,
        tpu.vector_store_idx %arg12[%add3A_3, %add3A_1407], %add3A_1360 : memref<64x129xf32, #tpu.memory_space<vmem>>[vector<16xi32>, vector<16xi32>], vector<16xf32>,
        tpu.vector_store_idx %arg12[%add3A_6, %add3A_1407], %add3A_1361 : memref<64x129xf32, #tpu.memory_space<vmem>>[vector<16xi32>, vector<16xi32>], vector<16xf32>,
        tpu.vector_store_idx %arg12[%add3A_9, %add3A_1407], %add3A_1362 : memref<64x129xf32, #tpu.memory_space<vmem>>[vector<16xi32>, vector<16xi32>], vector<16xf32>,
        tpu.vector_store_idx %arg12[%add3A_12, %add3A_1407], %add3A_1363 : memref<64x129xf32, #tpu.memory_space<vmem>>[vector<16xi32>, vector<16xi32>], vector<16xf32>,
        tpu.vector_store_idx %arg12[%add3A_3, %add3A_1414], %add3A_1364 : memref<64x129xf32, #tpu.memory_space<vmem>>[vector<16xi32>, vector<16xi32>], vector<16xf32>,
        tpu.vector_store_idx %arg12[%add3A_6, %add3A_1414], %add3A_1365 : memref<64x129xf32, #tpu.memory_space<vmem>>[vector<16xi32>, vector<16xi32>], vector<16xf32>,
        tpu.vector_store_idx %arg12[%add3A_9, %add3A_1414], %add3A_1366 : memref<64x129xf32, #tpu.memory_space<vmem>>[vector<16xi32>, vector<16xi32>], vector<16xf32>,
        tpu.vector_store_idx %arg12[%add3A_12, %add3A_1414], %add3A_1367 : memref<64x129xf32, #tpu.memory_space<vmem>>[vector<16xi32>, vector<16xi32>], vector<16xf32>,
        tpu.vector_store_idx %arg12[%add3A_3, %add3A_1421], %add3A_1368 : memref<64x129xf32, #tpu.memory_space<vmem>>[vector<16xi32>, vector<16xi32>], vector<16xf32>,
        tpu.vector_store_idx %arg12[%add3A_6, %add3A_1421], %add3A_1369 : memref<64x129xf32, #tpu.memory_space<vmem>>[vector<16xi32>, vector<16xi32>], vector<16xf32>,
        tpu.vector_store_idx %arg12[%add3A_9, %add3A_1421], %add3A_1370 : memref<64x129xf32, #tpu.memory_space<vmem>>[vector<16xi32>, vector<16xi32>], vector<16xf32>,
        tpu.vector_store_idx %arg12[%add3A_12, %add3A_1421], %add3A_1371 : memref<64x129xf32, #tpu.memory_space<vmem>>[vector<16xi32>, vector<16xi32>], vector<16xf32>,
        tpu.vector_store_idx %arg12[%add3A_3, %add3A_1428], %add3A_1372 : memref<64x129xf32, #tpu.memory_space<vmem>>[vector<16xi32>, vector<16xi32>], vector<16xf32>,
        tpu.vector_store_idx %arg12[%add3A_6, %add3A_1428], %add3A_1373 : memref<64x129xf32, #tpu.memory_space<vmem>>[vector<16xi32>, vector<16xi32>], vector<16xf32>,
        tpu.vector_store_idx %arg12[%add3A_9, %add3A_1428], %add3A_1374 : memref<64x129xf32, #tpu.memory_space<vmem>>[vector<16xi32>, vector<16xi32>], vector<16xf32>,
        tpu.vector_store_idx %arg12[%add3A_12, %add3A_1428], %add3A_1375 : memref<64x129xf32, #tpu.memory_space<vmem>>[vector<16xi32>, vector<16xi32>], vector<16xf32>,
        tpu.vector_store_idx %arg12[%add3A_3, %add3A_1435], %add3A_1376 : memref<64x129xf32, #tpu.memory_space<vmem>>[vector<16xi32>, vector<16xi32>], vector<16xf32>,
        tpu.vector_store_idx %arg12[%add3A_6, %add3A_1435], %add3A_1377 : memref<64x129xf32, #tpu.memory_space<vmem>>[vector<16xi32>, vector<16xi32>], vector<16xf32>,
        tpu.vector_store_idx %arg12[%add3A_9, %add3A_1435], %add3A_1378 : memref<64x129xf32, #tpu.memory_space<vmem>>[vector<16xi32>, vector<16xi32>], vector<16xf32>,
        tpu.vector_store_idx %arg12[%add3A_12, %add3A_1435], %add3A_1379 : memref<64x129xf32, #tpu.memory_space<vmem>>[vector<16xi32>, vector<16xi32>], vector<16xf32>,
      }
      %scan3A_585 = arith.constant 16 : i32
      %dma_start3A_586 = arith.constant 0 : i32
      %dma_start3A_587 = arith.constant 0 : i32
      %dma_start3A_588 = arith.constant 0 : i32
      %dma_start3A_589 = tpu.memref_slice %arg12[%dma_start3A_587, %dma_start3A_588] : memref<64x129xf32, #tpu.memory_space<vmem>> -> memref<8x128xf32, #tpu.memory_space<vmem>>
      %dma_start3A_590 = arith.constant 0 : i32
      %dma_start3A_591 = arith.constant 0 : i32
      %dma_start3A_592 = tpu.memref_slice %arg5[%add3A_561, %dma_start3A_586, %add3A, %dma_start3A_590, %dma_start3A_591] : memref<200x8x32x8x128xf32, #tpu.memory_space<hbm>> -> memref<1x1x1x8x128xf32, #tpu.memory_space<hbm>>
      %dma_start3A_593 = tpu.memref_squeeze %dma_start3A_592 : memref<1x1x1x8x128xf32, #tpu.memory_space<hbm>> -> memref<8x128xf32, #tpu.memory_space<hbm>>
      %dma_start3A_594 = arith.constant 0 : i32
      %dma_start3A_595 = arith.constant 0 : i32
      %dma_start3A_596 = tpu.memref_slice %arg5[%add3A_561, %dma_start3A_586, %add3A, %dma_start3A_594, %dma_start3A_595] : memref<200x8x32x8x128xf32, #tpu.memory_space<hbm>> -> memref<1x1x1x8x128xf32, #tpu.memory_space<hbm>>
      %dma_start3A_597 = tpu.memref_squeeze %dma_start3A_596 : memref<1x1x1x8x128xf32, #tpu.memory_space<hbm>> -> memref<8x128xf32, #tpu.memory_space<hbm>>
      %dma_start3A_598 = arith.constant 0 : i32
      %dma_start3A_599 = arith.constant 0 : i32
      %dma_start3A_600 = tpu.memref_slice %arg12[%dma_start3A_598, %dma_start3A_599] : memref<64x129xf32, #tpu.memory_space<vmem>> -> memref<8x128xf32, #tpu.memory_space<vmem>>
      tpu.enqueue_dma source(%dma_start3A_600 : memref<8x128xf32, #tpu.memory_space<vmem>>) target(%dma_start3A_597 : memref<8x128xf32, #tpu.memory_space<hbm>>) target_semaphore(%arg20 : memref<!tpu.dma_semaphore, #tpu.memory_space<semaphore_mem>>)
      %dma_start3A_601 = arith.constant 1 : i32
      %dma_start3A_602 = arith.constant 8 : i32
      %dma_start3A_603 = arith.constant 0 : i32
      %dma_start3A_604 = tpu.memref_slice %arg12[%dma_start3A_602, %dma_start3A_603] : memref<64x129xf32, #tpu.memory_space<vmem>> -> memref<8x128xf32, #tpu.memory_space<vmem>>
      %dma_start3A_605 = arith.constant 0 : i32
      %dma_start3A_606 = arith.constant 0 : i32
      %dma_start3A_607 = tpu.memref_slice %arg5[%add3A_561, %dma_start3A_601, %add3A, %dma_start3A_605, %dma_start3A_606] : memref<200x8x32x8x128xf32, #tpu.memory_space<hbm>> -> memref<1x1x1x8x128xf32, #tpu.memory_space<hbm>>
      %dma_start3A_608 = tpu.memref_squeeze %dma_start3A_607 : memref<1x1x1x8x128xf32, #tpu.memory_space<hbm>> -> memref<8x128xf32, #tpu.memory_space<hbm>>
      %dma_start3A_609 = arith.constant 0 : i32
      %dma_start3A_610 = arith.constant 0 : i32
      %dma_start3A_611 = tpu.memref_slice %arg5[%add3A_561, %dma_start3A_601, %add3A, %dma_start3A_609, %dma_start3A_610] : memref<200x8x32x8x128xf32, #tpu.memory_space<hbm>> -> memref<1x1x1x8x128xf32, #tpu.memory_space<hbm>>
      %dma_start3A_612 = tpu.memref_squeeze %dma_start3A_611 : memref<1x1x1x8x128xf32, #tpu.memory_space<hbm>> -> memref<8x128xf32, #tpu.memory_space<hbm>>
      %dma_start3A_613 = arith.constant 8 : i32
      %dma_start3A_614 = arith.constant 0 : i32
      %dma_start3A_615 = tpu.memref_slice %arg12[%dma_start3A_613, %dma_start3A_614] : memref<64x129xf32, #tpu.memory_space<vmem>> -> memref<8x128xf32, #tpu.memory_space<vmem>>
      tpu.enqueue_dma source(%dma_start3A_615 : memref<8x128xf32, #tpu.memory_space<vmem>>) target(%dma_start3A_612 : memref<8x128xf32, #tpu.memory_space<hbm>>) target_semaphore(%arg20 : memref<!tpu.dma_semaphore, #tpu.memory_space<semaphore_mem>>)
      %dma_start3A_616 = arith.constant 2 : i32
      %dma_start3A_617 = arith.constant 16 : i32
      %dma_start3A_618 = arith.constant 0 : i32
      %dma_start3A_619 = tpu.memref_slice %arg12[%dma_start3A_617, %dma_start3A_618] : memref<64x129xf32, #tpu.memory_space<vmem>> -> memref<8x128xf32, #tpu.memory_space<vmem>>
      %dma_start3A_620 = arith.constant 0 : i32
      %dma_start3A_621 = arith.constant 0 : i32
      %dma_start3A_622 = tpu.memref_slice %arg5[%add3A_561, %dma_start3A_616, %add3A, %dma_start3A_620, %dma_start3A_621] : memref<200x8x32x8x128xf32, #tpu.memory_space<hbm>> -> memref<1x1x1x8x128xf32, #tpu.memory_space<hbm>>
      %dma_start3A_623 = tpu.memref_squeeze %dma_start3A_622 : memref<1x1x1x8x128xf32, #tpu.memory_space<hbm>> -> memref<8x128xf32, #tpu.memory_space<hbm>>
      %dma_start3A_624 = arith.constant 0 : i32
      %dma_start3A_625 = arith.constant 0 : i32
      %dma_start3A_626 = tpu.memref_slice %arg5[%add3A_561, %dma_start3A_616, %add3A, %dma_start3A_624, %dma_start3A_625] : memref<200x8x32x8x128xf32, #tpu.memory_space<hbm>> -> memref<1x1x1x8x128xf32, #tpu.memory_space<hbm>>
      %dma_start3A_627 = tpu.memref_squeeze %dma_start3A_626 : memref<1x1x1x8x128xf32, #tpu.memory_space<hbm>> -> memref<8x128xf32, #tpu.memory_space<hbm>>
      %dma_start3A_628 = arith.constant 16 : i32
      %dma_start3A_629 = arith.constant 0 : i32
      %dma_start3A_630 = tpu.memref_slice %arg12[%dma_start3A_628, %dma_start3A_629] : memref<64x129xf32, #tpu.memory_space<vmem>> -> memref<8x128xf32, #tpu.memory_space<vmem>>
      tpu.enqueue_dma source(%dma_start3A_630 : memref<8x128xf32, #tpu.memory_space<vmem>>) target(%dma_start3A_627 : memref<8x128xf32, #tpu.memory_space<hbm>>) target_semaphore(%arg20 : memref<!tpu.dma_semaphore, #tpu.memory_space<semaphore_mem>>)
      %dma_start3A_631 = arith.constant 3 : i32
      %dma_start3A_632 = arith.constant 24 : i32
      %dma_start3A_633 = arith.constant 0 : i32
      %dma_start3A_634 = tpu.memref_slice %arg12[%dma_start3A_632, %dma_start3A_633] : memref<64x129xf32, #tpu.memory_space<vmem>> -> memref<8x128xf32, #tpu.memory_space<vmem>>
      %dma_start3A_635 = arith.constant 0 : i32
      %dma_start3A_636 = arith.constant 0 : i32
      %dma_start3A_637 = tpu.memref_slice %arg5[%add3A_561, %dma_start3A_631, %add3A, %dma_start3A_635, %dma_start3A_636] : memref<200x8x32x8x128xf32, #tpu.memory_space<hbm>> -> memref<1x1x1x8x128xf32, #tpu.memory_space<hbm>>
      %dma_start3A_638 = tpu.memref_squeeze %dma_start3A_637 : memref<1x1x1x8x128xf32, #tpu.memory_space<hbm>> -> memref<8x128xf32, #tpu.memory_space<hbm>>
      %dma_start3A_639 = arith.constant 0 : i32
      %dma_start3A_640 = arith.constant 0 : i32
      %dma_start3A_641 = tpu.memref_slice %arg5[%add3A_561, %dma_start3A_631, %add3A, %dma_start3A_639, %dma_start3A_640] : memref<200x8x32x8x128xf32, #tpu.memory_space<hbm>> -> memref<1x1x1x8x128xf32, #tpu.memory_space<hbm>>
      %dma_start3A_642 = tpu.memref_squeeze %dma_start3A_641 : memref<1x1x1x8x128xf32, #tpu.memory_space<hbm>> -> memref<8x128xf32, #tpu.memory_space<hbm>>
      %dma_start3A_643 = arith.constant 24 : i32
      %dma_start3A_644 = arith.constant 0 : i32
      %dma_start3A_645 = tpu.memref_slice %arg12[%dma_start3A_643, %dma_start3A_644] : memref<64x129xf32, #tpu.memory_space<vmem>> -> memref<8x128xf32, #tpu.memory_space<vmem>>
      tpu.enqueue_dma source(%dma_start3A_645 : memref<8x128xf32, #tpu.memory_space<vmem>>) target(%dma_start3A_642 : memref<8x128xf32, #tpu.memory_space<hbm>>) target_semaphore(%arg20 : memref<!tpu.dma_semaphore, #tpu.memory_space<semaphore_mem>>)
      %dma_start3A_646 = arith.constant 4 : i32
      %dma_start3A_647 = arith.constant 32 : i32
      %dma_start3A_648 = arith.constant 0 : i32
      %dma_start3A_649 = tpu.memref_slice %arg12[%dma_start3A_647, %dma_start3A_648] : memref<64x129xf32, #tpu.memory_space<vmem>> -> memref<8x128xf32, #tpu.memory_space<vmem>>
      %dma_start3A_650 = arith.constant 0 : i32
      %dma_start3A_651 = arith.constant 0 : i32
      %dma_start3A_652 = tpu.memref_slice %arg5[%add3A_561, %dma_start3A_646, %add3A, %dma_start3A_650, %dma_start3A_651] : memref<200x8x32x8x128xf32, #tpu.memory_space<hbm>> -> memref<1x1x1x8x128xf32, #tpu.memory_space<hbm>>
      %dma_start3A_653 = tpu.memref_squeeze %dma_start3A_652 : memref<1x1x1x8x128xf32, #tpu.memory_space<hbm>> -> memref<8x128xf32, #tpu.memory_space<hbm>>
      %dma_start3A_654 = arith.constant 0 : i32
      %dma_start3A_655 = arith.constant 0 : i32
      %dma_start3A_656 = tpu.memref_slice %arg5[%add3A_561, %dma_start3A_646, %add3A, %dma_start3A_654, %dma_start3A_655] : memref<200x8x32x8x128xf32, #tpu.memory_space<hbm>> -> memref<1x1x1x8x128xf32, #tpu.memory_space<hbm>>
      %dma_start3A_657 = tpu.memref_squeeze %dma_start3A_656 : memref<1x1x1x8x128xf32, #tpu.memory_space<hbm>> -> memref<8x128xf32, #tpu.memory_space<hbm>>
      %dma_start3A_658 = arith.constant 32 : i32
      %dma_start3A_659 = arith.constant 0 : i32
      %dma_start3A_660 = tpu.memref_slice %arg12[%dma_start3A_658, %dma_start3A_659] : memref<64x129xf32, #tpu.memory_space<vmem>> -> memref<8x128xf32, #tpu.memory_space<vmem>>
      tpu.enqueue_dma source(%dma_start3A_660 : memref<8x128xf32, #tpu.memory_space<vmem>>) target(%dma_start3A_657 : memref<8x128xf32, #tpu.memory_space<hbm>>) target_semaphore(%arg20 : memref<!tpu.dma_semaphore, #tpu.memory_space<semaphore_mem>>)
      %dma_start3A_661 = arith.constant 5 : i32
      %dma_start3A_662 = arith.constant 40 : i32
      %dma_start3A_663 = arith.constant 0 : i32
      %dma_start3A_664 = tpu.memref_slice %arg12[%dma_start3A_662, %dma_start3A_663] : memref<64x129xf32, #tpu.memory_space<vmem>> -> memref<8x128xf32, #tpu.memory_space<vmem>>
      %dma_start3A_665 = arith.constant 0 : i32
      %dma_start3A_666 = arith.constant 0 : i32
      %dma_start3A_667 = tpu.memref_slice %arg5[%add3A_561, %dma_start3A_661, %add3A, %dma_start3A_665, %dma_start3A_666] : memref<200x8x32x8x128xf32, #tpu.memory_space<hbm>> -> memref<1x1x1x8x128xf32, #tpu.memory_space<hbm>>
      %dma_start3A_668 = tpu.memref_squeeze %dma_start3A_667 : memref<1x1x1x8x128xf32, #tpu.memory_space<hbm>> -> memref<8x128xf32, #tpu.memory_space<hbm>>
      %dma_start3A_669 = arith.constant 0 : i32
      %dma_start3A_670 = arith.constant 0 : i32
      %dma_start3A_671 = tpu.memref_slice %arg5[%add3A_561, %dma_start3A_661, %add3A, %dma_start3A_669, %dma_start3A_670] : memref<200x8x32x8x128xf32, #tpu.memory_space<hbm>> -> memref<1x1x1x8x128xf32, #tpu.memory_space<hbm>>
      %dma_start3A_672 = tpu.memref_squeeze %dma_start3A_671 : memref<1x1x1x8x128xf32, #tpu.memory_space<hbm>> -> memref<8x128xf32, #tpu.memory_space<hbm>>
      %dma_start3A_673 = arith.constant 40 : i32
      %dma_start3A_674 = arith.constant 0 : i32
      %dma_start3A_675 = tpu.memref_slice %arg12[%dma_start3A_673, %dma_start3A_674] : memref<64x129xf32, #tpu.memory_space<vmem>> -> memref<8x128xf32, #tpu.memory_space<vmem>>
      tpu.enqueue_dma source(%dma_start3A_675 : memref<8x128xf32, #tpu.memory_space<vmem>>) target(%dma_start3A_672 : memref<8x128xf32, #tpu.memory_space<hbm>>) target_semaphore(%arg20 : memref<!tpu.dma_semaphore, #tpu.memory_space<semaphore_mem>>)
      %dma_start3A_676 = arith.constant 6 : i32
      %dma_start3A_677 = arith.constant 48 : i32
      %dma_start3A_678 = arith.constant 0 : i32
      %dma_start3A_679 = tpu.memref_slice %arg12[%dma_start3A_677, %dma_start3A_678] : memref<64x129xf32, #tpu.memory_space<vmem>> -> memref<8x128xf32, #tpu.memory_space<vmem>>
      %dma_start3A_680 = arith.constant 0 : i32
      %dma_start3A_681 = arith.constant 0 : i32
      %dma_start3A_682 = tpu.memref_slice %arg5[%add3A_561, %dma_start3A_676, %add3A, %dma_start3A_680, %dma_start3A_681] : memref<200x8x32x8x128xf32, #tpu.memory_space<hbm>> -> memref<1x1x1x8x128xf32, #tpu.memory_space<hbm>>
      %dma_start3A_683 = tpu.memref_squeeze %dma_start3A_682 : memref<1x1x1x8x128xf32, #tpu.memory_space<hbm>> -> memref<8x128xf32, #tpu.memory_space<hbm>>
      %dma_start3A_684 = arith.constant 0 : i32
      %dma_start3A_685 = arith.constant 0 : i32
      %dma_start3A_686 = tpu.memref_slice %arg5[%add3A_561, %dma_start3A_676, %add3A, %dma_start3A_684, %dma_start3A_685] : memref<200x8x32x8x128xf32, #tpu.memory_space<hbm>> -> memref<1x1x1x8x128xf32, #tpu.memory_space<hbm>>
      %dma_start3A_687 = tpu.memref_squeeze %dma_start3A_686 : memref<1x1x1x8x128xf32, #tpu.memory_space<hbm>> -> memref<8x128xf32, #tpu.memory_space<hbm>>
      %dma_start3A_688 = arith.constant 48 : i32
      %dma_start3A_689 = arith.constant 0 : i32
      %dma_start3A_690 = tpu.memref_slice %arg12[%dma_start3A_688, %dma_start3A_689] : memref<64x129xf32, #tpu.memory_space<vmem>> -> memref<8x128xf32, #tpu.memory_space<vmem>>
      tpu.enqueue_dma source(%dma_start3A_690 : memref<8x128xf32, #tpu.memory_space<vmem>>) target(%dma_start3A_687 : memref<8x128xf32, #tpu.memory_space<hbm>>) target_semaphore(%arg20 : memref<!tpu.dma_semaphore, #tpu.memory_space<semaphore_mem>>)
      %dma_start3A_691 = arith.constant 7 : i32
      %dma_start3A_692 = arith.constant 56 : i32
      %dma_start3A_693 = arith.constant 0 : i32
      %dma_start3A_694 = tpu.memref_slice %arg12[%dma_start3A_692, %dma_start3A_693] : memref<64x129xf32, #tpu.memory_space<vmem>> -> memref<8x128xf32, #tpu.memory_space<vmem>>
      %dma_start3A_695 = arith.constant 0 : i32
      %dma_start3A_696 = arith.constant 0 : i32
      %dma_start3A_697 = tpu.memref_slice %arg5[%add3A_561, %dma_start3A_691, %add3A, %dma_start3A_695, %dma_start3A_696] : memref<200x8x32x8x128xf32, #tpu.memory_space<hbm>> -> memref<1x1x1x8x128xf32, #tpu.memory_space<hbm>>
      %dma_start3A_698 = tpu.memref_squeeze %dma_start3A_697 : memref<1x1x1x8x128xf32, #tpu.memory_space<hbm>> -> memref<8x128xf32, #tpu.memory_space<hbm>>
      %dma_start3A_699 = arith.constant 0 : i32
      %dma_start3A_700 = arith.constant 0 : i32
      %dma_start3A_701 = tpu.memref_slice %arg5[%add3A_561, %dma_start3A_691, %add3A, %dma_start3A_699, %dma_start3A_700] : memref<200x8x32x8x128xf32, #tpu.memory_space<hbm>> -> memref<1x1x1x8x128xf32, #tpu.memory_space<hbm>>
      %dma_start3A_702 = tpu.memref_squeeze %dma_start3A_701 : memref<1x1x1x8x128xf32, #tpu.memory_space<hbm>> -> memref<8x128xf32, #tpu.memory_space<hbm>>
      %dma_start3A_703 = arith.constant 56 : i32
      %dma_start3A_704 = arith.constant 0 : i32
      %dma_start3A_705 = tpu.memref_slice %arg12[%dma_start3A_703, %dma_start3A_704] : memref<64x129xf32, #tpu.memory_space<vmem>> -> memref<8x128xf32, #tpu.memory_space<vmem>>
      tpu.enqueue_dma source(%dma_start3A_705 : memref<8x128xf32, #tpu.memory_space<vmem>>) target(%dma_start3A_702 : memref<8x128xf32, #tpu.memory_space<hbm>>) target_semaphore(%arg20 : memref<!tpu.dma_semaphore, #tpu.memory_space<semaphore_mem>>)
      %add3A_706 = arith.constant 4 : i32
      %add3A_707 = arith.addi %add3A_561, %add3A_706 : i32
      %lt3A = arith.constant 200 : i32
      %lt3A_708 = arith.cmpi slt, %add3A_707, %lt3A : i32
      %convert_element_type3A_709 = arith.extui %lt3A_708 : i1 to i32
      %cond3A_710 = arith.constant 0 : i32
      %cond3A_711 = arith.cmpi ne, %convert_element_type3A_709, %cond3A_710 : i32
      scf.if %cond3A_711 {
        %add3A_1183 = arith.constant 4 : i32
        %add3A_1184 = arith.addi %add3A_561, %add3A_1183 : i32
        %dma_start3A_1185 = arith.constant 0 : i32
        %dma_start3A_1186 = tpu.memref_slice %arg6[%add3A_1184, %dma_start3A_1185] : memref<200x128xi32, #tpu.memory_space<vmem>> -> memref<1x128xi32, #tpu.memory_space<vmem>>
        %dma_start3A_1187 = tpu.memref_squeeze %dma_start3A_1186 : memref<1x128xi32, #tpu.memory_space<vmem>> -> memref<128xi32, #tpu.memory_space<vmem>>
        %dma_start3A_1188 = arith.constant 0 : i32
        %dma_start3A_1189 = arith.constant 0 : i32
        %dma_start3A_1190 = tpu.memref_slice %arg3[%dma_start3A_1188, %dma_start3A_1189] : memref<1000000x64xf32, #tpu.memory_space<hbm>> -> memref<1000000x64xf32, #tpu.memory_space<hbm>>
        tpu.enqueue_indirect_dma source(%dma_start3A_1190 : memref<1000000x64xf32, #tpu.memory_space<hbm>>) target(%arg8 : memref<128x64xf32, #tpu.memory_space<vmem>>) offsets(%dma_start3A_1187 : memref<128xi32, #tpu.memory_space<vmem>>) semaphore(%arg16 : memref<!tpu.dma_semaphore, #tpu.memory_space<semaphore_mem>>)
      } else {
      }
      %add3A_712 = arith.constant 1 : i32
      %add3A_713 = arith.addi %add3A_559, %add3A_712 : i32
      %dma_wait3A_714 = arith.constant 0 : i32
      %dma_wait3A_715 = tpu.memref_slice %arg6[%add3A_713, %dma_wait3A_714] : memref<200x128xi32, #tpu.memory_space<vmem>> -> memref<1x128xi32, #tpu.memory_space<vmem>>
      %dma_wait3A_716 = tpu.memref_squeeze %dma_wait3A_715 : memref<1x128xi32, #tpu.memory_space<vmem>> -> memref<128xi32, #tpu.memory_space<vmem>>
      %dma_wait3A_717 = arith.constant 0 : i32
      %dma_wait3A_718 = arith.constant 0 : i32
      %dma_wait3A_719 = tpu.memref_slice %arg3[%dma_wait3A_717, %dma_wait3A_718] : memref<1000000x64xf32, #tpu.memory_space<hbm>> -> memref<1000000x64xf32, #tpu.memory_space<hbm>>
      tpu.wait_indirect_dma semaphore(%arg17 : memref<!tpu.dma_semaphore, #tpu.memory_space<semaphore_mem>>) src(%dma_wait3A_719 : memref<1000000x64xf32, #tpu.memory_space<hbm>>) dst(%arg9 : memref<128x64xf32, #tpu.memory_space<vmem>>)
      %ge3A_720 = arith.constant 4 : i32
      %ge3A_721 = arith.cmpi sge, %add3A_713, %ge3A_720 : i32
      %convert_element_type3A_722 = arith.extui %ge3A_721 : i1 to i32
      %cond3A_723 = arith.constant 0 : i32
      %cond3A_724 = arith.cmpi ne, %convert_element_type3A_722, %cond3A_723 : i32
      scf.if %cond3A_724 {
        %sub3A = arith.constant 4 : i32
        %sub3A_1183 = arith.subi %add3A_713, %sub3A : i32
        %dma_wait3A_1184 = arith.constant 0 : i32
        %dma_wait3A_1185 = arith.constant 0 : i32
        %dma_wait3A_1186 = arith.constant 0 : i32
        %dma_wait3A_1187 = tpu.memref_slice %arg13[%dma_wait3A_1185, %dma_wait3A_1186] : memref<64x129xf32, #tpu.memory_space<vmem>> -> memref<8x128xf32, #tpu.memory_space<vmem>>
        %dma_wait3A_1188 = arith.constant 0 : i32
        %dma_wait3A_1189 = arith.constant 0 : i32
        %dma_wait3A_1190 = tpu.memref_slice %arg5[%sub3A_1183, %dma_wait3A_1184, %add3A, %dma_wait3A_1188, %dma_wait3A_1189] : memref<200x8x32x8x128xf32, #tpu.memory_space<hbm>> -> memref<1x1x1x8x128xf32, #tpu.memory_space<hbm>>
        %dma_wait3A_1191 = tpu.memref_squeeze %dma_wait3A_1190 : memref<1x1x1x8x128xf32, #tpu.memory_space<hbm>> -> memref<8x128xf32, #tpu.memory_space<hbm>>
        %dma_wait3A_1192 = arith.constant 0 : i32
        %dma_wait3A_1193 = arith.constant 0 : i32
        %dma_wait3A_1194 = tpu.memref_slice %arg5[%sub3A_1183, %dma_wait3A_1184, %add3A, %dma_wait3A_1192, %dma_wait3A_1193] : memref<200x8x32x8x128xf32, #tpu.memory_space<hbm>> -> memref<1x1x1x8x128xf32, #tpu.memory_space<hbm>>
        %dma_wait3A_1195 = tpu.memref_squeeze %dma_wait3A_1194 : memref<1x1x1x8x128xf32, #tpu.memory_space<hbm>> -> memref<8x128xf32, #tpu.memory_space<hbm>>
        %dma_wait3A_1196 = arith.constant 0 : i32
        %dma_wait3A_1197 = arith.constant 0 : i32
        %dma_wait3A_1198 = tpu.memref_slice %arg13[%dma_wait3A_1196, %dma_wait3A_1197] : memref<64x129xf32, #tpu.memory_space<vmem>> -> memref<8x128xf32, #tpu.memory_space<vmem>>
        tpu.wait_dma2 semaphore(%arg21 : memref<!tpu.dma_semaphore, #tpu.memory_space<semaphore_mem>>) src(%dma_wait3A_1198 : memref<8x128xf32, #tpu.memory_space<vmem>>) dst(%dma_wait3A_1195 : memref<8x128xf32, #tpu.memory_space<hbm>>)
        %dma_wait3A_1199 = arith.constant 1 : i32
        %dma_wait3A_1200 = arith.constant 8 : i32
        %dma_wait3A_1201 = arith.constant 0 : i32
        %dma_wait3A_1202 = tpu.memref_slice %arg13[%dma_wait3A_1200, %dma_wait3A_1201] : memref<64x129xf32, #tpu.memory_space<vmem>> -> memref<8x128xf32, #tpu.memory_space<vmem>>
        %dma_wait3A_1203 = arith.constant 0 : i32
        %dma_wait3A_1204 = arith.constant 0 : i32
        %dma_wait3A_1205 = tpu.memref_slice %arg5[%sub3A_1183, %dma_wait3A_1199, %add3A, %dma_wait3A_1203, %dma_wait3A_1204] : memref<200x8x32x8x128xf32, #tpu.memory_space<hbm>> -> memref<1x1x1x8x128xf32, #tpu.memory_space<hbm>>
        %dma_wait3A_1206 = tpu.memref_squeeze %dma_wait3A_1205 : memref<1x1x1x8x128xf32, #tpu.memory_space<hbm>> -> memref<8x128xf32, #tpu.memory_space<hbm>>
        %dma_wait3A_1207 = arith.constant 0 : i32
        %dma_wait3A_1208 = arith.constant 0 : i32
        %dma_wait3A_1209 = tpu.memref_slice %arg5[%sub3A_1183, %dma_wait3A_1199, %add3A, %dma_wait3A_1207, %dma_wait3A_1208] : memref<200x8x32x8x128xf32, #tpu.memory_space<hbm>> -> memref<1x1x1x8x128xf32, #tpu.memory_space<hbm>>
        %dma_wait3A_1210 = tpu.memref_squeeze %dma_wait3A_1209 : memref<1x1x1x8x128xf32, #tpu.memory_space<hbm>> -> memref<8x128xf32, #tpu.memory_space<hbm>>
        %dma_wait3A_1211 = arith.constant 8 : i32
        %dma_wait3A_1212 = arith.constant 0 : i32
        %dma_wait3A_1213 = tpu.memref_slice %arg13[%dma_wait3A_1211, %dma_wait3A_1212] : memref<64x129xf32, #tpu.memory_space<vmem>> -> memref<8x128xf32, #tpu.memory_space<vmem>>
        tpu.wait_dma2 semaphore(%arg21 : memref<!tpu.dma_semaphore, #tpu.memory_space<semaphore_mem>>) src(%dma_wait3A_1213 : memref<8x128xf32, #tpu.memory_space<vmem>>) dst(%dma_wait3A_1210 : memref<8x128xf32, #tpu.memory_space<hbm>>)
        %dma_wait3A_1214 = arith.constant 2 : i32
        %dma_wait3A_1215 = arith.constant 16 : i32
        %dma_wait3A_1216 = arith.constant 0 : i32
        %dma_wait3A_1217 = tpu.memref_slice %arg13[%dma_wait3A_1215, %dma_wait3A_1216] : memref<64x129xf32, #tpu.memory_space<vmem>> -> memref<8x128xf32, #tpu.memory_space<vmem>>
        %dma_wait3A_1218 = arith.constant 0 : i32
        %dma_wait3A_1219 = arith.constant 0 : i32
        %dma_wait3A_1220 = tpu.memref_slice %arg5[%sub3A_1183, %dma_wait3A_1214, %add3A, %dma_wait3A_1218, %dma_wait3A_1219] : memref<200x8x32x8x128xf32, #tpu.memory_space<hbm>> -> memref<1x1x1x8x128xf32, #tpu.memory_space<hbm>>
        %dma_wait3A_1221 = tpu.memref_squeeze %dma_wait3A_1220 : memref<1x1x1x8x128xf32, #tpu.memory_space<hbm>> -> memref<8x128xf32, #tpu.memory_space<hbm>>
        %dma_wait3A_1222 = arith.constant 0 : i32
        %dma_wait3A_1223 = arith.constant 0 : i32
        %dma_wait3A_1224 = tpu.memref_slice %arg5[%sub3A_1183, %dma_wait3A_1214, %add3A, %dma_wait3A_1222, %dma_wait3A_1223] : memref<200x8x32x8x128xf32, #tpu.memory_space<hbm>> -> memref<1x1x1x8x128xf32, #tpu.memory_space<hbm>>
        %dma_wait3A_1225 = tpu.memref_squeeze %dma_wait3A_1224 : memref<1x1x1x8x128xf32, #tpu.memory_space<hbm>> -> memref<8x128xf32, #tpu.memory_space<hbm>>
        %dma_wait3A_1226 = arith.constant 16 : i32
        %dma_wait3A_1227 = arith.constant 0 : i32
        %dma_wait3A_1228 = tpu.memref_slice %arg13[%dma_wait3A_1226, %dma_wait3A_1227] : memref<64x129xf32, #tpu.memory_space<vmem>> -> memref<8x128xf32, #tpu.memory_space<vmem>>
        tpu.wait_dma2 semaphore(%arg21 : memref<!tpu.dma_semaphore, #tpu.memory_space<semaphore_mem>>) src(%dma_wait3A_1228 : memref<8x128xf32, #tpu.memory_space<vmem>>) dst(%dma_wait3A_1225 : memref<8x128xf32, #tpu.memory_space<hbm>>)
        %dma_wait3A_1229 = arith.constant 3 : i32
        %dma_wait3A_1230 = arith.constant 24 : i32
        %dma_wait3A_1231 = arith.constant 0 : i32
        %dma_wait3A_1232 = tpu.memref_slice %arg13[%dma_wait3A_1230, %dma_wait3A_1231] : memref<64x129xf32, #tpu.memory_space<vmem>> -> memref<8x128xf32, #tpu.memory_space<vmem>>
        %dma_wait3A_1233 = arith.constant 0 : i32
        %dma_wait3A_1234 = arith.constant 0 : i32
        %dma_wait3A_1235 = tpu.memref_slice %arg5[%sub3A_1183, %dma_wait3A_1229, %add3A, %dma_wait3A_1233, %dma_wait3A_1234] : memref<200x8x32x8x128xf32, #tpu.memory_space<hbm>> -> memref<1x1x1x8x128xf32, #tpu.memory_space<hbm>>
        %dma_wait3A_1236 = tpu.memref_squeeze %dma_wait3A_1235 : memref<1x1x1x8x128xf32, #tpu.memory_space<hbm>> -> memref<8x128xf32, #tpu.memory_space<hbm>>
        %dma_wait3A_1237 = arith.constant 0 : i32
        %dma_wait3A_1238 = arith.constant 0 : i32
        %dma_wait3A_1239 = tpu.memref_slice %arg5[%sub3A_1183, %dma_wait3A_1229, %add3A, %dma_wait3A_1237, %dma_wait3A_1238] : memref<200x8x32x8x128xf32, #tpu.memory_space<hbm>> -> memref<1x1x1x8x128xf32, #tpu.memory_space<hbm>>
        %dma_wait3A_1240 = tpu.memref_squeeze %dma_wait3A_1239 : memref<1x1x1x8x128xf32, #tpu.memory_space<hbm>> -> memref<8x128xf32, #tpu.memory_space<hbm>>
        %dma_wait3A_1241 = arith.constant 24 : i32
        %dma_wait3A_1242 = arith.constant 0 : i32
        %dma_wait3A_1243 = tpu.memref_slice %arg13[%dma_wait3A_1241, %dma_wait3A_1242] : memref<64x129xf32, #tpu.memory_space<vmem>> -> memref<8x128xf32, #tpu.memory_space<vmem>>
        tpu.wait_dma2 semaphore(%arg21 : memref<!tpu.dma_semaphore, #tpu.memory_space<semaphore_mem>>) src(%dma_wait3A_1243 : memref<8x128xf32, #tpu.memory_space<vmem>>) dst(%dma_wait3A_1240 : memref<8x128xf32, #tpu.memory_space<hbm>>)
        %dma_wait3A_1244 = arith.constant 4 : i32
        %dma_wait3A_1245 = arith.constant 32 : i32
        %dma_wait3A_1246 = arith.constant 0 : i32
        %dma_wait3A_1247 = tpu.memref_slice %arg13[%dma_wait3A_1245, %dma_wait3A_1246] : memref<64x129xf32, #tpu.memory_space<vmem>> -> memref<8x128xf32, #tpu.memory_space<vmem>>
        %dma_wait3A_1248 = arith.constant 0 : i32
        %dma_wait3A_1249 = arith.constant 0 : i32
        %dma_wait3A_1250 = tpu.memref_slice %arg5[%sub3A_1183, %dma_wait3A_1244, %add3A, %dma_wait3A_1248, %dma_wait3A_1249] : memref<200x8x32x8x128xf32, #tpu.memory_space<hbm>> -> memref<1x1x1x8x128xf32, #tpu.memory_space<hbm>>
        %dma_wait3A_1251 = tpu.memref_squeeze %dma_wait3A_1250 : memref<1x1x1x8x128xf32, #tpu.memory_space<hbm>> -> memref<8x128xf32, #tpu.memory_space<hbm>>
        %dma_wait3A_1252 = arith.constant 0 : i32
        %dma_wait3A_1253 = arith.constant 0 : i32
        %dma_wait3A_1254 = tpu.memref_slice %arg5[%sub3A_1183, %dma_wait3A_1244, %add3A, %dma_wait3A_1252, %dma_wait3A_1253] : memref<200x8x32x8x128xf32, #tpu.memory_space<hbm>> -> memref<1x1x1x8x128xf32, #tpu.memory_space<hbm>>
        %dma_wait3A_1255 = tpu.memref_squeeze %dma_wait3A_1254 : memref<1x1x1x8x128xf32, #tpu.memory_space<hbm>> -> memref<8x128xf32, #tpu.memory_space<hbm>>
        %dma_wait3A_1256 = arith.constant 32 : i32
        %dma_wait3A_1257 = arith.constant 0 : i32
        %dma_wait3A_1258 = tpu.memref_slice %arg13[%dma_wait3A_1256, %dma_wait3A_1257] : memref<64x129xf32, #tpu.memory_space<vmem>> -> memref<8x128xf32, #tpu.memory_space<vmem>>
        tpu.wait_dma2 semaphore(%arg21 : memref<!tpu.dma_semaphore, #tpu.memory_space<semaphore_mem>>) src(%dma_wait3A_1258 : memref<8x128xf32, #tpu.memory_space<vmem>>) dst(%dma_wait3A_1255 : memref<8x128xf32, #tpu.memory_space<hbm>>)
        %dma_wait3A_1259 = arith.constant 5 : i32
        %dma_wait3A_1260 = arith.constant 40 : i32
        %dma_wait3A_1261 = arith.constant 0 : i32
        %dma_wait3A_1262 = tpu.memref_slice %arg13[%dma_wait3A_1260, %dma_wait3A_1261] : memref<64x129xf32, #tpu.memory_space<vmem>> -> memref<8x128xf32, #tpu.memory_space<vmem>>
        %dma_wait3A_1263 = arith.constant 0 : i32
        %dma_wait3A_1264 = arith.constant 0 : i32
        %dma_wait3A_1265 = tpu.memref_slice %arg5[%sub3A_1183, %dma_wait3A_1259, %add3A, %dma_wait3A_1263, %dma_wait3A_1264] : memref<200x8x32x8x128xf32, #tpu.memory_space<hbm>> -> memref<1x1x1x8x128xf32, #tpu.memory_space<hbm>>
        %dma_wait3A_1266 = tpu.memref_squeeze %dma_wait3A_1265 : memref<1x1x1x8x128xf32, #tpu.memory_space<hbm>> -> memref<8x128xf32, #tpu.memory_space<hbm>>
        %dma_wait3A_1267 = arith.constant 0 : i32
        %dma_wait3A_1268 = arith.constant 0 : i32
        %dma_wait3A_1269 = tpu.memref_slice %arg5[%sub3A_1183, %dma_wait3A_1259, %add3A, %dma_wait3A_1267, %dma_wait3A_1268] : memref<200x8x32x8x128xf32, #tpu.memory_space<hbm>> -> memref<1x1x1x8x128xf32, #tpu.memory_space<hbm>>
        %dma_wait3A_1270 = tpu.memref_squeeze %dma_wait3A_1269 : memref<1x1x1x8x128xf32, #tpu.memory_space<hbm>> -> memref<8x128xf32, #tpu.memory_space<hbm>>
        %dma_wait3A_1271 = arith.constant 40 : i32
        %dma_wait3A_1272 = arith.constant 0 : i32
        %dma_wait3A_1273 = tpu.memref_slice %arg13[%dma_wait3A_1271, %dma_wait3A_1272] : memref<64x129xf32, #tpu.memory_space<vmem>> -> memref<8x128xf32, #tpu.memory_space<vmem>>
        tpu.wait_dma2 semaphore(%arg21 : memref<!tpu.dma_semaphore, #tpu.memory_space<semaphore_mem>>) src(%dma_wait3A_1273 : memref<8x128xf32, #tpu.memory_space<vmem>>) dst(%dma_wait3A_1270 : memref<8x128xf32, #tpu.memory_space<hbm>>)
        %dma_wait3A_1274 = arith.constant 6 : i32
        %dma_wait3A_1275 = arith.constant 48 : i32
        %dma_wait3A_1276 = arith.constant 0 : i32
        %dma_wait3A_1277 = tpu.memref_slice %arg13[%dma_wait3A_1275, %dma_wait3A_1276] : memref<64x129xf32, #tpu.memory_space<vmem>> -> memref<8x128xf32, #tpu.memory_space<vmem>>
        %dma_wait3A_1278 = arith.constant 0 : i32
        %dma_wait3A_1279 = arith.constant 0 : i32
        %dma_wait3A_1280 = tpu.memref_slice %arg5[%sub3A_1183, %dma_wait3A_1274, %add3A, %dma_wait3A_1278, %dma_wait3A_1279] : memref<200x8x32x8x128xf32, #tpu.memory_space<hbm>> -> memref<1x1x1x8x128xf32, #tpu.memory_space<hbm>>
        %dma_wait3A_1281 = tpu.memref_squeeze %dma_wait3A_1280 : memref<1x1x1x8x128xf32, #tpu.memory_space<hbm>> -> memref<8x128xf32, #tpu.memory_space<hbm>>
        %dma_wait3A_1282 = arith.constant 0 : i32
        %dma_wait3A_1283 = arith.constant 0 : i32
        %dma_wait3A_1284 = tpu.memref_slice %arg5[%sub3A_1183, %dma_wait3A_1274, %add3A, %dma_wait3A_1282, %dma_wait3A_1283] : memref<200x8x32x8x128xf32, #tpu.memory_space<hbm>> -> memref<1x1x1x8x128xf32, #tpu.memory_space<hbm>>
        %dma_wait3A_1285 = tpu.memref_squeeze %dma_wait3A_1284 : memref<1x1x1x8x128xf32, #tpu.memory_space<hbm>> -> memref<8x128xf32, #tpu.memory_space<hbm>>
        %dma_wait3A_1286 = arith.constant 48 : i32
        %dma_wait3A_1287 = arith.constant 0 : i32
        %dma_wait3A_1288 = tpu.memref_slice %arg13[%dma_wait3A_1286, %dma_wait3A_1287] : memref<64x129xf32, #tpu.memory_space<vmem>> -> memref<8x128xf32, #tpu.memory_space<vmem>>
        tpu.wait_dma2 semaphore(%arg21 : memref<!tpu.dma_semaphore, #tpu.memory_space<semaphore_mem>>) src(%dma_wait3A_1288 : memref<8x128xf32, #tpu.memory_space<vmem>>) dst(%dma_wait3A_1285 : memref<8x128xf32, #tpu.memory_space<hbm>>)
        %dma_wait3A_1289 = arith.constant 7 : i32
        %dma_wait3A_1290 = arith.constant 56 : i32
        %dma_wait3A_1291 = arith.constant 0 : i32
        %dma_wait3A_1292 = tpu.memref_slice %arg13[%dma_wait3A_1290, %dma_wait3A_1291] : memref<64x129xf32, #tpu.memory_space<vmem>> -> memref<8x128xf32, #tpu.memory_space<vmem>>
        %dma_wait3A_1293 = arith.constant 0 : i32
        %dma_wait3A_1294 = arith.constant 0 : i32
        %dma_wait3A_1295 = tpu.memref_slice %arg5[%sub3A_1183, %dma_wait3A_1289, %add3A, %dma_wait3A_1293, %dma_wait3A_1294] : memref<200x8x32x8x128xf32, #tpu.memory_space<hbm>> -> memref<1x1x1x8x128xf32, #tpu.memory_space<hbm>>
        %dma_wait3A_1296 = tpu.memref_squeeze %dma_wait3A_1295 : memref<1x1x1x8x128xf32, #tpu.memory_space<hbm>> -> memref<8x128xf32, #tpu.memory_space<hbm>>
        %dma_wait3A_1297 = arith.constant 0 : i32
        %dma_wait3A_1298 = arith.constant 0 : i32
        %dma_wait3A_1299 = tpu.memref_slice %arg5[%sub3A_1183, %dma_wait3A_1289, %add3A, %dma_wait3A_1297, %dma_wait3A_1298] : memref<200x8x32x8x128xf32, #tpu.memory_space<hbm>> -> memref<1x1x1x8x128xf32, #tpu.memory_space<hbm>>
        %dma_wait3A_1300 = tpu.memref_squeeze %dma_wait3A_1299 : memref<1x1x1x8x128xf32, #tpu.memory_space<hbm>> -> memref<8x128xf32, #tpu.memory_space<hbm>>
        %dma_wait3A_1301 = arith.constant 56 : i32
        %dma_wait3A_1302 = arith.constant 0 : i32
        %dma_wait3A_1303 = tpu.memref_slice %arg13[%dma_wait3A_1301, %dma_wait3A_1302] : memref<64x129xf32, #tpu.memory_space<vmem>> -> memref<8x128xf32, #tpu.memory_space<vmem>>
        tpu.wait_dma2 semaphore(%arg21 : memref<!tpu.dma_semaphore, #tpu.memory_space<semaphore_mem>>) src(%dma_wait3A_1303 : memref<8x128xf32, #tpu.memory_space<vmem>>) dst(%dma_wait3A_1300 : memref<8x128xf32, #tpu.memory_space<hbm>>)
      } else {
      }
      %get3A_725 = arith.index_cast %add3A_713 : i32 to index
      %get3A_726 = arith.constant 0 : index
      %get3A_727 = tpu.vector_load %arg7[%get3A_725, %get3A_726] {strides = array<i32>} : memref<200x64xf32, #tpu.memory_space<vmem>>, vector<16xf32>,
      %get3A_728 = arith.index_cast %add3A_713 : i32 to index
      %get3A_729 = arith.constant 16 : index
      %get3A_730 = tpu.vector_load %arg7[%get3A_728, %get3A_729] {strides = array<i32>} : memref<200x64xf32, #tpu.memory_space<vmem>>, vector<16xf32>,
      %get3A_731 = arith.index_cast %add3A_713 : i32 to index
      %get3A_732 = arith.constant 32 : index
      %get3A_733 = tpu.vector_load %arg7[%get3A_731, %get3A_732] {strides = array<i32>} : memref<200x64xf32, #tpu.memory_space<vmem>>, vector<16xf32>,
      %get3A_734 = arith.index_cast %add3A_713 : i32 to index
      %get3A_735 = arith.constant 48 : index
      %get3A_736 = tpu.vector_load %arg7[%get3A_734, %get3A_735] {strides = array<i32>} : memref<200x64xf32, #tpu.memory_space<vmem>>, vector<16xf32>,
      %scan3A_737 = arith.constant 0 : i32
      %scan3A_738 = arith.constant 16 : i32
      %scan3A_739 = arith.addi %scan3A_737, %scan3A_738 : i32
      %scan3A_740 = arith.constant 1 : i32
      scf.for %scan3A_1183 = %scan3A_737 to %scan3A_739 step %scan3A_740  : i32 {
        %mul3A_1184 = arith.constant 8 : i32
        %mul3A_1185 = arith.muli %scan3A_1183, %mul3A_1184 : i32
        %add3A_1186 = arith.constant 0 : i32
        %add3A_1187 = arith.addi %add3A_1186, %mul3A_1185 : i32
        %add3A_1188 = arith.constant 0 : i32
        %add3A_1189 = arith.addi %add3A_1187, %add3A_1188 : i32
        %get3A_1190 = arith.index_cast %add3A_1189 : i32 to index
        %get3A_1191 = arith.constant 0 : index
        %get3A_1192 = tpu.vector_load %arg9[%get3A_1190, %get3A_1191] {strides = array<i32>} : memref<128x64xf32, #tpu.memory_space<vmem>>, vector<16xf32>,
        %add3A_1193 = arith.constant 0 : i32
        %add3A_1194 = arith.addi %add3A_1187, %add3A_1193 : i32
        %get3A_1195 = arith.index_cast %add3A_1194 : i32 to index
        %get3A_1196 = arith.constant 16 : index
        %get3A_1197 = tpu.vector_load %arg9[%get3A_1195, %get3A_1196] {strides = array<i32>} : memref<128x64xf32, #tpu.memory_space<vmem>>, vector<16xf32>,
        %add3A_1198 = arith.constant 0 : i32
        %add3A_1199 = arith.addi %add3A_1187, %add3A_1198 : i32
        %get3A_1200 = arith.index_cast %add3A_1199 : i32 to index
        %get3A_1201 = arith.constant 32 : index
        %get3A_1202 = tpu.vector_load %arg9[%get3A_1200, %get3A_1201] {strides = array<i32>} : memref<128x64xf32, #tpu.memory_space<vmem>>, vector<16xf32>,
        %add3A_1203 = arith.constant 0 : i32
        %add3A_1204 = arith.addi %add3A_1187, %add3A_1203 : i32
        %get3A_1205 = arith.index_cast %add3A_1204 : i32 to index
        %get3A_1206 = arith.constant 48 : index
        %get3A_1207 = tpu.vector_load %arg9[%get3A_1205, %get3A_1206] {strides = array<i32>} : memref<128x64xf32, #tpu.memory_space<vmem>>, vector<16xf32>,
        %add3A_1208 = arith.constant 1 : i32
        %add3A_1209 = arith.addi %add3A_1187, %add3A_1208 : i32
        %get3A_1210 = arith.index_cast %add3A_1209 : i32 to index
        %get3A_1211 = arith.constant 0 : index
        %get3A_1212 = tpu.vector_load %arg9[%get3A_1210, %get3A_1211] {strides = array<i32>} : memref<128x64xf32, #tpu.memory_space<vmem>>, vector<16xf32>,
        %add3A_1213 = arith.constant 1 : i32
        %add3A_1214 = arith.addi %add3A_1187, %add3A_1213 : i32
        %get3A_1215 = arith.index_cast %add3A_1214 : i32 to index
        %get3A_1216 = arith.constant 16 : index
        %get3A_1217 = tpu.vector_load %arg9[%get3A_1215, %get3A_1216] {strides = array<i32>} : memref<128x64xf32, #tpu.memory_space<vmem>>, vector<16xf32>,
        %add3A_1218 = arith.constant 1 : i32
        %add3A_1219 = arith.addi %add3A_1187, %add3A_1218 : i32
        %get3A_1220 = arith.index_cast %add3A_1219 : i32 to index
        %get3A_1221 = arith.constant 32 : index
        %get3A_1222 = tpu.vector_load %arg9[%get3A_1220, %get3A_1221] {strides = array<i32>} : memref<128x64xf32, #tpu.memory_space<vmem>>, vector<16xf32>,
        %add3A_1223 = arith.constant 1 : i32
        %add3A_1224 = arith.addi %add3A_1187, %add3A_1223 : i32
        %get3A_1225 = arith.index_cast %add3A_1224 : i32 to index
        %get3A_1226 = arith.constant 48 : index
        %get3A_1227 = tpu.vector_load %arg9[%get3A_1225, %get3A_1226] {strides = array<i32>} : memref<128x64xf32, #tpu.memory_space<vmem>>, vector<16xf32>,
        %add3A_1228 = arith.constant 2 : i32
        %add3A_1229 = arith.addi %add3A_1187, %add3A_1228 : i32
        %get3A_1230 = arith.index_cast %add3A_1229 : i32 to index
        %get3A_1231 = arith.constant 0 : index
        %get3A_1232 = tpu.vector_load %arg9[%get3A_1230, %get3A_1231] {strides = array<i32>} : memref<128x64xf32, #tpu.memory_space<vmem>>, vector<16xf32>,
        %add3A_1233 = arith.constant 2 : i32
        %add3A_1234 = arith.addi %add3A_1187, %add3A_1233 : i32
        %get3A_1235 = arith.index_cast %add3A_1234 : i32 to index
        %get3A_1236 = arith.constant 16 : index
        %get3A_1237 = tpu.vector_load %arg9[%get3A_1235, %get3A_1236] {strides = array<i32>} : memref<128x64xf32, #tpu.memory_space<vmem>>, vector<16xf32>,
        %add3A_1238 = arith.constant 2 : i32
        %add3A_1239 = arith.addi %add3A_1187, %add3A_1238 : i32
        %get3A_1240 = arith.index_cast %add3A_1239 : i32 to index
        %get3A_1241 = arith.constant 32 : index
        %get3A_1242 = tpu.vector_load %arg9[%get3A_1240, %get3A_1241] {strides = array<i32>} : memref<128x64xf32, #tpu.memory_space<vmem>>, vector<16xf32>,
        %add3A_1243 = arith.constant 2 : i32
        %add3A_1244 = arith.addi %add3A_1187, %add3A_1243 : i32
        %get3A_1245 = arith.index_cast %add3A_1244 : i32 to index
        %get3A_1246 = arith.constant 48 : index
        %get3A_1247 = tpu.vector_load %arg9[%get3A_1245, %get3A_1246] {strides = array<i32>} : memref<128x64xf32, #tpu.memory_space<vmem>>, vector<16xf32>,
        %add3A_1248 = arith.constant 3 : i32
        %add3A_1249 = arith.addi %add3A_1187, %add3A_1248 : i32
        %get3A_1250 = arith.index_cast %add3A_1249 : i32 to index
        %get3A_1251 = arith.constant 0 : index
        %get3A_1252 = tpu.vector_load %arg9[%get3A_1250, %get3A_1251] {strides = array<i32>} : memref<128x64xf32, #tpu.memory_space<vmem>>, vector<16xf32>,
        %add3A_1253 = arith.constant 3 : i32
        %add3A_1254 = arith.addi %add3A_1187, %add3A_1253 : i32
        %get3A_1255 = arith.index_cast %add3A_1254 : i32 to index
        %get3A_1256 = arith.constant 16 : index
        %get3A_1257 = tpu.vector_load %arg9[%get3A_1255, %get3A_1256] {strides = array<i32>} : memref<128x64xf32, #tpu.memory_space<vmem>>, vector<16xf32>,
        %add3A_1258 = arith.constant 3 : i32
        %add3A_1259 = arith.addi %add3A_1187, %add3A_1258 : i32
        %get3A_1260 = arith.index_cast %add3A_1259 : i32 to index
        %get3A_1261 = arith.constant 32 : index
        %get3A_1262 = tpu.vector_load %arg9[%get3A_1260, %get3A_1261] {strides = array<i32>} : memref<128x64xf32, #tpu.memory_space<vmem>>, vector<16xf32>,
        %add3A_1263 = arith.constant 3 : i32
        %add3A_1264 = arith.addi %add3A_1187, %add3A_1263 : i32
        %get3A_1265 = arith.index_cast %add3A_1264 : i32 to index
        %get3A_1266 = arith.constant 48 : index
        %get3A_1267 = tpu.vector_load %arg9[%get3A_1265, %get3A_1266] {strides = array<i32>} : memref<128x64xf32, #tpu.memory_space<vmem>>, vector<16xf32>,
        %add3A_1268 = arith.constant 4 : i32
        %add3A_1269 = arith.addi %add3A_1187, %add3A_1268 : i32
        %get3A_1270 = arith.index_cast %add3A_1269 : i32 to index
        %get3A_1271 = arith.constant 0 : index
        %get3A_1272 = tpu.vector_load %arg9[%get3A_1270, %get3A_1271] {strides = array<i32>} : memref<128x64xf32, #tpu.memory_space<vmem>>, vector<16xf32>,
        %add3A_1273 = arith.constant 4 : i32
        %add3A_1274 = arith.addi %add3A_1187, %add3A_1273 : i32
        %get3A_1275 = arith.index_cast %add3A_1274 : i32 to index
        %get3A_1276 = arith.constant 16 : index
        %get3A_1277 = tpu.vector_load %arg9[%get3A_1275, %get3A_1276] {strides = array<i32>} : memref<128x64xf32, #tpu.memory_space<vmem>>, vector<16xf32>,
        %add3A_1278 = arith.constant 4 : i32
        %add3A_1279 = arith.addi %add3A_1187, %add3A_1278 : i32
        %get3A_1280 = arith.index_cast %add3A_1279 : i32 to index
        %get3A_1281 = arith.constant 32 : index
        %get3A_1282 = tpu.vector_load %arg9[%get3A_1280, %get3A_1281] {strides = array<i32>} : memref<128x64xf32, #tpu.memory_space<vmem>>, vector<16xf32>,
        %add3A_1283 = arith.constant 4 : i32
        %add3A_1284 = arith.addi %add3A_1187, %add3A_1283 : i32
        %get3A_1285 = arith.index_cast %add3A_1284 : i32 to index
        %get3A_1286 = arith.constant 48 : index
        %get3A_1287 = tpu.vector_load %arg9[%get3A_1285, %get3A_1286] {strides = array<i32>} : memref<128x64xf32, #tpu.memory_space<vmem>>, vector<16xf32>,
        %add3A_1288 = arith.constant 5 : i32
        %add3A_1289 = arith.addi %add3A_1187, %add3A_1288 : i32
        %get3A_1290 = arith.index_cast %add3A_1289 : i32 to index
        %get3A_1291 = arith.constant 0 : index
        %get3A_1292 = tpu.vector_load %arg9[%get3A_1290, %get3A_1291] {strides = array<i32>} : memref<128x64xf32, #tpu.memory_space<vmem>>, vector<16xf32>,
        %add3A_1293 = arith.constant 5 : i32
        %add3A_1294 = arith.addi %add3A_1187, %add3A_1293 : i32
        %get3A_1295 = arith.index_cast %add3A_1294 : i32 to index
        %get3A_1296 = arith.constant 16 : index
        %get3A_1297 = tpu.vector_load %arg9[%get3A_1295, %get3A_1296] {strides = array<i32>} : memref<128x64xf32, #tpu.memory_space<vmem>>, vector<16xf32>,
        %add3A_1298 = arith.constant 5 : i32
        %add3A_1299 = arith.addi %add3A_1187, %add3A_1298 : i32
        %get3A_1300 = arith.index_cast %add3A_1299 : i32 to index
        %get3A_1301 = arith.constant 32 : index
        %get3A_1302 = tpu.vector_load %arg9[%get3A_1300, %get3A_1301] {strides = array<i32>} : memref<128x64xf32, #tpu.memory_space<vmem>>, vector<16xf32>,
        %add3A_1303 = arith.constant 5 : i32
        %add3A_1304 = arith.addi %add3A_1187, %add3A_1303 : i32
        %get3A_1305 = arith.index_cast %add3A_1304 : i32 to index
        %get3A_1306 = arith.constant 48 : index
        %get3A_1307 = tpu.vector_load %arg9[%get3A_1305, %get3A_1306] {strides = array<i32>} : memref<128x64xf32, #tpu.memory_space<vmem>>, vector<16xf32>,
        %add3A_1308 = arith.constant 6 : i32
        %add3A_1309 = arith.addi %add3A_1187, %add3A_1308 : i32
        %get3A_1310 = arith.index_cast %add3A_1309 : i32 to index
        %get3A_1311 = arith.constant 0 : index
        %get3A_1312 = tpu.vector_load %arg9[%get3A_1310, %get3A_1311] {strides = array<i32>} : memref<128x64xf32, #tpu.memory_space<vmem>>, vector<16xf32>,
        %add3A_1313 = arith.constant 6 : i32
        %add3A_1314 = arith.addi %add3A_1187, %add3A_1313 : i32
        %get3A_1315 = arith.index_cast %add3A_1314 : i32 to index
        %get3A_1316 = arith.constant 16 : index
        %get3A_1317 = tpu.vector_load %arg9[%get3A_1315, %get3A_1316] {strides = array<i32>} : memref<128x64xf32, #tpu.memory_space<vmem>>, vector<16xf32>,
        %add3A_1318 = arith.constant 6 : i32
        %add3A_1319 = arith.addi %add3A_1187, %add3A_1318 : i32
        %get3A_1320 = arith.index_cast %add3A_1319 : i32 to index
        %get3A_1321 = arith.constant 32 : index
        %get3A_1322 = tpu.vector_load %arg9[%get3A_1320, %get3A_1321] {strides = array<i32>} : memref<128x64xf32, #tpu.memory_space<vmem>>, vector<16xf32>,
        %add3A_1323 = arith.constant 6 : i32
        %add3A_1324 = arith.addi %add3A_1187, %add3A_1323 : i32
        %get3A_1325 = arith.index_cast %add3A_1324 : i32 to index
        %get3A_1326 = arith.constant 48 : index
        %get3A_1327 = tpu.vector_load %arg9[%get3A_1325, %get3A_1326] {strides = array<i32>} : memref<128x64xf32, #tpu.memory_space<vmem>>, vector<16xf32>,
        %add3A_1328 = arith.constant 7 : i32
        %add3A_1329 = arith.addi %add3A_1187, %add3A_1328 : i32
        %get3A_1330 = arith.index_cast %add3A_1329 : i32 to index
        %get3A_1331 = arith.constant 0 : index
        %get3A_1332 = tpu.vector_load %arg9[%get3A_1330, %get3A_1331] {strides = array<i32>} : memref<128x64xf32, #tpu.memory_space<vmem>>, vector<16xf32>,
        %add3A_1333 = arith.constant 7 : i32
        %add3A_1334 = arith.addi %add3A_1187, %add3A_1333 : i32
        %get3A_1335 = arith.index_cast %add3A_1334 : i32 to index
        %get3A_1336 = arith.constant 16 : index
        %get3A_1337 = tpu.vector_load %arg9[%get3A_1335, %get3A_1336] {strides = array<i32>} : memref<128x64xf32, #tpu.memory_space<vmem>>, vector<16xf32>,
        %add3A_1338 = arith.constant 7 : i32
        %add3A_1339 = arith.addi %add3A_1187, %add3A_1338 : i32
        %get3A_1340 = arith.index_cast %add3A_1339 : i32 to index
        %get3A_1341 = arith.constant 32 : index
        %get3A_1342 = tpu.vector_load %arg9[%get3A_1340, %get3A_1341] {strides = array<i32>} : memref<128x64xf32, #tpu.memory_space<vmem>>, vector<16xf32>,
        %add3A_1343 = arith.constant 7 : i32
        %add3A_1344 = arith.addi %add3A_1187, %add3A_1343 : i32
        %get3A_1345 = arith.index_cast %add3A_1344 : i32 to index
        %get3A_1346 = arith.constant 48 : index
        %get3A_1347 = tpu.vector_load %arg9[%get3A_1345, %get3A_1346] {strides = array<i32>} : memref<128x64xf32, #tpu.memory_space<vmem>>, vector<16xf32>,
        %add3A_1348 = arith.addf %get3A_1192, %get3A_727 : vector<16xf32>
        %add3A_1349 = arith.addf %get3A_1197, %get3A_730 : vector<16xf32>
        %add3A_1350 = arith.addf %get3A_1202, %get3A_733 : vector<16xf32>
        %add3A_1351 = arith.addf %get3A_1207, %get3A_736 : vector<16xf32>
        %add3A_1352 = arith.addf %get3A_1212, %get3A_727 : vector<16xf32>
        %add3A_1353 = arith.addf %get3A_1217, %get3A_730 : vector<16xf32>
        %add3A_1354 = arith.addf %get3A_1222, %get3A_733 : vector<16xf32>
        %add3A_1355 = arith.addf %get3A_1227, %get3A_736 : vector<16xf32>
        %add3A_1356 = arith.addf %get3A_1232, %get3A_727 : vector<16xf32>
        %add3A_1357 = arith.addf %get3A_1237, %get3A_730 : vector<16xf32>
        %add3A_1358 = arith.addf %get3A_1242, %get3A_733 : vector<16xf32>
        %add3A_1359 = arith.addf %get3A_1247, %get3A_736 : vector<16xf32>
        %add3A_1360 = arith.addf %get3A_1252, %get3A_727 : vector<16xf32>
        %add3A_1361 = arith.addf %get3A_1257, %get3A_730 : vector<16xf32>
        %add3A_1362 = arith.addf %get3A_1262, %get3A_733 : vector<16xf32>
        %add3A_1363 = arith.addf %get3A_1267, %get3A_736 : vector<16xf32>
        %add3A_1364 = arith.addf %get3A_1272, %get3A_727 : vector<16xf32>
        %add3A_1365 = arith.addf %get3A_1277, %get3A_730 : vector<16xf32>
        %add3A_1366 = arith.addf %get3A_1282, %get3A_733 : vector<16xf32>
        %add3A_1367 = arith.addf %get3A_1287, %get3A_736 : vector<16xf32>
        %add3A_1368 = arith.addf %get3A_1292, %get3A_727 : vector<16xf32>
        %add3A_1369 = arith.addf %get3A_1297, %get3A_730 : vector<16xf32>
        %add3A_1370 = arith.addf %get3A_1302, %get3A_733 : vector<16xf32>
        %add3A_1371 = arith.addf %get3A_1307, %get3A_736 : vector<16xf32>
        %add3A_1372 = arith.addf %get3A_1312, %get3A_727 : vector<16xf32>
        %add3A_1373 = arith.addf %get3A_1317, %get3A_730 : vector<16xf32>
        %add3A_1374 = arith.addf %get3A_1322, %get3A_733 : vector<16xf32>
        %add3A_1375 = arith.addf %get3A_1327, %get3A_736 : vector<16xf32>
        %add3A_1376 = arith.addf %get3A_1332, %get3A_727 : vector<16xf32>
        %add3A_1377 = arith.addf %get3A_1337, %get3A_730 : vector<16xf32>
        %add3A_1378 = arith.addf %get3A_1342, %get3A_733 : vector<16xf32>
        %add3A_1379 = arith.addf %get3A_1347, %get3A_736 : vector<16xf32>
        %add3A_1380 = arith.constant 0 : i32
        %add3A_1381 = arith.addi %add3A_1187, %add3A_1380 : i32
        %mul3A_1382 = arith.constant 0 : i32
        %mul3A_1383 = vector.broadcast %mul3A_1382 : i32 to vector<16xi32>
        %mul3A_1384 = arith.muli %mul3A_1383, %iota3A : vector<16xi32>
        %add3A_1385 = vector.broadcast %add3A_1381 : i32 to vector<16xi32>
        %add3A_1386 = arith.addi %add3A_1385, %mul3A_1384 : vector<16xi32>
        %add3A_1387 = arith.constant 1 : i32
        %add3A_1388 = arith.addi %add3A_1187, %add3A_1387 : i32
        %mul3A_1389 = arith.constant 0 : i32
        %mul3A_1390 = vector.broadcast %mul3A_1389 : i32 to vector<16xi32>
        %mul3A_1391 = arith.muli %mul3A_1390, %iota3A : vector<16xi32>
        %add3A_1392 = vector.broadcast %add3A_1388 : i32 to vector<16xi32>
        %add3A_1393 = arith.addi %add3A_1392, %mul3A_1391 : vector<16xi32>
        %add3A_1394 = arith.constant 2 : i32
        %add3A_1395 = arith.addi %add3A_1187, %add3A_1394 : i32
        %mul3A_1396 = arith.constant 0 : i32
        %mul3A_1397 = vector.broadcast %mul3A_1396 : i32 to vector<16xi32>
        %mul3A_1398 = arith.muli %mul3A_1397, %iota3A : vector<16xi32>
        %add3A_1399 = vector.broadcast %add3A_1395 : i32 to vector<16xi32>
        %add3A_1400 = arith.addi %add3A_1399, %mul3A_1398 : vector<16xi32>
        %add3A_1401 = arith.constant 3 : i32
        %add3A_1402 = arith.addi %add3A_1187, %add3A_1401 : i32
        %mul3A_1403 = arith.constant 0 : i32
        %mul3A_1404 = vector.broadcast %mul3A_1403 : i32 to vector<16xi32>
        %mul3A_1405 = arith.muli %mul3A_1404, %iota3A : vector<16xi32>
        %add3A_1406 = vector.broadcast %add3A_1402 : i32 to vector<16xi32>
        %add3A_1407 = arith.addi %add3A_1406, %mul3A_1405 : vector<16xi32>
        %add3A_1408 = arith.constant 4 : i32
        %add3A_1409 = arith.addi %add3A_1187, %add3A_1408 : i32
        %mul3A_1410 = arith.constant 0 : i32
        %mul3A_1411 = vector.broadcast %mul3A_1410 : i32 to vector<16xi32>
        %mul3A_1412 = arith.muli %mul3A_1411, %iota3A : vector<16xi32>
        %add3A_1413 = vector.broadcast %add3A_1409 : i32 to vector<16xi32>
        %add3A_1414 = arith.addi %add3A_1413, %mul3A_1412 : vector<16xi32>
        %add3A_1415 = arith.constant 5 : i32
        %add3A_1416 = arith.addi %add3A_1187, %add3A_1415 : i32
        %mul3A_1417 = arith.constant 0 : i32
        %mul3A_1418 = vector.broadcast %mul3A_1417 : i32 to vector<16xi32>
        %mul3A_1419 = arith.muli %mul3A_1418, %iota3A : vector<16xi32>
        %add3A_1420 = vector.broadcast %add3A_1416 : i32 to vector<16xi32>
        %add3A_1421 = arith.addi %add3A_1420, %mul3A_1419 : vector<16xi32>
        %add3A_1422 = arith.constant 6 : i32
        %add3A_1423 = arith.addi %add3A_1187, %add3A_1422 : i32
        %mul3A_1424 = arith.constant 0 : i32
        %mul3A_1425 = vector.broadcast %mul3A_1424 : i32 to vector<16xi32>
        %mul3A_1426 = arith.muli %mul3A_1425, %iota3A : vector<16xi32>
        %add3A_1427 = vector.broadcast %add3A_1423 : i32 to vector<16xi32>
        %add3A_1428 = arith.addi %add3A_1427, %mul3A_1426 : vector<16xi32>
        %add3A_1429 = arith.constant 7 : i32
        %add3A_1430 = arith.addi %add3A_1187, %add3A_1429 : i32
        %mul3A_1431 = arith.constant 0 : i32
        %mul3A_1432 = vector.broadcast %mul3A_1431 : i32 to vector<16xi32>
        %mul3A_1433 = arith.muli %mul3A_1432, %iota3A : vector<16xi32>
        %add3A_1434 = vector.broadcast %add3A_1430 : i32 to vector<16xi32>
        %add3A_1435 = arith.addi %add3A_1434, %mul3A_1433 : vector<16xi32>
        tpu.vector_store_idx %arg13[%add3A_3, %add3A_1386], %add3A_1348 : memref<64x129xf32, #tpu.memory_space<vmem>>[vector<16xi32>, vector<16xi32>], vector<16xf32>,
        tpu.vector_store_idx %arg13[%add3A_6, %add3A_1386], %add3A_1349 : memref<64x129xf32, #tpu.memory_space<vmem>>[vector<16xi32>, vector<16xi32>], vector<16xf32>,
        tpu.vector_store_idx %arg13[%add3A_9, %add3A_1386], %add3A_1350 : memref<64x129xf32, #tpu.memory_space<vmem>>[vector<16xi32>, vector<16xi32>], vector<16xf32>,
        tpu.vector_store_idx %arg13[%add3A_12, %add3A_1386], %add3A_1351 : memref<64x129xf32, #tpu.memory_space<vmem>>[vector<16xi32>, vector<16xi32>], vector<16xf32>,
        tpu.vector_store_idx %arg13[%add3A_3, %add3A_1393], %add3A_1352 : memref<64x129xf32, #tpu.memory_space<vmem>>[vector<16xi32>, vector<16xi32>], vector<16xf32>,
        tpu.vector_store_idx %arg13[%add3A_6, %add3A_1393], %add3A_1353 : memref<64x129xf32, #tpu.memory_space<vmem>>[vector<16xi32>, vector<16xi32>], vector<16xf32>,
        tpu.vector_store_idx %arg13[%add3A_9, %add3A_1393], %add3A_1354 : memref<64x129xf32, #tpu.memory_space<vmem>>[vector<16xi32>, vector<16xi32>], vector<16xf32>,
        tpu.vector_store_idx %arg13[%add3A_12, %add3A_1393], %add3A_1355 : memref<64x129xf32, #tpu.memory_space<vmem>>[vector<16xi32>, vector<16xi32>], vector<16xf32>,
        tpu.vector_store_idx %arg13[%add3A_3, %add3A_1400], %add3A_1356 : memref<64x129xf32, #tpu.memory_space<vmem>>[vector<16xi32>, vector<16xi32>], vector<16xf32>,
        tpu.vector_store_idx %arg13[%add3A_6, %add3A_1400], %add3A_1357 : memref<64x129xf32, #tpu.memory_space<vmem>>[vector<16xi32>, vector<16xi32>], vector<16xf32>,
        tpu.vector_store_idx %arg13[%add3A_9, %add3A_1400], %add3A_1358 : memref<64x129xf32, #tpu.memory_space<vmem>>[vector<16xi32>, vector<16xi32>], vector<16xf32>,
        tpu.vector_store_idx %arg13[%add3A_12, %add3A_1400], %add3A_1359 : memref<64x129xf32, #tpu.memory_space<vmem>>[vector<16xi32>, vector<16xi32>], vector<16xf32>,
        tpu.vector_store_idx %arg13[%add3A_3, %add3A_1407], %add3A_1360 : memref<64x129xf32, #tpu.memory_space<vmem>>[vector<16xi32>, vector<16xi32>], vector<16xf32>,
        tpu.vector_store_idx %arg13[%add3A_6, %add3A_1407], %add3A_1361 : memref<64x129xf32, #tpu.memory_space<vmem>>[vector<16xi32>, vector<16xi32>], vector<16xf32>,
        tpu.vector_store_idx %arg13[%add3A_9, %add3A_1407], %add3A_1362 : memref<64x129xf32, #tpu.memory_space<vmem>>[vector<16xi32>, vector<16xi32>], vector<16xf32>,
        tpu.vector_store_idx %arg13[%add3A_12, %add3A_1407], %add3A_1363 : memref<64x129xf32, #tpu.memory_space<vmem>>[vector<16xi32>, vector<16xi32>], vector<16xf32>,
        tpu.vector_store_idx %arg13[%add3A_3, %add3A_1414], %add3A_1364 : memref<64x129xf32, #tpu.memory_space<vmem>>[vector<16xi32>, vector<16xi32>], vector<16xf32>,
        tpu.vector_store_idx %arg13[%add3A_6, %add3A_1414], %add3A_1365 : memref<64x129xf32, #tpu.memory_space<vmem>>[vector<16xi32>, vector<16xi32>], vector<16xf32>,
        tpu.vector_store_idx %arg13[%add3A_9, %add3A_1414], %add3A_1366 : memref<64x129xf32, #tpu.memory_space<vmem>>[vector<16xi32>, vector<16xi32>], vector<16xf32>,
        tpu.vector_store_idx %arg13[%add3A_12, %add3A_1414], %add3A_1367 : memref<64x129xf32, #tpu.memory_space<vmem>>[vector<16xi32>, vector<16xi32>], vector<16xf32>,
        tpu.vector_store_idx %arg13[%add3A_3, %add3A_1421], %add3A_1368 : memref<64x129xf32, #tpu.memory_space<vmem>>[vector<16xi32>, vector<16xi32>], vector<16xf32>,
        tpu.vector_store_idx %arg13[%add3A_6, %add3A_1421], %add3A_1369 : memref<64x129xf32, #tpu.memory_space<vmem>>[vector<16xi32>, vector<16xi32>], vector<16xf32>,
        tpu.vector_store_idx %arg13[%add3A_9, %add3A_1421], %add3A_1370 : memref<64x129xf32, #tpu.memory_space<vmem>>[vector<16xi32>, vector<16xi32>], vector<16xf32>,
        tpu.vector_store_idx %arg13[%add3A_12, %add3A_1421], %add3A_1371 : memref<64x129xf32, #tpu.memory_space<vmem>>[vector<16xi32>, vector<16xi32>], vector<16xf32>,
        tpu.vector_store_idx %arg13[%add3A_3, %add3A_1428], %add3A_1372 : memref<64x129xf32, #tpu.memory_space<vmem>>[vector<16xi32>, vector<16xi32>], vector<16xf32>,
        tpu.vector_store_idx %arg13[%add3A_6, %add3A_1428], %add3A_1373 : memref<64x129xf32, #tpu.memory_space<vmem>>[vector<16xi32>, vector<16xi32>], vector<16xf32>,
        tpu.vector_store_idx %arg13[%add3A_9, %add3A_1428], %add3A_1374 : memref<64x129xf32, #tpu.memory_space<vmem>>[vector<16xi32>, vector<16xi32>], vector<16xf32>,
        tpu.vector_store_idx %arg13[%add3A_12, %add3A_1428], %add3A_1375 : memref<64x129xf32, #tpu.memory_space<vmem>>[vector<16xi32>, vector<16xi32>], vector<16xf32>,
        tpu.vector_store_idx %arg13[%add3A_3, %add3A_1435], %add3A_1376 : memref<64x129xf32, #tpu.memory_space<vmem>>[vector<16xi32>, vector<16xi32>], vector<16xf32>,
        tpu.vector_store_idx %arg13[%add3A_6, %add3A_1435], %add3A_1377 : memref<64x129xf32, #tpu.memory_space<vmem>>[vector<16xi32>, vector<16xi32>], vector<16xf32>,
        tpu.vector_store_idx %arg13[%add3A_9, %add3A_1435], %add3A_1378 : memref<64x129xf32, #tpu.memory_space<vmem>>[vector<16xi32>, vector<16xi32>], vector<16xf32>,
        tpu.vector_store_idx %arg13[%add3A_12, %add3A_1435], %add3A_1379 : memref<64x129xf32, #tpu.memory_space<vmem>>[vector<16xi32>, vector<16xi32>], vector<16xf32>,
      }
      %scan3A_741 = arith.constant 16 : i32
      %dma_start3A_742 = arith.constant 0 : i32
      %dma_start3A_743 = arith.constant 0 : i32
      %dma_start3A_744 = arith.constant 0 : i32
      %dma_start3A_745 = tpu.memref_slice %arg13[%dma_start3A_743, %dma_start3A_744] : memref<64x129xf32, #tpu.memory_space<vmem>> -> memref<8x128xf32, #tpu.memory_space<vmem>>
      %dma_start3A_746 = arith.constant 0 : i32
      %dma_start3A_747 = arith.constant 0 : i32
      %dma_start3A_748 = tpu.memref_slice %arg5[%add3A_713, %dma_start3A_742, %add3A, %dma_start3A_746, %dma_start3A_747] : memref<200x8x32x8x128xf32, #tpu.memory_space<hbm>> -> memref<1x1x1x8x128xf32, #tpu.memory_space<hbm>>
      %dma_start3A_749 = tpu.memref_squeeze %dma_start3A_748 : memref<1x1x1x8x128xf32, #tpu.memory_space<hbm>> -> memref<8x128xf32, #tpu.memory_space<hbm>>
      %dma_start3A_750 = arith.constant 0 : i32
      %dma_start3A_751 = arith.constant 0 : i32
      %dma_start3A_752 = tpu.memref_slice %arg5[%add3A_713, %dma_start3A_742, %add3A, %dma_start3A_750, %dma_start3A_751] : memref<200x8x32x8x128xf32, #tpu.memory_space<hbm>> -> memref<1x1x1x8x128xf32, #tpu.memory_space<hbm>>
      %dma_start3A_753 = tpu.memref_squeeze %dma_start3A_752 : memref<1x1x1x8x128xf32, #tpu.memory_space<hbm>> -> memref<8x128xf32, #tpu.memory_space<hbm>>
      %dma_start3A_754 = arith.constant 0 : i32
      %dma_start3A_755 = arith.constant 0 : i32
      %dma_start3A_756 = tpu.memref_slice %arg13[%dma_start3A_754, %dma_start3A_755] : memref<64x129xf32, #tpu.memory_space<vmem>> -> memref<8x128xf32, #tpu.memory_space<vmem>>
      tpu.enqueue_dma source(%dma_start3A_756 : memref<8x128xf32, #tpu.memory_space<vmem>>) target(%dma_start3A_753 : memref<8x128xf32, #tpu.memory_space<hbm>>) target_semaphore(%arg21 : memref<!tpu.dma_semaphore, #tpu.memory_space<semaphore_mem>>)
      %dma_start3A_757 = arith.constant 1 : i32
      %dma_start3A_758 = arith.constant 8 : i32
      %dma_start3A_759 = arith.constant 0 : i32
      %dma_start3A_760 = tpu.memref_slice %arg13[%dma_start3A_758, %dma_start3A_759] : memref<64x129xf32, #tpu.memory_space<vmem>> -> memref<8x128xf32, #tpu.memory_space<vmem>>
      %dma_start3A_761 = arith.constant 0 : i32
      %dma_start3A_762 = arith.constant 0 : i32
      %dma_start3A_763 = tpu.memref_slice %arg5[%add3A_713, %dma_start3A_757, %add3A, %dma_start3A_761, %dma_start3A_762] : memref<200x8x32x8x128xf32, #tpu.memory_space<hbm>> -> memref<1x1x1x8x128xf32, #tpu.memory_space<hbm>>
      %dma_start3A_764 = tpu.memref_squeeze %dma_start3A_763 : memref<1x1x1x8x128xf32, #tpu.memory_space<hbm>> -> memref<8x128xf32, #tpu.memory_space<hbm>>
      %dma_start3A_765 = arith.constant 0 : i32
      %dma_start3A_766 = arith.constant 0 : i32
      %dma_start3A_767 = tpu.memref_slice %arg5[%add3A_713, %dma_start3A_757, %add3A, %dma_start3A_765, %dma_start3A_766] : memref<200x8x32x8x128xf32, #tpu.memory_space<hbm>> -> memref<1x1x1x8x128xf32, #tpu.memory_space<hbm>>
      %dma_start3A_768 = tpu.memref_squeeze %dma_start3A_767 : memref<1x1x1x8x128xf32, #tpu.memory_space<hbm>> -> memref<8x128xf32, #tpu.memory_space<hbm>>
      %dma_start3A_769 = arith.constant 8 : i32
      %dma_start3A_770 = arith.constant 0 : i32
      %dma_start3A_771 = tpu.memref_slice %arg13[%dma_start3A_769, %dma_start3A_770] : memref<64x129xf32, #tpu.memory_space<vmem>> -> memref<8x128xf32, #tpu.memory_space<vmem>>
      tpu.enqueue_dma source(%dma_start3A_771 : memref<8x128xf32, #tpu.memory_space<vmem>>) target(%dma_start3A_768 : memref<8x128xf32, #tpu.memory_space<hbm>>) target_semaphore(%arg21 : memref<!tpu.dma_semaphore, #tpu.memory_space<semaphore_mem>>)
      %dma_start3A_772 = arith.constant 2 : i32
      %dma_start3A_773 = arith.constant 16 : i32
      %dma_start3A_774 = arith.constant 0 : i32
      %dma_start3A_775 = tpu.memref_slice %arg13[%dma_start3A_773, %dma_start3A_774] : memref<64x129xf32, #tpu.memory_space<vmem>> -> memref<8x128xf32, #tpu.memory_space<vmem>>
      %dma_start3A_776 = arith.constant 0 : i32
      %dma_start3A_777 = arith.constant 0 : i32
      %dma_start3A_778 = tpu.memref_slice %arg5[%add3A_713, %dma_start3A_772, %add3A, %dma_start3A_776, %dma_start3A_777] : memref<200x8x32x8x128xf32, #tpu.memory_space<hbm>> -> memref<1x1x1x8x128xf32, #tpu.memory_space<hbm>>
      %dma_start3A_779 = tpu.memref_squeeze %dma_start3A_778 : memref<1x1x1x8x128xf32, #tpu.memory_space<hbm>> -> memref<8x128xf32, #tpu.memory_space<hbm>>
      %dma_start3A_780 = arith.constant 0 : i32
      %dma_start3A_781 = arith.constant 0 : i32
      %dma_start3A_782 = tpu.memref_slice %arg5[%add3A_713, %dma_start3A_772, %add3A, %dma_start3A_780, %dma_start3A_781] : memref<200x8x32x8x128xf32, #tpu.memory_space<hbm>> -> memref<1x1x1x8x128xf32, #tpu.memory_space<hbm>>
      %dma_start3A_783 = tpu.memref_squeeze %dma_start3A_782 : memref<1x1x1x8x128xf32, #tpu.memory_space<hbm>> -> memref<8x128xf32, #tpu.memory_space<hbm>>
      %dma_start3A_784 = arith.constant 16 : i32
      %dma_start3A_785 = arith.constant 0 : i32
      %dma_start3A_786 = tpu.memref_slice %arg13[%dma_start3A_784, %dma_start3A_785] : memref<64x129xf32, #tpu.memory_space<vmem>> -> memref<8x128xf32, #tpu.memory_space<vmem>>
      tpu.enqueue_dma source(%dma_start3A_786 : memref<8x128xf32, #tpu.memory_space<vmem>>) target(%dma_start3A_783 : memref<8x128xf32, #tpu.memory_space<hbm>>) target_semaphore(%arg21 : memref<!tpu.dma_semaphore, #tpu.memory_space<semaphore_mem>>)
      %dma_start3A_787 = arith.constant 3 : i32
      %dma_start3A_788 = arith.constant 24 : i32
      %dma_start3A_789 = arith.constant 0 : i32
      %dma_start3A_790 = tpu.memref_slice %arg13[%dma_start3A_788, %dma_start3A_789] : memref<64x129xf32, #tpu.memory_space<vmem>> -> memref<8x128xf32, #tpu.memory_space<vmem>>
      %dma_start3A_791 = arith.constant 0 : i32
      %dma_start3A_792 = arith.constant 0 : i32
      %dma_start3A_793 = tpu.memref_slice %arg5[%add3A_713, %dma_start3A_787, %add3A, %dma_start3A_791, %dma_start3A_792] : memref<200x8x32x8x128xf32, #tpu.memory_space<hbm>> -> memref<1x1x1x8x128xf32, #tpu.memory_space<hbm>>
      %dma_start3A_794 = tpu.memref_squeeze %dma_start3A_793 : memref<1x1x1x8x128xf32, #tpu.memory_space<hbm>> -> memref<8x128xf32, #tpu.memory_space<hbm>>
      %dma_start3A_795 = arith.constant 0 : i32
      %dma_start3A_796 = arith.constant 0 : i32
      %dma_start3A_797 = tpu.memref_slice %arg5[%add3A_713, %dma_start3A_787, %add3A, %dma_start3A_795, %dma_start3A_796] : memref<200x8x32x8x128xf32, #tpu.memory_space<hbm>> -> memref<1x1x1x8x128xf32, #tpu.memory_space<hbm>>
      %dma_start3A_798 = tpu.memref_squeeze %dma_start3A_797 : memref<1x1x1x8x128xf32, #tpu.memory_space<hbm>> -> memref<8x128xf32, #tpu.memory_space<hbm>>
      %dma_start3A_799 = arith.constant 24 : i32
      %dma_start3A_800 = arith.constant 0 : i32
      %dma_start3A_801 = tpu.memref_slice %arg13[%dma_start3A_799, %dma_start3A_800] : memref<64x129xf32, #tpu.memory_space<vmem>> -> memref<8x128xf32, #tpu.memory_space<vmem>>
      tpu.enqueue_dma source(%dma_start3A_801 : memref<8x128xf32, #tpu.memory_space<vmem>>) target(%dma_start3A_798 : memref<8x128xf32, #tpu.memory_space<hbm>>) target_semaphore(%arg21 : memref<!tpu.dma_semaphore, #tpu.memory_space<semaphore_mem>>)
      %dma_start3A_802 = arith.constant 4 : i32
      %dma_start3A_803 = arith.constant 32 : i32
      %dma_start3A_804 = arith.constant 0 : i32
      %dma_start3A_805 = tpu.memref_slice %arg13[%dma_start3A_803, %dma_start3A_804] : memref<64x129xf32, #tpu.memory_space<vmem>> -> memref<8x128xf32, #tpu.memory_space<vmem>>
      %dma_start3A_806 = arith.constant 0 : i32
      %dma_start3A_807 = arith.constant 0 : i32
      %dma_start3A_808 = tpu.memref_slice %arg5[%add3A_713, %dma_start3A_802, %add3A, %dma_start3A_806, %dma_start3A_807] : memref<200x8x32x8x128xf32, #tpu.memory_space<hbm>> -> memref<1x1x1x8x128xf32, #tpu.memory_space<hbm>>
      %dma_start3A_809 = tpu.memref_squeeze %dma_start3A_808 : memref<1x1x1x8x128xf32, #tpu.memory_space<hbm>> -> memref<8x128xf32, #tpu.memory_space<hbm>>
      %dma_start3A_810 = arith.constant 0 : i32
      %dma_start3A_811 = arith.constant 0 : i32
      %dma_start3A_812 = tpu.memref_slice %arg5[%add3A_713, %dma_start3A_802, %add3A, %dma_start3A_810, %dma_start3A_811] : memref<200x8x32x8x128xf32, #tpu.memory_space<hbm>> -> memref<1x1x1x8x128xf32, #tpu.memory_space<hbm>>
      %dma_start3A_813 = tpu.memref_squeeze %dma_start3A_812 : memref<1x1x1x8x128xf32, #tpu.memory_space<hbm>> -> memref<8x128xf32, #tpu.memory_space<hbm>>
      %dma_start3A_814 = arith.constant 32 : i32
      %dma_start3A_815 = arith.constant 0 : i32
      %dma_start3A_816 = tpu.memref_slice %arg13[%dma_start3A_814, %dma_start3A_815] : memref<64x129xf32, #tpu.memory_space<vmem>> -> memref<8x128xf32, #tpu.memory_space<vmem>>
      tpu.enqueue_dma source(%dma_start3A_816 : memref<8x128xf32, #tpu.memory_space<vmem>>) target(%dma_start3A_813 : memref<8x128xf32, #tpu.memory_space<hbm>>) target_semaphore(%arg21 : memref<!tpu.dma_semaphore, #tpu.memory_space<semaphore_mem>>)
      %dma_start3A_817 = arith.constant 5 : i32
      %dma_start3A_818 = arith.constant 40 : i32
      %dma_start3A_819 = arith.constant 0 : i32
      %dma_start3A_820 = tpu.memref_slice %arg13[%dma_start3A_818, %dma_start3A_819] : memref<64x129xf32, #tpu.memory_space<vmem>> -> memref<8x128xf32, #tpu.memory_space<vmem>>
      %dma_start3A_821 = arith.constant 0 : i32
      %dma_start3A_822 = arith.constant 0 : i32
      %dma_start3A_823 = tpu.memref_slice %arg5[%add3A_713, %dma_start3A_817, %add3A, %dma_start3A_821, %dma_start3A_822] : memref<200x8x32x8x128xf32, #tpu.memory_space<hbm>> -> memref<1x1x1x8x128xf32, #tpu.memory_space<hbm>>
      %dma_start3A_824 = tpu.memref_squeeze %dma_start3A_823 : memref<1x1x1x8x128xf32, #tpu.memory_space<hbm>> -> memref<8x128xf32, #tpu.memory_space<hbm>>
      %dma_start3A_825 = arith.constant 0 : i32
      %dma_start3A_826 = arith.constant 0 : i32
      %dma_start3A_827 = tpu.memref_slice %arg5[%add3A_713, %dma_start3A_817, %add3A, %dma_start3A_825, %dma_start3A_826] : memref<200x8x32x8x128xf32, #tpu.memory_space<hbm>> -> memref<1x1x1x8x128xf32, #tpu.memory_space<hbm>>
      %dma_start3A_828 = tpu.memref_squeeze %dma_start3A_827 : memref<1x1x1x8x128xf32, #tpu.memory_space<hbm>> -> memref<8x128xf32, #tpu.memory_space<hbm>>
      %dma_start3A_829 = arith.constant 40 : i32
      %dma_start3A_830 = arith.constant 0 : i32
      %dma_start3A_831 = tpu.memref_slice %arg13[%dma_start3A_829, %dma_start3A_830] : memref<64x129xf32, #tpu.memory_space<vmem>> -> memref<8x128xf32, #tpu.memory_space<vmem>>
      tpu.enqueue_dma source(%dma_start3A_831 : memref<8x128xf32, #tpu.memory_space<vmem>>) target(%dma_start3A_828 : memref<8x128xf32, #tpu.memory_space<hbm>>) target_semaphore(%arg21 : memref<!tpu.dma_semaphore, #tpu.memory_space<semaphore_mem>>)
      %dma_start3A_832 = arith.constant 6 : i32
      %dma_start3A_833 = arith.constant 48 : i32
      %dma_start3A_834 = arith.constant 0 : i32
      %dma_start3A_835 = tpu.memref_slice %arg13[%dma_start3A_833, %dma_start3A_834] : memref<64x129xf32, #tpu.memory_space<vmem>> -> memref<8x128xf32, #tpu.memory_space<vmem>>
      %dma_start3A_836 = arith.constant 0 : i32
      %dma_start3A_837 = arith.constant 0 : i32
      %dma_start3A_838 = tpu.memref_slice %arg5[%add3A_713, %dma_start3A_832, %add3A, %dma_start3A_836, %dma_start3A_837] : memref<200x8x32x8x128xf32, #tpu.memory_space<hbm>> -> memref<1x1x1x8x128xf32, #tpu.memory_space<hbm>>
      %dma_start3A_839 = tpu.memref_squeeze %dma_start3A_838 : memref<1x1x1x8x128xf32, #tpu.memory_space<hbm>> -> memref<8x128xf32, #tpu.memory_space<hbm>>
      %dma_start3A_840 = arith.constant 0 : i32
      %dma_start3A_841 = arith.constant 0 : i32
      %dma_start3A_842 = tpu.memref_slice %arg5[%add3A_713, %dma_start3A_832, %add3A, %dma_start3A_840, %dma_start3A_841] : memref<200x8x32x8x128xf32, #tpu.memory_space<hbm>> -> memref<1x1x1x8x128xf32, #tpu.memory_space<hbm>>
      %dma_start3A_843 = tpu.memref_squeeze %dma_start3A_842 : memref<1x1x1x8x128xf32, #tpu.memory_space<hbm>> -> memref<8x128xf32, #tpu.memory_space<hbm>>
      %dma_start3A_844 = arith.constant 48 : i32
      %dma_start3A_845 = arith.constant 0 : i32
      %dma_start3A_846 = tpu.memref_slice %arg13[%dma_start3A_844, %dma_start3A_845] : memref<64x129xf32, #tpu.memory_space<vmem>> -> memref<8x128xf32, #tpu.memory_space<vmem>>
      tpu.enqueue_dma source(%dma_start3A_846 : memref<8x128xf32, #tpu.memory_space<vmem>>) target(%dma_start3A_843 : memref<8x128xf32, #tpu.memory_space<hbm>>) target_semaphore(%arg21 : memref<!tpu.dma_semaphore, #tpu.memory_space<semaphore_mem>>)
      %dma_start3A_847 = arith.constant 7 : i32
      %dma_start3A_848 = arith.constant 56 : i32
      %dma_start3A_849 = arith.constant 0 : i32
      %dma_start3A_850 = tpu.memref_slice %arg13[%dma_start3A_848, %dma_start3A_849] : memref<64x129xf32, #tpu.memory_space<vmem>> -> memref<8x128xf32, #tpu.memory_space<vmem>>
      %dma_start3A_851 = arith.constant 0 : i32
      %dma_start3A_852 = arith.constant 0 : i32
      %dma_start3A_853 = tpu.memref_slice %arg5[%add3A_713, %dma_start3A_847, %add3A, %dma_start3A_851, %dma_start3A_852] : memref<200x8x32x8x128xf32, #tpu.memory_space<hbm>> -> memref<1x1x1x8x128xf32, #tpu.memory_space<hbm>>
      %dma_start3A_854 = tpu.memref_squeeze %dma_start3A_853 : memref<1x1x1x8x128xf32, #tpu.memory_space<hbm>> -> memref<8x128xf32, #tpu.memory_space<hbm>>
      %dma_start3A_855 = arith.constant 0 : i32
      %dma_start3A_856 = arith.constant 0 : i32
      %dma_start3A_857 = tpu.memref_slice %arg5[%add3A_713, %dma_start3A_847, %add3A, %dma_start3A_855, %dma_start3A_856] : memref<200x8x32x8x128xf32, #tpu.memory_space<hbm>> -> memref<1x1x1x8x128xf32, #tpu.memory_space<hbm>>
      %dma_start3A_858 = tpu.memref_squeeze %dma_start3A_857 : memref<1x1x1x8x128xf32, #tpu.memory_space<hbm>> -> memref<8x128xf32, #tpu.memory_space<hbm>>
      %dma_start3A_859 = arith.constant 56 : i32
      %dma_start3A_860 = arith.constant 0 : i32
      %dma_start3A_861 = tpu.memref_slice %arg13[%dma_start3A_859, %dma_start3A_860] : memref<64x129xf32, #tpu.memory_space<vmem>> -> memref<8x128xf32, #tpu.memory_space<vmem>>
      tpu.enqueue_dma source(%dma_start3A_861 : memref<8x128xf32, #tpu.memory_space<vmem>>) target(%dma_start3A_858 : memref<8x128xf32, #tpu.memory_space<hbm>>) target_semaphore(%arg21 : memref<!tpu.dma_semaphore, #tpu.memory_space<semaphore_mem>>)
      %add3A_862 = arith.constant 4 : i32
      %add3A_863 = arith.addi %add3A_713, %add3A_862 : i32
      %lt3A_864 = arith.constant 200 : i32
      %lt3A_865 = arith.cmpi slt, %add3A_863, %lt3A_864 : i32
      %convert_element_type3A_866 = arith.extui %lt3A_865 : i1 to i32
      %cond3A_867 = arith.constant 0 : i32
      %cond3A_868 = arith.cmpi ne, %convert_element_type3A_866, %cond3A_867 : i32
      scf.if %cond3A_868 {
        %add3A_1183 = arith.constant 4 : i32
        %add3A_1184 = arith.addi %add3A_713, %add3A_1183 : i32
        %dma_start3A_1185 = arith.constant 0 : i32
        %dma_start3A_1186 = tpu.memref_slice %arg6[%add3A_1184, %dma_start3A_1185] : memref<200x128xi32, #tpu.memory_space<vmem>> -> memref<1x128xi32, #tpu.memory_space<vmem>>
        %dma_start3A_1187 = tpu.memref_squeeze %dma_start3A_1186 : memref<1x128xi32, #tpu.memory_space<vmem>> -> memref<128xi32, #tpu.memory_space<vmem>>
        %dma_start3A_1188 = arith.constant 0 : i32
        %dma_start3A_1189 = arith.constant 0 : i32
        %dma_start3A_1190 = tpu.memref_slice %arg3[%dma_start3A_1188, %dma_start3A_1189] : memref<1000000x64xf32, #tpu.memory_space<hbm>> -> memref<1000000x64xf32, #tpu.memory_space<hbm>>
        tpu.enqueue_indirect_dma source(%dma_start3A_1190 : memref<1000000x64xf32, #tpu.memory_space<hbm>>) target(%arg9 : memref<128x64xf32, #tpu.memory_space<vmem>>) offsets(%dma_start3A_1187 : memref<128xi32, #tpu.memory_space<vmem>>) semaphore(%arg17 : memref<!tpu.dma_semaphore, #tpu.memory_space<semaphore_mem>>)
      } else {
      }
      %add3A_869 = arith.constant 2 : i32
      %add3A_870 = arith.addi %add3A_559, %add3A_869 : i32
      %dma_wait3A_871 = arith.constant 0 : i32
      %dma_wait3A_872 = tpu.memref_slice %arg6[%add3A_870, %dma_wait3A_871] : memref<200x128xi32, #tpu.memory_space<vmem>> -> memref<1x128xi32, #tpu.memory_space<vmem>>
      %dma_wait3A_873 = tpu.memref_squeeze %dma_wait3A_872 : memref<1x128xi32, #tpu.memory_space<vmem>> -> memref<128xi32, #tpu.memory_space<vmem>>
      %dma_wait3A_874 = arith.constant 0 : i32
      %dma_wait3A_875 = arith.constant 0 : i32
      %dma_wait3A_876 = tpu.memref_slice %arg3[%dma_wait3A_874, %dma_wait3A_875] : memref<1000000x64xf32, #tpu.memory_space<hbm>> -> memref<1000000x64xf32, #tpu.memory_space<hbm>>
      tpu.wait_indirect_dma semaphore(%arg18 : memref<!tpu.dma_semaphore, #tpu.memory_space<semaphore_mem>>) src(%dma_wait3A_876 : memref<1000000x64xf32, #tpu.memory_space<hbm>>) dst(%arg10 : memref<128x64xf32, #tpu.memory_space<vmem>>)
      %ge3A_877 = arith.constant 4 : i32
      %ge3A_878 = arith.cmpi sge, %add3A_870, %ge3A_877 : i32
      %convert_element_type3A_879 = arith.extui %ge3A_878 : i1 to i32
      %cond3A_880 = arith.constant 0 : i32
      %cond3A_881 = arith.cmpi ne, %convert_element_type3A_879, %cond3A_880 : i32
      scf.if %cond3A_881 {
        %sub3A = arith.constant 4 : i32
        %sub3A_1183 = arith.subi %add3A_870, %sub3A : i32
        %dma_wait3A_1184 = arith.constant 0 : i32
        %dma_wait3A_1185 = arith.constant 0 : i32
        %dma_wait3A_1186 = arith.constant 0 : i32
        %dma_wait3A_1187 = tpu.memref_slice %arg14[%dma_wait3A_1185, %dma_wait3A_1186] : memref<64x129xf32, #tpu.memory_space<vmem>> -> memref<8x128xf32, #tpu.memory_space<vmem>>
        %dma_wait3A_1188 = arith.constant 0 : i32
        %dma_wait3A_1189 = arith.constant 0 : i32
        %dma_wait3A_1190 = tpu.memref_slice %arg5[%sub3A_1183, %dma_wait3A_1184, %add3A, %dma_wait3A_1188, %dma_wait3A_1189] : memref<200x8x32x8x128xf32, #tpu.memory_space<hbm>> -> memref<1x1x1x8x128xf32, #tpu.memory_space<hbm>>
        %dma_wait3A_1191 = tpu.memref_squeeze %dma_wait3A_1190 : memref<1x1x1x8x128xf32, #tpu.memory_space<hbm>> -> memref<8x128xf32, #tpu.memory_space<hbm>>
        %dma_wait3A_1192 = arith.constant 0 : i32
        %dma_wait3A_1193 = arith.constant 0 : i32
        %dma_wait3A_1194 = tpu.memref_slice %arg5[%sub3A_1183, %dma_wait3A_1184, %add3A, %dma_wait3A_1192, %dma_wait3A_1193] : memref<200x8x32x8x128xf32, #tpu.memory_space<hbm>> -> memref<1x1x1x8x128xf32, #tpu.memory_space<hbm>>
        %dma_wait3A_1195 = tpu.memref_squeeze %dma_wait3A_1194 : memref<1x1x1x8x128xf32, #tpu.memory_space<hbm>> -> memref<8x128xf32, #tpu.memory_space<hbm>>
        %dma_wait3A_1196 = arith.constant 0 : i32
        %dma_wait3A_1197 = arith.constant 0 : i32
        %dma_wait3A_1198 = tpu.memref_slice %arg14[%dma_wait3A_1196, %dma_wait3A_1197] : memref<64x129xf32, #tpu.memory_space<vmem>> -> memref<8x128xf32, #tpu.memory_space<vmem>>
        tpu.wait_dma2 semaphore(%arg22 : memref<!tpu.dma_semaphore, #tpu.memory_space<semaphore_mem>>) src(%dma_wait3A_1198 : memref<8x128xf32, #tpu.memory_space<vmem>>) dst(%dma_wait3A_1195 : memref<8x128xf32, #tpu.memory_space<hbm>>)
        %dma_wait3A_1199 = arith.constant 1 : i32
        %dma_wait3A_1200 = arith.constant 8 : i32
        %dma_wait3A_1201 = arith.constant 0 : i32
        %dma_wait3A_1202 = tpu.memref_slice %arg14[%dma_wait3A_1200, %dma_wait3A_1201] : memref<64x129xf32, #tpu.memory_space<vmem>> -> memref<8x128xf32, #tpu.memory_space<vmem>>
        %dma_wait3A_1203 = arith.constant 0 : i32
        %dma_wait3A_1204 = arith.constant 0 : i32
        %dma_wait3A_1205 = tpu.memref_slice %arg5[%sub3A_1183, %dma_wait3A_1199, %add3A, %dma_wait3A_1203, %dma_wait3A_1204] : memref<200x8x32x8x128xf32, #tpu.memory_space<hbm>> -> memref<1x1x1x8x128xf32, #tpu.memory_space<hbm>>
        %dma_wait3A_1206 = tpu.memref_squeeze %dma_wait3A_1205 : memref<1x1x1x8x128xf32, #tpu.memory_space<hbm>> -> memref<8x128xf32, #tpu.memory_space<hbm>>
        %dma_wait3A_1207 = arith.constant 0 : i32
        %dma_wait3A_1208 = arith.constant 0 : i32
        %dma_wait3A_1209 = tpu.memref_slice %arg5[%sub3A_1183, %dma_wait3A_1199, %add3A, %dma_wait3A_1207, %dma_wait3A_1208] : memref<200x8x32x8x128xf32, #tpu.memory_space<hbm>> -> memref<1x1x1x8x128xf32, #tpu.memory_space<hbm>>
        %dma_wait3A_1210 = tpu.memref_squeeze %dma_wait3A_1209 : memref<1x1x1x8x128xf32, #tpu.memory_space<hbm>> -> memref<8x128xf32, #tpu.memory_space<hbm>>
        %dma_wait3A_1211 = arith.constant 8 : i32
        %dma_wait3A_1212 = arith.constant 0 : i32
        %dma_wait3A_1213 = tpu.memref_slice %arg14[%dma_wait3A_1211, %dma_wait3A_1212] : memref<64x129xf32, #tpu.memory_space<vmem>> -> memref<8x128xf32, #tpu.memory_space<vmem>>
        tpu.wait_dma2 semaphore(%arg22 : memref<!tpu.dma_semaphore, #tpu.memory_space<semaphore_mem>>) src(%dma_wait3A_1213 : memref<8x128xf32, #tpu.memory_space<vmem>>) dst(%dma_wait3A_1210 : memref<8x128xf32, #tpu.memory_space<hbm>>)
        %dma_wait3A_1214 = arith.constant 2 : i32
        %dma_wait3A_1215 = arith.constant 16 : i32
        %dma_wait3A_1216 = arith.constant 0 : i32
        %dma_wait3A_1217 = tpu.memref_slice %arg14[%dma_wait3A_1215, %dma_wait3A_1216] : memref<64x129xf32, #tpu.memory_space<vmem>> -> memref<8x128xf32, #tpu.memory_space<vmem>>
        %dma_wait3A_1218 = arith.constant 0 : i32
        %dma_wait3A_1219 = arith.constant 0 : i32
        %dma_wait3A_1220 = tpu.memref_slice %arg5[%sub3A_1183, %dma_wait3A_1214, %add3A, %dma_wait3A_1218, %dma_wait3A_1219] : memref<200x8x32x8x128xf32, #tpu.memory_space<hbm>> -> memref<1x1x1x8x128xf32, #tpu.memory_space<hbm>>
        %dma_wait3A_1221 = tpu.memref_squeeze %dma_wait3A_1220 : memref<1x1x1x8x128xf32, #tpu.memory_space<hbm>> -> memref<8x128xf32, #tpu.memory_space<hbm>>
        %dma_wait3A_1222 = arith.constant 0 : i32
        %dma_wait3A_1223 = arith.constant 0 : i32
        %dma_wait3A_1224 = tpu.memref_slice %arg5[%sub3A_1183, %dma_wait3A_1214, %add3A, %dma_wait3A_1222, %dma_wait3A_1223] : memref<200x8x32x8x128xf32, #tpu.memory_space<hbm>> -> memref<1x1x1x8x128xf32, #tpu.memory_space<hbm>>
        %dma_wait3A_1225 = tpu.memref_squeeze %dma_wait3A_1224 : memref<1x1x1x8x128xf32, #tpu.memory_space<hbm>> -> memref<8x128xf32, #tpu.memory_space<hbm>>
        %dma_wait3A_1226 = arith.constant 16 : i32
        %dma_wait3A_1227 = arith.constant 0 : i32
        %dma_wait3A_1228 = tpu.memref_slice %arg14[%dma_wait3A_1226, %dma_wait3A_1227] : memref<64x129xf32, #tpu.memory_space<vmem>> -> memref<8x128xf32, #tpu.memory_space<vmem>>
        tpu.wait_dma2 semaphore(%arg22 : memref<!tpu.dma_semaphore, #tpu.memory_space<semaphore_mem>>) src(%dma_wait3A_1228 : memref<8x128xf32, #tpu.memory_space<vmem>>) dst(%dma_wait3A_1225 : memref<8x128xf32, #tpu.memory_space<hbm>>)
        %dma_wait3A_1229 = arith.constant 3 : i32
        %dma_wait3A_1230 = arith.constant 24 : i32
        %dma_wait3A_1231 = arith.constant 0 : i32
        %dma_wait3A_1232 = tpu.memref_slice %arg14[%dma_wait3A_1230, %dma_wait3A_1231] : memref<64x129xf32, #tpu.memory_space<vmem>> -> memref<8x128xf32, #tpu.memory_space<vmem>>
        %dma_wait3A_1233 = arith.constant 0 : i32
        %dma_wait3A_1234 = arith.constant 0 : i32
        %dma_wait3A_1235 = tpu.memref_slice %arg5[%sub3A_1183, %dma_wait3A_1229, %add3A, %dma_wait3A_1233, %dma_wait3A_1234] : memref<200x8x32x8x128xf32, #tpu.memory_space<hbm>> -> memref<1x1x1x8x128xf32, #tpu.memory_space<hbm>>
        %dma_wait3A_1236 = tpu.memref_squeeze %dma_wait3A_1235 : memref<1x1x1x8x128xf32, #tpu.memory_space<hbm>> -> memref<8x128xf32, #tpu.memory_space<hbm>>
        %dma_wait3A_1237 = arith.constant 0 : i32
        %dma_wait3A_1238 = arith.constant 0 : i32
        %dma_wait3A_1239 = tpu.memref_slice %arg5[%sub3A_1183, %dma_wait3A_1229, %add3A, %dma_wait3A_1237, %dma_wait3A_1238] : memref<200x8x32x8x128xf32, #tpu.memory_space<hbm>> -> memref<1x1x1x8x128xf32, #tpu.memory_space<hbm>>
        %dma_wait3A_1240 = tpu.memref_squeeze %dma_wait3A_1239 : memref<1x1x1x8x128xf32, #tpu.memory_space<hbm>> -> memref<8x128xf32, #tpu.memory_space<hbm>>
        %dma_wait3A_1241 = arith.constant 24 : i32
        %dma_wait3A_1242 = arith.constant 0 : i32
        %dma_wait3A_1243 = tpu.memref_slice %arg14[%dma_wait3A_1241, %dma_wait3A_1242] : memref<64x129xf32, #tpu.memory_space<vmem>> -> memref<8x128xf32, #tpu.memory_space<vmem>>
        tpu.wait_dma2 semaphore(%arg22 : memref<!tpu.dma_semaphore, #tpu.memory_space<semaphore_mem>>) src(%dma_wait3A_1243 : memref<8x128xf32, #tpu.memory_space<vmem>>) dst(%dma_wait3A_1240 : memref<8x128xf32, #tpu.memory_space<hbm>>)
        %dma_wait3A_1244 = arith.constant 4 : i32
        %dma_wait3A_1245 = arith.constant 32 : i32
        %dma_wait3A_1246 = arith.constant 0 : i32
        %dma_wait3A_1247 = tpu.memref_slice %arg14[%dma_wait3A_1245, %dma_wait3A_1246] : memref<64x129xf32, #tpu.memory_space<vmem>> -> memref<8x128xf32, #tpu.memory_space<vmem>>
        %dma_wait3A_1248 = arith.constant 0 : i32
        %dma_wait3A_1249 = arith.constant 0 : i32
        %dma_wait3A_1250 = tpu.memref_slice %arg5[%sub3A_1183, %dma_wait3A_1244, %add3A, %dma_wait3A_1248, %dma_wait3A_1249] : memref<200x8x32x8x128xf32, #tpu.memory_space<hbm>> -> memref<1x1x1x8x128xf32, #tpu.memory_space<hbm>>
        %dma_wait3A_1251 = tpu.memref_squeeze %dma_wait3A_1250 : memref<1x1x1x8x128xf32, #tpu.memory_space<hbm>> -> memref<8x128xf32, #tpu.memory_space<hbm>>
        %dma_wait3A_1252 = arith.constant 0 : i32
        %dma_wait3A_1253 = arith.constant 0 : i32
        %dma_wait3A_1254 = tpu.memref_slice %arg5[%sub3A_1183, %dma_wait3A_1244, %add3A, %dma_wait3A_1252, %dma_wait3A_1253] : memref<200x8x32x8x128xf32, #tpu.memory_space<hbm>> -> memref<1x1x1x8x128xf32, #tpu.memory_space<hbm>>
        %dma_wait3A_1255 = tpu.memref_squeeze %dma_wait3A_1254 : memref<1x1x1x8x128xf32, #tpu.memory_space<hbm>> -> memref<8x128xf32, #tpu.memory_space<hbm>>
        %dma_wait3A_1256 = arith.constant 32 : i32
        %dma_wait3A_1257 = arith.constant 0 : i32
        %dma_wait3A_1258 = tpu.memref_slice %arg14[%dma_wait3A_1256, %dma_wait3A_1257] : memref<64x129xf32, #tpu.memory_space<vmem>> -> memref<8x128xf32, #tpu.memory_space<vmem>>
        tpu.wait_dma2 semaphore(%arg22 : memref<!tpu.dma_semaphore, #tpu.memory_space<semaphore_mem>>) src(%dma_wait3A_1258 : memref<8x128xf32, #tpu.memory_space<vmem>>) dst(%dma_wait3A_1255 : memref<8x128xf32, #tpu.memory_space<hbm>>)
        %dma_wait3A_1259 = arith.constant 5 : i32
        %dma_wait3A_1260 = arith.constant 40 : i32
        %dma_wait3A_1261 = arith.constant 0 : i32
        %dma_wait3A_1262 = tpu.memref_slice %arg14[%dma_wait3A_1260, %dma_wait3A_1261] : memref<64x129xf32, #tpu.memory_space<vmem>> -> memref<8x128xf32, #tpu.memory_space<vmem>>
        %dma_wait3A_1263 = arith.constant 0 : i32
        %dma_wait3A_1264 = arith.constant 0 : i32
        %dma_wait3A_1265 = tpu.memref_slice %arg5[%sub3A_1183, %dma_wait3A_1259, %add3A, %dma_wait3A_1263, %dma_wait3A_1264] : memref<200x8x32x8x128xf32, #tpu.memory_space<hbm>> -> memref<1x1x1x8x128xf32, #tpu.memory_space<hbm>>
        %dma_wait3A_1266 = tpu.memref_squeeze %dma_wait3A_1265 : memref<1x1x1x8x128xf32, #tpu.memory_space<hbm>> -> memref<8x128xf32, #tpu.memory_space<hbm>>
        %dma_wait3A_1267 = arith.constant 0 : i32
        %dma_wait3A_1268 = arith.constant 0 : i32
        %dma_wait3A_1269 = tpu.memref_slice %arg5[%sub3A_1183, %dma_wait3A_1259, %add3A, %dma_wait3A_1267, %dma_wait3A_1268] : memref<200x8x32x8x128xf32, #tpu.memory_space<hbm>> -> memref<1x1x1x8x128xf32, #tpu.memory_space<hbm>>
        %dma_wait3A_1270 = tpu.memref_squeeze %dma_wait3A_1269 : memref<1x1x1x8x128xf32, #tpu.memory_space<hbm>> -> memref<8x128xf32, #tpu.memory_space<hbm>>
        %dma_wait3A_1271 = arith.constant 40 : i32
        %dma_wait3A_1272 = arith.constant 0 : i32
        %dma_wait3A_1273 = tpu.memref_slice %arg14[%dma_wait3A_1271, %dma_wait3A_1272] : memref<64x129xf32, #tpu.memory_space<vmem>> -> memref<8x128xf32, #tpu.memory_space<vmem>>
        tpu.wait_dma2 semaphore(%arg22 : memref<!tpu.dma_semaphore, #tpu.memory_space<semaphore_mem>>) src(%dma_wait3A_1273 : memref<8x128xf32, #tpu.memory_space<vmem>>) dst(%dma_wait3A_1270 : memref<8x128xf32, #tpu.memory_space<hbm>>)
        %dma_wait3A_1274 = arith.constant 6 : i32
        %dma_wait3A_1275 = arith.constant 48 : i32
        %dma_wait3A_1276 = arith.constant 0 : i32
        %dma_wait3A_1277 = tpu.memref_slice %arg14[%dma_wait3A_1275, %dma_wait3A_1276] : memref<64x129xf32, #tpu.memory_space<vmem>> -> memref<8x128xf32, #tpu.memory_space<vmem>>
        %dma_wait3A_1278 = arith.constant 0 : i32
        %dma_wait3A_1279 = arith.constant 0 : i32
        %dma_wait3A_1280 = tpu.memref_slice %arg5[%sub3A_1183, %dma_wait3A_1274, %add3A, %dma_wait3A_1278, %dma_wait3A_1279] : memref<200x8x32x8x128xf32, #tpu.memory_space<hbm>> -> memref<1x1x1x8x128xf32, #tpu.memory_space<hbm>>
        %dma_wait3A_1281 = tpu.memref_squeeze %dma_wait3A_1280 : memref<1x1x1x8x128xf32, #tpu.memory_space<hbm>> -> memref<8x128xf32, #tpu.memory_space<hbm>>
        %dma_wait3A_1282 = arith.constant 0 : i32
        %dma_wait3A_1283 = arith.constant 0 : i32
        %dma_wait3A_1284 = tpu.memref_slice %arg5[%sub3A_1183, %dma_wait3A_1274, %add3A, %dma_wait3A_1282, %dma_wait3A_1283] : memref<200x8x32x8x128xf32, #tpu.memory_space<hbm>> -> memref<1x1x1x8x128xf32, #tpu.memory_space<hbm>>
        %dma_wait3A_1285 = tpu.memref_squeeze %dma_wait3A_1284 : memref<1x1x1x8x128xf32, #tpu.memory_space<hbm>> -> memref<8x128xf32, #tpu.memory_space<hbm>>
        %dma_wait3A_1286 = arith.constant 48 : i32
        %dma_wait3A_1287 = arith.constant 0 : i32
        %dma_wait3A_1288 = tpu.memref_slice %arg14[%dma_wait3A_1286, %dma_wait3A_1287] : memref<64x129xf32, #tpu.memory_space<vmem>> -> memref<8x128xf32, #tpu.memory_space<vmem>>
        tpu.wait_dma2 semaphore(%arg22 : memref<!tpu.dma_semaphore, #tpu.memory_space<semaphore_mem>>) src(%dma_wait3A_1288 : memref<8x128xf32, #tpu.memory_space<vmem>>) dst(%dma_wait3A_1285 : memref<8x128xf32, #tpu.memory_space<hbm>>)
        %dma_wait3A_1289 = arith.constant 7 : i32
        %dma_wait3A_1290 = arith.constant 56 : i32
        %dma_wait3A_1291 = arith.constant 0 : i32
        %dma_wait3A_1292 = tpu.memref_slice %arg14[%dma_wait3A_1290, %dma_wait3A_1291] : memref<64x129xf32, #tpu.memory_space<vmem>> -> memref<8x128xf32, #tpu.memory_space<vmem>>
        %dma_wait3A_1293 = arith.constant 0 : i32
        %dma_wait3A_1294 = arith.constant 0 : i32
        %dma_wait3A_1295 = tpu.memref_slice %arg5[%sub3A_1183, %dma_wait3A_1289, %add3A, %dma_wait3A_1293, %dma_wait3A_1294] : memref<200x8x32x8x128xf32, #tpu.memory_space<hbm>> -> memref<1x1x1x8x128xf32, #tpu.memory_space<hbm>>
        %dma_wait3A_1296 = tpu.memref_squeeze %dma_wait3A_1295 : memref<1x1x1x8x128xf32, #tpu.memory_space<hbm>> -> memref<8x128xf32, #tpu.memory_space<hbm>>
        %dma_wait3A_1297 = arith.constant 0 : i32
        %dma_wait3A_1298 = arith.constant 0 : i32
        %dma_wait3A_1299 = tpu.memref_slice %arg5[%sub3A_1183, %dma_wait3A_1289, %add3A, %dma_wait3A_1297, %dma_wait3A_1298] : memref<200x8x32x8x128xf32, #tpu.memory_space<hbm>> -> memref<1x1x1x8x128xf32, #tpu.memory_space<hbm>>
        %dma_wait3A_1300 = tpu.memref_squeeze %dma_wait3A_1299 : memref<1x1x1x8x128xf32, #tpu.memory_space<hbm>> -> memref<8x128xf32, #tpu.memory_space<hbm>>
        %dma_wait3A_1301 = arith.constant 56 : i32
        %dma_wait3A_1302 = arith.constant 0 : i32
        %dma_wait3A_1303 = tpu.memref_slice %arg14[%dma_wait3A_1301, %dma_wait3A_1302] : memref<64x129xf32, #tpu.memory_space<vmem>> -> memref<8x128xf32, #tpu.memory_space<vmem>>
        tpu.wait_dma2 semaphore(%arg22 : memref<!tpu.dma_semaphore, #tpu.memory_space<semaphore_mem>>) src(%dma_wait3A_1303 : memref<8x128xf32, #tpu.memory_space<vmem>>) dst(%dma_wait3A_1300 : memref<8x128xf32, #tpu.memory_space<hbm>>)
      } else {
      }
      %get3A_882 = arith.index_cast %add3A_870 : i32 to index
      %get3A_883 = arith.constant 0 : index
      %get3A_884 = tpu.vector_load %arg7[%get3A_882, %get3A_883] {strides = array<i32>} : memref<200x64xf32, #tpu.memory_space<vmem>>, vector<16xf32>,
      %get3A_885 = arith.index_cast %add3A_870 : i32 to index
      %get3A_886 = arith.constant 16 : index
      %get3A_887 = tpu.vector_load %arg7[%get3A_885, %get3A_886] {strides = array<i32>} : memref<200x64xf32, #tpu.memory_space<vmem>>, vector<16xf32>,
      %get3A_888 = arith.index_cast %add3A_870 : i32 to index
      %get3A_889 = arith.constant 32 : index
      %get3A_890 = tpu.vector_load %arg7[%get3A_888, %get3A_889] {strides = array<i32>} : memref<200x64xf32, #tpu.memory_space<vmem>>, vector<16xf32>,
      %get3A_891 = arith.index_cast %add3A_870 : i32 to index
      %get3A_892 = arith.constant 48 : index
      %get3A_893 = tpu.vector_load %arg7[%get3A_891, %get3A_892] {strides = array<i32>} : memref<200x64xf32, #tpu.memory_space<vmem>>, vector<16xf32>,
      %scan3A_894 = arith.constant 0 : i32
      %scan3A_895 = arith.constant 16 : i32
      %scan3A_896 = arith.addi %scan3A_894, %scan3A_895 : i32
      %scan3A_897 = arith.constant 1 : i32
      scf.for %scan3A_1183 = %scan3A_894 to %scan3A_896 step %scan3A_897  : i32 {
        %mul3A_1184 = arith.constant 8 : i32
        %mul3A_1185 = arith.muli %scan3A_1183, %mul3A_1184 : i32
        %add3A_1186 = arith.constant 0 : i32
        %add3A_1187 = arith.addi %add3A_1186, %mul3A_1185 : i32
        %add3A_1188 = arith.constant 0 : i32
        %add3A_1189 = arith.addi %add3A_1187, %add3A_1188 : i32
        %get3A_1190 = arith.index_cast %add3A_1189 : i32 to index
        %get3A_1191 = arith.constant 0 : index
        %get3A_1192 = tpu.vector_load %arg10[%get3A_1190, %get3A_1191] {strides = array<i32>} : memref<128x64xf32, #tpu.memory_space<vmem>>, vector<16xf32>,
        %add3A_1193 = arith.constant 0 : i32
        %add3A_1194 = arith.addi %add3A_1187, %add3A_1193 : i32
        %get3A_1195 = arith.index_cast %add3A_1194 : i32 to index
        %get3A_1196 = arith.constant 16 : index
        %get3A_1197 = tpu.vector_load %arg10[%get3A_1195, %get3A_1196] {strides = array<i32>} : memref<128x64xf32, #tpu.memory_space<vmem>>, vector<16xf32>,
        %add3A_1198 = arith.constant 0 : i32
        %add3A_1199 = arith.addi %add3A_1187, %add3A_1198 : i32
        %get3A_1200 = arith.index_cast %add3A_1199 : i32 to index
        %get3A_1201 = arith.constant 32 : index
        %get3A_1202 = tpu.vector_load %arg10[%get3A_1200, %get3A_1201] {strides = array<i32>} : memref<128x64xf32, #tpu.memory_space<vmem>>, vector<16xf32>,
        %add3A_1203 = arith.constant 0 : i32
        %add3A_1204 = arith.addi %add3A_1187, %add3A_1203 : i32
        %get3A_1205 = arith.index_cast %add3A_1204 : i32 to index
        %get3A_1206 = arith.constant 48 : index
        %get3A_1207 = tpu.vector_load %arg10[%get3A_1205, %get3A_1206] {strides = array<i32>} : memref<128x64xf32, #tpu.memory_space<vmem>>, vector<16xf32>,
        %add3A_1208 = arith.constant 1 : i32
        %add3A_1209 = arith.addi %add3A_1187, %add3A_1208 : i32
        %get3A_1210 = arith.index_cast %add3A_1209 : i32 to index
        %get3A_1211 = arith.constant 0 : index
        %get3A_1212 = tpu.vector_load %arg10[%get3A_1210, %get3A_1211] {strides = array<i32>} : memref<128x64xf32, #tpu.memory_space<vmem>>, vector<16xf32>,
        %add3A_1213 = arith.constant 1 : i32
        %add3A_1214 = arith.addi %add3A_1187, %add3A_1213 : i32
        %get3A_1215 = arith.index_cast %add3A_1214 : i32 to index
        %get3A_1216 = arith.constant 16 : index
        %get3A_1217 = tpu.vector_load %arg10[%get3A_1215, %get3A_1216] {strides = array<i32>} : memref<128x64xf32, #tpu.memory_space<vmem>>, vector<16xf32>,
        %add3A_1218 = arith.constant 1 : i32
        %add3A_1219 = arith.addi %add3A_1187, %add3A_1218 : i32
        %get3A_1220 = arith.index_cast %add3A_1219 : i32 to index
        %get3A_1221 = arith.constant 32 : index
        %get3A_1222 = tpu.vector_load %arg10[%get3A_1220, %get3A_1221] {strides = array<i32>} : memref<128x64xf32, #tpu.memory_space<vmem>>, vector<16xf32>,
        %add3A_1223 = arith.constant 1 : i32
        %add3A_1224 = arith.addi %add3A_1187, %add3A_1223 : i32
        %get3A_1225 = arith.index_cast %add3A_1224 : i32 to index
        %get3A_1226 = arith.constant 48 : index
        %get3A_1227 = tpu.vector_load %arg10[%get3A_1225, %get3A_1226] {strides = array<i32>} : memref<128x64xf32, #tpu.memory_space<vmem>>, vector<16xf32>,
        %add3A_1228 = arith.constant 2 : i32
        %add3A_1229 = arith.addi %add3A_1187, %add3A_1228 : i32
        %get3A_1230 = arith.index_cast %add3A_1229 : i32 to index
        %get3A_1231 = arith.constant 0 : index
        %get3A_1232 = tpu.vector_load %arg10[%get3A_1230, %get3A_1231] {strides = array<i32>} : memref<128x64xf32, #tpu.memory_space<vmem>>, vector<16xf32>,
        %add3A_1233 = arith.constant 2 : i32
        %add3A_1234 = arith.addi %add3A_1187, %add3A_1233 : i32
        %get3A_1235 = arith.index_cast %add3A_1234 : i32 to index
        %get3A_1236 = arith.constant 16 : index
        %get3A_1237 = tpu.vector_load %arg10[%get3A_1235, %get3A_1236] {strides = array<i32>} : memref<128x64xf32, #tpu.memory_space<vmem>>, vector<16xf32>,
        %add3A_1238 = arith.constant 2 : i32
        %add3A_1239 = arith.addi %add3A_1187, %add3A_1238 : i32
        %get3A_1240 = arith.index_cast %add3A_1239 : i32 to index
        %get3A_1241 = arith.constant 32 : index
        %get3A_1242 = tpu.vector_load %arg10[%get3A_1240, %get3A_1241] {strides = array<i32>} : memref<128x64xf32, #tpu.memory_space<vmem>>, vector<16xf32>,
        %add3A_1243 = arith.constant 2 : i32
        %add3A_1244 = arith.addi %add3A_1187, %add3A_1243 : i32
        %get3A_1245 = arith.index_cast %add3A_1244 : i32 to index
        %get3A_1246 = arith.constant 48 : index
        %get3A_1247 = tpu.vector_load %arg10[%get3A_1245, %get3A_1246] {strides = array<i32>} : memref<128x64xf32, #tpu.memory_space<vmem>>, vector<16xf32>,
        %add3A_1248 = arith.constant 3 : i32
        %add3A_1249 = arith.addi %add3A_1187, %add3A_1248 : i32
        %get3A_1250 = arith.index_cast %add3A_1249 : i32 to index
        %get3A_1251 = arith.constant 0 : index
        %get3A_1252 = tpu.vector_load %arg10[%get3A_1250, %get3A_1251] {strides = array<i32>} : memref<128x64xf32, #tpu.memory_space<vmem>>, vector<16xf32>,
        %add3A_1253 = arith.constant 3 : i32
        %add3A_1254 = arith.addi %add3A_1187, %add3A_1253 : i32
        %get3A_1255 = arith.index_cast %add3A_1254 : i32 to index
        %get3A_1256 = arith.constant 16 : index
        %get3A_1257 = tpu.vector_load %arg10[%get3A_1255, %get3A_1256] {strides = array<i32>} : memref<128x64xf32, #tpu.memory_space<vmem>>, vector<16xf32>,
        %add3A_1258 = arith.constant 3 : i32
        %add3A_1259 = arith.addi %add3A_1187, %add3A_1258 : i32
        %get3A_1260 = arith.index_cast %add3A_1259 : i32 to index
        %get3A_1261 = arith.constant 32 : index
        %get3A_1262 = tpu.vector_load %arg10[%get3A_1260, %get3A_1261] {strides = array<i32>} : memref<128x64xf32, #tpu.memory_space<vmem>>, vector<16xf32>,
        %add3A_1263 = arith.constant 3 : i32
        %add3A_1264 = arith.addi %add3A_1187, %add3A_1263 : i32
        %get3A_1265 = arith.index_cast %add3A_1264 : i32 to index
        %get3A_1266 = arith.constant 48 : index
        %get3A_1267 = tpu.vector_load %arg10[%get3A_1265, %get3A_1266] {strides = array<i32>} : memref<128x64xf32, #tpu.memory_space<vmem>>, vector<16xf32>,
        %add3A_1268 = arith.constant 4 : i32
        %add3A_1269 = arith.addi %add3A_1187, %add3A_1268 : i32
        %get3A_1270 = arith.index_cast %add3A_1269 : i32 to index
        %get3A_1271 = arith.constant 0 : index
        %get3A_1272 = tpu.vector_load %arg10[%get3A_1270, %get3A_1271] {strides = array<i32>} : memref<128x64xf32, #tpu.memory_space<vmem>>, vector<16xf32>,
        %add3A_1273 = arith.constant 4 : i32
        %add3A_1274 = arith.addi %add3A_1187, %add3A_1273 : i32
        %get3A_1275 = arith.index_cast %add3A_1274 : i32 to index
        %get3A_1276 = arith.constant 16 : index
        %get3A_1277 = tpu.vector_load %arg10[%get3A_1275, %get3A_1276] {strides = array<i32>} : memref<128x64xf32, #tpu.memory_space<vmem>>, vector<16xf32>,
        %add3A_1278 = arith.constant 4 : i32
        %add3A_1279 = arith.addi %add3A_1187, %add3A_1278 : i32
        %get3A_1280 = arith.index_cast %add3A_1279 : i32 to index
        %get3A_1281 = arith.constant 32 : index
        %get3A_1282 = tpu.vector_load %arg10[%get3A_1280, %get3A_1281] {strides = array<i32>} : memref<128x64xf32, #tpu.memory_space<vmem>>, vector<16xf32>,
        %add3A_1283 = arith.constant 4 : i32
        %add3A_1284 = arith.addi %add3A_1187, %add3A_1283 : i32
        %get3A_1285 = arith.index_cast %add3A_1284 : i32 to index
        %get3A_1286 = arith.constant 48 : index
        %get3A_1287 = tpu.vector_load %arg10[%get3A_1285, %get3A_1286] {strides = array<i32>} : memref<128x64xf32, #tpu.memory_space<vmem>>, vector<16xf32>,
        %add3A_1288 = arith.constant 5 : i32
        %add3A_1289 = arith.addi %add3A_1187, %add3A_1288 : i32
        %get3A_1290 = arith.index_cast %add3A_1289 : i32 to index
        %get3A_1291 = arith.constant 0 : index
        %get3A_1292 = tpu.vector_load %arg10[%get3A_1290, %get3A_1291] {strides = array<i32>} : memref<128x64xf32, #tpu.memory_space<vmem>>, vector<16xf32>,
        %add3A_1293 = arith.constant 5 : i32
        %add3A_1294 = arith.addi %add3A_1187, %add3A_1293 : i32
        %get3A_1295 = arith.index_cast %add3A_1294 : i32 to index
        %get3A_1296 = arith.constant 16 : index
        %get3A_1297 = tpu.vector_load %arg10[%get3A_1295, %get3A_1296] {strides = array<i32>} : memref<128x64xf32, #tpu.memory_space<vmem>>, vector<16xf32>,
        %add3A_1298 = arith.constant 5 : i32
        %add3A_1299 = arith.addi %add3A_1187, %add3A_1298 : i32
        %get3A_1300 = arith.index_cast %add3A_1299 : i32 to index
        %get3A_1301 = arith.constant 32 : index
        %get3A_1302 = tpu.vector_load %arg10[%get3A_1300, %get3A_1301] {strides = array<i32>} : memref<128x64xf32, #tpu.memory_space<vmem>>, vector<16xf32>,
        %add3A_1303 = arith.constant 5 : i32
        %add3A_1304 = arith.addi %add3A_1187, %add3A_1303 : i32
        %get3A_1305 = arith.index_cast %add3A_1304 : i32 to index
        %get3A_1306 = arith.constant 48 : index
        %get3A_1307 = tpu.vector_load %arg10[%get3A_1305, %get3A_1306] {strides = array<i32>} : memref<128x64xf32, #tpu.memory_space<vmem>>, vector<16xf32>,
        %add3A_1308 = arith.constant 6 : i32
        %add3A_1309 = arith.addi %add3A_1187, %add3A_1308 : i32
        %get3A_1310 = arith.index_cast %add3A_1309 : i32 to index
        %get3A_1311 = arith.constant 0 : index
        %get3A_1312 = tpu.vector_load %arg10[%get3A_1310, %get3A_1311] {strides = array<i32>} : memref<128x64xf32, #tpu.memory_space<vmem>>, vector<16xf32>,
        %add3A_1313 = arith.constant 6 : i32
        %add3A_1314 = arith.addi %add3A_1187, %add3A_1313 : i32
        %get3A_1315 = arith.index_cast %add3A_1314 : i32 to index
        %get3A_1316 = arith.constant 16 : index
        %get3A_1317 = tpu.vector_load %arg10[%get3A_1315, %get3A_1316] {strides = array<i32>} : memref<128x64xf32, #tpu.memory_space<vmem>>, vector<16xf32>,
        %add3A_1318 = arith.constant 6 : i32
        %add3A_1319 = arith.addi %add3A_1187, %add3A_1318 : i32
        %get3A_1320 = arith.index_cast %add3A_1319 : i32 to index
        %get3A_1321 = arith.constant 32 : index
        %get3A_1322 = tpu.vector_load %arg10[%get3A_1320, %get3A_1321] {strides = array<i32>} : memref<128x64xf32, #tpu.memory_space<vmem>>, vector<16xf32>,
        %add3A_1323 = arith.constant 6 : i32
        %add3A_1324 = arith.addi %add3A_1187, %add3A_1323 : i32
        %get3A_1325 = arith.index_cast %add3A_1324 : i32 to index
        %get3A_1326 = arith.constant 48 : index
        %get3A_1327 = tpu.vector_load %arg10[%get3A_1325, %get3A_1326] {strides = array<i32>} : memref<128x64xf32, #tpu.memory_space<vmem>>, vector<16xf32>,
        %add3A_1328 = arith.constant 7 : i32
        %add3A_1329 = arith.addi %add3A_1187, %add3A_1328 : i32
        %get3A_1330 = arith.index_cast %add3A_1329 : i32 to index
        %get3A_1331 = arith.constant 0 : index
        %get3A_1332 = tpu.vector_load %arg10[%get3A_1330, %get3A_1331] {strides = array<i32>} : memref<128x64xf32, #tpu.memory_space<vmem>>, vector<16xf32>,
        %add3A_1333 = arith.constant 7 : i32
        %add3A_1334 = arith.addi %add3A_1187, %add3A_1333 : i32
        %get3A_1335 = arith.index_cast %add3A_1334 : i32 to index
        %get3A_1336 = arith.constant 16 : index
        %get3A_1337 = tpu.vector_load %arg10[%get3A_1335, %get3A_1336] {strides = array<i32>} : memref<128x64xf32, #tpu.memory_space<vmem>>, vector<16xf32>,
        %add3A_1338 = arith.constant 7 : i32
        %add3A_1339 = arith.addi %add3A_1187, %add3A_1338 : i32
        %get3A_1340 = arith.index_cast %add3A_1339 : i32 to index
        %get3A_1341 = arith.constant 32 : index
        %get3A_1342 = tpu.vector_load %arg10[%get3A_1340, %get3A_1341] {strides = array<i32>} : memref<128x64xf32, #tpu.memory_space<vmem>>, vector<16xf32>,
        %add3A_1343 = arith.constant 7 : i32
        %add3A_1344 = arith.addi %add3A_1187, %add3A_1343 : i32
        %get3A_1345 = arith.index_cast %add3A_1344 : i32 to index
        %get3A_1346 = arith.constant 48 : index
        %get3A_1347 = tpu.vector_load %arg10[%get3A_1345, %get3A_1346] {strides = array<i32>} : memref<128x64xf32, #tpu.memory_space<vmem>>, vector<16xf32>,
        %add3A_1348 = arith.addf %get3A_1192, %get3A_884 : vector<16xf32>
        %add3A_1349 = arith.addf %get3A_1197, %get3A_887 : vector<16xf32>
        %add3A_1350 = arith.addf %get3A_1202, %get3A_890 : vector<16xf32>
        %add3A_1351 = arith.addf %get3A_1207, %get3A_893 : vector<16xf32>
        %add3A_1352 = arith.addf %get3A_1212, %get3A_884 : vector<16xf32>
        %add3A_1353 = arith.addf %get3A_1217, %get3A_887 : vector<16xf32>
        %add3A_1354 = arith.addf %get3A_1222, %get3A_890 : vector<16xf32>
        %add3A_1355 = arith.addf %get3A_1227, %get3A_893 : vector<16xf32>
        %add3A_1356 = arith.addf %get3A_1232, %get3A_884 : vector<16xf32>
        %add3A_1357 = arith.addf %get3A_1237, %get3A_887 : vector<16xf32>
        %add3A_1358 = arith.addf %get3A_1242, %get3A_890 : vector<16xf32>
        %add3A_1359 = arith.addf %get3A_1247, %get3A_893 : vector<16xf32>
        %add3A_1360 = arith.addf %get3A_1252, %get3A_884 : vector<16xf32>
        %add3A_1361 = arith.addf %get3A_1257, %get3A_887 : vector<16xf32>
        %add3A_1362 = arith.addf %get3A_1262, %get3A_890 : vector<16xf32>
        %add3A_1363 = arith.addf %get3A_1267, %get3A_893 : vector<16xf32>
        %add3A_1364 = arith.addf %get3A_1272, %get3A_884 : vector<16xf32>
        %add3A_1365 = arith.addf %get3A_1277, %get3A_887 : vector<16xf32>
        %add3A_1366 = arith.addf %get3A_1282, %get3A_890 : vector<16xf32>
        %add3A_1367 = arith.addf %get3A_1287, %get3A_893 : vector<16xf32>
        %add3A_1368 = arith.addf %get3A_1292, %get3A_884 : vector<16xf32>
        %add3A_1369 = arith.addf %get3A_1297, %get3A_887 : vector<16xf32>
        %add3A_1370 = arith.addf %get3A_1302, %get3A_890 : vector<16xf32>
        %add3A_1371 = arith.addf %get3A_1307, %get3A_893 : vector<16xf32>
        %add3A_1372 = arith.addf %get3A_1312, %get3A_884 : vector<16xf32>
        %add3A_1373 = arith.addf %get3A_1317, %get3A_887 : vector<16xf32>
        %add3A_1374 = arith.addf %get3A_1322, %get3A_890 : vector<16xf32>
        %add3A_1375 = arith.addf %get3A_1327, %get3A_893 : vector<16xf32>
        %add3A_1376 = arith.addf %get3A_1332, %get3A_884 : vector<16xf32>
        %add3A_1377 = arith.addf %get3A_1337, %get3A_887 : vector<16xf32>
        %add3A_1378 = arith.addf %get3A_1342, %get3A_890 : vector<16xf32>
        %add3A_1379 = arith.addf %get3A_1347, %get3A_893 : vector<16xf32>
        %add3A_1380 = arith.constant 0 : i32
        %add3A_1381 = arith.addi %add3A_1187, %add3A_1380 : i32
        %mul3A_1382 = arith.constant 0 : i32
        %mul3A_1383 = vector.broadcast %mul3A_1382 : i32 to vector<16xi32>
        %mul3A_1384 = arith.muli %mul3A_1383, %iota3A : vector<16xi32>
        %add3A_1385 = vector.broadcast %add3A_1381 : i32 to vector<16xi32>
        %add3A_1386 = arith.addi %add3A_1385, %mul3A_1384 : vector<16xi32>
        %add3A_1387 = arith.constant 1 : i32
        %add3A_1388 = arith.addi %add3A_1187, %add3A_1387 : i32
        %mul3A_1389 = arith.constant 0 : i32
        %mul3A_1390 = vector.broadcast %mul3A_1389 : i32 to vector<16xi32>
        %mul3A_1391 = arith.muli %mul3A_1390, %iota3A : vector<16xi32>
        %add3A_1392 = vector.broadcast %add3A_1388 : i32 to vector<16xi32>
        %add3A_1393 = arith.addi %add3A_1392, %mul3A_1391 : vector<16xi32>
        %add3A_1394 = arith.constant 2 : i32
        %add3A_1395 = arith.addi %add3A_1187, %add3A_1394 : i32
        %mul3A_1396 = arith.constant 0 : i32
        %mul3A_1397 = vector.broadcast %mul3A_1396 : i32 to vector<16xi32>
        %mul3A_1398 = arith.muli %mul3A_1397, %iota3A : vector<16xi32>
        %add3A_1399 = vector.broadcast %add3A_1395 : i32 to vector<16xi32>
        %add3A_1400 = arith.addi %add3A_1399, %mul3A_1398 : vector<16xi32>
        %add3A_1401 = arith.constant 3 : i32
        %add3A_1402 = arith.addi %add3A_1187, %add3A_1401 : i32
        %mul3A_1403 = arith.constant 0 : i32
        %mul3A_1404 = vector.broadcast %mul3A_1403 : i32 to vector<16xi32>
        %mul3A_1405 = arith.muli %mul3A_1404, %iota3A : vector<16xi32>
        %add3A_1406 = vector.broadcast %add3A_1402 : i32 to vector<16xi32>
        %add3A_1407 = arith.addi %add3A_1406, %mul3A_1405 : vector<16xi32>
        %add3A_1408 = arith.constant 4 : i32
        %add3A_1409 = arith.addi %add3A_1187, %add3A_1408 : i32
        %mul3A_1410 = arith.constant 0 : i32
        %mul3A_1411 = vector.broadcast %mul3A_1410 : i32 to vector<16xi32>
        %mul3A_1412 = arith.muli %mul3A_1411, %iota3A : vector<16xi32>
        %add3A_1413 = vector.broadcast %add3A_1409 : i32 to vector<16xi32>
        %add3A_1414 = arith.addi %add3A_1413, %mul3A_1412 : vector<16xi32>
        %add3A_1415 = arith.constant 5 : i32
        %add3A_1416 = arith.addi %add3A_1187, %add3A_1415 : i32
        %mul3A_1417 = arith.constant 0 : i32
        %mul3A_1418 = vector.broadcast %mul3A_1417 : i32 to vector<16xi32>
        %mul3A_1419 = arith.muli %mul3A_1418, %iota3A : vector<16xi32>
        %add3A_1420 = vector.broadcast %add3A_1416 : i32 to vector<16xi32>
        %add3A_1421 = arith.addi %add3A_1420, %mul3A_1419 : vector<16xi32>
        %add3A_1422 = arith.constant 6 : i32
        %add3A_1423 = arith.addi %add3A_1187, %add3A_1422 : i32
        %mul3A_1424 = arith.constant 0 : i32
        %mul3A_1425 = vector.broadcast %mul3A_1424 : i32 to vector<16xi32>
        %mul3A_1426 = arith.muli %mul3A_1425, %iota3A : vector<16xi32>
        %add3A_1427 = vector.broadcast %add3A_1423 : i32 to vector<16xi32>
        %add3A_1428 = arith.addi %add3A_1427, %mul3A_1426 : vector<16xi32>
        %add3A_1429 = arith.constant 7 : i32
        %add3A_1430 = arith.addi %add3A_1187, %add3A_1429 : i32
        %mul3A_1431 = arith.constant 0 : i32
        %mul3A_1432 = vector.broadcast %mul3A_1431 : i32 to vector<16xi32>
        %mul3A_1433 = arith.muli %mul3A_1432, %iota3A : vector<16xi32>
        %add3A_1434 = vector.broadcast %add3A_1430 : i32 to vector<16xi32>
        %add3A_1435 = arith.addi %add3A_1434, %mul3A_1433 : vector<16xi32>
        tpu.vector_store_idx %arg14[%add3A_3, %add3A_1386], %add3A_1348 : memref<64x129xf32, #tpu.memory_space<vmem>>[vector<16xi32>, vector<16xi32>], vector<16xf32>,
        tpu.vector_store_idx %arg14[%add3A_6, %add3A_1386], %add3A_1349 : memref<64x129xf32, #tpu.memory_space<vmem>>[vector<16xi32>, vector<16xi32>], vector<16xf32>,
        tpu.vector_store_idx %arg14[%add3A_9, %add3A_1386], %add3A_1350 : memref<64x129xf32, #tpu.memory_space<vmem>>[vector<16xi32>, vector<16xi32>], vector<16xf32>,
        tpu.vector_store_idx %arg14[%add3A_12, %add3A_1386], %add3A_1351 : memref<64x129xf32, #tpu.memory_space<vmem>>[vector<16xi32>, vector<16xi32>], vector<16xf32>,
        tpu.vector_store_idx %arg14[%add3A_3, %add3A_1393], %add3A_1352 : memref<64x129xf32, #tpu.memory_space<vmem>>[vector<16xi32>, vector<16xi32>], vector<16xf32>,
        tpu.vector_store_idx %arg14[%add3A_6, %add3A_1393], %add3A_1353 : memref<64x129xf32, #tpu.memory_space<vmem>>[vector<16xi32>, vector<16xi32>], vector<16xf32>,
        tpu.vector_store_idx %arg14[%add3A_9, %add3A_1393], %add3A_1354 : memref<64x129xf32, #tpu.memory_space<vmem>>[vector<16xi32>, vector<16xi32>], vector<16xf32>,
        tpu.vector_store_idx %arg14[%add3A_12, %add3A_1393], %add3A_1355 : memref<64x129xf32, #tpu.memory_space<vmem>>[vector<16xi32>, vector<16xi32>], vector<16xf32>,
        tpu.vector_store_idx %arg14[%add3A_3, %add3A_1400], %add3A_1356 : memref<64x129xf32, #tpu.memory_space<vmem>>[vector<16xi32>, vector<16xi32>], vector<16xf32>,
        tpu.vector_store_idx %arg14[%add3A_6, %add3A_1400], %add3A_1357 : memref<64x129xf32, #tpu.memory_space<vmem>>[vector<16xi32>, vector<16xi32>], vector<16xf32>,
        tpu.vector_store_idx %arg14[%add3A_9, %add3A_1400], %add3A_1358 : memref<64x129xf32, #tpu.memory_space<vmem>>[vector<16xi32>, vector<16xi32>], vector<16xf32>,
        tpu.vector_store_idx %arg14[%add3A_12, %add3A_1400], %add3A_1359 : memref<64x129xf32, #tpu.memory_space<vmem>>[vector<16xi32>, vector<16xi32>], vector<16xf32>,
        tpu.vector_store_idx %arg14[%add3A_3, %add3A_1407], %add3A_1360 : memref<64x129xf32, #tpu.memory_space<vmem>>[vector<16xi32>, vector<16xi32>], vector<16xf32>,
        tpu.vector_store_idx %arg14[%add3A_6, %add3A_1407], %add3A_1361 : memref<64x129xf32, #tpu.memory_space<vmem>>[vector<16xi32>, vector<16xi32>], vector<16xf32>,
        tpu.vector_store_idx %arg14[%add3A_9, %add3A_1407], %add3A_1362 : memref<64x129xf32, #tpu.memory_space<vmem>>[vector<16xi32>, vector<16xi32>], vector<16xf32>,
        tpu.vector_store_idx %arg14[%add3A_12, %add3A_1407], %add3A_1363 : memref<64x129xf32, #tpu.memory_space<vmem>>[vector<16xi32>, vector<16xi32>], vector<16xf32>,
        tpu.vector_store_idx %arg14[%add3A_3, %add3A_1414], %add3A_1364 : memref<64x129xf32, #tpu.memory_space<vmem>>[vector<16xi32>, vector<16xi32>], vector<16xf32>,
        tpu.vector_store_idx %arg14[%add3A_6, %add3A_1414], %add3A_1365 : memref<64x129xf32, #tpu.memory_space<vmem>>[vector<16xi32>, vector<16xi32>], vector<16xf32>,
        tpu.vector_store_idx %arg14[%add3A_9, %add3A_1414], %add3A_1366 : memref<64x129xf32, #tpu.memory_space<vmem>>[vector<16xi32>, vector<16xi32>], vector<16xf32>,
        tpu.vector_store_idx %arg14[%add3A_12, %add3A_1414], %add3A_1367 : memref<64x129xf32, #tpu.memory_space<vmem>>[vector<16xi32>, vector<16xi32>], vector<16xf32>,
        tpu.vector_store_idx %arg14[%add3A_3, %add3A_1421], %add3A_1368 : memref<64x129xf32, #tpu.memory_space<vmem>>[vector<16xi32>, vector<16xi32>], vector<16xf32>,
        tpu.vector_store_idx %arg14[%add3A_6, %add3A_1421], %add3A_1369 : memref<64x129xf32, #tpu.memory_space<vmem>>[vector<16xi32>, vector<16xi32>], vector<16xf32>,
        tpu.vector_store_idx %arg14[%add3A_9, %add3A_1421], %add3A_1370 : memref<64x129xf32, #tpu.memory_space<vmem>>[vector<16xi32>, vector<16xi32>], vector<16xf32>,
        tpu.vector_store_idx %arg14[%add3A_12, %add3A_1421], %add3A_1371 : memref<64x129xf32, #tpu.memory_space<vmem>>[vector<16xi32>, vector<16xi32>], vector<16xf32>,
        tpu.vector_store_idx %arg14[%add3A_3, %add3A_1428], %add3A_1372 : memref<64x129xf32, #tpu.memory_space<vmem>>[vector<16xi32>, vector<16xi32>], vector<16xf32>,
        tpu.vector_store_idx %arg14[%add3A_6, %add3A_1428], %add3A_1373 : memref<64x129xf32, #tpu.memory_space<vmem>>[vector<16xi32>, vector<16xi32>], vector<16xf32>,
        tpu.vector_store_idx %arg14[%add3A_9, %add3A_1428], %add3A_1374 : memref<64x129xf32, #tpu.memory_space<vmem>>[vector<16xi32>, vector<16xi32>], vector<16xf32>,
        tpu.vector_store_idx %arg14[%add3A_12, %add3A_1428], %add3A_1375 : memref<64x129xf32, #tpu.memory_space<vmem>>[vector<16xi32>, vector<16xi32>], vector<16xf32>,
        tpu.vector_store_idx %arg14[%add3A_3, %add3A_1435], %add3A_1376 : memref<64x129xf32, #tpu.memory_space<vmem>>[vector<16xi32>, vector<16xi32>], vector<16xf32>,
        tpu.vector_store_idx %arg14[%add3A_6, %add3A_1435], %add3A_1377 : memref<64x129xf32, #tpu.memory_space<vmem>>[vector<16xi32>, vector<16xi32>], vector<16xf32>,
        tpu.vector_store_idx %arg14[%add3A_9, %add3A_1435], %add3A_1378 : memref<64x129xf32, #tpu.memory_space<vmem>>[vector<16xi32>, vector<16xi32>], vector<16xf32>,
        tpu.vector_store_idx %arg14[%add3A_12, %add3A_1435], %add3A_1379 : memref<64x129xf32, #tpu.memory_space<vmem>>[vector<16xi32>, vector<16xi32>], vector<16xf32>,
      }
      %scan3A_898 = arith.constant 16 : i32
      %dma_start3A_899 = arith.constant 0 : i32
      %dma_start3A_900 = arith.constant 0 : i32
      %dma_start3A_901 = arith.constant 0 : i32
      %dma_start3A_902 = tpu.memref_slice %arg14[%dma_start3A_900, %dma_start3A_901] : memref<64x129xf32, #tpu.memory_space<vmem>> -> memref<8x128xf32, #tpu.memory_space<vmem>>
      %dma_start3A_903 = arith.constant 0 : i32
      %dma_start3A_904 = arith.constant 0 : i32
      %dma_start3A_905 = tpu.memref_slice %arg5[%add3A_870, %dma_start3A_899, %add3A, %dma_start3A_903, %dma_start3A_904] : memref<200x8x32x8x128xf32, #tpu.memory_space<hbm>> -> memref<1x1x1x8x128xf32, #tpu.memory_space<hbm>>
      %dma_start3A_906 = tpu.memref_squeeze %dma_start3A_905 : memref<1x1x1x8x128xf32, #tpu.memory_space<hbm>> -> memref<8x128xf32, #tpu.memory_space<hbm>>
      %dma_start3A_907 = arith.constant 0 : i32
      %dma_start3A_908 = arith.constant 0 : i32
      %dma_start3A_909 = tpu.memref_slice %arg5[%add3A_870, %dma_start3A_899, %add3A, %dma_start3A_907, %dma_start3A_908] : memref<200x8x32x8x128xf32, #tpu.memory_space<hbm>> -> memref<1x1x1x8x128xf32, #tpu.memory_space<hbm>>
      %dma_start3A_910 = tpu.memref_squeeze %dma_start3A_909 : memref<1x1x1x8x128xf32, #tpu.memory_space<hbm>> -> memref<8x128xf32, #tpu.memory_space<hbm>>
      %dma_start3A_911 = arith.constant 0 : i32
      %dma_start3A_912 = arith.constant 0 : i32
      %dma_start3A_913 = tpu.memref_slice %arg14[%dma_start3A_911, %dma_start3A_912] : memref<64x129xf32, #tpu.memory_space<vmem>> -> memref<8x128xf32, #tpu.memory_space<vmem>>
      tpu.enqueue_dma source(%dma_start3A_913 : memref<8x128xf32, #tpu.memory_space<vmem>>) target(%dma_start3A_910 : memref<8x128xf32, #tpu.memory_space<hbm>>) target_semaphore(%arg22 : memref<!tpu.dma_semaphore, #tpu.memory_space<semaphore_mem>>)
      %dma_start3A_914 = arith.constant 1 : i32
      %dma_start3A_915 = arith.constant 8 : i32
      %dma_start3A_916 = arith.constant 0 : i32
      %dma_start3A_917 = tpu.memref_slice %arg14[%dma_start3A_915, %dma_start3A_916] : memref<64x129xf32, #tpu.memory_space<vmem>> -> memref<8x128xf32, #tpu.memory_space<vmem>>
      %dma_start3A_918 = arith.constant 0 : i32
      %dma_start3A_919 = arith.constant 0 : i32
      %dma_start3A_920 = tpu.memref_slice %arg5[%add3A_870, %dma_start3A_914, %add3A, %dma_start3A_918, %dma_start3A_919] : memref<200x8x32x8x128xf32, #tpu.memory_space<hbm>> -> memref<1x1x1x8x128xf32, #tpu.memory_space<hbm>>
      %dma_start3A_921 = tpu.memref_squeeze %dma_start3A_920 : memref<1x1x1x8x128xf32, #tpu.memory_space<hbm>> -> memref<8x128xf32, #tpu.memory_space<hbm>>
      %dma_start3A_922 = arith.constant 0 : i32
      %dma_start3A_923 = arith.constant 0 : i32
      %dma_start3A_924 = tpu.memref_slice %arg5[%add3A_870, %dma_start3A_914, %add3A, %dma_start3A_922, %dma_start3A_923] : memref<200x8x32x8x128xf32, #tpu.memory_space<hbm>> -> memref<1x1x1x8x128xf32, #tpu.memory_space<hbm>>
      %dma_start3A_925 = tpu.memref_squeeze %dma_start3A_924 : memref<1x1x1x8x128xf32, #tpu.memory_space<hbm>> -> memref<8x128xf32, #tpu.memory_space<hbm>>
      %dma_start3A_926 = arith.constant 8 : i32
      %dma_start3A_927 = arith.constant 0 : i32
      %dma_start3A_928 = tpu.memref_slice %arg14[%dma_start3A_926, %dma_start3A_927] : memref<64x129xf32, #tpu.memory_space<vmem>> -> memref<8x128xf32, #tpu.memory_space<vmem>>
      tpu.enqueue_dma source(%dma_start3A_928 : memref<8x128xf32, #tpu.memory_space<vmem>>) target(%dma_start3A_925 : memref<8x128xf32, #tpu.memory_space<hbm>>) target_semaphore(%arg22 : memref<!tpu.dma_semaphore, #tpu.memory_space<semaphore_mem>>)
      %dma_start3A_929 = arith.constant 2 : i32
      %dma_start3A_930 = arith.constant 16 : i32
      %dma_start3A_931 = arith.constant 0 : i32
      %dma_start3A_932 = tpu.memref_slice %arg14[%dma_start3A_930, %dma_start3A_931] : memref<64x129xf32, #tpu.memory_space<vmem>> -> memref<8x128xf32, #tpu.memory_space<vmem>>
      %dma_start3A_933 = arith.constant 0 : i32
      %dma_start3A_934 = arith.constant 0 : i32
      %dma_start3A_935 = tpu.memref_slice %arg5[%add3A_870, %dma_start3A_929, %add3A, %dma_start3A_933, %dma_start3A_934] : memref<200x8x32x8x128xf32, #tpu.memory_space<hbm>> -> memref<1x1x1x8x128xf32, #tpu.memory_space<hbm>>
      %dma_start3A_936 = tpu.memref_squeeze %dma_start3A_935 : memref<1x1x1x8x128xf32, #tpu.memory_space<hbm>> -> memref<8x128xf32, #tpu.memory_space<hbm>>
      %dma_start3A_937 = arith.constant 0 : i32
      %dma_start3A_938 = arith.constant 0 : i32
      %dma_start3A_939 = tpu.memref_slice %arg5[%add3A_870, %dma_start3A_929, %add3A, %dma_start3A_937, %dma_start3A_938] : memref<200x8x32x8x128xf32, #tpu.memory_space<hbm>> -> memref<1x1x1x8x128xf32, #tpu.memory_space<hbm>>
      %dma_start3A_940 = tpu.memref_squeeze %dma_start3A_939 : memref<1x1x1x8x128xf32, #tpu.memory_space<hbm>> -> memref<8x128xf32, #tpu.memory_space<hbm>>
      %dma_start3A_941 = arith.constant 16 : i32
      %dma_start3A_942 = arith.constant 0 : i32
      %dma_start3A_943 = tpu.memref_slice %arg14[%dma_start3A_941, %dma_start3A_942] : memref<64x129xf32, #tpu.memory_space<vmem>> -> memref<8x128xf32, #tpu.memory_space<vmem>>
      tpu.enqueue_dma source(%dma_start3A_943 : memref<8x128xf32, #tpu.memory_space<vmem>>) target(%dma_start3A_940 : memref<8x128xf32, #tpu.memory_space<hbm>>) target_semaphore(%arg22 : memref<!tpu.dma_semaphore, #tpu.memory_space<semaphore_mem>>)
      %dma_start3A_944 = arith.constant 3 : i32
      %dma_start3A_945 = arith.constant 24 : i32
      %dma_start3A_946 = arith.constant 0 : i32
      %dma_start3A_947 = tpu.memref_slice %arg14[%dma_start3A_945, %dma_start3A_946] : memref<64x129xf32, #tpu.memory_space<vmem>> -> memref<8x128xf32, #tpu.memory_space<vmem>>
      %dma_start3A_948 = arith.constant 0 : i32
      %dma_start3A_949 = arith.constant 0 : i32
      %dma_start3A_950 = tpu.memref_slice %arg5[%add3A_870, %dma_start3A_944, %add3A, %dma_start3A_948, %dma_start3A_949] : memref<200x8x32x8x128xf32, #tpu.memory_space<hbm>> -> memref<1x1x1x8x128xf32, #tpu.memory_space<hbm>>
      %dma_start3A_951 = tpu.memref_squeeze %dma_start3A_950 : memref<1x1x1x8x128xf32, #tpu.memory_space<hbm>> -> memref<8x128xf32, #tpu.memory_space<hbm>>
      %dma_start3A_952 = arith.constant 0 : i32
      %dma_start3A_953 = arith.constant 0 : i32
      %dma_start3A_954 = tpu.memref_slice %arg5[%add3A_870, %dma_start3A_944, %add3A, %dma_start3A_952, %dma_start3A_953] : memref<200x8x32x8x128xf32, #tpu.memory_space<hbm>> -> memref<1x1x1x8x128xf32, #tpu.memory_space<hbm>>
      %dma_start3A_955 = tpu.memref_squeeze %dma_start3A_954 : memref<1x1x1x8x128xf32, #tpu.memory_space<hbm>> -> memref<8x128xf32, #tpu.memory_space<hbm>>
      %dma_start3A_956 = arith.constant 24 : i32
      %dma_start3A_957 = arith.constant 0 : i32
      %dma_start3A_958 = tpu.memref_slice %arg14[%dma_start3A_956, %dma_start3A_957] : memref<64x129xf32, #tpu.memory_space<vmem>> -> memref<8x128xf32, #tpu.memory_space<vmem>>
      tpu.enqueue_dma source(%dma_start3A_958 : memref<8x128xf32, #tpu.memory_space<vmem>>) target(%dma_start3A_955 : memref<8x128xf32, #tpu.memory_space<hbm>>) target_semaphore(%arg22 : memref<!tpu.dma_semaphore, #tpu.memory_space<semaphore_mem>>)
      %dma_start3A_959 = arith.constant 4 : i32
      %dma_start3A_960 = arith.constant 32 : i32
      %dma_start3A_961 = arith.constant 0 : i32
      %dma_start3A_962 = tpu.memref_slice %arg14[%dma_start3A_960, %dma_start3A_961] : memref<64x129xf32, #tpu.memory_space<vmem>> -> memref<8x128xf32, #tpu.memory_space<vmem>>
      %dma_start3A_963 = arith.constant 0 : i32
      %dma_start3A_964 = arith.constant 0 : i32
      %dma_start3A_965 = tpu.memref_slice %arg5[%add3A_870, %dma_start3A_959, %add3A, %dma_start3A_963, %dma_start3A_964] : memref<200x8x32x8x128xf32, #tpu.memory_space<hbm>> -> memref<1x1x1x8x128xf32, #tpu.memory_space<hbm>>
      %dma_start3A_966 = tpu.memref_squeeze %dma_start3A_965 : memref<1x1x1x8x128xf32, #tpu.memory_space<hbm>> -> memref<8x128xf32, #tpu.memory_space<hbm>>
      %dma_start3A_967 = arith.constant 0 : i32
      %dma_start3A_968 = arith.constant 0 : i32
      %dma_start3A_969 = tpu.memref_slice %arg5[%add3A_870, %dma_start3A_959, %add3A, %dma_start3A_967, %dma_start3A_968] : memref<200x8x32x8x128xf32, #tpu.memory_space<hbm>> -> memref<1x1x1x8x128xf32, #tpu.memory_space<hbm>>
      %dma_start3A_970 = tpu.memref_squeeze %dma_start3A_969 : memref<1x1x1x8x128xf32, #tpu.memory_space<hbm>> -> memref<8x128xf32, #tpu.memory_space<hbm>>
      %dma_start3A_971 = arith.constant 32 : i32
      %dma_start3A_972 = arith.constant 0 : i32
      %dma_start3A_973 = tpu.memref_slice %arg14[%dma_start3A_971, %dma_start3A_972] : memref<64x129xf32, #tpu.memory_space<vmem>> -> memref<8x128xf32, #tpu.memory_space<vmem>>
      tpu.enqueue_dma source(%dma_start3A_973 : memref<8x128xf32, #tpu.memory_space<vmem>>) target(%dma_start3A_970 : memref<8x128xf32, #tpu.memory_space<hbm>>) target_semaphore(%arg22 : memref<!tpu.dma_semaphore, #tpu.memory_space<semaphore_mem>>)
      %dma_start3A_974 = arith.constant 5 : i32
      %dma_start3A_975 = arith.constant 40 : i32
      %dma_start3A_976 = arith.constant 0 : i32
      %dma_start3A_977 = tpu.memref_slice %arg14[%dma_start3A_975, %dma_start3A_976] : memref<64x129xf32, #tpu.memory_space<vmem>> -> memref<8x128xf32, #tpu.memory_space<vmem>>
      %dma_start3A_978 = arith.constant 0 : i32
      %dma_start3A_979 = arith.constant 0 : i32
      %dma_start3A_980 = tpu.memref_slice %arg5[%add3A_870, %dma_start3A_974, %add3A, %dma_start3A_978, %dma_start3A_979] : memref<200x8x32x8x128xf32, #tpu.memory_space<hbm>> -> memref<1x1x1x8x128xf32, #tpu.memory_space<hbm>>
      %dma_start3A_981 = tpu.memref_squeeze %dma_start3A_980 : memref<1x1x1x8x128xf32, #tpu.memory_space<hbm>> -> memref<8x128xf32, #tpu.memory_space<hbm>>
      %dma_start3A_982 = arith.constant 0 : i32
      %dma_start3A_983 = arith.constant 0 : i32
      %dma_start3A_984 = tpu.memref_slice %arg5[%add3A_870, %dma_start3A_974, %add3A, %dma_start3A_982, %dma_start3A_983] : memref<200x8x32x8x128xf32, #tpu.memory_space<hbm>> -> memref<1x1x1x8x128xf32, #tpu.memory_space<hbm>>
      %dma_start3A_985 = tpu.memref_squeeze %dma_start3A_984 : memref<1x1x1x8x128xf32, #tpu.memory_space<hbm>> -> memref<8x128xf32, #tpu.memory_space<hbm>>
      %dma_start3A_986 = arith.constant 40 : i32
      %dma_start3A_987 = arith.constant 0 : i32
      %dma_start3A_988 = tpu.memref_slice %arg14[%dma_start3A_986, %dma_start3A_987] : memref<64x129xf32, #tpu.memory_space<vmem>> -> memref<8x128xf32, #tpu.memory_space<vmem>>
      tpu.enqueue_dma source(%dma_start3A_988 : memref<8x128xf32, #tpu.memory_space<vmem>>) target(%dma_start3A_985 : memref<8x128xf32, #tpu.memory_space<hbm>>) target_semaphore(%arg22 : memref<!tpu.dma_semaphore, #tpu.memory_space<semaphore_mem>>)
      %dma_start3A_989 = arith.constant 6 : i32
      %dma_start3A_990 = arith.constant 48 : i32
      %dma_start3A_991 = arith.constant 0 : i32
      %dma_start3A_992 = tpu.memref_slice %arg14[%dma_start3A_990, %dma_start3A_991] : memref<64x129xf32, #tpu.memory_space<vmem>> -> memref<8x128xf32, #tpu.memory_space<vmem>>
      %dma_start3A_993 = arith.constant 0 : i32
      %dma_start3A_994 = arith.constant 0 : i32
      %dma_start3A_995 = tpu.memref_slice %arg5[%add3A_870, %dma_start3A_989, %add3A, %dma_start3A_993, %dma_start3A_994] : memref<200x8x32x8x128xf32, #tpu.memory_space<hbm>> -> memref<1x1x1x8x128xf32, #tpu.memory_space<hbm>>
      %dma_start3A_996 = tpu.memref_squeeze %dma_start3A_995 : memref<1x1x1x8x128xf32, #tpu.memory_space<hbm>> -> memref<8x128xf32, #tpu.memory_space<hbm>>
      %dma_start3A_997 = arith.constant 0 : i32
      %dma_start3A_998 = arith.constant 0 : i32
      %dma_start3A_999 = tpu.memref_slice %arg5[%add3A_870, %dma_start3A_989, %add3A, %dma_start3A_997, %dma_start3A_998] : memref<200x8x32x8x128xf32, #tpu.memory_space<hbm>> -> memref<1x1x1x8x128xf32, #tpu.memory_space<hbm>>
      %dma_start3A_1000 = tpu.memref_squeeze %dma_start3A_999 : memref<1x1x1x8x128xf32, #tpu.memory_space<hbm>> -> memref<8x128xf32, #tpu.memory_space<hbm>>
      %dma_start3A_1001 = arith.constant 48 : i32
      %dma_start3A_1002 = arith.constant 0 : i32
      %dma_start3A_1003 = tpu.memref_slice %arg14[%dma_start3A_1001, %dma_start3A_1002] : memref<64x129xf32, #tpu.memory_space<vmem>> -> memref<8x128xf32, #tpu.memory_space<vmem>>
      tpu.enqueue_dma source(%dma_start3A_1003 : memref<8x128xf32, #tpu.memory_space<vmem>>) target(%dma_start3A_1000 : memref<8x128xf32, #tpu.memory_space<hbm>>) target_semaphore(%arg22 : memref<!tpu.dma_semaphore, #tpu.memory_space<semaphore_mem>>)
      %dma_start3A_1004 = arith.constant 7 : i32
      %dma_start3A_1005 = arith.constant 56 : i32
      %dma_start3A_1006 = arith.constant 0 : i32
      %dma_start3A_1007 = tpu.memref_slice %arg14[%dma_start3A_1005, %dma_start3A_1006] : memref<64x129xf32, #tpu.memory_space<vmem>> -> memref<8x128xf32, #tpu.memory_space<vmem>>
      %dma_start3A_1008 = arith.constant 0 : i32
      %dma_start3A_1009 = arith.constant 0 : i32
      %dma_start3A_1010 = tpu.memref_slice %arg5[%add3A_870, %dma_start3A_1004, %add3A, %dma_start3A_1008, %dma_start3A_1009] : memref<200x8x32x8x128xf32, #tpu.memory_space<hbm>> -> memref<1x1x1x8x128xf32, #tpu.memory_space<hbm>>
      %dma_start3A_1011 = tpu.memref_squeeze %dma_start3A_1010 : memref<1x1x1x8x128xf32, #tpu.memory_space<hbm>> -> memref<8x128xf32, #tpu.memory_space<hbm>>
      %dma_start3A_1012 = arith.constant 0 : i32
      %dma_start3A_1013 = arith.constant 0 : i32
      %dma_start3A_1014 = tpu.memref_slice %arg5[%add3A_870, %dma_start3A_1004, %add3A, %dma_start3A_1012, %dma_start3A_1013] : memref<200x8x32x8x128xf32, #tpu.memory_space<hbm>> -> memref<1x1x1x8x128xf32, #tpu.memory_space<hbm>>
      %dma_start3A_1015 = tpu.memref_squeeze %dma_start3A_1014 : memref<1x1x1x8x128xf32, #tpu.memory_space<hbm>> -> memref<8x128xf32, #tpu.memory_space<hbm>>
      %dma_start3A_1016 = arith.constant 56 : i32
      %dma_start3A_1017 = arith.constant 0 : i32
      %dma_start3A_1018 = tpu.memref_slice %arg14[%dma_start3A_1016, %dma_start3A_1017] : memref<64x129xf32, #tpu.memory_space<vmem>> -> memref<8x128xf32, #tpu.memory_space<vmem>>
      tpu.enqueue_dma source(%dma_start3A_1018 : memref<8x128xf32, #tpu.memory_space<vmem>>) target(%dma_start3A_1015 : memref<8x128xf32, #tpu.memory_space<hbm>>) target_semaphore(%arg22 : memref<!tpu.dma_semaphore, #tpu.memory_space<semaphore_mem>>)
      %add3A_1019 = arith.constant 4 : i32
      %add3A_1020 = arith.addi %add3A_870, %add3A_1019 : i32
      %lt3A_1021 = arith.constant 200 : i32
      %lt3A_1022 = arith.cmpi slt, %add3A_1020, %lt3A_1021 : i32
      %convert_element_type3A_1023 = arith.extui %lt3A_1022 : i1 to i32
      %cond3A_1024 = arith.constant 0 : i32
      %cond3A_1025 = arith.cmpi ne, %convert_element_type3A_1023, %cond3A_1024 : i32
      scf.if %cond3A_1025 {
        %add3A_1183 = arith.constant 4 : i32
        %add3A_1184 = arith.addi %add3A_870, %add3A_1183 : i32
        %dma_start3A_1185 = arith.constant 0 : i32
        %dma_start3A_1186 = tpu.memref_slice %arg6[%add3A_1184, %dma_start3A_1185] : memref<200x128xi32, #tpu.memory_space<vmem>> -> memref<1x128xi32, #tpu.memory_space<vmem>>
        %dma_start3A_1187 = tpu.memref_squeeze %dma_start3A_1186 : memref<1x128xi32, #tpu.memory_space<vmem>> -> memref<128xi32, #tpu.memory_space<vmem>>
        %dma_start3A_1188 = arith.constant 0 : i32
        %dma_start3A_1189 = arith.constant 0 : i32
        %dma_start3A_1190 = tpu.memref_slice %arg3[%dma_start3A_1188, %dma_start3A_1189] : memref<1000000x64xf32, #tpu.memory_space<hbm>> -> memref<1000000x64xf32, #tpu.memory_space<hbm>>
        tpu.enqueue_indirect_dma source(%dma_start3A_1190 : memref<1000000x64xf32, #tpu.memory_space<hbm>>) target(%arg10 : memref<128x64xf32, #tpu.memory_space<vmem>>) offsets(%dma_start3A_1187 : memref<128xi32, #tpu.memory_space<vmem>>) semaphore(%arg18 : memref<!tpu.dma_semaphore, #tpu.memory_space<semaphore_mem>>)
      } else {
      }
      %add3A_1026 = arith.constant 3 : i32
      %add3A_1027 = arith.addi %add3A_559, %add3A_1026 : i32
      %dma_wait3A_1028 = arith.constant 0 : i32
      %dma_wait3A_1029 = tpu.memref_slice %arg6[%add3A_1027, %dma_wait3A_1028] : memref<200x128xi32, #tpu.memory_space<vmem>> -> memref<1x128xi32, #tpu.memory_space<vmem>>
      %dma_wait3A_1030 = tpu.memref_squeeze %dma_wait3A_1029 : memref<1x128xi32, #tpu.memory_space<vmem>> -> memref<128xi32, #tpu.memory_space<vmem>>
      %dma_wait3A_1031 = arith.constant 0 : i32
      %dma_wait3A_1032 = arith.constant 0 : i32
      %dma_wait3A_1033 = tpu.memref_slice %arg3[%dma_wait3A_1031, %dma_wait3A_1032] : memref<1000000x64xf32, #tpu.memory_space<hbm>> -> memref<1000000x64xf32, #tpu.memory_space<hbm>>
      tpu.wait_indirect_dma semaphore(%arg19 : memref<!tpu.dma_semaphore, #tpu.memory_space<semaphore_mem>>) src(%dma_wait3A_1033 : memref<1000000x64xf32, #tpu.memory_space<hbm>>) dst(%arg11 : memref<128x64xf32, #tpu.memory_space<vmem>>)
      %ge3A_1034 = arith.constant 4 : i32
      %ge3A_1035 = arith.cmpi sge, %add3A_1027, %ge3A_1034 : i32
      %convert_element_type3A_1036 = arith.extui %ge3A_1035 : i1 to i32
      %cond3A_1037 = arith.constant 0 : i32
      %cond3A_1038 = arith.cmpi ne, %convert_element_type3A_1036, %cond3A_1037 : i32
      scf.if %cond3A_1038 {
        %sub3A = arith.constant 4 : i32
        %sub3A_1183 = arith.subi %add3A_1027, %sub3A : i32
        %dma_wait3A_1184 = arith.constant 0 : i32
        %dma_wait3A_1185 = arith.constant 0 : i32
        %dma_wait3A_1186 = arith.constant 0 : i32
        %dma_wait3A_1187 = tpu.memref_slice %arg15[%dma_wait3A_1185, %dma_wait3A_1186] : memref<64x129xf32, #tpu.memory_space<vmem>> -> memref<8x128xf32, #tpu.memory_space<vmem>>
        %dma_wait3A_1188 = arith.constant 0 : i32
        %dma_wait3A_1189 = arith.constant 0 : i32
        %dma_wait3A_1190 = tpu.memref_slice %arg5[%sub3A_1183, %dma_wait3A_1184, %add3A, %dma_wait3A_1188, %dma_wait3A_1189] : memref<200x8x32x8x128xf32, #tpu.memory_space<hbm>> -> memref<1x1x1x8x128xf32, #tpu.memory_space<hbm>>
        %dma_wait3A_1191 = tpu.memref_squeeze %dma_wait3A_1190 : memref<1x1x1x8x128xf32, #tpu.memory_space<hbm>> -> memref<8x128xf32, #tpu.memory_space<hbm>>
        %dma_wait3A_1192 = arith.constant 0 : i32
        %dma_wait3A_1193 = arith.constant 0 : i32
        %dma_wait3A_1194 = tpu.memref_slice %arg5[%sub3A_1183, %dma_wait3A_1184, %add3A, %dma_wait3A_1192, %dma_wait3A_1193] : memref<200x8x32x8x128xf32, #tpu.memory_space<hbm>> -> memref<1x1x1x8x128xf32, #tpu.memory_space<hbm>>
        %dma_wait3A_1195 = tpu.memref_squeeze %dma_wait3A_1194 : memref<1x1x1x8x128xf32, #tpu.memory_space<hbm>> -> memref<8x128xf32, #tpu.memory_space<hbm>>
        %dma_wait3A_1196 = arith.constant 0 : i32
        %dma_wait3A_1197 = arith.constant 0 : i32
        %dma_wait3A_1198 = tpu.memref_slice %arg15[%dma_wait3A_1196, %dma_wait3A_1197] : memref<64x129xf32, #tpu.memory_space<vmem>> -> memref<8x128xf32, #tpu.memory_space<vmem>>
        tpu.wait_dma2 semaphore(%arg23 : memref<!tpu.dma_semaphore, #tpu.memory_space<semaphore_mem>>) src(%dma_wait3A_1198 : memref<8x128xf32, #tpu.memory_space<vmem>>) dst(%dma_wait3A_1195 : memref<8x128xf32, #tpu.memory_space<hbm>>)
        %dma_wait3A_1199 = arith.constant 1 : i32
        %dma_wait3A_1200 = arith.constant 8 : i32
        %dma_wait3A_1201 = arith.constant 0 : i32
        %dma_wait3A_1202 = tpu.memref_slice %arg15[%dma_wait3A_1200, %dma_wait3A_1201] : memref<64x129xf32, #tpu.memory_space<vmem>> -> memref<8x128xf32, #tpu.memory_space<vmem>>
        %dma_wait3A_1203 = arith.constant 0 : i32
        %dma_wait3A_1204 = arith.constant 0 : i32
        %dma_wait3A_1205 = tpu.memref_slice %arg5[%sub3A_1183, %dma_wait3A_1199, %add3A, %dma_wait3A_1203, %dma_wait3A_1204] : memref<200x8x32x8x128xf32, #tpu.memory_space<hbm>> -> memref<1x1x1x8x128xf32, #tpu.memory_space<hbm>>
        %dma_wait3A_1206 = tpu.memref_squeeze %dma_wait3A_1205 : memref<1x1x1x8x128xf32, #tpu.memory_space<hbm>> -> memref<8x128xf32, #tpu.memory_space<hbm>>
        %dma_wait3A_1207 = arith.constant 0 : i32
        %dma_wait3A_1208 = arith.constant 0 : i32
        %dma_wait3A_1209 = tpu.memref_slice %arg5[%sub3A_1183, %dma_wait3A_1199, %add3A, %dma_wait3A_1207, %dma_wait3A_1208] : memref<200x8x32x8x128xf32, #tpu.memory_space<hbm>> -> memref<1x1x1x8x128xf32, #tpu.memory_space<hbm>>
        %dma_wait3A_1210 = tpu.memref_squeeze %dma_wait3A_1209 : memref<1x1x1x8x128xf32, #tpu.memory_space<hbm>> -> memref<8x128xf32, #tpu.memory_space<hbm>>
        %dma_wait3A_1211 = arith.constant 8 : i32
        %dma_wait3A_1212 = arith.constant 0 : i32
        %dma_wait3A_1213 = tpu.memref_slice %arg15[%dma_wait3A_1211, %dma_wait3A_1212] : memref<64x129xf32, #tpu.memory_space<vmem>> -> memref<8x128xf32, #tpu.memory_space<vmem>>
        tpu.wait_dma2 semaphore(%arg23 : memref<!tpu.dma_semaphore, #tpu.memory_space<semaphore_mem>>) src(%dma_wait3A_1213 : memref<8x128xf32, #tpu.memory_space<vmem>>) dst(%dma_wait3A_1210 : memref<8x128xf32, #tpu.memory_space<hbm>>)
        %dma_wait3A_1214 = arith.constant 2 : i32
        %dma_wait3A_1215 = arith.constant 16 : i32
        %dma_wait3A_1216 = arith.constant 0 : i32
        %dma_wait3A_1217 = tpu.memref_slice %arg15[%dma_wait3A_1215, %dma_wait3A_1216] : memref<64x129xf32, #tpu.memory_space<vmem>> -> memref<8x128xf32, #tpu.memory_space<vmem>>
        %dma_wait3A_1218 = arith.constant 0 : i32
        %dma_wait3A_1219 = arith.constant 0 : i32
        %dma_wait3A_1220 = tpu.memref_slice %arg5[%sub3A_1183, %dma_wait3A_1214, %add3A, %dma_wait3A_1218, %dma_wait3A_1219] : memref<200x8x32x8x128xf32, #tpu.memory_space<hbm>> -> memref<1x1x1x8x128xf32, #tpu.memory_space<hbm>>
        %dma_wait3A_1221 = tpu.memref_squeeze %dma_wait3A_1220 : memref<1x1x1x8x128xf32, #tpu.memory_space<hbm>> -> memref<8x128xf32, #tpu.memory_space<hbm>>
        %dma_wait3A_1222 = arith.constant 0 : i32
        %dma_wait3A_1223 = arith.constant 0 : i32
        %dma_wait3A_1224 = tpu.memref_slice %arg5[%sub3A_1183, %dma_wait3A_1214, %add3A, %dma_wait3A_1222, %dma_wait3A_1223] : memref<200x8x32x8x128xf32, #tpu.memory_space<hbm>> -> memref<1x1x1x8x128xf32, #tpu.memory_space<hbm>>
        %dma_wait3A_1225 = tpu.memref_squeeze %dma_wait3A_1224 : memref<1x1x1x8x128xf32, #tpu.memory_space<hbm>> -> memref<8x128xf32, #tpu.memory_space<hbm>>
        %dma_wait3A_1226 = arith.constant 16 : i32
        %dma_wait3A_1227 = arith.constant 0 : i32
        %dma_wait3A_1228 = tpu.memref_slice %arg15[%dma_wait3A_1226, %dma_wait3A_1227] : memref<64x129xf32, #tpu.memory_space<vmem>> -> memref<8x128xf32, #tpu.memory_space<vmem>>
        tpu.wait_dma2 semaphore(%arg23 : memref<!tpu.dma_semaphore, #tpu.memory_space<semaphore_mem>>) src(%dma_wait3A_1228 : memref<8x128xf32, #tpu.memory_space<vmem>>) dst(%dma_wait3A_1225 : memref<8x128xf32, #tpu.memory_space<hbm>>)
        %dma_wait3A_1229 = arith.constant 3 : i32
        %dma_wait3A_1230 = arith.constant 24 : i32
        %dma_wait3A_1231 = arith.constant 0 : i32
        %dma_wait3A_1232 = tpu.memref_slice %arg15[%dma_wait3A_1230, %dma_wait3A_1231] : memref<64x129xf32, #tpu.memory_space<vmem>> -> memref<8x128xf32, #tpu.memory_space<vmem>>
        %dma_wait3A_1233 = arith.constant 0 : i32
        %dma_wait3A_1234 = arith.constant 0 : i32
        %dma_wait3A_1235 = tpu.memref_slice %arg5[%sub3A_1183, %dma_wait3A_1229, %add3A, %dma_wait3A_1233, %dma_wait3A_1234] : memref<200x8x32x8x128xf32, #tpu.memory_space<hbm>> -> memref<1x1x1x8x128xf32, #tpu.memory_space<hbm>>
        %dma_wait3A_1236 = tpu.memref_squeeze %dma_wait3A_1235 : memref<1x1x1x8x128xf32, #tpu.memory_space<hbm>> -> memref<8x128xf32, #tpu.memory_space<hbm>>
        %dma_wait3A_1237 = arith.constant 0 : i32
        %dma_wait3A_1238 = arith.constant 0 : i32
        %dma_wait3A_1239 = tpu.memref_slice %arg5[%sub3A_1183, %dma_wait3A_1229, %add3A, %dma_wait3A_1237, %dma_wait3A_1238] : memref<200x8x32x8x128xf32, #tpu.memory_space<hbm>> -> memref<1x1x1x8x128xf32, #tpu.memory_space<hbm>>
        %dma_wait3A_1240 = tpu.memref_squeeze %dma_wait3A_1239 : memref<1x1x1x8x128xf32, #tpu.memory_space<hbm>> -> memref<8x128xf32, #tpu.memory_space<hbm>>
        %dma_wait3A_1241 = arith.constant 24 : i32
        %dma_wait3A_1242 = arith.constant 0 : i32
        %dma_wait3A_1243 = tpu.memref_slice %arg15[%dma_wait3A_1241, %dma_wait3A_1242] : memref<64x129xf32, #tpu.memory_space<vmem>> -> memref<8x128xf32, #tpu.memory_space<vmem>>
        tpu.wait_dma2 semaphore(%arg23 : memref<!tpu.dma_semaphore, #tpu.memory_space<semaphore_mem>>) src(%dma_wait3A_1243 : memref<8x128xf32, #tpu.memory_space<vmem>>) dst(%dma_wait3A_1240 : memref<8x128xf32, #tpu.memory_space<hbm>>)
        %dma_wait3A_1244 = arith.constant 4 : i32
        %dma_wait3A_1245 = arith.constant 32 : i32
        %dma_wait3A_1246 = arith.constant 0 : i32
        %dma_wait3A_1247 = tpu.memref_slice %arg15[%dma_wait3A_1245, %dma_wait3A_1246] : memref<64x129xf32, #tpu.memory_space<vmem>> -> memref<8x128xf32, #tpu.memory_space<vmem>>
        %dma_wait3A_1248 = arith.constant 0 : i32
        %dma_wait3A_1249 = arith.constant 0 : i32
        %dma_wait3A_1250 = tpu.memref_slice %arg5[%sub3A_1183, %dma_wait3A_1244, %add3A, %dma_wait3A_1248, %dma_wait3A_1249] : memref<200x8x32x8x128xf32, #tpu.memory_space<hbm>> -> memref<1x1x1x8x128xf32, #tpu.memory_space<hbm>>
        %dma_wait3A_1251 = tpu.memref_squeeze %dma_wait3A_1250 : memref<1x1x1x8x128xf32, #tpu.memory_space<hbm>> -> memref<8x128xf32, #tpu.memory_space<hbm>>
        %dma_wait3A_1252 = arith.constant 0 : i32
        %dma_wait3A_1253 = arith.constant 0 : i32
        %dma_wait3A_1254 = tpu.memref_slice %arg5[%sub3A_1183, %dma_wait3A_1244, %add3A, %dma_wait3A_1252, %dma_wait3A_1253] : memref<200x8x32x8x128xf32, #tpu.memory_space<hbm>> -> memref<1x1x1x8x128xf32, #tpu.memory_space<hbm>>
        %dma_wait3A_1255 = tpu.memref_squeeze %dma_wait3A_1254 : memref<1x1x1x8x128xf32, #tpu.memory_space<hbm>> -> memref<8x128xf32, #tpu.memory_space<hbm>>
        %dma_wait3A_1256 = arith.constant 32 : i32
        %dma_wait3A_1257 = arith.constant 0 : i32
        %dma_wait3A_1258 = tpu.memref_slice %arg15[%dma_wait3A_1256, %dma_wait3A_1257] : memref<64x129xf32, #tpu.memory_space<vmem>> -> memref<8x128xf32, #tpu.memory_space<vmem>>
        tpu.wait_dma2 semaphore(%arg23 : memref<!tpu.dma_semaphore, #tpu.memory_space<semaphore_mem>>) src(%dma_wait3A_1258 : memref<8x128xf32, #tpu.memory_space<vmem>>) dst(%dma_wait3A_1255 : memref<8x128xf32, #tpu.memory_space<hbm>>)
        %dma_wait3A_1259 = arith.constant 5 : i32
        %dma_wait3A_1260 = arith.constant 40 : i32
        %dma_wait3A_1261 = arith.constant 0 : i32
        %dma_wait3A_1262 = tpu.memref_slice %arg15[%dma_wait3A_1260, %dma_wait3A_1261] : memref<64x129xf32, #tpu.memory_space<vmem>> -> memref<8x128xf32, #tpu.memory_space<vmem>>
        %dma_wait3A_1263 = arith.constant 0 : i32
        %dma_wait3A_1264 = arith.constant 0 : i32
        %dma_wait3A_1265 = tpu.memref_slice %arg5[%sub3A_1183, %dma_wait3A_1259, %add3A, %dma_wait3A_1263, %dma_wait3A_1264] : memref<200x8x32x8x128xf32, #tpu.memory_space<hbm>> -> memref<1x1x1x8x128xf32, #tpu.memory_space<hbm>>
        %dma_wait3A_1266 = tpu.memref_squeeze %dma_wait3A_1265 : memref<1x1x1x8x128xf32, #tpu.memory_space<hbm>> -> memref<8x128xf32, #tpu.memory_space<hbm>>
        %dma_wait3A_1267 = arith.constant 0 : i32
        %dma_wait3A_1268 = arith.constant 0 : i32
        %dma_wait3A_1269 = tpu.memref_slice %arg5[%sub3A_1183, %dma_wait3A_1259, %add3A, %dma_wait3A_1267, %dma_wait3A_1268] : memref<200x8x32x8x128xf32, #tpu.memory_space<hbm>> -> memref<1x1x1x8x128xf32, #tpu.memory_space<hbm>>
        %dma_wait3A_1270 = tpu.memref_squeeze %dma_wait3A_1269 : memref<1x1x1x8x128xf32, #tpu.memory_space<hbm>> -> memref<8x128xf32, #tpu.memory_space<hbm>>
        %dma_wait3A_1271 = arith.constant 40 : i32
        %dma_wait3A_1272 = arith.constant 0 : i32
        %dma_wait3A_1273 = tpu.memref_slice %arg15[%dma_wait3A_1271, %dma_wait3A_1272] : memref<64x129xf32, #tpu.memory_space<vmem>> -> memref<8x128xf32, #tpu.memory_space<vmem>>
        tpu.wait_dma2 semaphore(%arg23 : memref<!tpu.dma_semaphore, #tpu.memory_space<semaphore_mem>>) src(%dma_wait3A_1273 : memref<8x128xf32, #tpu.memory_space<vmem>>) dst(%dma_wait3A_1270 : memref<8x128xf32, #tpu.memory_space<hbm>>)
        %dma_wait3A_1274 = arith.constant 6 : i32
        %dma_wait3A_1275 = arith.constant 48 : i32
        %dma_wait3A_1276 = arith.constant 0 : i32
        %dma_wait3A_1277 = tpu.memref_slice %arg15[%dma_wait3A_1275, %dma_wait3A_1276] : memref<64x129xf32, #tpu.memory_space<vmem>> -> memref<8x128xf32, #tpu.memory_space<vmem>>
        %dma_wait3A_1278 = arith.constant 0 : i32
        %dma_wait3A_1279 = arith.constant 0 : i32
        %dma_wait3A_1280 = tpu.memref_slice %arg5[%sub3A_1183, %dma_wait3A_1274, %add3A, %dma_wait3A_1278, %dma_wait3A_1279] : memref<200x8x32x8x128xf32, #tpu.memory_space<hbm>> -> memref<1x1x1x8x128xf32, #tpu.memory_space<hbm>>
        %dma_wait3A_1281 = tpu.memref_squeeze %dma_wait3A_1280 : memref<1x1x1x8x128xf32, #tpu.memory_space<hbm>> -> memref<8x128xf32, #tpu.memory_space<hbm>>
        %dma_wait3A_1282 = arith.constant 0 : i32
        %dma_wait3A_1283 = arith.constant 0 : i32
        %dma_wait3A_1284 = tpu.memref_slice %arg5[%sub3A_1183, %dma_wait3A_1274, %add3A, %dma_wait3A_1282, %dma_wait3A_1283] : memref<200x8x32x8x128xf32, #tpu.memory_space<hbm>> -> memref<1x1x1x8x128xf32, #tpu.memory_space<hbm>>
        %dma_wait3A_1285 = tpu.memref_squeeze %dma_wait3A_1284 : memref<1x1x1x8x128xf32, #tpu.memory_space<hbm>> -> memref<8x128xf32, #tpu.memory_space<hbm>>
        %dma_wait3A_1286 = arith.constant 48 : i32
        %dma_wait3A_1287 = arith.constant 0 : i32
        %dma_wait3A_1288 = tpu.memref_slice %arg15[%dma_wait3A_1286, %dma_wait3A_1287] : memref<64x129xf32, #tpu.memory_space<vmem>> -> memref<8x128xf32, #tpu.memory_space<vmem>>
        tpu.wait_dma2 semaphore(%arg23 : memref<!tpu.dma_semaphore, #tpu.memory_space<semaphore_mem>>) src(%dma_wait3A_1288 : memref<8x128xf32, #tpu.memory_space<vmem>>) dst(%dma_wait3A_1285 : memref<8x128xf32, #tpu.memory_space<hbm>>)
        %dma_wait3A_1289 = arith.constant 7 : i32
        %dma_wait3A_1290 = arith.constant 56 : i32
        %dma_wait3A_1291 = arith.constant 0 : i32
        %dma_wait3A_1292 = tpu.memref_slice %arg15[%dma_wait3A_1290, %dma_wait3A_1291] : memref<64x129xf32, #tpu.memory_space<vmem>> -> memref<8x128xf32, #tpu.memory_space<vmem>>
        %dma_wait3A_1293 = arith.constant 0 : i32
        %dma_wait3A_1294 = arith.constant 0 : i32
        %dma_wait3A_1295 = tpu.memref_slice %arg5[%sub3A_1183, %dma_wait3A_1289, %add3A, %dma_wait3A_1293, %dma_wait3A_1294] : memref<200x8x32x8x128xf32, #tpu.memory_space<hbm>> -> memref<1x1x1x8x128xf32, #tpu.memory_space<hbm>>
        %dma_wait3A_1296 = tpu.memref_squeeze %dma_wait3A_1295 : memref<1x1x1x8x128xf32, #tpu.memory_space<hbm>> -> memref<8x128xf32, #tpu.memory_space<hbm>>
        %dma_wait3A_1297 = arith.constant 0 : i32
        %dma_wait3A_1298 = arith.constant 0 : i32
        %dma_wait3A_1299 = tpu.memref_slice %arg5[%sub3A_1183, %dma_wait3A_1289, %add3A, %dma_wait3A_1297, %dma_wait3A_1298] : memref<200x8x32x8x128xf32, #tpu.memory_space<hbm>> -> memref<1x1x1x8x128xf32, #tpu.memory_space<hbm>>
        %dma_wait3A_1300 = tpu.memref_squeeze %dma_wait3A_1299 : memref<1x1x1x8x128xf32, #tpu.memory_space<hbm>> -> memref<8x128xf32, #tpu.memory_space<hbm>>
        %dma_wait3A_1301 = arith.constant 56 : i32
        %dma_wait3A_1302 = arith.constant 0 : i32
        %dma_wait3A_1303 = tpu.memref_slice %arg15[%dma_wait3A_1301, %dma_wait3A_1302] : memref<64x129xf32, #tpu.memory_space<vmem>> -> memref<8x128xf32, #tpu.memory_space<vmem>>
        tpu.wait_dma2 semaphore(%arg23 : memref<!tpu.dma_semaphore, #tpu.memory_space<semaphore_mem>>) src(%dma_wait3A_1303 : memref<8x128xf32, #tpu.memory_space<vmem>>) dst(%dma_wait3A_1300 : memref<8x128xf32, #tpu.memory_space<hbm>>)
      } else {
      }
      %get3A_1039 = arith.index_cast %add3A_1027 : i32 to index
      %get3A_1040 = arith.constant 0 : index
      %get3A_1041 = tpu.vector_load %arg7[%get3A_1039, %get3A_1040] {strides = array<i32>} : memref<200x64xf32, #tpu.memory_space<vmem>>, vector<16xf32>,
      %get3A_1042 = arith.index_cast %add3A_1027 : i32 to index
      %get3A_1043 = arith.constant 16 : index
      %get3A_1044 = tpu.vector_load %arg7[%get3A_1042, %get3A_1043] {strides = array<i32>} : memref<200x64xf32, #tpu.memory_space<vmem>>, vector<16xf32>,
      %get3A_1045 = arith.index_cast %add3A_1027 : i32 to index
      %get3A_1046 = arith.constant 32 : index
      %get3A_1047 = tpu.vector_load %arg7[%get3A_1045, %get3A_1046] {strides = array<i32>} : memref<200x64xf32, #tpu.memory_space<vmem>>, vector<16xf32>,
      %get3A_1048 = arith.index_cast %add3A_1027 : i32 to index
      %get3A_1049 = arith.constant 48 : index
      %get3A_1050 = tpu.vector_load %arg7[%get3A_1048, %get3A_1049] {strides = array<i32>} : memref<200x64xf32, #tpu.memory_space<vmem>>, vector<16xf32>,
      %scan3A_1051 = arith.constant 0 : i32
      %scan3A_1052 = arith.constant 16 : i32
      %scan3A_1053 = arith.addi %scan3A_1051, %scan3A_1052 : i32
      %scan3A_1054 = arith.constant 1 : i32
      scf.for %scan3A_1183 = %scan3A_1051 to %scan3A_1053 step %scan3A_1054  : i32 {
        %mul3A_1184 = arith.constant 8 : i32
        %mul3A_1185 = arith.muli %scan3A_1183, %mul3A_1184 : i32
        %add3A_1186 = arith.constant 0 : i32
        %add3A_1187 = arith.addi %add3A_1186, %mul3A_1185 : i32
        %add3A_1188 = arith.constant 0 : i32
        %add3A_1189 = arith.addi %add3A_1187, %add3A_1188 : i32
        %get3A_1190 = arith.index_cast %add3A_1189 : i32 to index
        %get3A_1191 = arith.constant 0 : index
        %get3A_1192 = tpu.vector_load %arg11[%get3A_1190, %get3A_1191] {strides = array<i32>} : memref<128x64xf32, #tpu.memory_space<vmem>>, vector<16xf32>,
        %add3A_1193 = arith.constant 0 : i32
        %add3A_1194 = arith.addi %add3A_1187, %add3A_1193 : i32
        %get3A_1195 = arith.index_cast %add3A_1194 : i32 to index
        %get3A_1196 = arith.constant 16 : index
        %get3A_1197 = tpu.vector_load %arg11[%get3A_1195, %get3A_1196] {strides = array<i32>} : memref<128x64xf32, #tpu.memory_space<vmem>>, vector<16xf32>,
        %add3A_1198 = arith.constant 0 : i32
        %add3A_1199 = arith.addi %add3A_1187, %add3A_1198 : i32
        %get3A_1200 = arith.index_cast %add3A_1199 : i32 to index
        %get3A_1201 = arith.constant 32 : index
        %get3A_1202 = tpu.vector_load %arg11[%get3A_1200, %get3A_1201] {strides = array<i32>} : memref<128x64xf32, #tpu.memory_space<vmem>>, vector<16xf32>,
        %add3A_1203 = arith.constant 0 : i32
        %add3A_1204 = arith.addi %add3A_1187, %add3A_1203 : i32
        %get3A_1205 = arith.index_cast %add3A_1204 : i32 to index
        %get3A_1206 = arith.constant 48 : index
        %get3A_1207 = tpu.vector_load %arg11[%get3A_1205, %get3A_1206] {strides = array<i32>} : memref<128x64xf32, #tpu.memory_space<vmem>>, vector<16xf32>,
        %add3A_1208 = arith.constant 1 : i32
        %add3A_1209 = arith.addi %add3A_1187, %add3A_1208 : i32
        %get3A_1210 = arith.index_cast %add3A_1209 : i32 to index
        %get3A_1211 = arith.constant 0 : index
        %get3A_1212 = tpu.vector_load %arg11[%get3A_1210, %get3A_1211] {strides = array<i32>} : memref<128x64xf32, #tpu.memory_space<vmem>>, vector<16xf32>,
        %add3A_1213 = arith.constant 1 : i32
        %add3A_1214 = arith.addi %add3A_1187, %add3A_1213 : i32
        %get3A_1215 = arith.index_cast %add3A_1214 : i32 to index
        %get3A_1216 = arith.constant 16 : index
        %get3A_1217 = tpu.vector_load %arg11[%get3A_1215, %get3A_1216] {strides = array<i32>} : memref<128x64xf32, #tpu.memory_space<vmem>>, vector<16xf32>,
        %add3A_1218 = arith.constant 1 : i32
        %add3A_1219 = arith.addi %add3A_1187, %add3A_1218 : i32
        %get3A_1220 = arith.index_cast %add3A_1219 : i32 to index
        %get3A_1221 = arith.constant 32 : index
        %get3A_1222 = tpu.vector_load %arg11[%get3A_1220, %get3A_1221] {strides = array<i32>} : memref<128x64xf32, #tpu.memory_space<vmem>>, vector<16xf32>,
        %add3A_1223 = arith.constant 1 : i32
        %add3A_1224 = arith.addi %add3A_1187, %add3A_1223 : i32
        %get3A_1225 = arith.index_cast %add3A_1224 : i32 to index
        %get3A_1226 = arith.constant 48 : index
        %get3A_1227 = tpu.vector_load %arg11[%get3A_1225, %get3A_1226] {strides = array<i32>} : memref<128x64xf32, #tpu.memory_space<vmem>>, vector<16xf32>,
        %add3A_1228 = arith.constant 2 : i32
        %add3A_1229 = arith.addi %add3A_1187, %add3A_1228 : i32
        %get3A_1230 = arith.index_cast %add3A_1229 : i32 to index
        %get3A_1231 = arith.constant 0 : index
        %get3A_1232 = tpu.vector_load %arg11[%get3A_1230, %get3A_1231] {strides = array<i32>} : memref<128x64xf32, #tpu.memory_space<vmem>>, vector<16xf32>,
        %add3A_1233 = arith.constant 2 : i32
        %add3A_1234 = arith.addi %add3A_1187, %add3A_1233 : i32
        %get3A_1235 = arith.index_cast %add3A_1234 : i32 to index
        %get3A_1236 = arith.constant 16 : index
        %get3A_1237 = tpu.vector_load %arg11[%get3A_1235, %get3A_1236] {strides = array<i32>} : memref<128x64xf32, #tpu.memory_space<vmem>>, vector<16xf32>,
        %add3A_1238 = arith.constant 2 : i32
        %add3A_1239 = arith.addi %add3A_1187, %add3A_1238 : i32
        %get3A_1240 = arith.index_cast %add3A_1239 : i32 to index
        %get3A_1241 = arith.constant 32 : index
        %get3A_1242 = tpu.vector_load %arg11[%get3A_1240, %get3A_1241] {strides = array<i32>} : memref<128x64xf32, #tpu.memory_space<vmem>>, vector<16xf32>,
        %add3A_1243 = arith.constant 2 : i32
        %add3A_1244 = arith.addi %add3A_1187, %add3A_1243 : i32
        %get3A_1245 = arith.index_cast %add3A_1244 : i32 to index
        %get3A_1246 = arith.constant 48 : index
        %get3A_1247 = tpu.vector_load %arg11[%get3A_1245, %get3A_1246] {strides = array<i32>} : memref<128x64xf32, #tpu.memory_space<vmem>>, vector<16xf32>,
        %add3A_1248 = arith.constant 3 : i32
        %add3A_1249 = arith.addi %add3A_1187, %add3A_1248 : i32
        %get3A_1250 = arith.index_cast %add3A_1249 : i32 to index
        %get3A_1251 = arith.constant 0 : index
        %get3A_1252 = tpu.vector_load %arg11[%get3A_1250, %get3A_1251] {strides = array<i32>} : memref<128x64xf32, #tpu.memory_space<vmem>>, vector<16xf32>,
        %add3A_1253 = arith.constant 3 : i32
        %add3A_1254 = arith.addi %add3A_1187, %add3A_1253 : i32
        %get3A_1255 = arith.index_cast %add3A_1254 : i32 to index
        %get3A_1256 = arith.constant 16 : index
        %get3A_1257 = tpu.vector_load %arg11[%get3A_1255, %get3A_1256] {strides = array<i32>} : memref<128x64xf32, #tpu.memory_space<vmem>>, vector<16xf32>,
        %add3A_1258 = arith.constant 3 : i32
        %add3A_1259 = arith.addi %add3A_1187, %add3A_1258 : i32
        %get3A_1260 = arith.index_cast %add3A_1259 : i32 to index
        %get3A_1261 = arith.constant 32 : index
        %get3A_1262 = tpu.vector_load %arg11[%get3A_1260, %get3A_1261] {strides = array<i32>} : memref<128x64xf32, #tpu.memory_space<vmem>>, vector<16xf32>,
        %add3A_1263 = arith.constant 3 : i32
        %add3A_1264 = arith.addi %add3A_1187, %add3A_1263 : i32
        %get3A_1265 = arith.index_cast %add3A_1264 : i32 to index
        %get3A_1266 = arith.constant 48 : index
        %get3A_1267 = tpu.vector_load %arg11[%get3A_1265, %get3A_1266] {strides = array<i32>} : memref<128x64xf32, #tpu.memory_space<vmem>>, vector<16xf32>,
        %add3A_1268 = arith.constant 4 : i32
        %add3A_1269 = arith.addi %add3A_1187, %add3A_1268 : i32
        %get3A_1270 = arith.index_cast %add3A_1269 : i32 to index
        %get3A_1271 = arith.constant 0 : index
        %get3A_1272 = tpu.vector_load %arg11[%get3A_1270, %get3A_1271] {strides = array<i32>} : memref<128x64xf32, #tpu.memory_space<vmem>>, vector<16xf32>,
        %add3A_1273 = arith.constant 4 : i32
        %add3A_1274 = arith.addi %add3A_1187, %add3A_1273 : i32
        %get3A_1275 = arith.index_cast %add3A_1274 : i32 to index
        %get3A_1276 = arith.constant 16 : index
        %get3A_1277 = tpu.vector_load %arg11[%get3A_1275, %get3A_1276] {strides = array<i32>} : memref<128x64xf32, #tpu.memory_space<vmem>>, vector<16xf32>,
        %add3A_1278 = arith.constant 4 : i32
        %add3A_1279 = arith.addi %add3A_1187, %add3A_1278 : i32
        %get3A_1280 = arith.index_cast %add3A_1279 : i32 to index
        %get3A_1281 = arith.constant 32 : index
        %get3A_1282 = tpu.vector_load %arg11[%get3A_1280, %get3A_1281] {strides = array<i32>} : memref<128x64xf32, #tpu.memory_space<vmem>>, vector<16xf32>,
        %add3A_1283 = arith.constant 4 : i32
        %add3A_1284 = arith.addi %add3A_1187, %add3A_1283 : i32
        %get3A_1285 = arith.index_cast %add3A_1284 : i32 to index
        %get3A_1286 = arith.constant 48 : index
        %get3A_1287 = tpu.vector_load %arg11[%get3A_1285, %get3A_1286] {strides = array<i32>} : memref<128x64xf32, #tpu.memory_space<vmem>>, vector<16xf32>,
        %add3A_1288 = arith.constant 5 : i32
        %add3A_1289 = arith.addi %add3A_1187, %add3A_1288 : i32
        %get3A_1290 = arith.index_cast %add3A_1289 : i32 to index
        %get3A_1291 = arith.constant 0 : index
        %get3A_1292 = tpu.vector_load %arg11[%get3A_1290, %get3A_1291] {strides = array<i32>} : memref<128x64xf32, #tpu.memory_space<vmem>>, vector<16xf32>,
        %add3A_1293 = arith.constant 5 : i32
        %add3A_1294 = arith.addi %add3A_1187, %add3A_1293 : i32
        %get3A_1295 = arith.index_cast %add3A_1294 : i32 to index
        %get3A_1296 = arith.constant 16 : index
        %get3A_1297 = tpu.vector_load %arg11[%get3A_1295, %get3A_1296] {strides = array<i32>} : memref<128x64xf32, #tpu.memory_space<vmem>>, vector<16xf32>,
        %add3A_1298 = arith.constant 5 : i32
        %add3A_1299 = arith.addi %add3A_1187, %add3A_1298 : i32
        %get3A_1300 = arith.index_cast %add3A_1299 : i32 to index
        %get3A_1301 = arith.constant 32 : index
        %get3A_1302 = tpu.vector_load %arg11[%get3A_1300, %get3A_1301] {strides = array<i32>} : memref<128x64xf32, #tpu.memory_space<vmem>>, vector<16xf32>,
        %add3A_1303 = arith.constant 5 : i32
        %add3A_1304 = arith.addi %add3A_1187, %add3A_1303 : i32
        %get3A_1305 = arith.index_cast %add3A_1304 : i32 to index
        %get3A_1306 = arith.constant 48 : index
        %get3A_1307 = tpu.vector_load %arg11[%get3A_1305, %get3A_1306] {strides = array<i32>} : memref<128x64xf32, #tpu.memory_space<vmem>>, vector<16xf32>,
        %add3A_1308 = arith.constant 6 : i32
        %add3A_1309 = arith.addi %add3A_1187, %add3A_1308 : i32
        %get3A_1310 = arith.index_cast %add3A_1309 : i32 to index
        %get3A_1311 = arith.constant 0 : index
        %get3A_1312 = tpu.vector_load %arg11[%get3A_1310, %get3A_1311] {strides = array<i32>} : memref<128x64xf32, #tpu.memory_space<vmem>>, vector<16xf32>,
        %add3A_1313 = arith.constant 6 : i32
        %add3A_1314 = arith.addi %add3A_1187, %add3A_1313 : i32
        %get3A_1315 = arith.index_cast %add3A_1314 : i32 to index
        %get3A_1316 = arith.constant 16 : index
        %get3A_1317 = tpu.vector_load %arg11[%get3A_1315, %get3A_1316] {strides = array<i32>} : memref<128x64xf32, #tpu.memory_space<vmem>>, vector<16xf32>,
        %add3A_1318 = arith.constant 6 : i32
        %add3A_1319 = arith.addi %add3A_1187, %add3A_1318 : i32
        %get3A_1320 = arith.index_cast %add3A_1319 : i32 to index
        %get3A_1321 = arith.constant 32 : index
        %get3A_1322 = tpu.vector_load %arg11[%get3A_1320, %get3A_1321] {strides = array<i32>} : memref<128x64xf32, #tpu.memory_space<vmem>>, vector<16xf32>,
        %add3A_1323 = arith.constant 6 : i32
        %add3A_1324 = arith.addi %add3A_1187, %add3A_1323 : i32
        %get3A_1325 = arith.index_cast %add3A_1324 : i32 to index
        %get3A_1326 = arith.constant 48 : index
        %get3A_1327 = tpu.vector_load %arg11[%get3A_1325, %get3A_1326] {strides = array<i32>} : memref<128x64xf32, #tpu.memory_space<vmem>>, vector<16xf32>,
        %add3A_1328 = arith.constant 7 : i32
        %add3A_1329 = arith.addi %add3A_1187, %add3A_1328 : i32
        %get3A_1330 = arith.index_cast %add3A_1329 : i32 to index
        %get3A_1331 = arith.constant 0 : index
        %get3A_1332 = tpu.vector_load %arg11[%get3A_1330, %get3A_1331] {strides = array<i32>} : memref<128x64xf32, #tpu.memory_space<vmem>>, vector<16xf32>,
        %add3A_1333 = arith.constant 7 : i32
        %add3A_1334 = arith.addi %add3A_1187, %add3A_1333 : i32
        %get3A_1335 = arith.index_cast %add3A_1334 : i32 to index
        %get3A_1336 = arith.constant 16 : index
        %get3A_1337 = tpu.vector_load %arg11[%get3A_1335, %get3A_1336] {strides = array<i32>} : memref<128x64xf32, #tpu.memory_space<vmem>>, vector<16xf32>,
        %add3A_1338 = arith.constant 7 : i32
        %add3A_1339 = arith.addi %add3A_1187, %add3A_1338 : i32
        %get3A_1340 = arith.index_cast %add3A_1339 : i32 to index
        %get3A_1341 = arith.constant 32 : index
        %get3A_1342 = tpu.vector_load %arg11[%get3A_1340, %get3A_1341] {strides = array<i32>} : memref<128x64xf32, #tpu.memory_space<vmem>>, vector<16xf32>,
        %add3A_1343 = arith.constant 7 : i32
        %add3A_1344 = arith.addi %add3A_1187, %add3A_1343 : i32
        %get3A_1345 = arith.index_cast %add3A_1344 : i32 to index
        %get3A_1346 = arith.constant 48 : index
        %get3A_1347 = tpu.vector_load %arg11[%get3A_1345, %get3A_1346] {strides = array<i32>} : memref<128x64xf32, #tpu.memory_space<vmem>>, vector<16xf32>,
        %add3A_1348 = arith.addf %get3A_1192, %get3A_1041 : vector<16xf32>
        %add3A_1349 = arith.addf %get3A_1197, %get3A_1044 : vector<16xf32>
        %add3A_1350 = arith.addf %get3A_1202, %get3A_1047 : vector<16xf32>
        %add3A_1351 = arith.addf %get3A_1207, %get3A_1050 : vector<16xf32>
        %add3A_1352 = arith.addf %get3A_1212, %get3A_1041 : vector<16xf32>
        %add3A_1353 = arith.addf %get3A_1217, %get3A_1044 : vector<16xf32>
        %add3A_1354 = arith.addf %get3A_1222, %get3A_1047 : vector<16xf32>
        %add3A_1355 = arith.addf %get3A_1227, %get3A_1050 : vector<16xf32>
        %add3A_1356 = arith.addf %get3A_1232, %get3A_1041 : vector<16xf32>
        %add3A_1357 = arith.addf %get3A_1237, %get3A_1044 : vector<16xf32>
        %add3A_1358 = arith.addf %get3A_1242, %get3A_1047 : vector<16xf32>
        %add3A_1359 = arith.addf %get3A_1247, %get3A_1050 : vector<16xf32>
        %add3A_1360 = arith.addf %get3A_1252, %get3A_1041 : vector<16xf32>
        %add3A_1361 = arith.addf %get3A_1257, %get3A_1044 : vector<16xf32>
        %add3A_1362 = arith.addf %get3A_1262, %get3A_1047 : vector<16xf32>
        %add3A_1363 = arith.addf %get3A_1267, %get3A_1050 : vector<16xf32>
        %add3A_1364 = arith.addf %get3A_1272, %get3A_1041 : vector<16xf32>
        %add3A_1365 = arith.addf %get3A_1277, %get3A_1044 : vector<16xf32>
        %add3A_1366 = arith.addf %get3A_1282, %get3A_1047 : vector<16xf32>
        %add3A_1367 = arith.addf %get3A_1287, %get3A_1050 : vector<16xf32>
        %add3A_1368 = arith.addf %get3A_1292, %get3A_1041 : vector<16xf32>
        %add3A_1369 = arith.addf %get3A_1297, %get3A_1044 : vector<16xf32>
        %add3A_1370 = arith.addf %get3A_1302, %get3A_1047 : vector<16xf32>
        %add3A_1371 = arith.addf %get3A_1307, %get3A_1050 : vector<16xf32>
        %add3A_1372 = arith.addf %get3A_1312, %get3A_1041 : vector<16xf32>
        %add3A_1373 = arith.addf %get3A_1317, %get3A_1044 : vector<16xf32>
        %add3A_1374 = arith.addf %get3A_1322, %get3A_1047 : vector<16xf32>
        %add3A_1375 = arith.addf %get3A_1327, %get3A_1050 : vector<16xf32>
        %add3A_1376 = arith.addf %get3A_1332, %get3A_1041 : vector<16xf32>
        %add3A_1377 = arith.addf %get3A_1337, %get3A_1044 : vector<16xf32>
        %add3A_1378 = arith.addf %get3A_1342, %get3A_1047 : vector<16xf32>
        %add3A_1379 = arith.addf %get3A_1347, %get3A_1050 : vector<16xf32>
        %add3A_1380 = arith.constant 0 : i32
        %add3A_1381 = arith.addi %add3A_1187, %add3A_1380 : i32
        %mul3A_1382 = arith.constant 0 : i32
        %mul3A_1383 = vector.broadcast %mul3A_1382 : i32 to vector<16xi32>
        %mul3A_1384 = arith.muli %mul3A_1383, %iota3A : vector<16xi32>
        %add3A_1385 = vector.broadcast %add3A_1381 : i32 to vector<16xi32>
        %add3A_1386 = arith.addi %add3A_1385, %mul3A_1384 : vector<16xi32>
        %add3A_1387 = arith.constant 1 : i32
        %add3A_1388 = arith.addi %add3A_1187, %add3A_1387 : i32
        %mul3A_1389 = arith.constant 0 : i32
        %mul3A_1390 = vector.broadcast %mul3A_1389 : i32 to vector<16xi32>
        %mul3A_1391 = arith.muli %mul3A_1390, %iota3A : vector<16xi32>
        %add3A_1392 = vector.broadcast %add3A_1388 : i32 to vector<16xi32>
        %add3A_1393 = arith.addi %add3A_1392, %mul3A_1391 : vector<16xi32>
        %add3A_1394 = arith.constant 2 : i32
        %add3A_1395 = arith.addi %add3A_1187, %add3A_1394 : i32
        %mul3A_1396 = arith.constant 0 : i32
        %mul3A_1397 = vector.broadcast %mul3A_1396 : i32 to vector<16xi32>
        %mul3A_1398 = arith.muli %mul3A_1397, %iota3A : vector<16xi32>
        %add3A_1399 = vector.broadcast %add3A_1395 : i32 to vector<16xi32>
        %add3A_1400 = arith.addi %add3A_1399, %mul3A_1398 : vector<16xi32>
        %add3A_1401 = arith.constant 3 : i32
        %add3A_1402 = arith.addi %add3A_1187, %add3A_1401 : i32
        %mul3A_1403 = arith.constant 0 : i32
        %mul3A_1404 = vector.broadcast %mul3A_1403 : i32 to vector<16xi32>
        %mul3A_1405 = arith.muli %mul3A_1404, %iota3A : vector<16xi32>
        %add3A_1406 = vector.broadcast %add3A_1402 : i32 to vector<16xi32>
        %add3A_1407 = arith.addi %add3A_1406, %mul3A_1405 : vector<16xi32>
        %add3A_1408 = arith.constant 4 : i32
        %add3A_1409 = arith.addi %add3A_1187, %add3A_1408 : i32
        %mul3A_1410 = arith.constant 0 : i32
        %mul3A_1411 = vector.broadcast %mul3A_1410 : i32 to vector<16xi32>
        %mul3A_1412 = arith.muli %mul3A_1411, %iota3A : vector<16xi32>
        %add3A_1413 = vector.broadcast %add3A_1409 : i32 to vector<16xi32>
        %add3A_1414 = arith.addi %add3A_1413, %mul3A_1412 : vector<16xi32>
        %add3A_1415 = arith.constant 5 : i32
        %add3A_1416 = arith.addi %add3A_1187, %add3A_1415 : i32
        %mul3A_1417 = arith.constant 0 : i32
        %mul3A_1418 = vector.broadcast %mul3A_1417 : i32 to vector<16xi32>
        %mul3A_1419 = arith.muli %mul3A_1418, %iota3A : vector<16xi32>
        %add3A_1420 = vector.broadcast %add3A_1416 : i32 to vector<16xi32>
        %add3A_1421 = arith.addi %add3A_1420, %mul3A_1419 : vector<16xi32>
        %add3A_1422 = arith.constant 6 : i32
        %add3A_1423 = arith.addi %add3A_1187, %add3A_1422 : i32
        %mul3A_1424 = arith.constant 0 : i32
        %mul3A_1425 = vector.broadcast %mul3A_1424 : i32 to vector<16xi32>
        %mul3A_1426 = arith.muli %mul3A_1425, %iota3A : vector<16xi32>
        %add3A_1427 = vector.broadcast %add3A_1423 : i32 to vector<16xi32>
        %add3A_1428 = arith.addi %add3A_1427, %mul3A_1426 : vector<16xi32>
        %add3A_1429 = arith.constant 7 : i32
        %add3A_1430 = arith.addi %add3A_1187, %add3A_1429 : i32
        %mul3A_1431 = arith.constant 0 : i32
        %mul3A_1432 = vector.broadcast %mul3A_1431 : i32 to vector<16xi32>
        %mul3A_1433 = arith.muli %mul3A_1432, %iota3A : vector<16xi32>
        %add3A_1434 = vector.broadcast %add3A_1430 : i32 to vector<16xi32>
        %add3A_1435 = arith.addi %add3A_1434, %mul3A_1433 : vector<16xi32>
        tpu.vector_store_idx %arg15[%add3A_3, %add3A_1386], %add3A_1348 : memref<64x129xf32, #tpu.memory_space<vmem>>[vector<16xi32>, vector<16xi32>], vector<16xf32>,
        tpu.vector_store_idx %arg15[%add3A_6, %add3A_1386], %add3A_1349 : memref<64x129xf32, #tpu.memory_space<vmem>>[vector<16xi32>, vector<16xi32>], vector<16xf32>,
        tpu.vector_store_idx %arg15[%add3A_9, %add3A_1386], %add3A_1350 : memref<64x129xf32, #tpu.memory_space<vmem>>[vector<16xi32>, vector<16xi32>], vector<16xf32>,
        tpu.vector_store_idx %arg15[%add3A_12, %add3A_1386], %add3A_1351 : memref<64x129xf32, #tpu.memory_space<vmem>>[vector<16xi32>, vector<16xi32>], vector<16xf32>,
        tpu.vector_store_idx %arg15[%add3A_3, %add3A_1393], %add3A_1352 : memref<64x129xf32, #tpu.memory_space<vmem>>[vector<16xi32>, vector<16xi32>], vector<16xf32>,
        tpu.vector_store_idx %arg15[%add3A_6, %add3A_1393], %add3A_1353 : memref<64x129xf32, #tpu.memory_space<vmem>>[vector<16xi32>, vector<16xi32>], vector<16xf32>,
        tpu.vector_store_idx %arg15[%add3A_9, %add3A_1393], %add3A_1354 : memref<64x129xf32, #tpu.memory_space<vmem>>[vector<16xi32>, vector<16xi32>], vector<16xf32>,
        tpu.vector_store_idx %arg15[%add3A_12, %add3A_1393], %add3A_1355 : memref<64x129xf32, #tpu.memory_space<vmem>>[vector<16xi32>, vector<16xi32>], vector<16xf32>,
        tpu.vector_store_idx %arg15[%add3A_3, %add3A_1400], %add3A_1356 : memref<64x129xf32, #tpu.memory_space<vmem>>[vector<16xi32>, vector<16xi32>], vector<16xf32>,
        tpu.vector_store_idx %arg15[%add3A_6, %add3A_1400], %add3A_1357 : memref<64x129xf32, #tpu.memory_space<vmem>>[vector<16xi32>, vector<16xi32>], vector<16xf32>,
        tpu.vector_store_idx %arg15[%add3A_9, %add3A_1400], %add3A_1358 : memref<64x129xf32, #tpu.memory_space<vmem>>[vector<16xi32>, vector<16xi32>], vector<16xf32>,
        tpu.vector_store_idx %arg15[%add3A_12, %add3A_1400], %add3A_1359 : memref<64x129xf32, #tpu.memory_space<vmem>>[vector<16xi32>, vector<16xi32>], vector<16xf32>,
        tpu.vector_store_idx %arg15[%add3A_3, %add3A_1407], %add3A_1360 : memref<64x129xf32, #tpu.memory_space<vmem>>[vector<16xi32>, vector<16xi32>], vector<16xf32>,
        tpu.vector_store_idx %arg15[%add3A_6, %add3A_1407], %add3A_1361 : memref<64x129xf32, #tpu.memory_space<vmem>>[vector<16xi32>, vector<16xi32>], vector<16xf32>,
        tpu.vector_store_idx %arg15[%add3A_9, %add3A_1407], %add3A_1362 : memref<64x129xf32, #tpu.memory_space<vmem>>[vector<16xi32>, vector<16xi32>], vector<16xf32>,
        tpu.vector_store_idx %arg15[%add3A_12, %add3A_1407], %add3A_1363 : memref<64x129xf32, #tpu.memory_space<vmem>>[vector<16xi32>, vector<16xi32>], vector<16xf32>,
        tpu.vector_store_idx %arg15[%add3A_3, %add3A_1414], %add3A_1364 : memref<64x129xf32, #tpu.memory_space<vmem>>[vector<16xi32>, vector<16xi32>], vector<16xf32>,
        tpu.vector_store_idx %arg15[%add3A_6, %add3A_1414], %add3A_1365 : memref<64x129xf32, #tpu.memory_space<vmem>>[vector<16xi32>, vector<16xi32>], vector<16xf32>,
        tpu.vector_store_idx %arg15[%add3A_9, %add3A_1414], %add3A_1366 : memref<64x129xf32, #tpu.memory_space<vmem>>[vector<16xi32>, vector<16xi32>], vector<16xf32>,
        tpu.vector_store_idx %arg15[%add3A_12, %add3A_1414], %add3A_1367 : memref<64x129xf32, #tpu.memory_space<vmem>>[vector<16xi32>, vector<16xi32>], vector<16xf32>,
        tpu.vector_store_idx %arg15[%add3A_3, %add3A_1421], %add3A_1368 : memref<64x129xf32, #tpu.memory_space<vmem>>[vector<16xi32>, vector<16xi32>], vector<16xf32>,
        tpu.vector_store_idx %arg15[%add3A_6, %add3A_1421], %add3A_1369 : memref<64x129xf32, #tpu.memory_space<vmem>>[vector<16xi32>, vector<16xi32>], vector<16xf32>,
        tpu.vector_store_idx %arg15[%add3A_9, %add3A_1421], %add3A_1370 : memref<64x129xf32, #tpu.memory_space<vmem>>[vector<16xi32>, vector<16xi32>], vector<16xf32>,
        tpu.vector_store_idx %arg15[%add3A_12, %add3A_1421], %add3A_1371 : memref<64x129xf32, #tpu.memory_space<vmem>>[vector<16xi32>, vector<16xi32>], vector<16xf32>,
        tpu.vector_store_idx %arg15[%add3A_3, %add3A_1428], %add3A_1372 : memref<64x129xf32, #tpu.memory_space<vmem>>[vector<16xi32>, vector<16xi32>], vector<16xf32>,
        tpu.vector_store_idx %arg15[%add3A_6, %add3A_1428], %add3A_1373 : memref<64x129xf32, #tpu.memory_space<vmem>>[vector<16xi32>, vector<16xi32>], vector<16xf32>,
        tpu.vector_store_idx %arg15[%add3A_9, %add3A_1428], %add3A_1374 : memref<64x129xf32, #tpu.memory_space<vmem>>[vector<16xi32>, vector<16xi32>], vector<16xf32>,
        tpu.vector_store_idx %arg15[%add3A_12, %add3A_1428], %add3A_1375 : memref<64x129xf32, #tpu.memory_space<vmem>>[vector<16xi32>, vector<16xi32>], vector<16xf32>,
        tpu.vector_store_idx %arg15[%add3A_3, %add3A_1435], %add3A_1376 : memref<64x129xf32, #tpu.memory_space<vmem>>[vector<16xi32>, vector<16xi32>], vector<16xf32>,
        tpu.vector_store_idx %arg15[%add3A_6, %add3A_1435], %add3A_1377 : memref<64x129xf32, #tpu.memory_space<vmem>>[vector<16xi32>, vector<16xi32>], vector<16xf32>,
        tpu.vector_store_idx %arg15[%add3A_9, %add3A_1435], %add3A_1378 : memref<64x129xf32, #tpu.memory_space<vmem>>[vector<16xi32>, vector<16xi32>], vector<16xf32>,
        tpu.vector_store_idx %arg15[%add3A_12, %add3A_1435], %add3A_1379 : memref<64x129xf32, #tpu.memory_space<vmem>>[vector<16xi32>, vector<16xi32>], vector<16xf32>,
      }
      %scan3A_1055 = arith.constant 16 : i32
      %dma_start3A_1056 = arith.constant 0 : i32
      %dma_start3A_1057 = arith.constant 0 : i32
      %dma_start3A_1058 = arith.constant 0 : i32
      %dma_start3A_1059 = tpu.memref_slice %arg15[%dma_start3A_1057, %dma_start3A_1058] : memref<64x129xf32, #tpu.memory_space<vmem>> -> memref<8x128xf32, #tpu.memory_space<vmem>>
      %dma_start3A_1060 = arith.constant 0 : i32
      %dma_start3A_1061 = arith.constant 0 : i32
      %dma_start3A_1062 = tpu.memref_slice %arg5[%add3A_1027, %dma_start3A_1056, %add3A, %dma_start3A_1060, %dma_start3A_1061] : memref<200x8x32x8x128xf32, #tpu.memory_space<hbm>> -> memref<1x1x1x8x128xf32, #tpu.memory_space<hbm>>
      %dma_start3A_1063 = tpu.memref_squeeze %dma_start3A_1062 : memref<1x1x1x8x128xf32, #tpu.memory_space<hbm>> -> memref<8x128xf32, #tpu.memory_space<hbm>>
      %dma_start3A_1064 = arith.constant 0 : i32
      %dma_start3A_1065 = arith.constant 0 : i32
      %dma_start3A_1066 = tpu.memref_slice %arg5[%add3A_1027, %dma_start3A_1056, %add3A, %dma_start3A_1064, %dma_start3A_1065] : memref<200x8x32x8x128xf32, #tpu.memory_space<hbm>> -> memref<1x1x1x8x128xf32, #tpu.memory_space<hbm>>
      %dma_start3A_1067 = tpu.memref_squeeze %dma_start3A_1066 : memref<1x1x1x8x128xf32, #tpu.memory_space<hbm>> -> memref<8x128xf32, #tpu.memory_space<hbm>>
      %dma_start3A_1068 = arith.constant 0 : i32
      %dma_start3A_1069 = arith.constant 0 : i32
      %dma_start3A_1070 = tpu.memref_slice %arg15[%dma_start3A_1068, %dma_start3A_1069] : memref<64x129xf32, #tpu.memory_space<vmem>> -> memref<8x128xf32, #tpu.memory_space<vmem>>
      tpu.enqueue_dma source(%dma_start3A_1070 : memref<8x128xf32, #tpu.memory_space<vmem>>) target(%dma_start3A_1067 : memref<8x128xf32, #tpu.memory_space<hbm>>) target_semaphore(%arg23 : memref<!tpu.dma_semaphore, #tpu.memory_space<semaphore_mem>>)
      %dma_start3A_1071 = arith.constant 1 : i32
      %dma_start3A_1072 = arith.constant 8 : i32
      %dma_start3A_1073 = arith.constant 0 : i32
      %dma_start3A_1074 = tpu.memref_slice %arg15[%dma_start3A_1072, %dma_start3A_1073] : memref<64x129xf32, #tpu.memory_space<vmem>> -> memref<8x128xf32, #tpu.memory_space<vmem>>
      %dma_start3A_1075 = arith.constant 0 : i32
      %dma_start3A_1076 = arith.constant 0 : i32
      %dma_start3A_1077 = tpu.memref_slice %arg5[%add3A_1027, %dma_start3A_1071, %add3A, %dma_start3A_1075, %dma_start3A_1076] : memref<200x8x32x8x128xf32, #tpu.memory_space<hbm>> -> memref<1x1x1x8x128xf32, #tpu.memory_space<hbm>>
      %dma_start3A_1078 = tpu.memref_squeeze %dma_start3A_1077 : memref<1x1x1x8x128xf32, #tpu.memory_space<hbm>> -> memref<8x128xf32, #tpu.memory_space<hbm>>
      %dma_start3A_1079 = arith.constant 0 : i32
      %dma_start3A_1080 = arith.constant 0 : i32
      %dma_start3A_1081 = tpu.memref_slice %arg5[%add3A_1027, %dma_start3A_1071, %add3A, %dma_start3A_1079, %dma_start3A_1080] : memref<200x8x32x8x128xf32, #tpu.memory_space<hbm>> -> memref<1x1x1x8x128xf32, #tpu.memory_space<hbm>>
      %dma_start3A_1082 = tpu.memref_squeeze %dma_start3A_1081 : memref<1x1x1x8x128xf32, #tpu.memory_space<hbm>> -> memref<8x128xf32, #tpu.memory_space<hbm>>
      %dma_start3A_1083 = arith.constant 8 : i32
      %dma_start3A_1084 = arith.constant 0 : i32
      %dma_start3A_1085 = tpu.memref_slice %arg15[%dma_start3A_1083, %dma_start3A_1084] : memref<64x129xf32, #tpu.memory_space<vmem>> -> memref<8x128xf32, #tpu.memory_space<vmem>>
      tpu.enqueue_dma source(%dma_start3A_1085 : memref<8x128xf32, #tpu.memory_space<vmem>>) target(%dma_start3A_1082 : memref<8x128xf32, #tpu.memory_space<hbm>>) target_semaphore(%arg23 : memref<!tpu.dma_semaphore, #tpu.memory_space<semaphore_mem>>)
      %dma_start3A_1086 = arith.constant 2 : i32
      %dma_start3A_1087 = arith.constant 16 : i32
      %dma_start3A_1088 = arith.constant 0 : i32
      %dma_start3A_1089 = tpu.memref_slice %arg15[%dma_start3A_1087, %dma_start3A_1088] : memref<64x129xf32, #tpu.memory_space<vmem>> -> memref<8x128xf32, #tpu.memory_space<vmem>>
      %dma_start3A_1090 = arith.constant 0 : i32
      %dma_start3A_1091 = arith.constant 0 : i32
      %dma_start3A_1092 = tpu.memref_slice %arg5[%add3A_1027, %dma_start3A_1086, %add3A, %dma_start3A_1090, %dma_start3A_1091] : memref<200x8x32x8x128xf32, #tpu.memory_space<hbm>> -> memref<1x1x1x8x128xf32, #tpu.memory_space<hbm>>
      %dma_start3A_1093 = tpu.memref_squeeze %dma_start3A_1092 : memref<1x1x1x8x128xf32, #tpu.memory_space<hbm>> -> memref<8x128xf32, #tpu.memory_space<hbm>>
      %dma_start3A_1094 = arith.constant 0 : i32
      %dma_start3A_1095 = arith.constant 0 : i32
      %dma_start3A_1096 = tpu.memref_slice %arg5[%add3A_1027, %dma_start3A_1086, %add3A, %dma_start3A_1094, %dma_start3A_1095] : memref<200x8x32x8x128xf32, #tpu.memory_space<hbm>> -> memref<1x1x1x8x128xf32, #tpu.memory_space<hbm>>
      %dma_start3A_1097 = tpu.memref_squeeze %dma_start3A_1096 : memref<1x1x1x8x128xf32, #tpu.memory_space<hbm>> -> memref<8x128xf32, #tpu.memory_space<hbm>>
      %dma_start3A_1098 = arith.constant 16 : i32
      %dma_start3A_1099 = arith.constant 0 : i32
      %dma_start3A_1100 = tpu.memref_slice %arg15[%dma_start3A_1098, %dma_start3A_1099] : memref<64x129xf32, #tpu.memory_space<vmem>> -> memref<8x128xf32, #tpu.memory_space<vmem>>
      tpu.enqueue_dma source(%dma_start3A_1100 : memref<8x128xf32, #tpu.memory_space<vmem>>) target(%dma_start3A_1097 : memref<8x128xf32, #tpu.memory_space<hbm>>) target_semaphore(%arg23 : memref<!tpu.dma_semaphore, #tpu.memory_space<semaphore_mem>>)
      %dma_start3A_1101 = arith.constant 3 : i32
      %dma_start3A_1102 = arith.constant 24 : i32
      %dma_start3A_1103 = arith.constant 0 : i32
      %dma_start3A_1104 = tpu.memref_slice %arg15[%dma_start3A_1102, %dma_start3A_1103] : memref<64x129xf32, #tpu.memory_space<vmem>> -> memref<8x128xf32, #tpu.memory_space<vmem>>
      %dma_start3A_1105 = arith.constant 0 : i32
      %dma_start3A_1106 = arith.constant 0 : i32
      %dma_start3A_1107 = tpu.memref_slice %arg5[%add3A_1027, %dma_start3A_1101, %add3A, %dma_start3A_1105, %dma_start3A_1106] : memref<200x8x32x8x128xf32, #tpu.memory_space<hbm>> -> memref<1x1x1x8x128xf32, #tpu.memory_space<hbm>>
      %dma_start3A_1108 = tpu.memref_squeeze %dma_start3A_1107 : memref<1x1x1x8x128xf32, #tpu.memory_space<hbm>> -> memref<8x128xf32, #tpu.memory_space<hbm>>
      %dma_start3A_1109 = arith.constant 0 : i32
      %dma_start3A_1110 = arith.constant 0 : i32
      %dma_start3A_1111 = tpu.memref_slice %arg5[%add3A_1027, %dma_start3A_1101, %add3A, %dma_start3A_1109, %dma_start3A_1110] : memref<200x8x32x8x128xf32, #tpu.memory_space<hbm>> -> memref<1x1x1x8x128xf32, #tpu.memory_space<hbm>>
      %dma_start3A_1112 = tpu.memref_squeeze %dma_start3A_1111 : memref<1x1x1x8x128xf32, #tpu.memory_space<hbm>> -> memref<8x128xf32, #tpu.memory_space<hbm>>
      %dma_start3A_1113 = arith.constant 24 : i32
      %dma_start3A_1114 = arith.constant 0 : i32
      %dma_start3A_1115 = tpu.memref_slice %arg15[%dma_start3A_1113, %dma_start3A_1114] : memref<64x129xf32, #tpu.memory_space<vmem>> -> memref<8x128xf32, #tpu.memory_space<vmem>>
      tpu.enqueue_dma source(%dma_start3A_1115 : memref<8x128xf32, #tpu.memory_space<vmem>>) target(%dma_start3A_1112 : memref<8x128xf32, #tpu.memory_space<hbm>>) target_semaphore(%arg23 : memref<!tpu.dma_semaphore, #tpu.memory_space<semaphore_mem>>)
      %dma_start3A_1116 = arith.constant 4 : i32
      %dma_start3A_1117 = arith.constant 32 : i32
      %dma_start3A_1118 = arith.constant 0 : i32
      %dma_start3A_1119 = tpu.memref_slice %arg15[%dma_start3A_1117, %dma_start3A_1118] : memref<64x129xf32, #tpu.memory_space<vmem>> -> memref<8x128xf32, #tpu.memory_space<vmem>>
      %dma_start3A_1120 = arith.constant 0 : i32
      %dma_start3A_1121 = arith.constant 0 : i32
      %dma_start3A_1122 = tpu.memref_slice %arg5[%add3A_1027, %dma_start3A_1116, %add3A, %dma_start3A_1120, %dma_start3A_1121] : memref<200x8x32x8x128xf32, #tpu.memory_space<hbm>> -> memref<1x1x1x8x128xf32, #tpu.memory_space<hbm>>
      %dma_start3A_1123 = tpu.memref_squeeze %dma_start3A_1122 : memref<1x1x1x8x128xf32, #tpu.memory_space<hbm>> -> memref<8x128xf32, #tpu.memory_space<hbm>>
      %dma_start3A_1124 = arith.constant 0 : i32
      %dma_start3A_1125 = arith.constant 0 : i32
      %dma_start3A_1126 = tpu.memref_slice %arg5[%add3A_1027, %dma_start3A_1116, %add3A, %dma_start3A_1124, %dma_start3A_1125] : memref<200x8x32x8x128xf32, #tpu.memory_space<hbm>> -> memref<1x1x1x8x128xf32, #tpu.memory_space<hbm>>
      %dma_start3A_1127 = tpu.memref_squeeze %dma_start3A_1126 : memref<1x1x1x8x128xf32, #tpu.memory_space<hbm>> -> memref<8x128xf32, #tpu.memory_space<hbm>>
      %dma_start3A_1128 = arith.constant 32 : i32
      %dma_start3A_1129 = arith.constant 0 : i32
      %dma_start3A_1130 = tpu.memref_slice %arg15[%dma_start3A_1128, %dma_start3A_1129] : memref<64x129xf32, #tpu.memory_space<vmem>> -> memref<8x128xf32, #tpu.memory_space<vmem>>
      tpu.enqueue_dma source(%dma_start3A_1130 : memref<8x128xf32, #tpu.memory_space<vmem>>) target(%dma_start3A_1127 : memref<8x128xf32, #tpu.memory_space<hbm>>) target_semaphore(%arg23 : memref<!tpu.dma_semaphore, #tpu.memory_space<semaphore_mem>>)
      %dma_start3A_1131 = arith.constant 5 : i32
      %dma_start3A_1132 = arith.constant 40 : i32
      %dma_start3A_1133 = arith.constant 0 : i32
      %dma_start3A_1134 = tpu.memref_slice %arg15[%dma_start3A_1132, %dma_start3A_1133] : memref<64x129xf32, #tpu.memory_space<vmem>> -> memref<8x128xf32, #tpu.memory_space<vmem>>
      %dma_start3A_1135 = arith.constant 0 : i32
      %dma_start3A_1136 = arith.constant 0 : i32
      %dma_start3A_1137 = tpu.memref_slice %arg5[%add3A_1027, %dma_start3A_1131, %add3A, %dma_start3A_1135, %dma_start3A_1136] : memref<200x8x32x8x128xf32, #tpu.memory_space<hbm>> -> memref<1x1x1x8x128xf32, #tpu.memory_space<hbm>>
      %dma_start3A_1138 = tpu.memref_squeeze %dma_start3A_1137 : memref<1x1x1x8x128xf32, #tpu.memory_space<hbm>> -> memref<8x128xf32, #tpu.memory_space<hbm>>
      %dma_start3A_1139 = arith.constant 0 : i32
      %dma_start3A_1140 = arith.constant 0 : i32
      %dma_start3A_1141 = tpu.memref_slice %arg5[%add3A_1027, %dma_start3A_1131, %add3A, %dma_start3A_1139, %dma_start3A_1140] : memref<200x8x32x8x128xf32, #tpu.memory_space<hbm>> -> memref<1x1x1x8x128xf32, #tpu.memory_space<hbm>>
      %dma_start3A_1142 = tpu.memref_squeeze %dma_start3A_1141 : memref<1x1x1x8x128xf32, #tpu.memory_space<hbm>> -> memref<8x128xf32, #tpu.memory_space<hbm>>
      %dma_start3A_1143 = arith.constant 40 : i32
      %dma_start3A_1144 = arith.constant 0 : i32
      %dma_start3A_1145 = tpu.memref_slice %arg15[%dma_start3A_1143, %dma_start3A_1144] : memref<64x129xf32, #tpu.memory_space<vmem>> -> memref<8x128xf32, #tpu.memory_space<vmem>>
      tpu.enqueue_dma source(%dma_start3A_1145 : memref<8x128xf32, #tpu.memory_space<vmem>>) target(%dma_start3A_1142 : memref<8x128xf32, #tpu.memory_space<hbm>>) target_semaphore(%arg23 : memref<!tpu.dma_semaphore, #tpu.memory_space<semaphore_mem>>)
      %dma_start3A_1146 = arith.constant 6 : i32
      %dma_start3A_1147 = arith.constant 48 : i32
      %dma_start3A_1148 = arith.constant 0 : i32
      %dma_start3A_1149 = tpu.memref_slice %arg15[%dma_start3A_1147, %dma_start3A_1148] : memref<64x129xf32, #tpu.memory_space<vmem>> -> memref<8x128xf32, #tpu.memory_space<vmem>>
      %dma_start3A_1150 = arith.constant 0 : i32
      %dma_start3A_1151 = arith.constant 0 : i32
      %dma_start3A_1152 = tpu.memref_slice %arg5[%add3A_1027, %dma_start3A_1146, %add3A, %dma_start3A_1150, %dma_start3A_1151] : memref<200x8x32x8x128xf32, #tpu.memory_space<hbm>> -> memref<1x1x1x8x128xf32, #tpu.memory_space<hbm>>
      %dma_start3A_1153 = tpu.memref_squeeze %dma_start3A_1152 : memref<1x1x1x8x128xf32, #tpu.memory_space<hbm>> -> memref<8x128xf32, #tpu.memory_space<hbm>>
      %dma_start3A_1154 = arith.constant 0 : i32
      %dma_start3A_1155 = arith.constant 0 : i32
      %dma_start3A_1156 = tpu.memref_slice %arg5[%add3A_1027, %dma_start3A_1146, %add3A, %dma_start3A_1154, %dma_start3A_1155] : memref<200x8x32x8x128xf32, #tpu.memory_space<hbm>> -> memref<1x1x1x8x128xf32, #tpu.memory_space<hbm>>
      %dma_start3A_1157 = tpu.memref_squeeze %dma_start3A_1156 : memref<1x1x1x8x128xf32, #tpu.memory_space<hbm>> -> memref<8x128xf32, #tpu.memory_space<hbm>>
      %dma_start3A_1158 = arith.constant 48 : i32
      %dma_start3A_1159 = arith.constant 0 : i32
      %dma_start3A_1160 = tpu.memref_slice %arg15[%dma_start3A_1158, %dma_start3A_1159] : memref<64x129xf32, #tpu.memory_space<vmem>> -> memref<8x128xf32, #tpu.memory_space<vmem>>
      tpu.enqueue_dma source(%dma_start3A_1160 : memref<8x128xf32, #tpu.memory_space<vmem>>) target(%dma_start3A_1157 : memref<8x128xf32, #tpu.memory_space<hbm>>) target_semaphore(%arg23 : memref<!tpu.dma_semaphore, #tpu.memory_space<semaphore_mem>>)
      %dma_start3A_1161 = arith.constant 7 : i32
      %dma_start3A_1162 = arith.constant 56 : i32
      %dma_start3A_1163 = arith.constant 0 : i32
      %dma_start3A_1164 = tpu.memref_slice %arg15[%dma_start3A_1162, %dma_start3A_1163] : memref<64x129xf32, #tpu.memory_space<vmem>> -> memref<8x128xf32, #tpu.memory_space<vmem>>
      %dma_start3A_1165 = arith.constant 0 : i32
      %dma_start3A_1166 = arith.constant 0 : i32
      %dma_start3A_1167 = tpu.memref_slice %arg5[%add3A_1027, %dma_start3A_1161, %add3A, %dma_start3A_1165, %dma_start3A_1166] : memref<200x8x32x8x128xf32, #tpu.memory_space<hbm>> -> memref<1x1x1x8x128xf32, #tpu.memory_space<hbm>>
      %dma_start3A_1168 = tpu.memref_squeeze %dma_start3A_1167 : memref<1x1x1x8x128xf32, #tpu.memory_space<hbm>> -> memref<8x128xf32, #tpu.memory_space<hbm>>
      %dma_start3A_1169 = arith.constant 0 : i32
      %dma_start3A_1170 = arith.constant 0 : i32
      %dma_start3A_1171 = tpu.memref_slice %arg5[%add3A_1027, %dma_start3A_1161, %add3A, %dma_start3A_1169, %dma_start3A_1170] : memref<200x8x32x8x128xf32, #tpu.memory_space<hbm>> -> memref<1x1x1x8x128xf32, #tpu.memory_space<hbm>>
      %dma_start3A_1172 = tpu.memref_squeeze %dma_start3A_1171 : memref<1x1x1x8x128xf32, #tpu.memory_space<hbm>> -> memref<8x128xf32, #tpu.memory_space<hbm>>
      %dma_start3A_1173 = arith.constant 56 : i32
      %dma_start3A_1174 = arith.constant 0 : i32
      %dma_start3A_1175 = tpu.memref_slice %arg15[%dma_start3A_1173, %dma_start3A_1174] : memref<64x129xf32, #tpu.memory_space<vmem>> -> memref<8x128xf32, #tpu.memory_space<vmem>>
      tpu.enqueue_dma source(%dma_start3A_1175 : memref<8x128xf32, #tpu.memory_space<vmem>>) target(%dma_start3A_1172 : memref<8x128xf32, #tpu.memory_space<hbm>>) target_semaphore(%arg23 : memref<!tpu.dma_semaphore, #tpu.memory_space<semaphore_mem>>)
      %add3A_1176 = arith.constant 4 : i32
      %add3A_1177 = arith.addi %add3A_1027, %add3A_1176 : i32
      %lt3A_1178 = arith.constant 200 : i32
      %lt3A_1179 = arith.cmpi slt, %add3A_1177, %lt3A_1178 : i32
      %convert_element_type3A_1180 = arith.extui %lt3A_1179 : i1 to i32
      %cond3A_1181 = arith.constant 0 : i32
      %cond3A_1182 = arith.cmpi ne, %convert_element_type3A_1180, %cond3A_1181 : i32
      scf.if %cond3A_1182 {
        %add3A_1183 = arith.constant 4 : i32
        %add3A_1184 = arith.addi %add3A_1027, %add3A_1183 : i32
        %dma_start3A_1185 = arith.constant 0 : i32
        %dma_start3A_1186 = tpu.memref_slice %arg6[%add3A_1184, %dma_start3A_1185] : memref<200x128xi32, #tpu.memory_space<vmem>> -> memref<1x128xi32, #tpu.memory_space<vmem>>
        %dma_start3A_1187 = tpu.memref_squeeze %dma_start3A_1186 : memref<1x128xi32, #tpu.memory_space<vmem>> -> memref<128xi32, #tpu.memory_space<vmem>>
        %dma_start3A_1188 = arith.constant 0 : i32
        %dma_start3A_1189 = arith.constant 0 : i32
        %dma_start3A_1190 = tpu.memref_slice %arg3[%dma_start3A_1188, %dma_start3A_1189] : memref<1000000x64xf32, #tpu.memory_space<hbm>> -> memref<1000000x64xf32, #tpu.memory_space<hbm>>
        tpu.enqueue_indirect_dma source(%dma_start3A_1190 : memref<1000000x64xf32, #tpu.memory_space<hbm>>) target(%arg11 : memref<128x64xf32, #tpu.memory_space<vmem>>) offsets(%dma_start3A_1187 : memref<128xi32, #tpu.memory_space<vmem>>) semaphore(%arg19 : memref<!tpu.dma_semaphore, #tpu.memory_space<semaphore_mem>>)
      } else {
      }
    }
    %scan3A_43 = arith.constant 50 : i32
    %dma_wait3A = arith.constant 196 : i32
    %dma_wait3A_44 = arith.constant 0 : i32
    %dma_wait3A_45 = arith.constant 0 : i32
    %dma_wait3A_46 = arith.constant 0 : i32
    %dma_wait3A_47 = tpu.memref_slice %arg12[%dma_wait3A_45, %dma_wait3A_46] : memref<64x129xf32, #tpu.memory_space<vmem>> -> memref<8x128xf32, #tpu.memory_space<vmem>>
    %dma_wait3A_48 = arith.constant 0 : i32
    %dma_wait3A_49 = arith.constant 0 : i32
    %dma_wait3A_50 = tpu.memref_slice %arg5[%dma_wait3A, %dma_wait3A_44, %add3A, %dma_wait3A_48, %dma_wait3A_49] : memref<200x8x32x8x128xf32, #tpu.memory_space<hbm>> -> memref<1x1x1x8x128xf32, #tpu.memory_space<hbm>>
    %dma_wait3A_51 = tpu.memref_squeeze %dma_wait3A_50 : memref<1x1x1x8x128xf32, #tpu.memory_space<hbm>> -> memref<8x128xf32, #tpu.memory_space<hbm>>
    %dma_wait3A_52 = arith.constant 0 : i32
    %dma_wait3A_53 = arith.constant 0 : i32
    %dma_wait3A_54 = tpu.memref_slice %arg5[%dma_wait3A, %dma_wait3A_44, %add3A, %dma_wait3A_52, %dma_wait3A_53] : memref<200x8x32x8x128xf32, #tpu.memory_space<hbm>> -> memref<1x1x1x8x128xf32, #tpu.memory_space<hbm>>
    %dma_wait3A_55 = tpu.memref_squeeze %dma_wait3A_54 : memref<1x1x1x8x128xf32, #tpu.memory_space<hbm>> -> memref<8x128xf32, #tpu.memory_space<hbm>>
    %dma_wait3A_56 = arith.constant 0 : i32
    %dma_wait3A_57 = arith.constant 0 : i32
    %dma_wait3A_58 = tpu.memref_slice %arg12[%dma_wait3A_56, %dma_wait3A_57] : memref<64x129xf32, #tpu.memory_space<vmem>> -> memref<8x128xf32, #tpu.memory_space<vmem>>
    tpu.wait_dma2 semaphore(%arg20 : memref<!tpu.dma_semaphore, #tpu.memory_space<semaphore_mem>>) src(%dma_wait3A_58 : memref<8x128xf32, #tpu.memory_space<vmem>>) dst(%dma_wait3A_55 : memref<8x128xf32, #tpu.memory_space<hbm>>)
    %dma_wait3A_59 = arith.constant 196 : i32
    %dma_wait3A_60 = arith.constant 1 : i32
    %dma_wait3A_61 = arith.constant 8 : i32
    %dma_wait3A_62 = arith.constant 0 : i32
    %dma_wait3A_63 = tpu.memref_slice %arg12[%dma_wait3A_61, %dma_wait3A_62] : memref<64x129xf32, #tpu.memory_space<vmem>> -> memref<8x128xf32, #tpu.memory_space<vmem>>
    %dma_wait3A_64 = arith.constant 0 : i32
    %dma_wait3A_65 = arith.constant 0 : i32
    %dma_wait3A_66 = tpu.memref_slice %arg5[%dma_wait3A_59, %dma_wait3A_60, %add3A, %dma_wait3A_64, %dma_wait3A_65] : memref<200x8x32x8x128xf32, #tpu.memory_space<hbm>> -> memref<1x1x1x8x128xf32, #tpu.memory_space<hbm>>
    %dma_wait3A_67 = tpu.memref_squeeze %dma_wait3A_66 : memref<1x1x1x8x128xf32, #tpu.memory_space<hbm>> -> memref<8x128xf32, #tpu.memory_space<hbm>>
    %dma_wait3A_68 = arith.constant 0 : i32
    %dma_wait3A_69 = arith.constant 0 : i32
    %dma_wait3A_70 = tpu.memref_slice %arg5[%dma_wait3A_59, %dma_wait3A_60, %add3A, %dma_wait3A_68, %dma_wait3A_69] : memref<200x8x32x8x128xf32, #tpu.memory_space<hbm>> -> memref<1x1x1x8x128xf32, #tpu.memory_space<hbm>>
    %dma_wait3A_71 = tpu.memref_squeeze %dma_wait3A_70 : memref<1x1x1x8x128xf32, #tpu.memory_space<hbm>> -> memref<8x128xf32, #tpu.memory_space<hbm>>
    %dma_wait3A_72 = arith.constant 8 : i32
    %dma_wait3A_73 = arith.constant 0 : i32
    %dma_wait3A_74 = tpu.memref_slice %arg12[%dma_wait3A_72, %dma_wait3A_73] : memref<64x129xf32, #tpu.memory_space<vmem>> -> memref<8x128xf32, #tpu.memory_space<vmem>>
    tpu.wait_dma2 semaphore(%arg20 : memref<!tpu.dma_semaphore, #tpu.memory_space<semaphore_mem>>) src(%dma_wait3A_74 : memref<8x128xf32, #tpu.memory_space<vmem>>) dst(%dma_wait3A_71 : memref<8x128xf32, #tpu.memory_space<hbm>>)
    %dma_wait3A_75 = arith.constant 196 : i32
    %dma_wait3A_76 = arith.constant 2 : i32
    %dma_wait3A_77 = arith.constant 16 : i32
    %dma_wait3A_78 = arith.constant 0 : i32
    %dma_wait3A_79 = tpu.memref_slice %arg12[%dma_wait3A_77, %dma_wait3A_78] : memref<64x129xf32, #tpu.memory_space<vmem>> -> memref<8x128xf32, #tpu.memory_space<vmem>>
    %dma_wait3A_80 = arith.constant 0 : i32
    %dma_wait3A_81 = arith.constant 0 : i32
    %dma_wait3A_82 = tpu.memref_slice %arg5[%dma_wait3A_75, %dma_wait3A_76, %add3A, %dma_wait3A_80, %dma_wait3A_81] : memref<200x8x32x8x128xf32, #tpu.memory_space<hbm>> -> memref<1x1x1x8x128xf32, #tpu.memory_space<hbm>>
    %dma_wait3A_83 = tpu.memref_squeeze %dma_wait3A_82 : memref<1x1x1x8x128xf32, #tpu.memory_space<hbm>> -> memref<8x128xf32, #tpu.memory_space<hbm>>
    %dma_wait3A_84 = arith.constant 0 : i32
    %dma_wait3A_85 = arith.constant 0 : i32
    %dma_wait3A_86 = tpu.memref_slice %arg5[%dma_wait3A_75, %dma_wait3A_76, %add3A, %dma_wait3A_84, %dma_wait3A_85] : memref<200x8x32x8x128xf32, #tpu.memory_space<hbm>> -> memref<1x1x1x8x128xf32, #tpu.memory_space<hbm>>
    %dma_wait3A_87 = tpu.memref_squeeze %dma_wait3A_86 : memref<1x1x1x8x128xf32, #tpu.memory_space<hbm>> -> memref<8x128xf32, #tpu.memory_space<hbm>>
    %dma_wait3A_88 = arith.constant 16 : i32
    %dma_wait3A_89 = arith.constant 0 : i32
    %dma_wait3A_90 = tpu.memref_slice %arg12[%dma_wait3A_88, %dma_wait3A_89] : memref<64x129xf32, #tpu.memory_space<vmem>> -> memref<8x128xf32, #tpu.memory_space<vmem>>
    tpu.wait_dma2 semaphore(%arg20 : memref<!tpu.dma_semaphore, #tpu.memory_space<semaphore_mem>>) src(%dma_wait3A_90 : memref<8x128xf32, #tpu.memory_space<vmem>>) dst(%dma_wait3A_87 : memref<8x128xf32, #tpu.memory_space<hbm>>)
    %dma_wait3A_91 = arith.constant 196 : i32
    %dma_wait3A_92 = arith.constant 3 : i32
    %dma_wait3A_93 = arith.constant 24 : i32
    %dma_wait3A_94 = arith.constant 0 : i32
    %dma_wait3A_95 = tpu.memref_slice %arg12[%dma_wait3A_93, %dma_wait3A_94] : memref<64x129xf32, #tpu.memory_space<vmem>> -> memref<8x128xf32, #tpu.memory_space<vmem>>
    %dma_wait3A_96 = arith.constant 0 : i32
    %dma_wait3A_97 = arith.constant 0 : i32
    %dma_wait3A_98 = tpu.memref_slice %arg5[%dma_wait3A_91, %dma_wait3A_92, %add3A, %dma_wait3A_96, %dma_wait3A_97] : memref<200x8x32x8x128xf32, #tpu.memory_space<hbm>> -> memref<1x1x1x8x128xf32, #tpu.memory_space<hbm>>
    %dma_wait3A_99 = tpu.memref_squeeze %dma_wait3A_98 : memref<1x1x1x8x128xf32, #tpu.memory_space<hbm>> -> memref<8x128xf32, #tpu.memory_space<hbm>>
    %dma_wait3A_100 = arith.constant 0 : i32
    %dma_wait3A_101 = arith.constant 0 : i32
    %dma_wait3A_102 = tpu.memref_slice %arg5[%dma_wait3A_91, %dma_wait3A_92, %add3A, %dma_wait3A_100, %dma_wait3A_101] : memref<200x8x32x8x128xf32, #tpu.memory_space<hbm>> -> memref<1x1x1x8x128xf32, #tpu.memory_space<hbm>>
    %dma_wait3A_103 = tpu.memref_squeeze %dma_wait3A_102 : memref<1x1x1x8x128xf32, #tpu.memory_space<hbm>> -> memref<8x128xf32, #tpu.memory_space<hbm>>
    %dma_wait3A_104 = arith.constant 24 : i32
    %dma_wait3A_105 = arith.constant 0 : i32
    %dma_wait3A_106 = tpu.memref_slice %arg12[%dma_wait3A_104, %dma_wait3A_105] : memref<64x129xf32, #tpu.memory_space<vmem>> -> memref<8x128xf32, #tpu.memory_space<vmem>>
    tpu.wait_dma2 semaphore(%arg20 : memref<!tpu.dma_semaphore, #tpu.memory_space<semaphore_mem>>) src(%dma_wait3A_106 : memref<8x128xf32, #tpu.memory_space<vmem>>) dst(%dma_wait3A_103 : memref<8x128xf32, #tpu.memory_space<hbm>>)
    %dma_wait3A_107 = arith.constant 196 : i32
    %dma_wait3A_108 = arith.constant 4 : i32
    %dma_wait3A_109 = arith.constant 32 : i32
    %dma_wait3A_110 = arith.constant 0 : i32
    %dma_wait3A_111 = tpu.memref_slice %arg12[%dma_wait3A_109, %dma_wait3A_110] : memref<64x129xf32, #tpu.memory_space<vmem>> -> memref<8x128xf32, #tpu.memory_space<vmem>>
    %dma_wait3A_112 = arith.constant 0 : i32
    %dma_wait3A_113 = arith.constant 0 : i32
    %dma_wait3A_114 = tpu.memref_slice %arg5[%dma_wait3A_107, %dma_wait3A_108, %add3A, %dma_wait3A_112, %dma_wait3A_113] : memref<200x8x32x8x128xf32, #tpu.memory_space<hbm>> -> memref<1x1x1x8x128xf32, #tpu.memory_space<hbm>>
    %dma_wait3A_115 = tpu.memref_squeeze %dma_wait3A_114 : memref<1x1x1x8x128xf32, #tpu.memory_space<hbm>> -> memref<8x128xf32, #tpu.memory_space<hbm>>
    %dma_wait3A_116 = arith.constant 0 : i32
    %dma_wait3A_117 = arith.constant 0 : i32
    %dma_wait3A_118 = tpu.memref_slice %arg5[%dma_wait3A_107, %dma_wait3A_108, %add3A, %dma_wait3A_116, %dma_wait3A_117] : memref<200x8x32x8x128xf32, #tpu.memory_space<hbm>> -> memref<1x1x1x8x128xf32, #tpu.memory_space<hbm>>
    %dma_wait3A_119 = tpu.memref_squeeze %dma_wait3A_118 : memref<1x1x1x8x128xf32, #tpu.memory_space<hbm>> -> memref<8x128xf32, #tpu.memory_space<hbm>>
    %dma_wait3A_120 = arith.constant 32 : i32
    %dma_wait3A_121 = arith.constant 0 : i32
    %dma_wait3A_122 = tpu.memref_slice %arg12[%dma_wait3A_120, %dma_wait3A_121] : memref<64x129xf32, #tpu.memory_space<vmem>> -> memref<8x128xf32, #tpu.memory_space<vmem>>
    tpu.wait_dma2 semaphore(%arg20 : memref<!tpu.dma_semaphore, #tpu.memory_space<semaphore_mem>>) src(%dma_wait3A_122 : memref<8x128xf32, #tpu.memory_space<vmem>>) dst(%dma_wait3A_119 : memref<8x128xf32, #tpu.memory_space<hbm>>)
    %dma_wait3A_123 = arith.constant 196 : i32
    %dma_wait3A_124 = arith.constant 5 : i32
    %dma_wait3A_125 = arith.constant 40 : i32
    %dma_wait3A_126 = arith.constant 0 : i32
    %dma_wait3A_127 = tpu.memref_slice %arg12[%dma_wait3A_125, %dma_wait3A_126] : memref<64x129xf32, #tpu.memory_space<vmem>> -> memref<8x128xf32, #tpu.memory_space<vmem>>
    %dma_wait3A_128 = arith.constant 0 : i32
    %dma_wait3A_129 = arith.constant 0 : i32
    %dma_wait3A_130 = tpu.memref_slice %arg5[%dma_wait3A_123, %dma_wait3A_124, %add3A, %dma_wait3A_128, %dma_wait3A_129] : memref<200x8x32x8x128xf32, #tpu.memory_space<hbm>> -> memref<1x1x1x8x128xf32, #tpu.memory_space<hbm>>
    %dma_wait3A_131 = tpu.memref_squeeze %dma_wait3A_130 : memref<1x1x1x8x128xf32, #tpu.memory_space<hbm>> -> memref<8x128xf32, #tpu.memory_space<hbm>>
    %dma_wait3A_132 = arith.constant 0 : i32
    %dma_wait3A_133 = arith.constant 0 : i32
    %dma_wait3A_134 = tpu.memref_slice %arg5[%dma_wait3A_123, %dma_wait3A_124, %add3A, %dma_wait3A_132, %dma_wait3A_133] : memref<200x8x32x8x128xf32, #tpu.memory_space<hbm>> -> memref<1x1x1x8x128xf32, #tpu.memory_space<hbm>>
    %dma_wait3A_135 = tpu.memref_squeeze %dma_wait3A_134 : memref<1x1x1x8x128xf32, #tpu.memory_space<hbm>> -> memref<8x128xf32, #tpu.memory_space<hbm>>
    %dma_wait3A_136 = arith.constant 40 : i32
    %dma_wait3A_137 = arith.constant 0 : i32
    %dma_wait3A_138 = tpu.memref_slice %arg12[%dma_wait3A_136, %dma_wait3A_137] : memref<64x129xf32, #tpu.memory_space<vmem>> -> memref<8x128xf32, #tpu.memory_space<vmem>>
    tpu.wait_dma2 semaphore(%arg20 : memref<!tpu.dma_semaphore, #tpu.memory_space<semaphore_mem>>) src(%dma_wait3A_138 : memref<8x128xf32, #tpu.memory_space<vmem>>) dst(%dma_wait3A_135 : memref<8x128xf32, #tpu.memory_space<hbm>>)
    %dma_wait3A_139 = arith.constant 196 : i32
    %dma_wait3A_140 = arith.constant 6 : i32
    %dma_wait3A_141 = arith.constant 48 : i32
    %dma_wait3A_142 = arith.constant 0 : i32
    %dma_wait3A_143 = tpu.memref_slice %arg12[%dma_wait3A_141, %dma_wait3A_142] : memref<64x129xf32, #tpu.memory_space<vmem>> -> memref<8x128xf32, #tpu.memory_space<vmem>>
    %dma_wait3A_144 = arith.constant 0 : i32
    %dma_wait3A_145 = arith.constant 0 : i32
    %dma_wait3A_146 = tpu.memref_slice %arg5[%dma_wait3A_139, %dma_wait3A_140, %add3A, %dma_wait3A_144, %dma_wait3A_145] : memref<200x8x32x8x128xf32, #tpu.memory_space<hbm>> -> memref<1x1x1x8x128xf32, #tpu.memory_space<hbm>>
    %dma_wait3A_147 = tpu.memref_squeeze %dma_wait3A_146 : memref<1x1x1x8x128xf32, #tpu.memory_space<hbm>> -> memref<8x128xf32, #tpu.memory_space<hbm>>
    %dma_wait3A_148 = arith.constant 0 : i32
    %dma_wait3A_149 = arith.constant 0 : i32
    %dma_wait3A_150 = tpu.memref_slice %arg5[%dma_wait3A_139, %dma_wait3A_140, %add3A, %dma_wait3A_148, %dma_wait3A_149] : memref<200x8x32x8x128xf32, #tpu.memory_space<hbm>> -> memref<1x1x1x8x128xf32, #tpu.memory_space<hbm>>
    %dma_wait3A_151 = tpu.memref_squeeze %dma_wait3A_150 : memref<1x1x1x8x128xf32, #tpu.memory_space<hbm>> -> memref<8x128xf32, #tpu.memory_space<hbm>>
    %dma_wait3A_152 = arith.constant 48 : i32
    %dma_wait3A_153 = arith.constant 0 : i32
    %dma_wait3A_154 = tpu.memref_slice %arg12[%dma_wait3A_152, %dma_wait3A_153] : memref<64x129xf32, #tpu.memory_space<vmem>> -> memref<8x128xf32, #tpu.memory_space<vmem>>
    tpu.wait_dma2 semaphore(%arg20 : memref<!tpu.dma_semaphore, #tpu.memory_space<semaphore_mem>>) src(%dma_wait3A_154 : memref<8x128xf32, #tpu.memory_space<vmem>>) dst(%dma_wait3A_151 : memref<8x128xf32, #tpu.memory_space<hbm>>)
    %dma_wait3A_155 = arith.constant 196 : i32
    %dma_wait3A_156 = arith.constant 7 : i32
    %dma_wait3A_157 = arith.constant 56 : i32
    %dma_wait3A_158 = arith.constant 0 : i32
    %dma_wait3A_159 = tpu.memref_slice %arg12[%dma_wait3A_157, %dma_wait3A_158] : memref<64x129xf32, #tpu.memory_space<vmem>> -> memref<8x128xf32, #tpu.memory_space<vmem>>
    %dma_wait3A_160 = arith.constant 0 : i32
    %dma_wait3A_161 = arith.constant 0 : i32
    %dma_wait3A_162 = tpu.memref_slice %arg5[%dma_wait3A_155, %dma_wait3A_156, %add3A, %dma_wait3A_160, %dma_wait3A_161] : memref<200x8x32x8x128xf32, #tpu.memory_space<hbm>> -> memref<1x1x1x8x128xf32, #tpu.memory_space<hbm>>
    %dma_wait3A_163 = tpu.memref_squeeze %dma_wait3A_162 : memref<1x1x1x8x128xf32, #tpu.memory_space<hbm>> -> memref<8x128xf32, #tpu.memory_space<hbm>>
    %dma_wait3A_164 = arith.constant 0 : i32
    %dma_wait3A_165 = arith.constant 0 : i32
    %dma_wait3A_166 = tpu.memref_slice %arg5[%dma_wait3A_155, %dma_wait3A_156, %add3A, %dma_wait3A_164, %dma_wait3A_165] : memref<200x8x32x8x128xf32, #tpu.memory_space<hbm>> -> memref<1x1x1x8x128xf32, #tpu.memory_space<hbm>>
    %dma_wait3A_167 = tpu.memref_squeeze %dma_wait3A_166 : memref<1x1x1x8x128xf32, #tpu.memory_space<hbm>> -> memref<8x128xf32, #tpu.memory_space<hbm>>
    %dma_wait3A_168 = arith.constant 56 : i32
    %dma_wait3A_169 = arith.constant 0 : i32
    %dma_wait3A_170 = tpu.memref_slice %arg12[%dma_wait3A_168, %dma_wait3A_169] : memref<64x129xf32, #tpu.memory_space<vmem>> -> memref<8x128xf32, #tpu.memory_space<vmem>>
    tpu.wait_dma2 semaphore(%arg20 : memref<!tpu.dma_semaphore, #tpu.memory_space<semaphore_mem>>) src(%dma_wait3A_170 : memref<8x128xf32, #tpu.memory_space<vmem>>) dst(%dma_wait3A_167 : memref<8x128xf32, #tpu.memory_space<hbm>>)
    %dma_wait3A_171 = arith.constant 197 : i32
    %dma_wait3A_172 = arith.constant 0 : i32
    %dma_wait3A_173 = arith.constant 0 : i32
    %dma_wait3A_174 = arith.constant 0 : i32
    %dma_wait3A_175 = tpu.memref_slice %arg13[%dma_wait3A_173, %dma_wait3A_174] : memref<64x129xf32, #tpu.memory_space<vmem>> -> memref<8x128xf32, #tpu.memory_space<vmem>>
    %dma_wait3A_176 = arith.constant 0 : i32
    %dma_wait3A_177 = arith.constant 0 : i32
    %dma_wait3A_178 = tpu.memref_slice %arg5[%dma_wait3A_171, %dma_wait3A_172, %add3A, %dma_wait3A_176, %dma_wait3A_177] : memref<200x8x32x8x128xf32, #tpu.memory_space<hbm>> -> memref<1x1x1x8x128xf32, #tpu.memory_space<hbm>>
    %dma_wait3A_179 = tpu.memref_squeeze %dma_wait3A_178 : memref<1x1x1x8x128xf32, #tpu.memory_space<hbm>> -> memref<8x128xf32, #tpu.memory_space<hbm>>
    %dma_wait3A_180 = arith.constant 0 : i32
    %dma_wait3A_181 = arith.constant 0 : i32
    %dma_wait3A_182 = tpu.memref_slice %arg5[%dma_wait3A_171, %dma_wait3A_172, %add3A, %dma_wait3A_180, %dma_wait3A_181] : memref<200x8x32x8x128xf32, #tpu.memory_space<hbm>> -> memref<1x1x1x8x128xf32, #tpu.memory_space<hbm>>
    %dma_wait3A_183 = tpu.memref_squeeze %dma_wait3A_182 : memref<1x1x1x8x128xf32, #tpu.memory_space<hbm>> -> memref<8x128xf32, #tpu.memory_space<hbm>>
    %dma_wait3A_184 = arith.constant 0 : i32
    %dma_wait3A_185 = arith.constant 0 : i32
    %dma_wait3A_186 = tpu.memref_slice %arg13[%dma_wait3A_184, %dma_wait3A_185] : memref<64x129xf32, #tpu.memory_space<vmem>> -> memref<8x128xf32, #tpu.memory_space<vmem>>
    tpu.wait_dma2 semaphore(%arg21 : memref<!tpu.dma_semaphore, #tpu.memory_space<semaphore_mem>>) src(%dma_wait3A_186 : memref<8x128xf32, #tpu.memory_space<vmem>>) dst(%dma_wait3A_183 : memref<8x128xf32, #tpu.memory_space<hbm>>)
    %dma_wait3A_187 = arith.constant 197 : i32
    %dma_wait3A_188 = arith.constant 1 : i32
    %dma_wait3A_189 = arith.constant 8 : i32
    %dma_wait3A_190 = arith.constant 0 : i32
    %dma_wait3A_191 = tpu.memref_slice %arg13[%dma_wait3A_189, %dma_wait3A_190] : memref<64x129xf32, #tpu.memory_space<vmem>> -> memref<8x128xf32, #tpu.memory_space<vmem>>
    %dma_wait3A_192 = arith.constant 0 : i32
    %dma_wait3A_193 = arith.constant 0 : i32
    %dma_wait3A_194 = tpu.memref_slice %arg5[%dma_wait3A_187, %dma_wait3A_188, %add3A, %dma_wait3A_192, %dma_wait3A_193] : memref<200x8x32x8x128xf32, #tpu.memory_space<hbm>> -> memref<1x1x1x8x128xf32, #tpu.memory_space<hbm>>
    %dma_wait3A_195 = tpu.memref_squeeze %dma_wait3A_194 : memref<1x1x1x8x128xf32, #tpu.memory_space<hbm>> -> memref<8x128xf32, #tpu.memory_space<hbm>>
    %dma_wait3A_196 = arith.constant 0 : i32
    %dma_wait3A_197 = arith.constant 0 : i32
    %dma_wait3A_198 = tpu.memref_slice %arg5[%dma_wait3A_187, %dma_wait3A_188, %add3A, %dma_wait3A_196, %dma_wait3A_197] : memref<200x8x32x8x128xf32, #tpu.memory_space<hbm>> -> memref<1x1x1x8x128xf32, #tpu.memory_space<hbm>>
    %dma_wait3A_199 = tpu.memref_squeeze %dma_wait3A_198 : memref<1x1x1x8x128xf32, #tpu.memory_space<hbm>> -> memref<8x128xf32, #tpu.memory_space<hbm>>
    %dma_wait3A_200 = arith.constant 8 : i32
    %dma_wait3A_201 = arith.constant 0 : i32
    %dma_wait3A_202 = tpu.memref_slice %arg13[%dma_wait3A_200, %dma_wait3A_201] : memref<64x129xf32, #tpu.memory_space<vmem>> -> memref<8x128xf32, #tpu.memory_space<vmem>>
    tpu.wait_dma2 semaphore(%arg21 : memref<!tpu.dma_semaphore, #tpu.memory_space<semaphore_mem>>) src(%dma_wait3A_202 : memref<8x128xf32, #tpu.memory_space<vmem>>) dst(%dma_wait3A_199 : memref<8x128xf32, #tpu.memory_space<hbm>>)
    %dma_wait3A_203 = arith.constant 197 : i32
    %dma_wait3A_204 = arith.constant 2 : i32
    %dma_wait3A_205 = arith.constant 16 : i32
    %dma_wait3A_206 = arith.constant 0 : i32
    %dma_wait3A_207 = tpu.memref_slice %arg13[%dma_wait3A_205, %dma_wait3A_206] : memref<64x129xf32, #tpu.memory_space<vmem>> -> memref<8x128xf32, #tpu.memory_space<vmem>>
    %dma_wait3A_208 = arith.constant 0 : i32
    %dma_wait3A_209 = arith.constant 0 : i32
    %dma_wait3A_210 = tpu.memref_slice %arg5[%dma_wait3A_203, %dma_wait3A_204, %add3A, %dma_wait3A_208, %dma_wait3A_209] : memref<200x8x32x8x128xf32, #tpu.memory_space<hbm>> -> memref<1x1x1x8x128xf32, #tpu.memory_space<hbm>>
    %dma_wait3A_211 = tpu.memref_squeeze %dma_wait3A_210 : memref<1x1x1x8x128xf32, #tpu.memory_space<hbm>> -> memref<8x128xf32, #tpu.memory_space<hbm>>
    %dma_wait3A_212 = arith.constant 0 : i32
    %dma_wait3A_213 = arith.constant 0 : i32
    %dma_wait3A_214 = tpu.memref_slice %arg5[%dma_wait3A_203, %dma_wait3A_204, %add3A, %dma_wait3A_212, %dma_wait3A_213] : memref<200x8x32x8x128xf32, #tpu.memory_space<hbm>> -> memref<1x1x1x8x128xf32, #tpu.memory_space<hbm>>
    %dma_wait3A_215 = tpu.memref_squeeze %dma_wait3A_214 : memref<1x1x1x8x128xf32, #tpu.memory_space<hbm>> -> memref<8x128xf32, #tpu.memory_space<hbm>>
    %dma_wait3A_216 = arith.constant 16 : i32
    %dma_wait3A_217 = arith.constant 0 : i32
    %dma_wait3A_218 = tpu.memref_slice %arg13[%dma_wait3A_216, %dma_wait3A_217] : memref<64x129xf32, #tpu.memory_space<vmem>> -> memref<8x128xf32, #tpu.memory_space<vmem>>
    tpu.wait_dma2 semaphore(%arg21 : memref<!tpu.dma_semaphore, #tpu.memory_space<semaphore_mem>>) src(%dma_wait3A_218 : memref<8x128xf32, #tpu.memory_space<vmem>>) dst(%dma_wait3A_215 : memref<8x128xf32, #tpu.memory_space<hbm>>)
    %dma_wait3A_219 = arith.constant 197 : i32
    %dma_wait3A_220 = arith.constant 3 : i32
    %dma_wait3A_221 = arith.constant 24 : i32
    %dma_wait3A_222 = arith.constant 0 : i32
    %dma_wait3A_223 = tpu.memref_slice %arg13[%dma_wait3A_221, %dma_wait3A_222] : memref<64x129xf32, #tpu.memory_space<vmem>> -> memref<8x128xf32, #tpu.memory_space<vmem>>
    %dma_wait3A_224 = arith.constant 0 : i32
    %dma_wait3A_225 = arith.constant 0 : i32
    %dma_wait3A_226 = tpu.memref_slice %arg5[%dma_wait3A_219, %dma_wait3A_220, %add3A, %dma_wait3A_224, %dma_wait3A_225] : memref<200x8x32x8x128xf32, #tpu.memory_space<hbm>> -> memref<1x1x1x8x128xf32, #tpu.memory_space<hbm>>
    %dma_wait3A_227 = tpu.memref_squeeze %dma_wait3A_226 : memref<1x1x1x8x128xf32, #tpu.memory_space<hbm>> -> memref<8x128xf32, #tpu.memory_space<hbm>>
    %dma_wait3A_228 = arith.constant 0 : i32
    %dma_wait3A_229 = arith.constant 0 : i32
    %dma_wait3A_230 = tpu.memref_slice %arg5[%dma_wait3A_219, %dma_wait3A_220, %add3A, %dma_wait3A_228, %dma_wait3A_229] : memref<200x8x32x8x128xf32, #tpu.memory_space<hbm>> -> memref<1x1x1x8x128xf32, #tpu.memory_space<hbm>>
    %dma_wait3A_231 = tpu.memref_squeeze %dma_wait3A_230 : memref<1x1x1x8x128xf32, #tpu.memory_space<hbm>> -> memref<8x128xf32, #tpu.memory_space<hbm>>
    %dma_wait3A_232 = arith.constant 24 : i32
    %dma_wait3A_233 = arith.constant 0 : i32
    %dma_wait3A_234 = tpu.memref_slice %arg13[%dma_wait3A_232, %dma_wait3A_233] : memref<64x129xf32, #tpu.memory_space<vmem>> -> memref<8x128xf32, #tpu.memory_space<vmem>>
    tpu.wait_dma2 semaphore(%arg21 : memref<!tpu.dma_semaphore, #tpu.memory_space<semaphore_mem>>) src(%dma_wait3A_234 : memref<8x128xf32, #tpu.memory_space<vmem>>) dst(%dma_wait3A_231 : memref<8x128xf32, #tpu.memory_space<hbm>>)
    %dma_wait3A_235 = arith.constant 197 : i32
    %dma_wait3A_236 = arith.constant 4 : i32
    %dma_wait3A_237 = arith.constant 32 : i32
    %dma_wait3A_238 = arith.constant 0 : i32
    %dma_wait3A_239 = tpu.memref_slice %arg13[%dma_wait3A_237, %dma_wait3A_238] : memref<64x129xf32, #tpu.memory_space<vmem>> -> memref<8x128xf32, #tpu.memory_space<vmem>>
    %dma_wait3A_240 = arith.constant 0 : i32
    %dma_wait3A_241 = arith.constant 0 : i32
    %dma_wait3A_242 = tpu.memref_slice %arg5[%dma_wait3A_235, %dma_wait3A_236, %add3A, %dma_wait3A_240, %dma_wait3A_241] : memref<200x8x32x8x128xf32, #tpu.memory_space<hbm>> -> memref<1x1x1x8x128xf32, #tpu.memory_space<hbm>>
    %dma_wait3A_243 = tpu.memref_squeeze %dma_wait3A_242 : memref<1x1x1x8x128xf32, #tpu.memory_space<hbm>> -> memref<8x128xf32, #tpu.memory_space<hbm>>
    %dma_wait3A_244 = arith.constant 0 : i32
    %dma_wait3A_245 = arith.constant 0 : i32
    %dma_wait3A_246 = tpu.memref_slice %arg5[%dma_wait3A_235, %dma_wait3A_236, %add3A, %dma_wait3A_244, %dma_wait3A_245] : memref<200x8x32x8x128xf32, #tpu.memory_space<hbm>> -> memref<1x1x1x8x128xf32, #tpu.memory_space<hbm>>
    %dma_wait3A_247 = tpu.memref_squeeze %dma_wait3A_246 : memref<1x1x1x8x128xf32, #tpu.memory_space<hbm>> -> memref<8x128xf32, #tpu.memory_space<hbm>>
    %dma_wait3A_248 = arith.constant 32 : i32
    %dma_wait3A_249 = arith.constant 0 : i32
    %dma_wait3A_250 = tpu.memref_slice %arg13[%dma_wait3A_248, %dma_wait3A_249] : memref<64x129xf32, #tpu.memory_space<vmem>> -> memref<8x128xf32, #tpu.memory_space<vmem>>
    tpu.wait_dma2 semaphore(%arg21 : memref<!tpu.dma_semaphore, #tpu.memory_space<semaphore_mem>>) src(%dma_wait3A_250 : memref<8x128xf32, #tpu.memory_space<vmem>>) dst(%dma_wait3A_247 : memref<8x128xf32, #tpu.memory_space<hbm>>)
    %dma_wait3A_251 = arith.constant 197 : i32
    %dma_wait3A_252 = arith.constant 5 : i32
    %dma_wait3A_253 = arith.constant 40 : i32
    %dma_wait3A_254 = arith.constant 0 : i32
    %dma_wait3A_255 = tpu.memref_slice %arg13[%dma_wait3A_253, %dma_wait3A_254] : memref<64x129xf32, #tpu.memory_space<vmem>> -> memref<8x128xf32, #tpu.memory_space<vmem>>
    %dma_wait3A_256 = arith.constant 0 : i32
    %dma_wait3A_257 = arith.constant 0 : i32
    %dma_wait3A_258 = tpu.memref_slice %arg5[%dma_wait3A_251, %dma_wait3A_252, %add3A, %dma_wait3A_256, %dma_wait3A_257] : memref<200x8x32x8x128xf32, #tpu.memory_space<hbm>> -> memref<1x1x1x8x128xf32, #tpu.memory_space<hbm>>
    %dma_wait3A_259 = tpu.memref_squeeze %dma_wait3A_258 : memref<1x1x1x8x128xf32, #tpu.memory_space<hbm>> -> memref<8x128xf32, #tpu.memory_space<hbm>>
    %dma_wait3A_260 = arith.constant 0 : i32
    %dma_wait3A_261 = arith.constant 0 : i32
    %dma_wait3A_262 = tpu.memref_slice %arg5[%dma_wait3A_251, %dma_wait3A_252, %add3A, %dma_wait3A_260, %dma_wait3A_261] : memref<200x8x32x8x128xf32, #tpu.memory_space<hbm>> -> memref<1x1x1x8x128xf32, #tpu.memory_space<hbm>>
    %dma_wait3A_263 = tpu.memref_squeeze %dma_wait3A_262 : memref<1x1x1x8x128xf32, #tpu.memory_space<hbm>> -> memref<8x128xf32, #tpu.memory_space<hbm>>
    %dma_wait3A_264 = arith.constant 40 : i32
    %dma_wait3A_265 = arith.constant 0 : i32
    %dma_wait3A_266 = tpu.memref_slice %arg13[%dma_wait3A_264, %dma_wait3A_265] : memref<64x129xf32, #tpu.memory_space<vmem>> -> memref<8x128xf32, #tpu.memory_space<vmem>>
    tpu.wait_dma2 semaphore(%arg21 : memref<!tpu.dma_semaphore, #tpu.memory_space<semaphore_mem>>) src(%dma_wait3A_266 : memref<8x128xf32, #tpu.memory_space<vmem>>) dst(%dma_wait3A_263 : memref<8x128xf32, #tpu.memory_space<hbm>>)
    %dma_wait3A_267 = arith.constant 197 : i32
    %dma_wait3A_268 = arith.constant 6 : i32
    %dma_wait3A_269 = arith.constant 48 : i32
    %dma_wait3A_270 = arith.constant 0 : i32
    %dma_wait3A_271 = tpu.memref_slice %arg13[%dma_wait3A_269, %dma_wait3A_270] : memref<64x129xf32, #tpu.memory_space<vmem>> -> memref<8x128xf32, #tpu.memory_space<vmem>>
    %dma_wait3A_272 = arith.constant 0 : i32
    %dma_wait3A_273 = arith.constant 0 : i32
    %dma_wait3A_274 = tpu.memref_slice %arg5[%dma_wait3A_267, %dma_wait3A_268, %add3A, %dma_wait3A_272, %dma_wait3A_273] : memref<200x8x32x8x128xf32, #tpu.memory_space<hbm>> -> memref<1x1x1x8x128xf32, #tpu.memory_space<hbm>>
    %dma_wait3A_275 = tpu.memref_squeeze %dma_wait3A_274 : memref<1x1x1x8x128xf32, #tpu.memory_space<hbm>> -> memref<8x128xf32, #tpu.memory_space<hbm>>
    %dma_wait3A_276 = arith.constant 0 : i32
    %dma_wait3A_277 = arith.constant 0 : i32
    %dma_wait3A_278 = tpu.memref_slice %arg5[%dma_wait3A_267, %dma_wait3A_268, %add3A, %dma_wait3A_276, %dma_wait3A_277] : memref<200x8x32x8x128xf32, #tpu.memory_space<hbm>> -> memref<1x1x1x8x128xf32, #tpu.memory_space<hbm>>
    %dma_wait3A_279 = tpu.memref_squeeze %dma_wait3A_278 : memref<1x1x1x8x128xf32, #tpu.memory_space<hbm>> -> memref<8x128xf32, #tpu.memory_space<hbm>>
    %dma_wait3A_280 = arith.constant 48 : i32
    %dma_wait3A_281 = arith.constant 0 : i32
    %dma_wait3A_282 = tpu.memref_slice %arg13[%dma_wait3A_280, %dma_wait3A_281] : memref<64x129xf32, #tpu.memory_space<vmem>> -> memref<8x128xf32, #tpu.memory_space<vmem>>
    tpu.wait_dma2 semaphore(%arg21 : memref<!tpu.dma_semaphore, #tpu.memory_space<semaphore_mem>>) src(%dma_wait3A_282 : memref<8x128xf32, #tpu.memory_space<vmem>>) dst(%dma_wait3A_279 : memref<8x128xf32, #tpu.memory_space<hbm>>)
    %dma_wait3A_283 = arith.constant 197 : i32
    %dma_wait3A_284 = arith.constant 7 : i32
    %dma_wait3A_285 = arith.constant 56 : i32
    %dma_wait3A_286 = arith.constant 0 : i32
    %dma_wait3A_287 = tpu.memref_slice %arg13[%dma_wait3A_285, %dma_wait3A_286] : memref<64x129xf32, #tpu.memory_space<vmem>> -> memref<8x128xf32, #tpu.memory_space<vmem>>
    %dma_wait3A_288 = arith.constant 0 : i32
    %dma_wait3A_289 = arith.constant 0 : i32
    %dma_wait3A_290 = tpu.memref_slice %arg5[%dma_wait3A_283, %dma_wait3A_284, %add3A, %dma_wait3A_288, %dma_wait3A_289] : memref<200x8x32x8x128xf32, #tpu.memory_space<hbm>> -> memref<1x1x1x8x128xf32, #tpu.memory_space<hbm>>
    %dma_wait3A_291 = tpu.memref_squeeze %dma_wait3A_290 : memref<1x1x1x8x128xf32, #tpu.memory_space<hbm>> -> memref<8x128xf32, #tpu.memory_space<hbm>>
    %dma_wait3A_292 = arith.constant 0 : i32
    %dma_wait3A_293 = arith.constant 0 : i32
    %dma_wait3A_294 = tpu.memref_slice %arg5[%dma_wait3A_283, %dma_wait3A_284, %add3A, %dma_wait3A_292, %dma_wait3A_293] : memref<200x8x32x8x128xf32, #tpu.memory_space<hbm>> -> memref<1x1x1x8x128xf32, #tpu.memory_space<hbm>>
    %dma_wait3A_295 = tpu.memref_squeeze %dma_wait3A_294 : memref<1x1x1x8x128xf32, #tpu.memory_space<hbm>> -> memref<8x128xf32, #tpu.memory_space<hbm>>
    %dma_wait3A_296 = arith.constant 56 : i32
    %dma_wait3A_297 = arith.constant 0 : i32
    %dma_wait3A_298 = tpu.memref_slice %arg13[%dma_wait3A_296, %dma_wait3A_297] : memref<64x129xf32, #tpu.memory_space<vmem>> -> memref<8x128xf32, #tpu.memory_space<vmem>>
    tpu.wait_dma2 semaphore(%arg21 : memref<!tpu.dma_semaphore, #tpu.memory_space<semaphore_mem>>) src(%dma_wait3A_298 : memref<8x128xf32, #tpu.memory_space<vmem>>) dst(%dma_wait3A_295 : memref<8x128xf32, #tpu.memory_space<hbm>>)
    %dma_wait3A_299 = arith.constant 198 : i32
    %dma_wait3A_300 = arith.constant 0 : i32
    %dma_wait3A_301 = arith.constant 0 : i32
    %dma_wait3A_302 = arith.constant 0 : i32
    %dma_wait3A_303 = tpu.memref_slice %arg14[%dma_wait3A_301, %dma_wait3A_302] : memref<64x129xf32, #tpu.memory_space<vmem>> -> memref<8x128xf32, #tpu.memory_space<vmem>>
    %dma_wait3A_304 = arith.constant 0 : i32
    %dma_wait3A_305 = arith.constant 0 : i32
    %dma_wait3A_306 = tpu.memref_slice %arg5[%dma_wait3A_299, %dma_wait3A_300, %add3A, %dma_wait3A_304, %dma_wait3A_305] : memref<200x8x32x8x128xf32, #tpu.memory_space<hbm>> -> memref<1x1x1x8x128xf32, #tpu.memory_space<hbm>>
    %dma_wait3A_307 = tpu.memref_squeeze %dma_wait3A_306 : memref<1x1x1x8x128xf32, #tpu.memory_space<hbm>> -> memref<8x128xf32, #tpu.memory_space<hbm>>
    %dma_wait3A_308 = arith.constant 0 : i32
    %dma_wait3A_309 = arith.constant 0 : i32
    %dma_wait3A_310 = tpu.memref_slice %arg5[%dma_wait3A_299, %dma_wait3A_300, %add3A, %dma_wait3A_308, %dma_wait3A_309] : memref<200x8x32x8x128xf32, #tpu.memory_space<hbm>> -> memref<1x1x1x8x128xf32, #tpu.memory_space<hbm>>
    %dma_wait3A_311 = tpu.memref_squeeze %dma_wait3A_310 : memref<1x1x1x8x128xf32, #tpu.memory_space<hbm>> -> memref<8x128xf32, #tpu.memory_space<hbm>>
    %dma_wait3A_312 = arith.constant 0 : i32
    %dma_wait3A_313 = arith.constant 0 : i32
    %dma_wait3A_314 = tpu.memref_slice %arg14[%dma_wait3A_312, %dma_wait3A_313] : memref<64x129xf32, #tpu.memory_space<vmem>> -> memref<8x128xf32, #tpu.memory_space<vmem>>
    tpu.wait_dma2 semaphore(%arg22 : memref<!tpu.dma_semaphore, #tpu.memory_space<semaphore_mem>>) src(%dma_wait3A_314 : memref<8x128xf32, #tpu.memory_space<vmem>>) dst(%dma_wait3A_311 : memref<8x128xf32, #tpu.memory_space<hbm>>)
    %dma_wait3A_315 = arith.constant 198 : i32
    %dma_wait3A_316 = arith.constant 1 : i32
    %dma_wait3A_317 = arith.constant 8 : i32
    %dma_wait3A_318 = arith.constant 0 : i32
    %dma_wait3A_319 = tpu.memref_slice %arg14[%dma_wait3A_317, %dma_wait3A_318] : memref<64x129xf32, #tpu.memory_space<vmem>> -> memref<8x128xf32, #tpu.memory_space<vmem>>
    %dma_wait3A_320 = arith.constant 0 : i32
    %dma_wait3A_321 = arith.constant 0 : i32
    %dma_wait3A_322 = tpu.memref_slice %arg5[%dma_wait3A_315, %dma_wait3A_316, %add3A, %dma_wait3A_320, %dma_wait3A_321] : memref<200x8x32x8x128xf32, #tpu.memory_space<hbm>> -> memref<1x1x1x8x128xf32, #tpu.memory_space<hbm>>
    %dma_wait3A_323 = tpu.memref_squeeze %dma_wait3A_322 : memref<1x1x1x8x128xf32, #tpu.memory_space<hbm>> -> memref<8x128xf32, #tpu.memory_space<hbm>>
    %dma_wait3A_324 = arith.constant 0 : i32
    %dma_wait3A_325 = arith.constant 0 : i32
    %dma_wait3A_326 = tpu.memref_slice %arg5[%dma_wait3A_315, %dma_wait3A_316, %add3A, %dma_wait3A_324, %dma_wait3A_325] : memref<200x8x32x8x128xf32, #tpu.memory_space<hbm>> -> memref<1x1x1x8x128xf32, #tpu.memory_space<hbm>>
    %dma_wait3A_327 = tpu.memref_squeeze %dma_wait3A_326 : memref<1x1x1x8x128xf32, #tpu.memory_space<hbm>> -> memref<8x128xf32, #tpu.memory_space<hbm>>
    %dma_wait3A_328 = arith.constant 8 : i32
    %dma_wait3A_329 = arith.constant 0 : i32
    %dma_wait3A_330 = tpu.memref_slice %arg14[%dma_wait3A_328, %dma_wait3A_329] : memref<64x129xf32, #tpu.memory_space<vmem>> -> memref<8x128xf32, #tpu.memory_space<vmem>>
    tpu.wait_dma2 semaphore(%arg22 : memref<!tpu.dma_semaphore, #tpu.memory_space<semaphore_mem>>) src(%dma_wait3A_330 : memref<8x128xf32, #tpu.memory_space<vmem>>) dst(%dma_wait3A_327 : memref<8x128xf32, #tpu.memory_space<hbm>>)
    %dma_wait3A_331 = arith.constant 198 : i32
    %dma_wait3A_332 = arith.constant 2 : i32
    %dma_wait3A_333 = arith.constant 16 : i32
    %dma_wait3A_334 = arith.constant 0 : i32
    %dma_wait3A_335 = tpu.memref_slice %arg14[%dma_wait3A_333, %dma_wait3A_334] : memref<64x129xf32, #tpu.memory_space<vmem>> -> memref<8x128xf32, #tpu.memory_space<vmem>>
    %dma_wait3A_336 = arith.constant 0 : i32
    %dma_wait3A_337 = arith.constant 0 : i32
    %dma_wait3A_338 = tpu.memref_slice %arg5[%dma_wait3A_331, %dma_wait3A_332, %add3A, %dma_wait3A_336, %dma_wait3A_337] : memref<200x8x32x8x128xf32, #tpu.memory_space<hbm>> -> memref<1x1x1x8x128xf32, #tpu.memory_space<hbm>>
    %dma_wait3A_339 = tpu.memref_squeeze %dma_wait3A_338 : memref<1x1x1x8x128xf32, #tpu.memory_space<hbm>> -> memref<8x128xf32, #tpu.memory_space<hbm>>
    %dma_wait3A_340 = arith.constant 0 : i32
    %dma_wait3A_341 = arith.constant 0 : i32
    %dma_wait3A_342 = tpu.memref_slice %arg5[%dma_wait3A_331, %dma_wait3A_332, %add3A, %dma_wait3A_340, %dma_wait3A_341] : memref<200x8x32x8x128xf32, #tpu.memory_space<hbm>> -> memref<1x1x1x8x128xf32, #tpu.memory_space<hbm>>
    %dma_wait3A_343 = tpu.memref_squeeze %dma_wait3A_342 : memref<1x1x1x8x128xf32, #tpu.memory_space<hbm>> -> memref<8x128xf32, #tpu.memory_space<hbm>>
    %dma_wait3A_344 = arith.constant 16 : i32
    %dma_wait3A_345 = arith.constant 0 : i32
    %dma_wait3A_346 = tpu.memref_slice %arg14[%dma_wait3A_344, %dma_wait3A_345] : memref<64x129xf32, #tpu.memory_space<vmem>> -> memref<8x128xf32, #tpu.memory_space<vmem>>
    tpu.wait_dma2 semaphore(%arg22 : memref<!tpu.dma_semaphore, #tpu.memory_space<semaphore_mem>>) src(%dma_wait3A_346 : memref<8x128xf32, #tpu.memory_space<vmem>>) dst(%dma_wait3A_343 : memref<8x128xf32, #tpu.memory_space<hbm>>)
    %dma_wait3A_347 = arith.constant 198 : i32
    %dma_wait3A_348 = arith.constant 3 : i32
    %dma_wait3A_349 = arith.constant 24 : i32
    %dma_wait3A_350 = arith.constant 0 : i32
    %dma_wait3A_351 = tpu.memref_slice %arg14[%dma_wait3A_349, %dma_wait3A_350] : memref<64x129xf32, #tpu.memory_space<vmem>> -> memref<8x128xf32, #tpu.memory_space<vmem>>
    %dma_wait3A_352 = arith.constant 0 : i32
    %dma_wait3A_353 = arith.constant 0 : i32
    %dma_wait3A_354 = tpu.memref_slice %arg5[%dma_wait3A_347, %dma_wait3A_348, %add3A, %dma_wait3A_352, %dma_wait3A_353] : memref<200x8x32x8x128xf32, #tpu.memory_space<hbm>> -> memref<1x1x1x8x128xf32, #tpu.memory_space<hbm>>
    %dma_wait3A_355 = tpu.memref_squeeze %dma_wait3A_354 : memref<1x1x1x8x128xf32, #tpu.memory_space<hbm>> -> memref<8x128xf32, #tpu.memory_space<hbm>>
    %dma_wait3A_356 = arith.constant 0 : i32
    %dma_wait3A_357 = arith.constant 0 : i32
    %dma_wait3A_358 = tpu.memref_slice %arg5[%dma_wait3A_347, %dma_wait3A_348, %add3A, %dma_wait3A_356, %dma_wait3A_357] : memref<200x8x32x8x128xf32, #tpu.memory_space<hbm>> -> memref<1x1x1x8x128xf32, #tpu.memory_space<hbm>>
    %dma_wait3A_359 = tpu.memref_squeeze %dma_wait3A_358 : memref<1x1x1x8x128xf32, #tpu.memory_space<hbm>> -> memref<8x128xf32, #tpu.memory_space<hbm>>
    %dma_wait3A_360 = arith.constant 24 : i32
    %dma_wait3A_361 = arith.constant 0 : i32
    %dma_wait3A_362 = tpu.memref_slice %arg14[%dma_wait3A_360, %dma_wait3A_361] : memref<64x129xf32, #tpu.memory_space<vmem>> -> memref<8x128xf32, #tpu.memory_space<vmem>>
    tpu.wait_dma2 semaphore(%arg22 : memref<!tpu.dma_semaphore, #tpu.memory_space<semaphore_mem>>) src(%dma_wait3A_362 : memref<8x128xf32, #tpu.memory_space<vmem>>) dst(%dma_wait3A_359 : memref<8x128xf32, #tpu.memory_space<hbm>>)
    %dma_wait3A_363 = arith.constant 198 : i32
    %dma_wait3A_364 = arith.constant 4 : i32
    %dma_wait3A_365 = arith.constant 32 : i32
    %dma_wait3A_366 = arith.constant 0 : i32
    %dma_wait3A_367 = tpu.memref_slice %arg14[%dma_wait3A_365, %dma_wait3A_366] : memref<64x129xf32, #tpu.memory_space<vmem>> -> memref<8x128xf32, #tpu.memory_space<vmem>>
    %dma_wait3A_368 = arith.constant 0 : i32
    %dma_wait3A_369 = arith.constant 0 : i32
    %dma_wait3A_370 = tpu.memref_slice %arg5[%dma_wait3A_363, %dma_wait3A_364, %add3A, %dma_wait3A_368, %dma_wait3A_369] : memref<200x8x32x8x128xf32, #tpu.memory_space<hbm>> -> memref<1x1x1x8x128xf32, #tpu.memory_space<hbm>>
    %dma_wait3A_371 = tpu.memref_squeeze %dma_wait3A_370 : memref<1x1x1x8x128xf32, #tpu.memory_space<hbm>> -> memref<8x128xf32, #tpu.memory_space<hbm>>
    %dma_wait3A_372 = arith.constant 0 : i32
    %dma_wait3A_373 = arith.constant 0 : i32
    %dma_wait3A_374 = tpu.memref_slice %arg5[%dma_wait3A_363, %dma_wait3A_364, %add3A, %dma_wait3A_372, %dma_wait3A_373] : memref<200x8x32x8x128xf32, #tpu.memory_space<hbm>> -> memref<1x1x1x8x128xf32, #tpu.memory_space<hbm>>
    %dma_wait3A_375 = tpu.memref_squeeze %dma_wait3A_374 : memref<1x1x1x8x128xf32, #tpu.memory_space<hbm>> -> memref<8x128xf32, #tpu.memory_space<hbm>>
    %dma_wait3A_376 = arith.constant 32 : i32
    %dma_wait3A_377 = arith.constant 0 : i32
    %dma_wait3A_378 = tpu.memref_slice %arg14[%dma_wait3A_376, %dma_wait3A_377] : memref<64x129xf32, #tpu.memory_space<vmem>> -> memref<8x128xf32, #tpu.memory_space<vmem>>
    tpu.wait_dma2 semaphore(%arg22 : memref<!tpu.dma_semaphore, #tpu.memory_space<semaphore_mem>>) src(%dma_wait3A_378 : memref<8x128xf32, #tpu.memory_space<vmem>>) dst(%dma_wait3A_375 : memref<8x128xf32, #tpu.memory_space<hbm>>)
    %dma_wait3A_379 = arith.constant 198 : i32
    %dma_wait3A_380 = arith.constant 5 : i32
    %dma_wait3A_381 = arith.constant 40 : i32
    %dma_wait3A_382 = arith.constant 0 : i32
    %dma_wait3A_383 = tpu.memref_slice %arg14[%dma_wait3A_381, %dma_wait3A_382] : memref<64x129xf32, #tpu.memory_space<vmem>> -> memref<8x128xf32, #tpu.memory_space<vmem>>
    %dma_wait3A_384 = arith.constant 0 : i32
    %dma_wait3A_385 = arith.constant 0 : i32
    %dma_wait3A_386 = tpu.memref_slice %arg5[%dma_wait3A_379, %dma_wait3A_380, %add3A, %dma_wait3A_384, %dma_wait3A_385] : memref<200x8x32x8x128xf32, #tpu.memory_space<hbm>> -> memref<1x1x1x8x128xf32, #tpu.memory_space<hbm>>
    %dma_wait3A_387 = tpu.memref_squeeze %dma_wait3A_386 : memref<1x1x1x8x128xf32, #tpu.memory_space<hbm>> -> memref<8x128xf32, #tpu.memory_space<hbm>>
    %dma_wait3A_388 = arith.constant 0 : i32
    %dma_wait3A_389 = arith.constant 0 : i32
    %dma_wait3A_390 = tpu.memref_slice %arg5[%dma_wait3A_379, %dma_wait3A_380, %add3A, %dma_wait3A_388, %dma_wait3A_389] : memref<200x8x32x8x128xf32, #tpu.memory_space<hbm>> -> memref<1x1x1x8x128xf32, #tpu.memory_space<hbm>>
    %dma_wait3A_391 = tpu.memref_squeeze %dma_wait3A_390 : memref<1x1x1x8x128xf32, #tpu.memory_space<hbm>> -> memref<8x128xf32, #tpu.memory_space<hbm>>
    %dma_wait3A_392 = arith.constant 40 : i32
    %dma_wait3A_393 = arith.constant 0 : i32
    %dma_wait3A_394 = tpu.memref_slice %arg14[%dma_wait3A_392, %dma_wait3A_393] : memref<64x129xf32, #tpu.memory_space<vmem>> -> memref<8x128xf32, #tpu.memory_space<vmem>>
    tpu.wait_dma2 semaphore(%arg22 : memref<!tpu.dma_semaphore, #tpu.memory_space<semaphore_mem>>) src(%dma_wait3A_394 : memref<8x128xf32, #tpu.memory_space<vmem>>) dst(%dma_wait3A_391 : memref<8x128xf32, #tpu.memory_space<hbm>>)
    %dma_wait3A_395 = arith.constant 198 : i32
    %dma_wait3A_396 = arith.constant 6 : i32
    %dma_wait3A_397 = arith.constant 48 : i32
    %dma_wait3A_398 = arith.constant 0 : i32
    %dma_wait3A_399 = tpu.memref_slice %arg14[%dma_wait3A_397, %dma_wait3A_398] : memref<64x129xf32, #tpu.memory_space<vmem>> -> memref<8x128xf32, #tpu.memory_space<vmem>>
    %dma_wait3A_400 = arith.constant 0 : i32
    %dma_wait3A_401 = arith.constant 0 : i32
    %dma_wait3A_402 = tpu.memref_slice %arg5[%dma_wait3A_395, %dma_wait3A_396, %add3A, %dma_wait3A_400, %dma_wait3A_401] : memref<200x8x32x8x128xf32, #tpu.memory_space<hbm>> -> memref<1x1x1x8x128xf32, #tpu.memory_space<hbm>>
    %dma_wait3A_403 = tpu.memref_squeeze %dma_wait3A_402 : memref<1x1x1x8x128xf32, #tpu.memory_space<hbm>> -> memref<8x128xf32, #tpu.memory_space<hbm>>
    %dma_wait3A_404 = arith.constant 0 : i32
    %dma_wait3A_405 = arith.constant 0 : i32
    %dma_wait3A_406 = tpu.memref_slice %arg5[%dma_wait3A_395, %dma_wait3A_396, %add3A, %dma_wait3A_404, %dma_wait3A_405] : memref<200x8x32x8x128xf32, #tpu.memory_space<hbm>> -> memref<1x1x1x8x128xf32, #tpu.memory_space<hbm>>
    %dma_wait3A_407 = tpu.memref_squeeze %dma_wait3A_406 : memref<1x1x1x8x128xf32, #tpu.memory_space<hbm>> -> memref<8x128xf32, #tpu.memory_space<hbm>>
    %dma_wait3A_408 = arith.constant 48 : i32
    %dma_wait3A_409 = arith.constant 0 : i32
    %dma_wait3A_410 = tpu.memref_slice %arg14[%dma_wait3A_408, %dma_wait3A_409] : memref<64x129xf32, #tpu.memory_space<vmem>> -> memref<8x128xf32, #tpu.memory_space<vmem>>
    tpu.wait_dma2 semaphore(%arg22 : memref<!tpu.dma_semaphore, #tpu.memory_space<semaphore_mem>>) src(%dma_wait3A_410 : memref<8x128xf32, #tpu.memory_space<vmem>>) dst(%dma_wait3A_407 : memref<8x128xf32, #tpu.memory_space<hbm>>)
    %dma_wait3A_411 = arith.constant 198 : i32
    %dma_wait3A_412 = arith.constant 7 : i32
    %dma_wait3A_413 = arith.constant 56 : i32
    %dma_wait3A_414 = arith.constant 0 : i32
    %dma_wait3A_415 = tpu.memref_slice %arg14[%dma_wait3A_413, %dma_wait3A_414] : memref<64x129xf32, #tpu.memory_space<vmem>> -> memref<8x128xf32, #tpu.memory_space<vmem>>
    %dma_wait3A_416 = arith.constant 0 : i32
    %dma_wait3A_417 = arith.constant 0 : i32
    %dma_wait3A_418 = tpu.memref_slice %arg5[%dma_wait3A_411, %dma_wait3A_412, %add3A, %dma_wait3A_416, %dma_wait3A_417] : memref<200x8x32x8x128xf32, #tpu.memory_space<hbm>> -> memref<1x1x1x8x128xf32, #tpu.memory_space<hbm>>
    %dma_wait3A_419 = tpu.memref_squeeze %dma_wait3A_418 : memref<1x1x1x8x128xf32, #tpu.memory_space<hbm>> -> memref<8x128xf32, #tpu.memory_space<hbm>>
    %dma_wait3A_420 = arith.constant 0 : i32
    %dma_wait3A_421 = arith.constant 0 : i32
    %dma_wait3A_422 = tpu.memref_slice %arg5[%dma_wait3A_411, %dma_wait3A_412, %add3A, %dma_wait3A_420, %dma_wait3A_421] : memref<200x8x32x8x128xf32, #tpu.memory_space<hbm>> -> memref<1x1x1x8x128xf32, #tpu.memory_space<hbm>>
    %dma_wait3A_423 = tpu.memref_squeeze %dma_wait3A_422 : memref<1x1x1x8x128xf32, #tpu.memory_space<hbm>> -> memref<8x128xf32, #tpu.memory_space<hbm>>
    %dma_wait3A_424 = arith.constant 56 : i32
    %dma_wait3A_425 = arith.constant 0 : i32
    %dma_wait3A_426 = tpu.memref_slice %arg14[%dma_wait3A_424, %dma_wait3A_425] : memref<64x129xf32, #tpu.memory_space<vmem>> -> memref<8x128xf32, #tpu.memory_space<vmem>>
    tpu.wait_dma2 semaphore(%arg22 : memref<!tpu.dma_semaphore, #tpu.memory_space<semaphore_mem>>) src(%dma_wait3A_426 : memref<8x128xf32, #tpu.memory_space<vmem>>) dst(%dma_wait3A_423 : memref<8x128xf32, #tpu.memory_space<hbm>>)
    %dma_wait3A_427 = arith.constant 199 : i32
    %dma_wait3A_428 = arith.constant 0 : i32
    %dma_wait3A_429 = arith.constant 0 : i32
    %dma_wait3A_430 = arith.constant 0 : i32
    %dma_wait3A_431 = tpu.memref_slice %arg15[%dma_wait3A_429, %dma_wait3A_430] : memref<64x129xf32, #tpu.memory_space<vmem>> -> memref<8x128xf32, #tpu.memory_space<vmem>>
    %dma_wait3A_432 = arith.constant 0 : i32
    %dma_wait3A_433 = arith.constant 0 : i32
    %dma_wait3A_434 = tpu.memref_slice %arg5[%dma_wait3A_427, %dma_wait3A_428, %add3A, %dma_wait3A_432, %dma_wait3A_433] : memref<200x8x32x8x128xf32, #tpu.memory_space<hbm>> -> memref<1x1x1x8x128xf32, #tpu.memory_space<hbm>>
    %dma_wait3A_435 = tpu.memref_squeeze %dma_wait3A_434 : memref<1x1x1x8x128xf32, #tpu.memory_space<hbm>> -> memref<8x128xf32, #tpu.memory_space<hbm>>
    %dma_wait3A_436 = arith.constant 0 : i32
    %dma_wait3A_437 = arith.constant 0 : i32
    %dma_wait3A_438 = tpu.memref_slice %arg5[%dma_wait3A_427, %dma_wait3A_428, %add3A, %dma_wait3A_436, %dma_wait3A_437] : memref<200x8x32x8x128xf32, #tpu.memory_space<hbm>> -> memref<1x1x1x8x128xf32, #tpu.memory_space<hbm>>
    %dma_wait3A_439 = tpu.memref_squeeze %dma_wait3A_438 : memref<1x1x1x8x128xf32, #tpu.memory_space<hbm>> -> memref<8x128xf32, #tpu.memory_space<hbm>>
    %dma_wait3A_440 = arith.constant 0 : i32
    %dma_wait3A_441 = arith.constant 0 : i32
    %dma_wait3A_442 = tpu.memref_slice %arg15[%dma_wait3A_440, %dma_wait3A_441] : memref<64x129xf32, #tpu.memory_space<vmem>> -> memref<8x128xf32, #tpu.memory_space<vmem>>
    tpu.wait_dma2 semaphore(%arg23 : memref<!tpu.dma_semaphore, #tpu.memory_space<semaphore_mem>>) src(%dma_wait3A_442 : memref<8x128xf32, #tpu.memory_space<vmem>>) dst(%dma_wait3A_439 : memref<8x128xf32, #tpu.memory_space<hbm>>)
    %dma_wait3A_443 = arith.constant 199 : i32
    %dma_wait3A_444 = arith.constant 1 : i32
    %dma_wait3A_445 = arith.constant 8 : i32
    %dma_wait3A_446 = arith.constant 0 : i32
    %dma_wait3A_447 = tpu.memref_slice %arg15[%dma_wait3A_445, %dma_wait3A_446] : memref<64x129xf32, #tpu.memory_space<vmem>> -> memref<8x128xf32, #tpu.memory_space<vmem>>
    %dma_wait3A_448 = arith.constant 0 : i32
    %dma_wait3A_449 = arith.constant 0 : i32
    %dma_wait3A_450 = tpu.memref_slice %arg5[%dma_wait3A_443, %dma_wait3A_444, %add3A, %dma_wait3A_448, %dma_wait3A_449] : memref<200x8x32x8x128xf32, #tpu.memory_space<hbm>> -> memref<1x1x1x8x128xf32, #tpu.memory_space<hbm>>
    %dma_wait3A_451 = tpu.memref_squeeze %dma_wait3A_450 : memref<1x1x1x8x128xf32, #tpu.memory_space<hbm>> -> memref<8x128xf32, #tpu.memory_space<hbm>>
    %dma_wait3A_452 = arith.constant 0 : i32
    %dma_wait3A_453 = arith.constant 0 : i32
    %dma_wait3A_454 = tpu.memref_slice %arg5[%dma_wait3A_443, %dma_wait3A_444, %add3A, %dma_wait3A_452, %dma_wait3A_453] : memref<200x8x32x8x128xf32, #tpu.memory_space<hbm>> -> memref<1x1x1x8x128xf32, #tpu.memory_space<hbm>>
    %dma_wait3A_455 = tpu.memref_squeeze %dma_wait3A_454 : memref<1x1x1x8x128xf32, #tpu.memory_space<hbm>> -> memref<8x128xf32, #tpu.memory_space<hbm>>
    %dma_wait3A_456 = arith.constant 8 : i32
    %dma_wait3A_457 = arith.constant 0 : i32
    %dma_wait3A_458 = tpu.memref_slice %arg15[%dma_wait3A_456, %dma_wait3A_457] : memref<64x129xf32, #tpu.memory_space<vmem>> -> memref<8x128xf32, #tpu.memory_space<vmem>>
    tpu.wait_dma2 semaphore(%arg23 : memref<!tpu.dma_semaphore, #tpu.memory_space<semaphore_mem>>) src(%dma_wait3A_458 : memref<8x128xf32, #tpu.memory_space<vmem>>) dst(%dma_wait3A_455 : memref<8x128xf32, #tpu.memory_space<hbm>>)
    %dma_wait3A_459 = arith.constant 199 : i32
    %dma_wait3A_460 = arith.constant 2 : i32
    %dma_wait3A_461 = arith.constant 16 : i32
    %dma_wait3A_462 = arith.constant 0 : i32
    %dma_wait3A_463 = tpu.memref_slice %arg15[%dma_wait3A_461, %dma_wait3A_462] : memref<64x129xf32, #tpu.memory_space<vmem>> -> memref<8x128xf32, #tpu.memory_space<vmem>>
    %dma_wait3A_464 = arith.constant 0 : i32
    %dma_wait3A_465 = arith.constant 0 : i32
    %dma_wait3A_466 = tpu.memref_slice %arg5[%dma_wait3A_459, %dma_wait3A_460, %add3A, %dma_wait3A_464, %dma_wait3A_465] : memref<200x8x32x8x128xf32, #tpu.memory_space<hbm>> -> memref<1x1x1x8x128xf32, #tpu.memory_space<hbm>>
    %dma_wait3A_467 = tpu.memref_squeeze %dma_wait3A_466 : memref<1x1x1x8x128xf32, #tpu.memory_space<hbm>> -> memref<8x128xf32, #tpu.memory_space<hbm>>
    %dma_wait3A_468 = arith.constant 0 : i32
    %dma_wait3A_469 = arith.constant 0 : i32
    %dma_wait3A_470 = tpu.memref_slice %arg5[%dma_wait3A_459, %dma_wait3A_460, %add3A, %dma_wait3A_468, %dma_wait3A_469] : memref<200x8x32x8x128xf32, #tpu.memory_space<hbm>> -> memref<1x1x1x8x128xf32, #tpu.memory_space<hbm>>
    %dma_wait3A_471 = tpu.memref_squeeze %dma_wait3A_470 : memref<1x1x1x8x128xf32, #tpu.memory_space<hbm>> -> memref<8x128xf32, #tpu.memory_space<hbm>>
    %dma_wait3A_472 = arith.constant 16 : i32
    %dma_wait3A_473 = arith.constant 0 : i32
    %dma_wait3A_474 = tpu.memref_slice %arg15[%dma_wait3A_472, %dma_wait3A_473] : memref<64x129xf32, #tpu.memory_space<vmem>> -> memref<8x128xf32, #tpu.memory_space<vmem>>
    tpu.wait_dma2 semaphore(%arg23 : memref<!tpu.dma_semaphore, #tpu.memory_space<semaphore_mem>>) src(%dma_wait3A_474 : memref<8x128xf32, #tpu.memory_space<vmem>>) dst(%dma_wait3A_471 : memref<8x128xf32, #tpu.memory_space<hbm>>)
    %dma_wait3A_475 = arith.constant 199 : i32
    %dma_wait3A_476 = arith.constant 3 : i32
    %dma_wait3A_477 = arith.constant 24 : i32
    %dma_wait3A_478 = arith.constant 0 : i32
    %dma_wait3A_479 = tpu.memref_slice %arg15[%dma_wait3A_477, %dma_wait3A_478] : memref<64x129xf32, #tpu.memory_space<vmem>> -> memref<8x128xf32, #tpu.memory_space<vmem>>
    %dma_wait3A_480 = arith.constant 0 : i32
    %dma_wait3A_481 = arith.constant 0 : i32
    %dma_wait3A_482 = tpu.memref_slice %arg5[%dma_wait3A_475, %dma_wait3A_476, %add3A, %dma_wait3A_480, %dma_wait3A_481] : memref<200x8x32x8x128xf32, #tpu.memory_space<hbm>> -> memref<1x1x1x8x128xf32, #tpu.memory_space<hbm>>
    %dma_wait3A_483 = tpu.memref_squeeze %dma_wait3A_482 : memref<1x1x1x8x128xf32, #tpu.memory_space<hbm>> -> memref<8x128xf32, #tpu.memory_space<hbm>>
    %dma_wait3A_484 = arith.constant 0 : i32
    %dma_wait3A_485 = arith.constant 0 : i32
    %dma_wait3A_486 = tpu.memref_slice %arg5[%dma_wait3A_475, %dma_wait3A_476, %add3A, %dma_wait3A_484, %dma_wait3A_485] : memref<200x8x32x8x128xf32, #tpu.memory_space<hbm>> -> memref<1x1x1x8x128xf32, #tpu.memory_space<hbm>>
    %dma_wait3A_487 = tpu.memref_squeeze %dma_wait3A_486 : memref<1x1x1x8x128xf32, #tpu.memory_space<hbm>> -> memref<8x128xf32, #tpu.memory_space<hbm>>
    %dma_wait3A_488 = arith.constant 24 : i32
    %dma_wait3A_489 = arith.constant 0 : i32
    %dma_wait3A_490 = tpu.memref_slice %arg15[%dma_wait3A_488, %dma_wait3A_489] : memref<64x129xf32, #tpu.memory_space<vmem>> -> memref<8x128xf32, #tpu.memory_space<vmem>>
    tpu.wait_dma2 semaphore(%arg23 : memref<!tpu.dma_semaphore, #tpu.memory_space<semaphore_mem>>) src(%dma_wait3A_490 : memref<8x128xf32, #tpu.memory_space<vmem>>) dst(%dma_wait3A_487 : memref<8x128xf32, #tpu.memory_space<hbm>>)
    %dma_wait3A_491 = arith.constant 199 : i32
    %dma_wait3A_492 = arith.constant 4 : i32
    %dma_wait3A_493 = arith.constant 32 : i32
    %dma_wait3A_494 = arith.constant 0 : i32
    %dma_wait3A_495 = tpu.memref_slice %arg15[%dma_wait3A_493, %dma_wait3A_494] : memref<64x129xf32, #tpu.memory_space<vmem>> -> memref<8x128xf32, #tpu.memory_space<vmem>>
    %dma_wait3A_496 = arith.constant 0 : i32
    %dma_wait3A_497 = arith.constant 0 : i32
    %dma_wait3A_498 = tpu.memref_slice %arg5[%dma_wait3A_491, %dma_wait3A_492, %add3A, %dma_wait3A_496, %dma_wait3A_497] : memref<200x8x32x8x128xf32, #tpu.memory_space<hbm>> -> memref<1x1x1x8x128xf32, #tpu.memory_space<hbm>>
    %dma_wait3A_499 = tpu.memref_squeeze %dma_wait3A_498 : memref<1x1x1x8x128xf32, #tpu.memory_space<hbm>> -> memref<8x128xf32, #tpu.memory_space<hbm>>
    %dma_wait3A_500 = arith.constant 0 : i32
    %dma_wait3A_501 = arith.constant 0 : i32
    %dma_wait3A_502 = tpu.memref_slice %arg5[%dma_wait3A_491, %dma_wait3A_492, %add3A, %dma_wait3A_500, %dma_wait3A_501] : memref<200x8x32x8x128xf32, #tpu.memory_space<hbm>> -> memref<1x1x1x8x128xf32, #tpu.memory_space<hbm>>
    %dma_wait3A_503 = tpu.memref_squeeze %dma_wait3A_502 : memref<1x1x1x8x128xf32, #tpu.memory_space<hbm>> -> memref<8x128xf32, #tpu.memory_space<hbm>>
    %dma_wait3A_504 = arith.constant 32 : i32
    %dma_wait3A_505 = arith.constant 0 : i32
    %dma_wait3A_506 = tpu.memref_slice %arg15[%dma_wait3A_504, %dma_wait3A_505] : memref<64x129xf32, #tpu.memory_space<vmem>> -> memref<8x128xf32, #tpu.memory_space<vmem>>
    tpu.wait_dma2 semaphore(%arg23 : memref<!tpu.dma_semaphore, #tpu.memory_space<semaphore_mem>>) src(%dma_wait3A_506 : memref<8x128xf32, #tpu.memory_space<vmem>>) dst(%dma_wait3A_503 : memref<8x128xf32, #tpu.memory_space<hbm>>)
    %dma_wait3A_507 = arith.constant 199 : i32
    %dma_wait3A_508 = arith.constant 5 : i32
    %dma_wait3A_509 = arith.constant 40 : i32
    %dma_wait3A_510 = arith.constant 0 : i32
    %dma_wait3A_511 = tpu.memref_slice %arg15[%dma_wait3A_509, %dma_wait3A_510] : memref<64x129xf32, #tpu.memory_space<vmem>> -> memref<8x128xf32, #tpu.memory_space<vmem>>
    %dma_wait3A_512 = arith.constant 0 : i32
    %dma_wait3A_513 = arith.constant 0 : i32
    %dma_wait3A_514 = tpu.memref_slice %arg5[%dma_wait3A_507, %dma_wait3A_508, %add3A, %dma_wait3A_512, %dma_wait3A_513] : memref<200x8x32x8x128xf32, #tpu.memory_space<hbm>> -> memref<1x1x1x8x128xf32, #tpu.memory_space<hbm>>
    %dma_wait3A_515 = tpu.memref_squeeze %dma_wait3A_514 : memref<1x1x1x8x128xf32, #tpu.memory_space<hbm>> -> memref<8x128xf32, #tpu.memory_space<hbm>>
    %dma_wait3A_516 = arith.constant 0 : i32
    %dma_wait3A_517 = arith.constant 0 : i32
    %dma_wait3A_518 = tpu.memref_slice %arg5[%dma_wait3A_507, %dma_wait3A_508, %add3A, %dma_wait3A_516, %dma_wait3A_517] : memref<200x8x32x8x128xf32, #tpu.memory_space<hbm>> -> memref<1x1x1x8x128xf32, #tpu.memory_space<hbm>>
    %dma_wait3A_519 = tpu.memref_squeeze %dma_wait3A_518 : memref<1x1x1x8x128xf32, #tpu.memory_space<hbm>> -> memref<8x128xf32, #tpu.memory_space<hbm>>
    %dma_wait3A_520 = arith.constant 40 : i32
    %dma_wait3A_521 = arith.constant 0 : i32
    %dma_wait3A_522 = tpu.memref_slice %arg15[%dma_wait3A_520, %dma_wait3A_521] : memref<64x129xf32, #tpu.memory_space<vmem>> -> memref<8x128xf32, #tpu.memory_space<vmem>>
    tpu.wait_dma2 semaphore(%arg23 : memref<!tpu.dma_semaphore, #tpu.memory_space<semaphore_mem>>) src(%dma_wait3A_522 : memref<8x128xf32, #tpu.memory_space<vmem>>) dst(%dma_wait3A_519 : memref<8x128xf32, #tpu.memory_space<hbm>>)
    %dma_wait3A_523 = arith.constant 199 : i32
    %dma_wait3A_524 = arith.constant 6 : i32
    %dma_wait3A_525 = arith.constant 48 : i32
    %dma_wait3A_526 = arith.constant 0 : i32
    %dma_wait3A_527 = tpu.memref_slice %arg15[%dma_wait3A_525, %dma_wait3A_526] : memref<64x129xf32, #tpu.memory_space<vmem>> -> memref<8x128xf32, #tpu.memory_space<vmem>>
    %dma_wait3A_528 = arith.constant 0 : i32
    %dma_wait3A_529 = arith.constant 0 : i32
    %dma_wait3A_530 = tpu.memref_slice %arg5[%dma_wait3A_523, %dma_wait3A_524, %add3A, %dma_wait3A_528, %dma_wait3A_529] : memref<200x8x32x8x128xf32, #tpu.memory_space<hbm>> -> memref<1x1x1x8x128xf32, #tpu.memory_space<hbm>>
    %dma_wait3A_531 = tpu.memref_squeeze %dma_wait3A_530 : memref<1x1x1x8x128xf32, #tpu.memory_space<hbm>> -> memref<8x128xf32, #tpu.memory_space<hbm>>
    %dma_wait3A_532 = arith.constant 0 : i32
    %dma_wait3A_533 = arith.constant 0 : i32
    %dma_wait3A_534 = tpu.memref_slice %arg5[%dma_wait3A_523, %dma_wait3A_524, %add3A, %dma_wait3A_532, %dma_wait3A_533] : memref<200x8x32x8x128xf32, #tpu.memory_space<hbm>> -> memref<1x1x1x8x128xf32, #tpu.memory_space<hbm>>
    %dma_wait3A_535 = tpu.memref_squeeze %dma_wait3A_534 : memref<1x1x1x8x128xf32, #tpu.memory_space<hbm>> -> memref<8x128xf32, #tpu.memory_space<hbm>>
    %dma_wait3A_536 = arith.constant 48 : i32
    %dma_wait3A_537 = arith.constant 0 : i32
    %dma_wait3A_538 = tpu.memref_slice %arg15[%dma_wait3A_536, %dma_wait3A_537] : memref<64x129xf32, #tpu.memory_space<vmem>> -> memref<8x128xf32, #tpu.memory_space<vmem>>
    tpu.wait_dma2 semaphore(%arg23 : memref<!tpu.dma_semaphore, #tpu.memory_space<semaphore_mem>>) src(%dma_wait3A_538 : memref<8x128xf32, #tpu.memory_space<vmem>>) dst(%dma_wait3A_535 : memref<8x128xf32, #tpu.memory_space<hbm>>)
    %dma_wait3A_539 = arith.constant 199 : i32
    %dma_wait3A_540 = arith.constant 7 : i32
    %dma_wait3A_541 = arith.constant 56 : i32
    %dma_wait3A_542 = arith.constant 0 : i32
    %dma_wait3A_543 = tpu.memref_slice %arg15[%dma_wait3A_541, %dma_wait3A_542] : memref<64x129xf32, #tpu.memory_space<vmem>> -> memref<8x128xf32, #tpu.memory_space<vmem>>
    %dma_wait3A_544 = arith.constant 0 : i32
    %dma_wait3A_545 = arith.constant 0 : i32
    %dma_wait3A_546 = tpu.memref_slice %arg5[%dma_wait3A_539, %dma_wait3A_540, %add3A, %dma_wait3A_544, %dma_wait3A_545] : memref<200x8x32x8x128xf32, #tpu.memory_space<hbm>> -> memref<1x1x1x8x128xf32, #tpu.memory_space<hbm>>
    %dma_wait3A_547 = tpu.memref_squeeze %dma_wait3A_546 : memref<1x1x1x8x128xf32, #tpu.memory_space<hbm>> -> memref<8x128xf32, #tpu.memory_space<hbm>>
    %dma_wait3A_548 = arith.constant 0 : i32
    %dma_wait3A_549 = arith.constant 0 : i32
    %dma_wait3A_550 = tpu.memref_slice %arg5[%dma_wait3A_539, %dma_wait3A_540, %add3A, %dma_wait3A_548, %dma_wait3A_549] : memref<200x8x32x8x128xf32, #tpu.memory_space<hbm>> -> memref<1x1x1x8x128xf32, #tpu.memory_space<hbm>>
    %dma_wait3A_551 = tpu.memref_squeeze %dma_wait3A_550 : memref<1x1x1x8x128xf32, #tpu.memory_space<hbm>> -> memref<8x128xf32, #tpu.memory_space<hbm>>
    %dma_wait3A_552 = arith.constant 56 : i32
    %dma_wait3A_553 = arith.constant 0 : i32
    %dma_wait3A_554 = tpu.memref_slice %arg15[%dma_wait3A_552, %dma_wait3A_553] : memref<64x129xf32, #tpu.memory_space<vmem>> -> memref<8x128xf32, #tpu.memory_space<vmem>>
    tpu.wait_dma2 semaphore(%arg23 : memref<!tpu.dma_semaphore, #tpu.memory_space<semaphore_mem>>) src(%dma_wait3A_554 : memref<8x128xf32, #tpu.memory_space<vmem>>) dst(%dma_wait3A_551 : memref<8x128xf32, #tpu.memory_space<hbm>>)
    return
  }
}

</mosaic_0001>

<sc_bundles>
// kernel: _run.3.cloned.1.call-start
scs
__scs_entry_jumppad:
0x0: {  	(pc) =	sbr.rel $0x88, $3  }
0x1: {  	(tag) =	ssettag $0x0;
	lr =	simm.s32 $0x1  }
0x2: {  	[smem:$0x3F9E] =	sst lr;
	_ =	strace $0xD0000000  }
0x3: {  	_ = 	snop  }
0x4: {  	_ = 	snop  }
0x5: {  	_ = 	snop  }
0x6: {  	_ = 	snop  }
0x7: {  	_ = 	snop  }
__scs_overlays_trampoline_lowered:
0x8: {  	[smem:$0x3FAD] =	sst s0  }
0x9: {  	[smem:$0x3FAE] =	sst s1  }
0xa: {  	[smem:$0x3FAF] =	sst s2  }
0xb: {  	[smem:$0x3FB0] =	sst s3  }
0xc: {  	[smem:$0x3FB1] =	sst s4  }
0xd: {  	[smem:$0x3FB2] =	sst s5  }
0xe: {  	[smem:$0x3FB3] =	sst s6  }
0xf: {  	[smem:$0x3FB4] =	sst s7  }
0x10: {  	[smem:$0x3FB5] =	sst s8  }
0x11: {  	[smem:$0x3FB6] =	sst s9;
	s0 =	simm.s32 @!p0 $0x0  }
0x12: {  	s1 =	sld [smem:$0x3F9C];
	s0 =	simm.s32 @p0 $0x1  }
0x13: {  	[smem:$0x3FB7] =	sst s0;
	s0 =	simm.s32 @!p1 $0x0  }
0x14: {  	s2 =	sld [smem:$0x3F9B];
	s0 =	simm.s32 @p1 $0x1  }
0x15: {  	[smem:$0x3FB8] =	sst s0;
	s0 =	simm.s32 @!p2 $0x0  }
0x16: {  	s3 =	sld [smem:$0x3FDB];
	s0 =	simm.s32 @p2 $0x1  }
0x17: {  	s4 =	simm.s32 $0x1BF5;
	[smem:$0x3FBA] =	sst s0  }
0x18: {  	s0 =	sld [smem:$0x3F9D];
	_ =	swait.ge [sflag:s4], $0x0  }
0x19: {  	s7 =	sld [smem:$0x3F9E]  }
0x1a: {  	s8 =	sadd.s32 $0xFFFFE003, lr  }
0x1b: {  	s9 =	sadd.s32 $0xFFFFFEF7, lr;
	s5 =	simm.s32 $0xFFFFFFFF;
	p2 =	slt.u32 s8, $0xFFFFF086  }
0x1c: {  	p1 =	slt.u32 s9, $0xF7A;
	s5 =	simm.s32 @!p2 $0x0  }
0x1d: {  	s5 =	simm.s32 @p1 $0x1;
	p0 =	seq.s32 s7, s2  }
0x1e: {  	s7 =	smul.u32 @!p0 $0xF7A, s2;
	p2 =	seq.s32 @!p0 s5, $0x0  }
0x1f: {  	s9 =	smul.u32 $0xF7A, s1;
	s8 =	simm.s32 @!p0 $0x1BF5;
	p2 =	por !p2, p0  }
0x20: {  	[sflag:s8] =	ssyncset.s32 @!p0 $0xFFFFF086;
	s6 =	sadd.s32 @!p0 s3, s7;
	s7 =	simm.s32 @!p0 $0x108  }
0x21: {  	s3 =	sadd.s32 s3, s9;
	s6 =	sadd.s32 @!p0 $0x88, s6;
	s7 =	simm.s32 @p2 $0x1082  }
0x22: {  	[simem:s7], [sflag:s8] =	dma.local @!p0 [hbm:s6], $0xF7A  }
0x23: {  	s9 =	sor.u32 $0xD0000000, s2;
	s6 =	simm.s32 $0x108;
	_ =	swait.ge @!p0 [sflag:s8], $0x0  }
0x24: {  	s3 =	sadd.s32 $0x88, s3;
	s6 =	simm.s32 @!p1 $0x1082;
	[sflag:s4] =	ssyncset.s32 $0xFFFFF086  }
0x25: {  	[simem:s6], [sflag:s4] =	dma.local [hbm:s3], $0xF7A  }
0x26: {  	[smem:$0x3F9E] =	sst s1;
	(tag) =	ssettag s2;
	_ =	strace s9  }
0x27: {  	s1 =	sld [smem:$0x3FAE]  }
0x28: {  	s2 =	sld [smem:$0x3FAF]  }
0x29: {  	s4 =	sld [smem:$0x3FB1]  }
0x2a: {  	p0 =	seq.s32 s5, $0x0;
	s5 =	sld [smem:$0x3FB2]  }
0x2b: {  	s6 =	sld [smem:$0x3FB3]  }
0x2c: {  	s7 =	sld [smem:$0x3FB4]  }
0x2d: {  	s3 =	simm.s32 $0x108;
	s8 =	sld [smem:$0x3FB5]  }
0x2e: {  	s3 =	simm.s32 @!p0 $0x1082;
	s9 =	sld [smem:$0x3FB6]  }
0x2f: {  	lr =	sadd.s32 s0, s3;
	s0 =	sld [smem:$0x3FAD]  }
0x30: {  	s3 =	sld [smem:$0x3FB0]  }
0x31: {  	[smem:$0x3FB9] =	sst s10  }
0x32: {  	s10 =	sld [smem:$0x3FB7];
	_ =	sdelay $0x3  }
0x33: {  	p0 =	seq.s32 s10, $0x1;
	s10 =	sld [smem:$0x3FB9];
	_ =	sdelay $0x3  }
0x34: {  	[smem:$0x3FB9] =	sst s10  }
0x35: {  	s10 =	sld [smem:$0x3FB8];
	_ =	sdelay $0x3  }
0x36: {  	p1 =	seq.s32 s10, $0x1;
	s10 =	sld [smem:$0x3FB9];
	_ =	sdelay $0x3  }
0x37: {  	[smem:$0x3FB9] =	sst s10  }
0x38: {  	s10 =	sld [smem:$0x3FBA]  }
0x39: {  	_ = 	snop;
	(pc) =	sbr.ind lr, $3  }
0x3a: {  	_ = 	snop  }
0x3b: {  	_ = 	snop  }
0x3c: {  	p2 =	seq.s32 s10, $0x1;
	s10 =	sld [smem:$0x3FB9]  }
0x3d: {  	_ =	shalt  }
0x3e: {  	_ =	shalt  }
0x3f: {  	_ =	shalt  }
0x40: {  	_ =	shalt  }
0x41: {  	_ =	shalt  }
0x42: {  	_ =	shalt  }
0x43: {  	_ =	shalt  }
0x44: {  	_ =	shalt  }
0x45: {  	_ =	shalt  }
0x46: {  	_ =	shalt  }
0x47: {  	_ =	shalt  }
0x48: {  	_ =	shalt  }
0x49: {  	_ =	shalt  }
0x4a: {  	_ =	shalt  }
0x4b: {  	_ =	shalt  }
0x4c: {  	_ =	shalt  }
0x4d: {  	_ =	shalt  }
0x4e: {  	_ =	shalt  }
0x4f: {  	_ =	shalt  }
0x50: {  	_ =	shalt  }
0x51: {  	_ =	shalt  }
0x52: {  	_ =	shalt  }
0x53: {  	_ =	shalt  }
0x54: {  	_ =	shalt  }
0x55: {  	_ =	shalt  }
0x56: {  	_ =	shalt  }
0x57: {  	_ =	shalt  }
0x58: {  	_ =	shalt  }
0x59: {  	_ =	shalt  }
0x5a: {  	_ =	shalt  }
0x5b: {  	_ =	shalt  }
0x5c: {  	_ =	shalt  }
0x5d: {  	_ =	shalt  }
0x5e: {  	_ =	shalt  }
0x5f: {  	_ =	shalt  }
0x60: {  	_ =	shalt  }
0x61: {  	_ =	shalt  }
0x62: {  	_ =	shalt  }
0x63: {  	_ =	shalt  }
0x64: {  	_ =	shalt  }
0x65: {  	_ =	shalt  }
0x66: {  	_ =	shalt  }
0x67: {  	_ =	shalt  }
0x68: {  	_ =	shalt  }
0x69: {  	_ =	shalt  }
0x6a: {  	_ =	shalt  }
0x6b: {  	_ =	shalt  }
0x6c: {  	_ =	shalt  }
0x6d: {  	_ =	shalt  }
0x6e: {  	_ =	shalt  }
0x6f: {  	_ =	shalt  }
0x70: {  	_ =	shalt  }
0x71: {  	_ =	shalt  }
0x72: {  	_ =	shalt  }
0x73: {  	_ =	shalt  }
0x74: {  	_ =	shalt  }
0x75: {  	_ =	shalt  }
0x76: {  	_ =	shalt  }
0x77: {  	_ =	shalt  }
0x78: {  	_ =	shalt  }
0x79: {  	_ =	shalt  }
0x7a: {  	_ =	shalt  }
0x7b: {  	_ =	shalt  }
0x7c: {  	_ =	shalt  }
0x7d: {  	_ =	shalt  }
0x7e: {  	_ =	shalt  }
0x7f: {  	_ =	shalt  }
0x80: {  	_ =	shalt  }
0x81: {  	_ =	shalt  }
0x82: {  	_ =	shalt  }
0x83: {  	_ =	shalt  }
0x84: {  	_ =	shalt  }
0x85: {  	_ =	shalt  }
0x86: {  	_ =	shalt  }
0x87: {  	_ =	shalt  }
.Lfunc_end0:
.L_simem_size_0:
called_computation_lowered:
.L_overlay_start_0:
0x88: {  	s2 =	sld [smem:$0x3FD9]  }
0x89: {  	s3 =	sld [smem:$0x3FFE];
	_ =	sdelay $0x1  }
0x8a: {  	s1 =	srdreg.scid  }
0x8b: {  	s0 =	sand.u32 $0x1, s1  }
0x8c: {  	s17 =	sshll.u32 s0, $0xA;
	s2 =	sadd.s32 s3, s2  }
0x8d: {  	s2 =	sadd.s32 s2, s17  }
0x8e: {  	[smem:$0x3FC5] =	sst s2  }
0x8f: {  	_ = 	snop  }
0x90: {  	s2 =	sld [smem:$0x3FC9]  }
0x91: {  	s18 =	sld [smem:$0x3FD0];
	(tm) =	ssettm $0x1  }
0x92: {  	s4 =	sld [smem:$0x3FFB];
	_ =	sdelay $0x3  }
0x93: {  	_ =	strace s4  }
0x94: {  	s4 =	sld [smem:$0x3FFC];
	_ =	sdelay $0x3  }
0x95: {  	_ =	strace s4  }
0x96: {  	s4 =	sld [smem:$0x3FFD];
	_ =	sdelay $0x3  }
0x97: {  	_ =	strace s4  }
0x98: {  	_ =	strace $0x8FFFFFFF  }
0x99: {  	s19 =	sld [smem:$0x3FDB];
	_ =	sdelay $0x1  }
0x9a: {  	s5 =	simm.s32 $_scs_section_size  }
0x9b: {  	s6 =	simm.s32 $_size__tile_overlayer_lowered;
	s7 =	simm.s32 $_tile_overlayer_lowered  }
0x9c: {  	s22 =	simm.s32 $0x1BFF;
	s21 =	sshll.u32 s7, $0x1;
	s4 =	sadd.s32 s5, s19  }
0x9d: {  	s8 =	simm.s32 $0x0;
	s20 =	sshll.u32 s6, $0x1;
	s6 =	sadd.s32 s21, s4  }
0x9e: {  	[timem:s8], [sflag:s22] =	dma.local [hbm:s6], s20  }
0x9f: {  	_ =	swait.ge [sflag:s22], s20  }
0xa0: {  	s5 =	ssub.s32 $0x0, s20;
	[sflag:s22] =	ssyncset.done $0x0  }
0xa1: {  	[sflag:s22] =	ssyncadd.s32 s5;
	_ =	sdelay $0x1  }
0xa2: {  	s23 =	simm.s32 $0x1B8B  }
0xa3: {  	_ =	swait.ge [sflag:s23], $0x1  }
0xa4: {  	[sflag:s23] =	ssyncset.done $0x0  }
0xa5: {  	s25 =	simm.s32 $0x1B8E;
	s24 =	sld [smem:$0x3FFE];
	[sflag:s23] =	ssyncadd.s32 $0xFFFFFFFF  }
0xa6: {  	s26 =	simm.s32 $execute0_lowered;
	[smem:$0x3FD2] =	sst s25  }
0xa7: {  	s6 =	sshll.u32 s26, $0x1;
	_ =	strace $0x80000046;
	[dreg:$0x1] =	wrdreg $0xFFFFFFFF  }
0xa8: {  	s28 =	simm.s32 $_size_execute0_lowered;
	s4 =	sadd.s32 s4, s6;
	[dreg:$0x0] =	wrdreg $0x0  }
0xa9: {  	s6 =	sshll.u32 s28, $0x1;
	[dreg:$0x2] =	wrdreg s4  }
0xaa: {  	[dreg:$0x3] =	wrdreg s6  }
0xab: {  	[dreg:$0x4] =	wrdreg $0xC0  }
0xac: {  	_ =	task [dreg:s8], $0x5FFFF  }
0xad: {  	[dreg:$0x1] =	wrdreg $0xFFFFFFFF  }
0xae: {  	[dreg:$0x0] =	wrdreg $0x60  }
0xaf: {  	[dreg:$0x2] =	wrdreg s2  }
0xb0: {  	[dreg:$0x3] =	wrdreg s24  }
0xb1: {  	[dreg:$0x4] =	wrdreg s18  }
0xb2: {  	[dreg:$0x5] =	wrdreg $0x9  }
0xb3: {  	_ =	task.clear_ibuf [dreg:s8], $0x6FFFF;
	_ =	strace $0x90000046  }
0xb4: {  	s29 =	simm.s32 $0x9;
	_ =	strace $0x80000048  }
0xb5: {  	_ =	swait.ge [sflag:s29], $0x1  }
0xb6: {  	[sflag:s29] =	ssyncadd.s32 $0xFFFFFFFF  }
0xb7: {  	_ =	strace $0x90000048  }
0xb8: {  	_ =	sfence  }
0xb9: {  	s30 =	sld [smem:$0x0];
	_ =	sdelay $0x2  }
0xba: {  	s31 =	sshll.u32 s1, $0xD;
	s1 =	sshrl.u32 s1, $0x2  }
0xbb: {  	s3 =	sand.u32 $0x4000, s31;
	s1 =	sadd.s32 s1, s30  }
0xbc: {  	s0 =	sor.u32 s3, s0;
	s1 =	sshll.u32 s1, $0x11  }
0xbd: {  	s0 =	sor.u32 s1, s0  }
0xbe: {  	s0 =	sadd.s32 $0x8F2B, s0  }
0xbf: {  	[sflag:s0] =	ssyncadd.remote.s32 $0x1  }
0xc0: {  	_ =	sfence.sel $0xFFFF  }
0xc1: {  	[dreg:$0x0] =	wrdreg $0xFFFFFFFF;
	(pc) =	sbr.abs _section_cstart, $3  }
0xc2: {  	[dreg:$0x1] =	wrdreg $0xFFFFFFFF  }
0xc3: {  	_ =	task.clear_ibuf [dreg:s8], $0x2FFFF;
	_ =	strace $0x9FFFFFFF  }
0xc4: {  	(tm) =	ssettm $0x7FFFFFFF  }
0xc5: {  	_ =	shalt  }
tec
execute0_lowered:
.L_overlay_start_1:
0x0: {  	(tag) =	ssettag $0x1  }
0x1: {  	s0 =	rddreg [dreg:$0x0];
	v0 =	vlaneseq.u32  }
0x2: {  	s1 =	rddreg [dreg:$0x1];
	s3 =	simm.s32 $0x0;
	v61 =	vmul.u32 $0x88, v0  }
0x3: {  	[smem:$0x7FF] =	sst s3  }
0x4: {  	s2 =	rddreg [dreg:$0x2];
	_ =	strace $0x80000047;
	v0 =	vor.u32 $0x3, v61;
	[tilespmem:$0x1FFC0] =	vst v61  }
0x5: {  	v56 =	vadd.s32 $0x880, v61;
	[tilespmem:$0x1FE10] =	vst v0  }
0x6: {  	v57 =	vadd.s32 $0x1100, v61;
	[tilespmem:$0x1FEF0] =	vst v56  }
0x7: {  	v58 =	vadd.s32 $0x1980, v61;
	[tilespmem:$0x1FF00] =	vst v57  }
0x8: {  	v59 =	vor.u32 $0x1, v61;
	[tilespmem:$0x1FF10] =	vst v58  }
0x9: {  	v60 =	vadd.s32 $0x881, v61;
	[tilespmem:$0x1FF20] =	vst v59  }
0xa: {  	v62 =	vadd.s32 $0x1101, v61;
	[tilespmem:$0x1FF30] =	vst v60  }
0xb: {  	v63 =	vadd.s32 $0x1981, v61;
	[tilespmem:$0x1FF40] =	vst v62  }
0xc: {  	v13 =	vadd.s32 $0x1105, v61;
	[tilespmem:$0x1FF50] =	vst v63  }
0xd: {  	v29 =	vadd.s32 $0x1986, v61;
	[tilespmem:$0x1FF60] =	vst v13  }
0xe: {  	v20 =	vor.u32 $0x2, v61;
	[tilespmem:$0x1FF70] =	vst v29  }
0xf: {  	v2 =	vadd.s32 $0x882, v61;
	[tilespmem:$0x1FF80] =	vst v20  }
0x10: {  	v22 =	vadd.s32 $0x1102, v61;
	[tilespmem:$0x1FF90] =	vst v2  }
0x11: {  	v23 =	vadd.s32 $0x1982, v61;
	[tilespmem:$0x1FFA0] =	vst v22  }
0x12: {  	v8 =	vadd.s32 $0x1985, v61;
	[tilespmem:$0x1FFB0] =	vst v23  }
0x13: {  	v19 =	vadd.s32 $0x885, v61;
	[tilespmem:$0x1FFD0] =	vst v8  }
0x14: {  	v32 =	vor.u32 $0x5, v61;
	[tilespmem:$0x1FFE0] =	vst v19  }
0x15: {  	v0 =	vadd.s32 $0x883, v61;
	[tilespmem:$0x1FFF0] =	vst v32  }
0x16: {  	s4 =	srdreg.scid;
	[tilespmem:$0x1FE20] =	vst v0;
	v0 =	vadd.s32 $0x1103, v61  }
0x17: {  	s5 =	stileid.u32;
	s25 =	simm.s32 $0x1;
	s26 =	simm.s32 $0x11600;
	[tilespmem:$0x1FE30] =	vst v0;
	v0 =	vadd.s32 $0x1983, v61  }
0x18: {  	s28 =	simm.s32 $0x3;
	s29 =	simm.s32 $0x15A00;
	s16 =	simm.s32 $0x4;
	[tilespmem:$0x1FE40] =	vst v0;
	v0 =	vor.u32 $0x4, v61  }
0x19: {  	s24 =	simm.s32 $0x17C00;
	s17 =	simm.s32 $0x18E10;
	s19 =	simm.s32 $0x18E98;
	[tilespmem:$0x1FE50] =	vst v0;
	v0 =	vadd.s32 $0x884, v61  }
0x1a: {  	s18 =	simm.s32 $0x0;
	s4 =	sand.u32 $0x1, s4;
	s5 =	sshll.u32 s5, $0x1;
	[tilespmem:$0x1FE60] =	vst v0;
	v0 =	vadd.s32 $0x1104, v61  }
0x1b: {  	s8 =	sadd.s32 $0x1000, s2;
	s9 =	sadd.s32 $0x2000, s2;
	s10 =	sadd.s32 $0x3000, s2;
	[tilespmem:$0x1FE70] =	vst v0;
	v0 =	vor.u32 $0x6, v61  }
0x1c: {  	s11 =	sadd.s32 $0x4000, s2;
	s12 =	sadd.s32 $0x5000, s2;
	s5 =	sor.u32 s4, s5;
	[tilespmem:$0x1FE80] =	vst v0;
	v0 =	vadd.s32 $0x886, v61  }
0x1d: {  	s13 =	sadd.s32 $0x6000, s2;
	s6 =	ssub.s32 $0x2, s4;
	s7 =	smul.u32 $0xC80, s5;
	[tilespmem:$0x1FE90] =	vst v0;
	v0 =	vadd.s32 $0x1106, v61  }
.Ltmp0:
0x1e: {  	s4 =	sadd.s32 $0xF42A00, s1;
	s1 =	sadd.s32 $0x600, s1;
	[tilespmem:$0x1FEA0] =	vst v0;
	v0 =	vor.u32 $0x7, v61;
	(pc) =	sbr.rel .LBB2_1-.Ltmp0, $4  }
0x1f: {  	s14 =	sadd.s32 $0x7000, s2;
	[dreg:$0x4] =	wrdreg s1;
	s30 =	sshrl.u32 s6, $0x1;
	[tilespmem:$0x1FEB0] =	vst v0;
	v0 =	vadd.s32 $0x887, v61  }
0x20: {  	s1 =	ssub.s32 s6, s30;
	s6 =	simm.s32 $0x13800;
	s0 =	sadd.s32 s0, s7;
	[tilespmem:$0x1FEC0] =	vst v0;
	v0 =	vadd.s32 $0x1107, v61  }
0x21: {  	v1 =	vimm.s32 $0x0;
	vm0 =	vcmask $0x300;
	s7 =	sshll.u32 s5, $0xA;
	s31 =	smax.u32 s1, $0x1;
	[dreg:$0x5] =	wrdreg s0;
	[tilespmem:$0x1FED0] =	vst v0;
	v0 =	vadd.s32 $0x1987, v61  }
0x22: {  	v1 =	vsel vm0, $0x3, v1;
	v31 =	vadd.s32 $0x1984, v61;
	s5 =	simm.s32 $0x2;
	s1 =	simm.s32 $0x18D88;
	[dreg:$0x6] =	wrdreg s31;
	[tilespmem:$0x1FEE0] =	vst v0  }
.LBB2_12:
0x23: {  	s0 =	simm.s32 $0x5  }
0x24: {  	_ =	swait.ge [sflag:s0], $0x400  }
0x25: {  	[sflag:s0] =	ssyncset.done $0x0  }
0x26: {  	[sflag:s0] =	ssyncadd.s32 $0xFFFFFC00  }
0x27: {  	_ =	swait.ge [sflag:s0], $0x400  }
0x28: {  	[sflag:s0] =	ssyncset.done $0x0  }
0x29: {  	[sflag:s0] =	ssyncadd.s32 $0xFFFFFC00  }
0x2a: {  	_ =	swait.ge [sflag:s0], $0x400  }
0x2b: {  	[sflag:s0] =	ssyncset.done $0x0  }
0x2c: {  	[sflag:s0] =	ssyncadd.s32 $0xFFFFFC00  }
0x2d: {  	_ =	swait.ge [sflag:s0], $0x400  }
0x2e: {  	[sflag:s0] =	ssyncset.done $0x0  }
0x2f: {  	[sflag:s0] =	ssyncadd.s32 $0xFFFFFC00  }
0x30: {  	_ =	swait.ge [sflag:s0], $0x400  }
0x31: {  	[sflag:s0] =	ssyncset.done $0x0  }
0x32: {  	[sflag:s0] =	ssyncadd.s32 $0xFFFFFC00  }
0x33: {  	_ =	swait.ge [sflag:s0], $0x400  }
0x34: {  	[sflag:s0] =	ssyncset.done $0x0  }
0x35: {  	[sflag:s0] =	ssyncadd.s32 $0xFFFFFC00  }
0x36: {  	_ =	swait.ge [sflag:s0], $0x400  }
0x37: {  	[sflag:s0] =	ssyncset.done $0x0  }
0x38: {  	[sflag:s0] =	ssyncadd.s32 $0xFFFFFC00  }
0x39: {  	_ =	swait.ge [sflag:s0], $0x400  }
0x3a: {  	[sflag:s0] =	ssyncset.done $0x0  }
0x3b: {  	s23 =	simm.s32 $0x6;
	[sflag:s0] =	ssyncadd.s32 $0xFFFFFC00  }
0x3c: {  	_ =	swait.ge [sflag:s23], $0x400  }
0x3d: {  	[sflag:s23] =	ssyncset.done $0x0  }
0x3e: {  	[sflag:s23] =	ssyncadd.s32 $0xFFFFFC00  }
0x3f: {  	_ =	swait.ge [sflag:s23], $0x400  }
0x40: {  	[sflag:s23] =	ssyncset.done $0x0  }
0x41: {  	[sflag:s23] =	ssyncadd.s32 $0xFFFFFC00  }
0x42: {  	_ =	swait.ge [sflag:s23], $0x400  }
0x43: {  	[sflag:s23] =	ssyncset.done $0x0  }
0x44: {  	[sflag:s23] =	ssyncadd.s32 $0xFFFFFC00  }
0x45: {  	_ =	swait.ge [sflag:s23], $0x400  }
0x46: {  	[sflag:s23] =	ssyncset.done $0x0  }
0x47: {  	[sflag:s23] =	ssyncadd.s32 $0xFFFFFC00  }
0x48: {  	_ =	swait.ge [sflag:s23], $0x400  }
0x49: {  	[sflag:s23] =	ssyncset.done $0x0  }
0x4a: {  	[sflag:s23] =	ssyncadd.s32 $0xFFFFFC00  }
0x4b: {  	_ =	swait.ge [sflag:s23], $0x400  }
0x4c: {  	[sflag:s23] =	ssyncset.done $0x0  }
0x4d: {  	[sflag:s23] =	ssyncadd.s32 $0xFFFFFC00  }
0x4e: {  	_ =	swait.ge [sflag:s23], $0x400  }
0x4f: {  	[sflag:s23] =	ssyncset.done $0x0  }
0x50: {  	[sflag:s23] =	ssyncadd.s32 $0xFFFFFC00  }
0x51: {  	_ =	swait.ge [sflag:s23], $0x400  }
0x52: {  	[sflag:s23] =	ssyncset.done $0x0  }
0x53: {  	s30 =	simm.s32 $0x7;
	[sflag:s23] =	ssyncadd.s32 $0xFFFFFC00  }
0x54: {  	_ =	swait.ge [sflag:s30], $0x400  }
0x55: {  	[sflag:s30] =	ssyncset.done $0x0  }
0x56: {  	[sflag:s30] =	ssyncadd.s32 $0xFFFFFC00  }
0x57: {  	_ =	swait.ge [sflag:s30], $0x400  }
0x58: {  	[sflag:s30] =	ssyncset.done $0x0  }
0x59: {  	[sflag:s30] =	ssyncadd.s32 $0xFFFFFC00  }
0x5a: {  	_ =	swait.ge [sflag:s30], $0x400  }
0x5b: {  	[sflag:s30] =	ssyncset.done $0x0  }
0x5c: {  	[sflag:s30] =	ssyncadd.s32 $0xFFFFFC00  }
0x5d: {  	_ =	swait.ge [sflag:s30], $0x400  }
0x5e: {  	[sflag:s30] =	ssyncset.done $0x0  }
0x5f: {  	[sflag:s30] =	ssyncadd.s32 $0xFFFFFC00  }
0x60: {  	_ =	swait.ge [sflag:s30], $0x400  }
0x61: {  	[sflag:s30] =	ssyncset.done $0x0  }
0x62: {  	[sflag:s30] =	ssyncadd.s32 $0xFFFFFC00  }
0x63: {  	_ =	swait.ge [sflag:s30], $0x400  }
0x64: {  	[sflag:s30] =	ssyncset.done $0x0  }
0x65: {  	[sflag:s30] =	ssyncadd.s32 $0xFFFFFC00  }
0x66: {  	_ =	swait.ge [sflag:s30], $0x400  }
0x67: {  	[sflag:s30] =	ssyncset.done $0x0  }
0x68: {  	[sflag:s30] =	ssyncadd.s32 $0xFFFFFC00  }
0x69: {  	_ =	swait.ge [sflag:s30], $0x400  }
0x6a: {  	[sflag:s30] =	ssyncset.done $0x0  }
0x6b: {  	s31 =	simm.s32 $0x8;
	[sflag:s30] =	ssyncadd.s32 $0xFFFFFC00  }
0x6c: {  	_ =	swait.ge [sflag:s31], $0x400  }
0x6d: {  	[sflag:s31] =	ssyncset.done $0x0  }
0x6e: {  	[sflag:s31] =	ssyncadd.s32 $0xFFFFFC00  }
0x6f: {  	_ =	swait.ge [sflag:s31], $0x400  }
0x70: {  	[sflag:s31] =	ssyncset.done $0x0  }
0x71: {  	[sflag:s31] =	ssyncadd.s32 $0xFFFFFC00  }
0x72: {  	_ =	swait.ge [sflag:s31], $0x400  }
0x73: {  	[sflag:s31] =	ssyncset.done $0x0  }
0x74: {  	[sflag:s31] =	ssyncadd.s32 $0xFFFFFC00  }
0x75: {  	_ =	swait.ge [sflag:s31], $0x400  }
0x76: {  	[sflag:s31] =	ssyncset.done $0x0  }
0x77: {  	[sflag:s31] =	ssyncadd.s32 $0xFFFFFC00  }
0x78: {  	_ =	swait.ge [sflag:s31], $0x400  }
0x79: {  	[sflag:s31] =	ssyncset.done $0x0  }
0x7a: {  	[sflag:s31] =	ssyncadd.s32 $0xFFFFFC00  }
0x7b: {  	_ =	swait.ge [sflag:s31], $0x400  }
0x7c: {  	[sflag:s31] =	ssyncset.done $0x0  }
0x7d: {  	[sflag:s31] =	ssyncadd.s32 $0xFFFFFC00  }
0x7e: {  	_ =	swait.ge [sflag:s31], $0x400  }
0x7f: {  	[sflag:s31] =	ssyncset.done $0x0  }
0x80: {  	[sflag:s31] =	ssyncadd.s32 $0xFFFFFC00  }
0x81: {  	_ =	swait.ge [sflag:s31], $0x400  }
0x82: {  	s18 =	rddreg [dreg:$0x7]  }
0x83: {  	s15 =	rddreg [dreg:$0x6];
	s18 =	sadd.s32 $0x1, s18  }
0x84: {  	p0 =	sne.s32 s18, s15  }
.Ltmp1:
0x85: {  	_ = 	snop;
	(pc) =	sbr.rel @!p0 .LBB2_13-.Ltmp1, $3  }
0x86: {  	_ =	sdelay $0x1  }
0x87: {  	[sflag:s31] =	ssyncset.done $0x0  }
0x88: {  	v2 =	vmov v21;
	[sflag:s31] =	ssyncadd.s32 $0xFFFFFC00  }
.LBB2_1:
0x89: {  	[dreg:$0x7] =	wrdreg s18  }
0x8a: {  	s15 =	rddreg [dreg:$0x5];
	s31 =	simm.s32 $0x9  }
0x8b: {  	[tilespmem:s3], [sflag:$0x9] =	stream.linear.gather [hbm4b:s15+s3], $0x6400, $0x38;
	[tilespmem:$0x19E00] =	vst v63  }
0x8c: {  	_ =	swait.ge [sflag:s31], $0x6400  }
0x8d: {  	[sflag:s31] =	ssyncset.done $0x0  }
0x8e: {  	s20 =	simm.s32 $0x6400;
	s0 =	rddreg [dreg:$0x4];
	[sflag:s31] =	ssyncadd.s32 $0xFFFF9C00  }
0x8f: {  	[tilespmem:s20], [sflag:$0x9] =	stream.linear.gather [hbm4b:s0+s3], $0x3200, $0x38;
	[tilespmem:$0x19E00] =	vst v63  }
0x90: {  	_ =	swait.ge [sflag:s31], $0x3200  }
0x91: {  	[sflag:s31] =	ssyncset.done $0x0  }
0x92: {  	s20 =	simm.s32 $0x80;
	s0 =	simm.s32 $0x9600;
	[sflag:s31] =	ssyncadd.s32 $0xFFFFCE00  }
0x93: {  	[tilespmem:s0], [sflag:$0x1] =	stream.indirect.gather [hbm4b:s4+s20], $0x40, s3, s20, $0xb8;
	[tilespmem:$0x19E00] =	vst v63  }
0x94: {  	s21 =	simm.s32 $0xB600  }
0x95: {  	[tilespmem:s21], [sflag:$0x2] =	stream.indirect.gather [hbm4b:s4+s20], $0x40, s20, s20, $0xb8;
	[tilespmem:$0x19E00] =	vst v63  }
0x96: {  	s22 =	simm.s32 $0x100;
	s23 =	simm.s32 $0xD600  }
0x97: {  	[tilespmem:s23], [sflag:$0x3] =	stream.indirect.gather [hbm4b:s4+s20], $0x40, s22, s20, $0xb8;
	[tilespmem:$0x19E00] =	vst v63  }
0x98: {  	s30 =	simm.s32 $0x180;
	s31 =	simm.s32 $0xF600  }
0x99: {  	[tilespmem:s31], [sflag:$0x4] =	stream.indirect.gather [hbm4b:s4+s20], $0x40, s30, s20, $0xb8;
	[tilespmem:$0x19E00] =	vst v63  }
0x9a: {  	s0 =	simm.s32 $0x80;
	s20 =	simm.s32 $0x0  }
.LBB2_2:
0x9b: {  	_ =	swait.ge [sflag:s25], $0x2000  }
0x9c: {  	p0 =	seq.s32 s20, $0x0;
	[sflag:s25] =	ssyncset.done $0x0  }
0x9d: {  	s15 =	simm.s32 @!p0 $0x5;
	[sflag:s25] =	ssyncadd.s32 $0xFFFFE000  }
0x9e: {  	_ =	swait.ge @!p0 [sflag:s15], $0x400  }
0x9f: {  	[sflag:s15] =	ssyncset.done @!p0 $0x0  }
0xa0: {  	[sflag:s15] =	ssyncadd.s32 @!p0 $0xFFFFFC00  }
0xa1: {  	_ =	swait.ge @!p0 [sflag:s15], $0x400  }
0xa2: {  	[sflag:s15] =	ssyncset.done @!p0 $0x0  }
0xa3: {  	[sflag:s15] =	ssyncadd.s32 @!p0 $0xFFFFFC00  }
0xa4: {  	_ =	swait.ge @!p0 [sflag:s15], $0x400  }
0xa5: {  	[sflag:s15] =	ssyncset.done @!p0 $0x0  }
0xa6: {  	[sflag:s15] =	ssyncadd.s32 @!p0 $0xFFFFFC00  }
0xa7: {  	_ =	swait.ge @!p0 [sflag:s15], $0x400  }
0xa8: {  	[sflag:s15] =	ssyncset.done @!p0 $0x0  }
0xa9: {  	[sflag:s15] =	ssyncadd.s32 @!p0 $0xFFFFFC00  }
0xaa: {  	_ =	swait.ge @!p0 [sflag:s15], $0x400  }
0xab: {  	[sflag:s15] =	ssyncset.done @!p0 $0x0  }
0xac: {  	[sflag:s15] =	ssyncadd.s32 @!p0 $0xFFFFFC00  }
0xad: {  	_ =	swait.ge @!p0 [sflag:s15], $0x400  }
0xae: {  	[sflag:s15] =	ssyncset.done @!p0 $0x0  }
0xaf: {  	[sflag:s15] =	ssyncadd.s32 @!p0 $0xFFFFFC00  }
0xb0: {  	_ =	swait.ge @!p0 [sflag:s15], $0x400  }
0xb1: {  	[sflag:s15] =	ssyncset.done @!p0 $0x0  }
0xb2: {  	[sflag:s15] =	ssyncadd.s32 @!p0 $0xFFFFFC00  }
0xb3: {  	_ =	swait.ge @!p0 [sflag:s15], $0x400  }
0xb4: {  	s18 =	sshll.u32 s20, $0x8;
	[sflag:s15] =	ssyncset.done @!p0 $0x0  }
0xb5: {  	s22 =	sand.u32 $0x3FFFFF00, s18;
	v0 =	vld [tilespmem:$0x1FEF0];
	[sflag:s15] =	ssyncadd.s32 @!p0 $0xFFFFFC00  }
0xb6: {  	v36 =	vld [tilespmem:s22+$0x6400]  }
0xb7: {  	v37 =	vld [tilespmem:s22+$0x6410]  }
0xb8: {  	v34 =	vld [tilespmem:s22+$0x6420]  }
0xb9: {  	v33 =	vld [tilespmem:s22+$0x6430];
	s22 =	simm.s32 $0x9700  }
0xba: {  	v35 =	vld [tilespmem:s22+$0xF0]  }
0xbb: {  	v38 =	vld [tilespmem:s22+$0xE0]  }
0xbc: {  	v49 =	vld [tilespmem:s22+$0xFFFFFF60]  }
0xbd: {  	v47 =	vld [tilespmem:s22+$0xFFFFFF50]  }
0xbe: {  	v46 =	vld [tilespmem:s22+$0xFFFFFF40]  }
0xbf: {  	v45 =	vld [tilespmem:s22+$0xFFFFFF30]  }
0xc0: {  	v43 =	vld [tilespmem:s22+$0xFFFFFF20]  }
0xc1: {  	v44 =	vld [tilespmem:s22+$0xFFFFFF10]  }
0xc2: {  	v48 =	vld [tilespmem:s22+$0xFFFFFF70]  }
0xc3: {  	v50 =	vld [tilespmem:s22+$0xFFFFFF80]  }
0xc4: {  	v51 =	vld [tilespmem:s22+$0xFFFFFF90]  }
0xc5: {  	v52 =	vld [tilespmem:s22+$0xFFFFFFA0]  }
0xc6: {  	v53 =	vld [tilespmem:s22+$0xFFFFFFB0]  }
0xc7: {  	v54 =	vld [tilespmem:s22+$0xFFFFFFC0]  }
0xc8: {  	s23 =	simm.s32 $0x0;
	v55 =	vld [tilespmem:s22+$0xFFFFFFD0]  }
0xc9: {  	v59 =	vmov s23;
	v56 =	vld [tilespmem:s22+$0xFFFFFFE0]  }
0xca: {  	v59 =	vshrl.u32 v59, $0x3;
	v57 =	vld [tilespmem:s22+$0xFFFFFFF0]  }
0xcb: {  	v59 =	vshll.u32 v59, v1;
	v58 =	vld [tilespmem:s22+$0x0]  }
0xcc: {  	v59 =	vbroadcast v59, $0x0;
	v60 =	vld [tilespmem:s22+$0x10]  }
0xcd: {  	v62 =	vld [tilespmem:s22+$0x20]  }
0xce: {  	v41 =	vadd.s32 v0, v59;
	v0 =	vld [tilespmem:$0x1FF00]  }
0xcf: {  	v9 =	vld [tilespmem:s22+$0x30]  }
0xd0: {  	v5 =	vld [tilespmem:s22+$0x40]  }
0xd1: {  	v10 =	vld [tilespmem:s22+$0x50]  }
0xd2: {  	v6 =	vld [tilespmem:s22+$0x60]  }
0xd3: {  	v42 =	vadd.s32 v0, v59;
	v0 =	vld [tilespmem:$0x1FF10]  }
0xd4: {  	v4 =	vld [tilespmem:s22+$0x70]  }
0xd5: {  	v63 =	vld [tilespmem:s22+$0xFFFFFF00]  }
0xd6: {  	v7 =	vld [tilespmem:s22+$0x80]  }
0xd7: {  	s30 =	simm.s32 $0x1;
	v11 =	vld [tilespmem:s22+$0x90]  }
0xd8: {  	v39 =	vmov s30;
	v40 =	vadd.s32 v61, v59;
	v59 =	vadd.s32 v0, v59;
	v0 =	vld [tilespmem:$0x1FF20]  }
0xd9: {  	v39 =	vshrl.u32 v39, $0x3;
	v61 =	vld [tilespmem:s22+$0xA0]  }
0xda: {  	v39 =	vshll.u32 v39, v1;
	v12 =	vld [tilespmem:s22+$0xB0]  }
0xdb: {  	v39 =	vbroadcast v39, $0x0;
	v13 =	vld [tilespmem:s22+$0xC0];
	v63 =	vadd.f32 v63, v36  }
0xdc: {  	v3 =	vld [tilespmem:s22+$0xD0]  }
0xdd: {  	[tilespmem:v40+s26+$0x0] =	vst.idx.msk $0xffff, v63;
	v63 =	vadd.s32 v0, v39;
	v0 =	vld [tilespmem:$0x1FF30];
	_ =	sdelay $0x4  }
0xde: {  	v26 =	vadd.f32 v43, v34;
	v43 =	vadd.s32 v0, v39;
	v0 =	vld [tilespmem:$0x1FF40];
	_ =	sdelay $0x4  }
0xdf: {  	v14 =	vadd.s32 v0, v39;
	v0 =	vld [tilespmem:$0x1FF50];
	_ =	sdelay $0x3  }
0xe0: {  	s18 =	simm.s32 $0x3;
	v44 =	vadd.f32 v44, v37  }
0xe1: {  	v24 =	vmov s18;
	v39 =	vadd.s32 v0, v39;
	v0 =	vld [tilespmem:$0x1FE10]  }
0xe2: {  	[tilespmem:v41+s26+$0x0] =	vst.idx.msk $0xffff, v44;
	v44 =	vshrl.u32 v24, $0x3  }
0xe3: {  	v44 =	vshll.u32 v44, v1  }
0xe4: {  	s31 =	simm.s32 $0x2;
	v44 =	vbroadcast v44, $0x0  }
0xe5: {  	v25 =	vmov s31  }
0xe6: {  	v27 =	vadd.f32 v45, v33;
	v40 =	vshrl.u32 v25, $0x3;
	v24 =	vadd.s32 v0, v44;
	v0 =	vld [tilespmem:$0x1FE20]  }
0xe7: {  	v15 =	vadd.f32 v46, v36;
	v40 =	vshll.u32 v40, v1;
	[tilespmem:v42+s26+$0x0] =	vst.idx.msk $0xffff, v26  }
0xe8: {  	v25 =	vadd.f32 v47, v37;
	v40 =	vbroadcast v40, $0x0;
	[tilespmem:v59+s26+$0x0] =	vst.idx.msk $0xffff, v27  }
0xe9: {  	v27 =	vadd.f32 v49, v34;
	[tilespmem:v63+s26+$0x0] =	vst.idx.msk $0xffff, v15  }
0xea: {  	v26 =	vadd.s32 v20, v40;
	[tilespmem:v43+s26+$0x0] =	vst.idx.msk $0xffff, v25  }
0xeb: {  	v49 =	vadd.s32 v2, v40;
	[tilespmem:v14+s26+$0x0] =	vst.idx.msk $0xffff, v27;
	v27 =	vadd.s32 v0, v44;
	v0 =	vld [tilespmem:$0x1FE30]  }
0xec: {  	v59 =	vadd.f32 v48, v33  }
0xed: {  	v14 =	vadd.f32 v50, v36  }
0xee: {  	v15 =	vadd.f32 v51, v37;
	[tilespmem:v39+s26+$0x0] =	vst.idx.msk $0xffff, v59  }
0xef: {  	[tilespmem:v26+s26+$0x0] =	vst.idx.msk $0xffff, v14  }
0xf0: {  	[tilespmem:v49+s26+$0x0] =	vst.idx.msk $0xffff, v15;
	v49 =	vadd.s32 v0, v44;
	v0 =	vld [tilespmem:$0x1FE40];
	_ =	sdelay $0x3  }
0xf1: {  	s21 =	simm.s32 $0x4  }
0xf2: {  	v25 =	vadd.f32 v52, v34;
	v26 =	vmov s21;
	v52 =	vadd.s32 v0, v44;
	v0 =	vld [tilespmem:$0x1FE50]  }
0xf3: {  	v41 =	vshrl.u32 v26, $0x3  }
0xf4: {  	v41 =	vshll.u32 v41, v1  }
0xf5: {  	v41 =	vbroadcast v41, $0x0  }
0xf6: {  	v48 =	vadd.f32 v53, v33  }
0xf7: {  	v53 =	vadd.f32 v56, v34;
	v63 =	vadd.s32 v22, v40;
	v56 =	vadd.s32 v0, v41;
	v0 =	vld [tilespmem:$0x1FE60];
	_ =	sdelay $0x4  }
0xf8: {  	[tilespmem:v63+s26+$0x0] =	vst.idx.msk $0xffff, v25;
	v63 =	vadd.s32 v0, v41;
	v0 =	vld [tilespmem:$0x1FE70];
	_ =	sdelay $0x3  }
0xf9: {  	s23 =	simm.s32 $0x5;
	v40 =	vadd.s32 v23, v40  }
0xfa: {  	v51 =	vadd.f32 v55, v37;
	v55 =	vmov s23;
	v25 =	vadd.s32 v0, v41;
	v0 =	vld [tilespmem:$0x1FF60]  }
0xfb: {  	v39 =	vshrl.u32 v55, $0x3  }
0xfc: {  	v39 =	vshll.u32 v39, v1  }
0xfd: {  	v50 =	vadd.f32 v54, v36;
	v26 =	vbroadcast v39, $0x0  }
0xfe: {  	s30 =	simm.s32 $0x6;
	v45 =	vadd.f32 v12, v33;
	v46 =	vadd.f32 v13, v36;
	[tilespmem:v40+s26+$0x0] =	vst.idx.msk $0xffff, v48  }
0xff: {  	v59 =	vadd.f32 v58, v36;
	v58 =	vmov s30;
	[tilespmem:v24+s26+$0x0] =	vst.idx.msk $0xffff, v50;
	v50 =	vadd.s32 v0, v26;
	v0 =	vld [tilespmem:$0x1FE80]  }
0x100: {  	v43 =	vadd.f32 v61, v34;
	v14 =	vadd.f32 v60, v37;
	v60 =	vshrl.u32 v58, $0x3  }
0x101: {  	v54 =	vadd.f32 v57, v33;
	v61 =	vshll.u32 v60, v1;
	[tilespmem:v27+s26+$0x0] =	vst.idx.msk $0xffff, v51  }
0x102: {  	v47 =	vadd.f32 v3, v37;
	v42 =	vadd.f32 v7, v36;
	v48 =	vbroadcast v61, $0x0;
	[tilespmem:v49+s26+$0x0] =	vst.idx.msk $0xffff, v53  }
0x103: {  	v21 =	vld [tilespmem:$0x1FEB0];
	v15 =	vadd.f32 v62, v34;
	v57 =	vadd.s32 v31, v41;
	[tilespmem:v52+s26+$0x0] =	vst.idx.msk $0xffff, v54  }
0x104: {  	[tilespmem:v56+s26+$0x0] =	vst.idx.msk $0xffff, v59;
	v59 =	vadd.s32 v32, v26;
	v52 =	vadd.s32 v0, v48;
	v0 =	vld [tilespmem:$0x1FE90]  }
0x105: {  	v20 =	vld [tilespmem:$0x1FF70];
	v39 =	vadd.f32 v6, v34;
	v40 =	vadd.f32 v10, v37  }
0x106: {  	s31 =	simm.s32 $0x7;
	v24 =	vadd.f32 v9, v33;
	v27 =	vadd.f32 v5, v36;
	v32 =	vld [tilespmem:$0x1FEA0];
	[tilespmem:v63+s26+$0x0] =	vst.idx.msk $0xffff, v14  }
0x107: {  	v22 =	vld [tilespmem:$0x1FEC0];
	v62 =	vmov s31;
	v51 =	vadd.s32 v8, v26;
	v44 =	vadd.f32 v11, v37;
	[tilespmem:v25+s26+$0x0] =	vst.idx.msk $0xffff, v15  }
0x108: {  	v23 =	vld [tilespmem:$0x1FEE0];
	v49 =	vadd.s32 v19, v26;
	v41 =	vadd.f32 v4, v33;
	v63 =	vshrl.u32 v62, $0x3;
	[tilespmem:v57+s26+$0x0] =	vst.idx.msk $0xffff, v24  }
0x109: {  	s18 =	simm.s32 $0xF;
	s21 =	sshll.u32 s20, $0x2;
	v19 =	vld [tilespmem:$0x1FED0];
	v54 =	vshll.u32 v63, v1;
	[tilespmem:v59+s26+$0x0] =	vst.idx.msk $0xffff, v27;
	v53 =	vadd.s32 v0, v48  }
.LBB2_3:
0x10a: {  	_ =	sdelay $0x2  }
0x10b: {  	[tilespmem:v49+s26+$0x0] =	vst.idx.msk $0xffff, v40;
	v15 =	vadd.s32 v32, v48;
	v54 =	vbroadcast v54, $0x0  }
0x10c: {  	v55 =	vadd.s32 v20, v48;
	v0 =	vld [tilespmem:$0x1FFC0];
	[tilespmem:v50+s26+$0x0] =	vst.idx.msk $0xffff, v39  }
0x10d: {  	v2 =	vld [tilespmem:$0x1FF20];
	[tilespmem:v51+s26+$0x0] =	vst.idx.msk $0xffff, v41;
	v56 =	vadd.s32 v21, v54  }
0x10e: {  	s15 =	smov.u32 s18;
	v4 =	vld [tilespmem:$0x1FF30];
	v57 =	vadd.s32 v22, v54;
	[tilespmem:v52+s26+$0x0] =	vst.idx.msk $0xffff, v42  }
0x10f: {  	v6 =	vld [tilespmem:$0x1FF40];
	s23 =	sadd.s32 $0xFFFFFFF9, s15;
	v58 =	vadd.s32 v19, v54;
	[tilespmem:v53+s26+$0x0] =	vst.idx.msk $0xffff, v44  }
0x110: {  	v8 =	vld [tilespmem:$0x1FF50];
	v59 =	vadd.s32 v23, v54;
	v60 =	vmov s23;
	[tilespmem:v15+s26+$0x0] =	vst.idx.msk $0xffff, v43  }
0x111: {  	v13 =	vld [tilespmem:$0x1FF80];
	v50 =	vshrl.u32 v60, $0x3;
	[tilespmem:v55+s26+$0x0] =	vst.idx.msk $0xffff, v45  }
0x112: {  	v38 =	vadd.f32 v38, v34;
	v14 =	vld [tilespmem:$0x1FFB0];
	v50 =	vshll.u32 v50, v1;
	[tilespmem:v56+s26+$0x0] =	vst.idx.msk $0xffff, v46  }
0x113: {  	v35 =	vadd.f32 v35, v33;
	v16 =	vld [tilespmem:$0x1FF90];
	v50 =	vbroadcast v50, $0x0;
	[tilespmem:v57+s26+$0x0] =	vst.idx.msk $0xffff, v47  }
0x114: {  	v18 =	vld [tilespmem:$0x1FFA0];
	[tilespmem:v58+s26+$0x0] =	vst.idx.msk $0xffff, v38  }
0x115: {  	s22 =	sadd.s32 $0x200, s22;
	v57 =	vadd.s32 v0, v50;
	v0 =	vld [tilespmem:$0x1FEF0];
	[tilespmem:v59+s26+$0x0] =	vst.idx.msk $0xffff, v35  }
0x116: {  	v35 =	vld [tilespmem:s22+$0xF0]  }
0x117: {  	v38 =	vld [tilespmem:s22+$0xE0]  }
0x118: {  	v39 =	vld [tilespmem:s22+$0xFFFFFF60]  }
0x119: {  	v40 =	vld [tilespmem:s22+$0xFFFFFF50]  }
0x11a: {  	v41 =	vld [tilespmem:s22+$0xFFFFFF40]  }
0x11b: {  	v42 =	vld [tilespmem:s22+$0xFFFFFF30]  }
0x11c: {  	v43 =	vld [tilespmem:s22+$0xFFFFFF20]  }
0x11d: {  	v44 =	vld [tilespmem:s22+$0xFFFFFF10]  }
0x11e: {  	v45 =	vld [tilespmem:s22+$0xFFFFFF70]  }
0x11f: {  	v46 =	vld [tilespmem:s22+$0xFFFFFF80]  }
0x120: {  	v47 =	vld [tilespmem:s22+$0xFFFFFF90]  }
0x121: {  	v48 =	vld [tilespmem:s22+$0xFFFFFFA0]  }
0x122: {  	v49 =	vld [tilespmem:s22+$0xFFFFFFB0]  }
0x123: {  	v51 =	vld [tilespmem:s22+$0xFFFFFFC0]  }
0x124: {  	v52 =	vld [tilespmem:s22+$0xFFFFFFD0]  }
0x125: {  	v53 =	vld [tilespmem:s22+$0xFFFFFFE0]  }
0x126: {  	v54 =	vld [tilespmem:s22+$0xFFFFFFF0]  }
0x127: {  	v56 =	vld [tilespmem:s22+$0x0]  }
0x128: {  	s30 =	sadd.s32 $0xFFFFFFFA, s15;
	v58 =	vld [tilespmem:s22+$0x10]  }
0x129: {  	v55 =	vmov s30;
	v60 =	vld [tilespmem:s22+$0x20]  }
0x12a: {  	v55 =	vshrl.u32 v55, $0x3;
	v62 =	vld [tilespmem:s22+$0x30]  }
0x12b: {  	v55 =	vshll.u32 v55, v1;
	v59 =	vadd.s32 v0, v50;
	v0 =	vld [tilespmem:$0x1FF00]  }
0x12c: {  	v55 =	vbroadcast v55, $0x0;
	v3 =	vld [tilespmem:s22+$0x50]  }
0x12d: {  	s31 =	sadd.s32 $0xFFFFFFFB, s15;
	v5 =	vld [tilespmem:s22+$0x60]  }
0x12e: {  	v63 =	vmov s31;
	v2 =	vadd.s32 v2, v55;
	v7 =	vld [tilespmem:s22+$0x70]  }
0x12f: {  	v4 =	vadd.s32 v4, v55;
	v6 =	vadd.s32 v6, v55;
	v55 =	vadd.s32 v8, v55;
	v8 =	vld [tilespmem:s22+$0xFFFFFF00]  }
0x130: {  	v63 =	vshrl.u32 v63, $0x3;
	v61 =	vadd.s32 v0, v50;
	v0 =	vld [tilespmem:$0x1FF10]  }
0x131: {  	v63 =	vshll.u32 v63, v1;
	v9 =	vld [tilespmem:s22+$0x80]  }
0x132: {  	v63 =	vbroadcast v63, $0x0;
	v10 =	vld [tilespmem:s22+$0x90]  }
0x133: {  	s30 =	sadd.s32 $0xFFFFFFFC, s15;
	v12 =	vld [tilespmem:s22+$0xA0]  }
0x134: {  	v11 =	vmov s30;
	v13 =	vadd.s32 v13, v63;
	v15 =	vld [tilespmem:s22+$0xB0]  }
0x135: {  	v14 =	vadd.s32 v14, v63;
	v17 =	vld [tilespmem:s22+$0xC0];
	v8 =	vadd.f32 v8, v36;
	v50 =	vadd.s32 v0, v50  }
0x136: {  	v16 =	vadd.s32 v16, v63;
	v63 =	vadd.s32 v18, v63;
	v18 =	vld [tilespmem:s22+$0xD0];
	v44 =	vadd.f32 v44, v37  }
0x137: {  	v11 =	vshrl.u32 v11, $0x3;
	v43 =	vadd.f32 v43, v34;
	v0 =	vld [tilespmem:s22+$0x40];
	[tilespmem:v57+s26+$0x0] =	vst.idx.msk $0xffff, v8  }
0x138: {  	v11 =	vshll.u32 v11, v1;
	v42 =	vadd.f32 v42, v33;
	[tilespmem:v59+s26+$0x0] =	vst.idx.msk $0xffff, v44  }
0x139: {  	v24 =	vld [tilespmem:$0x1FE10];
	v41 =	vadd.f32 v41, v36;
	v40 =	vadd.f32 v40, v37;
	[tilespmem:v61+s26+$0x0] =	vst.idx.msk $0xffff, v43  }
0x13a: {  	v25 =	vld [tilespmem:$0x1FE20];
	v39 =	vadd.f32 v39, v34;
	v45 =	vadd.f32 v45, v33;
	[tilespmem:v50+s26+$0x0] =	vst.idx.msk $0xffff, v42  }
0x13b: {  	v26 =	vld [tilespmem:$0x1FE30];
	v47 =	vadd.f32 v47, v37;
	v48 =	vadd.f32 v48, v34;
	[tilespmem:v2+s26+$0x0] =	vst.idx.msk $0xffff, v41  }
0x13c: {  	v27 =	vld [tilespmem:$0x1FE40];
	s31 =	sadd.s32 $0xFFFFFFFD, s15;
	v49 =	vadd.f32 v49, v33;
	v51 =	vadd.f32 v51, v36;
	v8 =	vbroadcast v11, $0x0;
	[tilespmem:v4+s26+$0x0] =	vst.idx.msk $0xffff, v40  }
0x13d: {  	v28 =	vld [tilespmem:$0x1FE50];
	v11 =	vadd.f32 v46, v36;
	v46 =	vadd.f32 v52, v37;
	v61 =	vmov s31;
	[tilespmem:v6+s26+$0x0] =	vst.idx.msk $0xffff, v39  }
0x13e: {  	v29 =	vld [tilespmem:$0x1FE60];
	v52 =	vadd.f32 v53, v34;
	v61 =	vshrl.u32 v61, $0x3;
	v2 =	vadd.s32 v24, v8;
	[tilespmem:v55+s26+$0x0] =	vst.idx.msk $0xffff, v45  }
0x13f: {  	v30 =	vld [tilespmem:$0x1FE70];
	v44 =	vshll.u32 v61, v1;
	v50 =	vadd.s32 v25, v8;
	[tilespmem:v13+s26+$0x0] =	vst.idx.msk $0xffff, v11  }
0x140: {  	v57 =	vadd.f32 v58, v37;
	v53 =	vadd.s32 v26, v8;
	v4 =	vbroadcast v44, $0x0;
	[tilespmem:v16+s26+$0x0] =	vst.idx.msk $0xffff, v47  }
0x141: {  	v58 =	vadd.f32 v60, v34;
	v60 =	vadd.s32 v27, v8;
	[tilespmem:v63+s26+$0x0] =	vst.idx.msk $0xffff, v48  }
0x142: {  	v40 =	vadd.f32 v3, v37;
	v3 =	vadd.s32 v28, v4;
	[tilespmem:v14+s26+$0x0] =	vst.idx.msk $0xffff, v49  }
0x143: {  	v63 =	vadd.s32 v29, v4;
	[tilespmem:v2+s26+$0x0] =	vst.idx.msk $0xffff, v51  }
0x144: {  	v54 =	vadd.f32 v54, v33;
	v11 =	vadd.s32 v30, v4;
	[tilespmem:v50+s26+$0x0] =	vst.idx.msk $0xffff, v46  }
0x145: {  	v56 =	vadd.f32 v56, v36;
	v2 =	vadd.s32 v31, v4;
	[tilespmem:v53+s26+$0x0] =	vst.idx.msk $0xffff, v52  }
0x146: {  	[tilespmem:v60+s26+$0x0] =	vst.idx.msk $0xffff, v54  }
0x147: {  	[tilespmem:v3+s26+$0x0] =	vst.idx.msk $0xffff, v56  }
0x148: {  	v8 =	vadd.f32 v62, v33;
	[tilespmem:v63+s26+$0x0] =	vst.idx.msk $0xffff, v57  }
0x149: {  	s30 =	sadd.s32 $0xFFFFFFFE, s15;
	s31 =	sadd.s32 $0xFFFFFFFF, s15;
	[tilespmem:v11+s26+$0x0] =	vst.idx.msk $0xffff, v58  }
0x14a: {  	v61 =	vmov s30;
	v55 =	vmov s31;
	[tilespmem:v2+s26+$0x0] =	vst.idx.msk $0xffff, v8;
	v2 =	vld [tilespmem:$0x1FE80]  }
0x14b: {  	v59 =	vld [tilespmem:$0x1FFF0];
	v62 =	vshrl.u32 v61, $0x3;
	v61 =	vshrl.u32 v55, $0x3  }
0x14c: {  	v3 =	vshll.u32 v61, v1  }
0x14d: {  	v13 =	vshll.u32 v62, v1;
	v62 =	vld [tilespmem:$0x1FF60];
	v48 =	vbroadcast v3, $0x0  }
0x14e: {  	v14 =	vbroadcast v13, $0x0;
	v60 =	vld [tilespmem:$0x1FFE0]  }
0x14f: {  	v43 =	vadd.f32 v12, v34;
	v0 =	vadd.f32 v0, v36;
	v52 =	vadd.s32 v2, v48;
	v2 =	vld [tilespmem:$0x1FE90]  }
0x150: {  	p1 =	sne.s32 s18, $0x7F;
	v42 =	vadd.f32 v9, v36;
	v41 =	vadd.f32 v7, v33;
	v9 =	vadd.s32 v59, v14;
	v63 =	vld [tilespmem:$0x1FFD0]  }
.Ltmp2:
0x151: {  	v44 =	vadd.f32 v10, v37;
	v39 =	vadd.f32 v5, v34;
	(pc) =	sbr.rel @p1 .LBB2_3-.Ltmp2, $4  }
0x152: {  	v45 =	vadd.f32 v15, v33;
	v47 =	vadd.f32 v18, v37  }
0x153: {  	v46 =	vadd.f32 v17, v36;
	v50 =	vadd.s32 v62, v14;
	v3 =	vmov s15  }
0x154: {  	v49 =	vadd.s32 v60, v14;
	v53 =	vadd.s32 v2, v48;
	v2 =	vshrl.u32 v3, $0x3  }
0x155: {  	s18 =	sadd.s32 $0x8, s18;
	[tilespmem:v9+s26+$0x0] =	vst.idx.msk $0xffff, v0;
	v51 =	vadd.s32 v63, v14;
	v54 =	vshll.u32 v2, v1  }
0x156: {  	_ =	sdelay $0x3  }
0x157: {  	[tilespmem:v49+s26+$0x0] =	vst.idx.msk $0xffff, v40;
	v0 =	vadd.s32 v32, v48;
	v2 =	vbroadcast v54, $0x0  }
0x158: {  	v3 =	vadd.s32 v20, v48;
	[tilespmem:v50+s26+$0x0] =	vst.idx.msk $0xffff, v39  }
0x159: {  	[tilespmem:v51+s26+$0x0] =	vst.idx.msk $0xffff, v41;
	v4 =	vadd.s32 v21, v2  }
0x15a: {  	v5 =	vadd.s32 v22, v2;
	[tilespmem:v52+s26+$0x0] =	vst.idx.msk $0xffff, v42  }
0x15b: {  	v6 =	vadd.s32 v19, v2;
	[tilespmem:v53+s26+$0x0] =	vst.idx.msk $0xffff, v44  }
0x15c: {  	[tilespmem:v0+s26+$0x0] =	vst.idx.msk $0xffff, v43;
	v0 =	vadd.s32 v23, v2  }
0x15d: {  	[tilespmem:v3+s26+$0x0] =	vst.idx.msk $0xffff, v45  }
0x15e: {  	s15 =	sshll.u32 s20, $0x14;
	v2 =	vadd.f32 v38, v34;
	[tilespmem:v4+s26+$0x0] =	vst.idx.msk $0xffff, v46  }
0x15f: {  	s15 =	sor.u32 s7, s15;
	v3 =	vadd.f32 v35, v33;
	[tilespmem:v5+s26+$0x0] =	vst.idx.msk $0xffff, v47  }
0x160: {  	s15 =	sshrl.u32 s15, $0x3;
	[tilespmem:v6+s26+$0x0] =	vst.idx.msk $0xffff, v2  }
0x161: {  	s18 =	sadd.s32 s2, s15;
	[tilespmem:v0+s26+$0x0] =	vst.idx.msk $0xffff, v3  }
0x162: {  	[hbm4b:s18+s3] =	stream.linear.scatter [tilespmem:s26], [sflag:$0x5], $0x80, $0x38;
	[tilespmem:$0x19E00] =	vst v63  }
0x163: {  	s23 =	simm.s32 $0x11688;
	s22 =	sadd.s32 $0x10, s18  }
0x164: {  	[hbm4b:s22+s3] =	stream.linear.scatter [tilespmem:s23], [sflag:$0x5], $0x80, $0x38;
	[tilespmem:$0x19E00] =	vst v63  }
0x165: {  	s31 =	simm.s32 $0x11710;
	s30 =	sadd.s32 $0x20, s18  }
0x166: {  	[hbm4b:s30+s3] =	stream.linear.scatter [tilespmem:s31], [sflag:$0x5], $0x80, $0x38;
	[tilespmem:$0x19E00] =	vst v63  }
0x167: {  	s30 =	sadd.s32 $0x30, s18;
	s31 =	simm.s32 $0x11798  }
0x168: {  	[hbm4b:s30+s3] =	stream.linear.scatter [tilespmem:s31], [sflag:$0x5], $0x80, $0x38;
	[tilespmem:$0x19E00] =	vst v63  }
0x169: {  	s30 =	sadd.s32 $0x40, s18;
	s31 =	simm.s32 $0x11820  }
0x16a: {  	[hbm4b:s30+s3] =	stream.linear.scatter [tilespmem:s31], [sflag:$0x5], $0x80, $0x38;
	[tilespmem:$0x19E00] =	vst v63  }
0x16b: {  	s30 =	sadd.s32 $0x50, s18;
	s31 =	simm.s32 $0x118A8  }
0x16c: {  	[hbm4b:s30+s3] =	stream.linear.scatter [tilespmem:s31], [sflag:$0x5], $0x80, $0x38;
	[tilespmem:$0x19E00] =	vst v63  }
0x16d: {  	s23 =	sadd.s32 $0x60, s18;
	s30 =	simm.s32 $0x11930  }
0x16e: {  	[hbm4b:s23+s3] =	stream.linear.scatter [tilespmem:s30], [sflag:$0x5], $0x80, $0x38;
	[tilespmem:$0x19E00] =	vst v63  }
0x16f: {  	s18 =	sadd.s32 $0x70, s18;
	s31 =	simm.s32 $0x119B8  }
0x170: {  	[hbm4b:s18+s3] =	stream.linear.scatter [tilespmem:s31], [sflag:$0x5], $0x80, $0x38;
	[tilespmem:$0x19E00] =	vst v63  }
0x171: {  	s23 =	simm.s32 $0x11A40;
	s18 =	sadd.s32 s15, s8  }
0x172: {  	[hbm4b:s18+s3] =	stream.linear.scatter [tilespmem:s23], [sflag:$0x5], $0x80, $0x38;
	[tilespmem:$0x19E00] =	vst v63  }
0x173: {  	s31 =	simm.s32 $0x11AC8;
	s30 =	sadd.s32 $0x10, s18  }
0x174: {  	[hbm4b:s30+s3] =	stream.linear.scatter [tilespmem:s31], [sflag:$0x5], $0x80, $0x38;
	[tilespmem:$0x19E00] =	vst v63  }
0x175: {  	s30 =	sadd.s32 $0x20, s18;
	s31 =	simm.s32 $0x11B50  }
0x176: {  	[hbm4b:s30+s3] =	stream.linear.scatter [tilespmem:s31], [sflag:$0x5], $0x80, $0x38;
	[tilespmem:$0x19E00] =	vst v63  }
0x177: {  	s30 =	sadd.s32 $0x30, s18;
	s31 =	simm.s32 $0x11BD8  }
0x178: {  	[hbm4b:s30+s3] =	stream.linear.scatter [tilespmem:s31], [sflag:$0x5], $0x80, $0x38;
	[tilespmem:$0x19E00] =	vst v63  }
0x179: {  	s30 =	sadd.s32 $0x40, s18;
	s31 =	simm.s32 $0x11C60  }
0x17a: {  	[hbm4b:s30+s3] =	stream.linear.scatter [tilespmem:s31], [sflag:$0x5], $0x80, $0x38;
	[tilespmem:$0x19E00] =	vst v63  }
0x17b: {  	s30 =	sadd.s32 $0x50, s18;
	s31 =	simm.s32 $0x11CE8  }
0x17c: {  	[hbm4b:s30+s3] =	stream.linear.scatter [tilespmem:s31], [sflag:$0x5], $0x80, $0x38;
	[tilespmem:$0x19E00] =	vst v63  }
0x17d: {  	s23 =	sadd.s32 $0x60, s18;
	s30 =	simm.s32 $0x11D70  }
0x17e: {  	[hbm4b:s23+s3] =	stream.linear.scatter [tilespmem:s30], [sflag:$0x5], $0x80, $0x38;
	[tilespmem:$0x19E00] =	vst v63  }
0x17f: {  	s18 =	sadd.s32 $0x70, s18;
	s31 =	simm.s32 $0x11DF8  }
0x180: {  	[hbm4b:s18+s3] =	stream.linear.scatter [tilespmem:s31], [sflag:$0x5], $0x80, $0x38;
	[tilespmem:$0x19E00] =	vst v63  }
0x181: {  	s23 =	simm.s32 $0x11E80;
	s18 =	sadd.s32 s15, s9  }
0x182: {  	[hbm4b:s18+s3] =	stream.linear.scatter [tilespmem:s23], [sflag:$0x5], $0x80, $0x38;
	[tilespmem:$0x19E00] =	vst v63  }
0x183: {  	s31 =	simm.s32 $0x11F08;
	s30 =	sadd.s32 $0x10, s18  }
0x184: {  	[hbm4b:s30+s3] =	stream.linear.scatter [tilespmem:s31], [sflag:$0x5], $0x80, $0x38;
	[tilespmem:$0x19E00] =	vst v63  }
0x185: {  	s30 =	sadd.s32 $0x20, s18;
	s31 =	simm.s32 $0x11F90  }
0x186: {  	[hbm4b:s30+s3] =	stream.linear.scatter [tilespmem:s31], [sflag:$0x5], $0x80, $0x38;
	[tilespmem:$0x19E00] =	vst v63  }
0x187: {  	s30 =	sadd.s32 $0x30, s18;
	s31 =	simm.s32 $0x12018  }
0x188: {  	[hbm4b:s30+s3] =	stream.linear.scatter [tilespmem:s31], [sflag:$0x5], $0x80, $0x38;
	[tilespmem:$0x19E00] =	vst v63  }
0x189: {  	s30 =	sadd.s32 $0x40, s18;
	s31 =	simm.s32 $0x120A0  }
0x18a: {  	[hbm4b:s30+s3] =	stream.linear.scatter [tilespmem:s31], [sflag:$0x5], $0x80, $0x38;
	[tilespmem:$0x19E00] =	vst v63  }
0x18b: {  	s30 =	sadd.s32 $0x50, s18;
	s31 =	simm.s32 $0x12128  }
0x18c: {  	[hbm4b:s30+s3] =	stream.linear.scatter [tilespmem:s31], [sflag:$0x5], $0x80, $0x38;
	[tilespmem:$0x19E00] =	vst v63  }
0x18d: {  	s23 =	sadd.s32 $0x60, s18;
	s30 =	simm.s32 $0x121B0  }
0x18e: {  	[hbm4b:s23+s3] =	stream.linear.scatter [tilespmem:s30], [sflag:$0x5], $0x80, $0x38;
	[tilespmem:$0x19E00] =	vst v63  }
0x18f: {  	s18 =	sadd.s32 $0x70, s18;
	s31 =	simm.s32 $0x12238  }
0x190: {  	[hbm4b:s18+s3] =	stream.linear.scatter [tilespmem:s31], [sflag:$0x5], $0x80, $0x38;
	[tilespmem:$0x19E00] =	vst v63  }
0x191: {  	s23 =	simm.s32 $0x122C0;
	s18 =	sadd.s32 s15, s10  }
0x192: {  	[hbm4b:s18+s3] =	stream.linear.scatter [tilespmem:s23], [sflag:$0x5], $0x80, $0x38;
	[tilespmem:$0x19E00] =	vst v63  }
0x193: {  	s31 =	simm.s32 $0x12348;
	s30 =	sadd.s32 $0x10, s18  }
0x194: {  	[hbm4b:s30+s3] =	stream.linear.scatter [tilespmem:s31], [sflag:$0x5], $0x80, $0x38;
	[tilespmem:$0x19E00] =	vst v63  }
0x195: {  	s30 =	sadd.s32 $0x20, s18;
	s31 =	simm.s32 $0x123D0  }
0x196: {  	[hbm4b:s30+s3] =	stream.linear.scatter [tilespmem:s31], [sflag:$0x5], $0x80, $0x38;
	[tilespmem:$0x19E00] =	vst v63  }
0x197: {  	s30 =	sadd.s32 $0x30, s18;
	s31 =	simm.s32 $0x12458  }
0x198: {  	[hbm4b:s30+s3] =	stream.linear.scatter [tilespmem:s31], [sflag:$0x5], $0x80, $0x38;
	[tilespmem:$0x19E00] =	vst v63  }
0x199: {  	s30 =	sadd.s32 $0x40, s18;
	s31 =	simm.s32 $0x124E0  }
0x19a: {  	[hbm4b:s30+s3] =	stream.linear.scatter [tilespmem:s31], [sflag:$0x5], $0x80, $0x38;
	[tilespmem:$0x19E00] =	vst v63  }
0x19b: {  	s30 =	sadd.s32 $0x50, s18;
	s31 =	simm.s32 $0x12568  }
0x19c: {  	[hbm4b:s30+s3] =	stream.linear.scatter [tilespmem:s31], [sflag:$0x5], $0x80, $0x38;
	[tilespmem:$0x19E00] =	vst v63  }
0x19d: {  	s23 =	sadd.s32 $0x60, s18;
	s30 =	simm.s32 $0x125F0  }
0x19e: {  	[hbm4b:s23+s3] =	stream.linear.scatter [tilespmem:s30], [sflag:$0x5], $0x80, $0x38;
	[tilespmem:$0x19E00] =	vst v63  }
0x19f: {  	s18 =	sadd.s32 $0x70, s18;
	s31 =	simm.s32 $0x12678  }
0x1a0: {  	[hbm4b:s18+s3] =	stream.linear.scatter [tilespmem:s31], [sflag:$0x5], $0x80, $0x38;
	[tilespmem:$0x19E00] =	vst v63  }
0x1a1: {  	s23 =	simm.s32 $0x12700;
	s18 =	sadd.s32 s15, s11  }
0x1a2: {  	[hbm4b:s18+s3] =	stream.linear.scatter [tilespmem:s23], [sflag:$0x5], $0x80, $0x38;
	[tilespmem:$0x19E00] =	vst v63  }
0x1a3: {  	s31 =	simm.s32 $0x12788;
	s30 =	sadd.s32 $0x10, s18  }
0x1a4: {  	[hbm4b:s30+s3] =	stream.linear.scatter [tilespmem:s31], [sflag:$0x5], $0x80, $0x38;
	[tilespmem:$0x19E00] =	vst v63  }
0x1a5: {  	s30 =	sadd.s32 $0x20, s18;
	s31 =	simm.s32 $0x12810  }
0x1a6: {  	[hbm4b:s30+s3] =	stream.linear.scatter [tilespmem:s31], [sflag:$0x5], $0x80, $0x38;
	[tilespmem:$0x19E00] =	vst v63  }
0x1a7: {  	s30 =	sadd.s32 $0x30, s18;
	s31 =	simm.s32 $0x12898  }
0x1a8: {  	[hbm4b:s30+s3] =	stream.linear.scatter [tilespmem:s31], [sflag:$0x5], $0x80, $0x38;
	[tilespmem:$0x19E00] =	vst v63  }
0x1a9: {  	s30 =	sadd.s32 $0x40, s18;
	s31 =	simm.s32 $0x12920  }
0x1aa: {  	[hbm4b:s30+s3] =	stream.linear.scatter [tilespmem:s31], [sflag:$0x5], $0x80, $0x38;
	[tilespmem:$0x19E00] =	vst v63  }
0x1ab: {  	s30 =	sadd.s32 $0x50, s18;
	s31 =	simm.s32 $0x129A8  }
0x1ac: {  	[hbm4b:s30+s3] =	stream.linear.scatter [tilespmem:s31], [sflag:$0x5], $0x80, $0x38;
	[tilespmem:$0x19E00] =	vst v63  }
0x1ad: {  	s23 =	sadd.s32 $0x60, s18;
	s30 =	simm.s32 $0x12A30  }
0x1ae: {  	[hbm4b:s23+s3] =	stream.linear.scatter [tilespmem:s30], [sflag:$0x5], $0x80, $0x38;
	[tilespmem:$0x19E00] =	vst v63  }
0x1af: {  	s18 =	sadd.s32 $0x70, s18;
	s31 =	simm.s32 $0x12AB8  }
0x1b0: {  	[hbm4b:s18+s3] =	stream.linear.scatter [tilespmem:s31], [sflag:$0x5], $0x80, $0x38;
	[tilespmem:$0x19E00] =	vst v63  }
0x1b1: {  	s23 =	simm.s32 $0x12B40;
	s18 =	sadd.s32 s15, s12  }
0x1b2: {  	[hbm4b:s18+s3] =	stream.linear.scatter [tilespmem:s23], [sflag:$0x5], $0x80, $0x38;
	[tilespmem:$0x19E00] =	vst v63  }
0x1b3: {  	s31 =	simm.s32 $0x12BC8;
	s30 =	sadd.s32 $0x10, s18  }
0x1b4: {  	[hbm4b:s30+s3] =	stream.linear.scatter [tilespmem:s31], [sflag:$0x5], $0x80, $0x38;
	[tilespmem:$0x19E00] =	vst v63  }
0x1b5: {  	s30 =	sadd.s32 $0x20, s18;
	s31 =	simm.s32 $0x12C50  }
0x1b6: {  	[hbm4b:s30+s3] =	stream.linear.scatter [tilespmem:s31], [sflag:$0x5], $0x80, $0x38;
	[tilespmem:$0x19E00] =	vst v63  }
0x1b7: {  	s30 =	sadd.s32 $0x30, s18;
	s31 =	simm.s32 $0x12CD8  }
0x1b8: {  	[hbm4b:s30+s3] =	stream.linear.scatter [tilespmem:s31], [sflag:$0x5], $0x80, $0x38;
	[tilespmem:$0x19E00] =	vst v63  }
0x1b9: {  	s30 =	sadd.s32 $0x40, s18;
	s31 =	simm.s32 $0x12D60  }
0x1ba: {  	[hbm4b:s30+s3] =	stream.linear.scatter [tilespmem:s31], [sflag:$0x5], $0x80, $0x38;
	[tilespmem:$0x19E00] =	vst v63  }
0x1bb: {  	s30 =	sadd.s32 $0x50, s18;
	s31 =	simm.s32 $0x12DE8  }
0x1bc: {  	[hbm4b:s30+s3] =	stream.linear.scatter [tilespmem:s31], [sflag:$0x5], $0x80, $0x38;
	[tilespmem:$0x19E00] =	vst v63  }
0x1bd: {  	s23 =	sadd.s32 $0x60, s18;
	s30 =	simm.s32 $0x12E70  }
0x1be: {  	[hbm4b:s23+s3] =	stream.linear.scatter [tilespmem:s30], [sflag:$0x5], $0x80, $0x38;
	[tilespmem:$0x19E00] =	vst v63  }
0x1bf: {  	s18 =	sadd.s32 $0x70, s18;
	s31 =	simm.s32 $0x12EF8  }
0x1c0: {  	[hbm4b:s18+s3] =	stream.linear.scatter [tilespmem:s31], [sflag:$0x5], $0x80, $0x38;
	[tilespmem:$0x19E00] =	vst v63  }
0x1c1: {  	s23 =	simm.s32 $0x12F80;
	s18 =	sadd.s32 s15, s13  }
0x1c2: {  	[hbm4b:s18+s3] =	stream.linear.scatter [tilespmem:s23], [sflag:$0x5], $0x80, $0x38;
	[tilespmem:$0x19E00] =	vst v63  }
0x1c3: {  	s31 =	simm.s32 $0x13008;
	s30 =	sadd.s32 $0x10, s18  }
0x1c4: {  	[hbm4b:s30+s3] =	stream.linear.scatter [tilespmem:s31], [sflag:$0x5], $0x80, $0x38;
	[tilespmem:$0x19E00] =	vst v63  }
0x1c5: {  	s30 =	sadd.s32 $0x20, s18;
	s31 =	simm.s32 $0x13090  }
0x1c6: {  	[hbm4b:s30+s3] =	stream.linear.scatter [tilespmem:s31], [sflag:$0x5], $0x80, $0x38;
	[tilespmem:$0x19E00] =	vst v63  }
0x1c7: {  	s30 =	sadd.s32 $0x30, s18;
	s31 =	simm.s32 $0x13118  }
0x1c8: {  	[hbm4b:s30+s3] =	stream.linear.scatter [tilespmem:s31], [sflag:$0x5], $0x80, $0x38;
	[tilespmem:$0x19E00] =	vst v63  }
0x1c9: {  	s30 =	sadd.s32 $0x40, s18;
	s31 =	simm.s32 $0x131A0  }
0x1ca: {  	[hbm4b:s30+s3] =	stream.linear.scatter [tilespmem:s31], [sflag:$0x5], $0x80, $0x38;
	[tilespmem:$0x19E00] =	vst v63  }
0x1cb: {  	s30 =	sadd.s32 $0x50, s18;
	s31 =	simm.s32 $0x13228  }
0x1cc: {  	[hbm4b:s30+s3] =	stream.linear.scatter [tilespmem:s31], [sflag:$0x5], $0x80, $0x38;
	[tilespmem:$0x19E00] =	vst v63  }
0x1cd: {  	s23 =	sadd.s32 $0x60, s18;
	s30 =	simm.s32 $0x132B0  }
0x1ce: {  	[hbm4b:s23+s3] =	stream.linear.scatter [tilespmem:s30], [sflag:$0x5], $0x80, $0x38;
	[tilespmem:$0x19E00] =	vst v63  }
0x1cf: {  	s18 =	sadd.s32 $0x70, s18;
	s31 =	simm.s32 $0x13338  }
0x1d0: {  	[hbm4b:s18+s3] =	stream.linear.scatter [tilespmem:s31], [sflag:$0x5], $0x80, $0x38;
	[tilespmem:$0x19E00] =	vst v63  }
0x1d1: {  	s15 =	sadd.s32 s15, s14;
	s23 =	simm.s32 $0x133C0  }
0x1d2: {  	[hbm4b:s15+s3] =	stream.linear.scatter [tilespmem:s23], [sflag:$0x5], $0x80, $0x38;
	[tilespmem:$0x19E00] =	vst v63  }
0x1d3: {  	s30 =	sadd.s32 $0x10, s15;
	s31 =	simm.s32 $0x13448  }
0x1d4: {  	[hbm4b:s30+s3] =	stream.linear.scatter [tilespmem:s31], [sflag:$0x5], $0x80, $0x38;
	[tilespmem:$0x19E00] =	vst v63  }
0x1d5: {  	s22 =	sadd.s32 $0x20, s15;
	s23 =	simm.s32 $0x134D0  }
0x1d6: {  	[hbm4b:s22+s3] =	stream.linear.scatter [tilespmem:s23], [sflag:$0x5], $0x80, $0x38;
	[tilespmem:$0x19E00] =	vst v63  }
0x1d7: {  	s30 =	sadd.s32 $0x30, s15;
	s31 =	simm.s32 $0x13558  }
0x1d8: {  	[hbm4b:s30+s3] =	stream.linear.scatter [tilespmem:s31], [sflag:$0x5], $0x80, $0x38;
	[tilespmem:$0x19E00] =	vst v63  }
0x1d9: {  	s22 =	sadd.s32 $0x40, s15;
	s23 =	simm.s32 $0x135E0  }
0x1da: {  	[hbm4b:s22+s3] =	stream.linear.scatter [tilespmem:s23], [sflag:$0x5], $0x80, $0x38;
	[tilespmem:$0x19E00] =	vst v63  }
0x1db: {  	s30 =	sadd.s32 $0x50, s15;
	s31 =	simm.s32 $0x13668  }
0x1dc: {  	[hbm4b:s30+s3] =	stream.linear.scatter [tilespmem:s31], [sflag:$0x5], $0x80, $0x38;
	[tilespmem:$0x19E00] =	vst v63  }
0x1dd: {  	s22 =	sadd.s32 $0x60, s15;
	s23 =	simm.s32 $0x136F0  }
0x1de: {  	[hbm4b:s22+s3] =	stream.linear.scatter [tilespmem:s23], [sflag:$0x5], $0x80, $0x38;
	[tilespmem:$0x19E00] =	vst v63  }
0x1df: {  	p1 =	seq.s32 s20, $0x31;
	s15 =	sadd.s32 $0x70, s15;
	s30 =	simm.s32 $0x13778  }
0x1e0: {  	[hbm4b:s15+s3] =	stream.linear.scatter [tilespmem:s30], [sflag:$0x5], $0x80, $0x38;
	[tilespmem:$0x19E00] =	vst v63  }
0x1e1: {  	s15 =	sshll.u32 @!p1 s20, $0x9  }
0x1e2: {  	s22 =	sand.u32 @!p1 $0x3FFFFE00, s15  }
0x1e3: {  	s18 =	simm.s32 @!p1 $0x80;
	s23 =	simm.s32 @!p1 $0x9600;
	s15 =	sadd.s32 @!p1 $0x200, s22  }
0x1e4: {  	[tilespmem:s23], [sflag:$0x1] =	stream.indirect.gather @!p1 [hbm4b:s4+s18], $0x40, s15, s18, $0xb8;
	[tilespmem:$0x19E00] =	vst v63  }
0x1e5: {  	_ =	swait.ge [sflag:s5], $0x2000  }
0x1e6: {  	[sflag:s5] =	ssyncset.done $0x0  }
0x1e7: {  	s15 =	simm.s32 @!p0 $0x6;
	[sflag:s5] =	ssyncadd.s32 $0xFFFFE000  }
0x1e8: {  	_ =	swait.ge @!p0 [sflag:s15], $0x400  }
0x1e9: {  	[sflag:s15] =	ssyncset.done @!p0 $0x0  }
0x1ea: {  	[sflag:s15] =	ssyncadd.s32 @!p0 $0xFFFFFC00  }
0x1eb: {  	_ =	swait.ge @!p0 [sflag:s15], $0x400  }
0x1ec: {  	[sflag:s15] =	ssyncset.done @!p0 $0x0  }
0x1ed: {  	[sflag:s15] =	ssyncadd.s32 @!p0 $0xFFFFFC00  }
0x1ee: {  	_ =	swait.ge @!p0 [sflag:s15], $0x400  }
0x1ef: {  	[sflag:s15] =	ssyncset.done @!p0 $0x0  }
0x1f0: {  	[sflag:s15] =	ssyncadd.s32 @!p0 $0xFFFFFC00  }
0x1f1: {  	_ =	swait.ge @!p0 [sflag:s15], $0x400  }
0x1f2: {  	[sflag:s15] =	ssyncset.done @!p0 $0x0  }
0x1f3: {  	[sflag:s15] =	ssyncadd.s32 @!p0 $0xFFFFFC00  }
0x1f4: {  	_ =	swait.ge @!p0 [sflag:s15], $0x400  }
0x1f5: {  	[sflag:s15] =	ssyncset.done @!p0 $0x0  }
0x1f6: {  	[sflag:s15] =	ssyncadd.s32 @!p0 $0xFFFFFC00  }
0x1f7: {  	_ =	swait.ge @!p0 [sflag:s15], $0x400  }
0x1f8: {  	[sflag:s15] =	ssyncset.done @!p0 $0x0  }
0x1f9: {  	[sflag:s15] =	ssyncadd.s32 @!p0 $0xFFFFFC00  }
0x1fa: {  	_ =	swait.ge @!p0 [sflag:s15], $0x400  }
0x1fb: {  	[sflag:s15] =	ssyncset.done @!p0 $0x0  }
0x1fc: {  	[sflag:s15] =	ssyncadd.s32 @!p0 $0xFFFFFC00  }
0x1fd: {  	_ =	swait.ge @!p0 [sflag:s15], $0x400  }
0x1fe: {  	s23 =	sor.u32 $0x1, s21;
	v61 =	vld [tilespmem:$0x1FFC0]  }
0x1ff: {  	s30 =	simm.s32 $0x0;
	s31 =	sshll.u32 s23, $0x6;
	v56 =	vld [tilespmem:$0x1FEF0]  }
0x200: {  	v58 =	vmov s30;
	s18 =	sand.u32 $0x3FFFFFC0, s31;
	s31 =	simm.s32 $0x1;
	v57 =	vld [tilespmem:$0x1FF00]  }
0x201: {  	v41 =	vshrl.u32 v58, $0x3;
	v59 =	vmov s31;
	[sflag:s15] =	ssyncset.done @!p0 $0x0;
	v58 =	vld [tilespmem:$0x1FF10]  }
0x202: {  	v47 =	vshrl.u32 v59, $0x3;
	v59 =	vld [tilespmem:$0x1FF20];
	[sflag:s15] =	ssyncadd.s32 @!p0 $0xFFFFFC00  }
0x203: {  	v36 =	vld [tilespmem:s18+$0x6400]  }
0x204: {  	v37 =	vld [tilespmem:s18+$0x6410]  }
0x205: {  	v34 =	vld [tilespmem:s18+$0x6420]  }
0x206: {  	v33 =	vld [tilespmem:s18+$0x6430];
	s18 =	simm.s32 $0xB700  }
0x207: {  	v35 =	vld [tilespmem:s18+$0xF0]  }
0x208: {  	v38 =	vld [tilespmem:s18+$0xE0]  }
0x209: {  	v0 =	vld [tilespmem:s18+$0xFFFFFF60]  }
0x20a: {  	v2 =	vld [tilespmem:s18+$0xFFFFFF50]  }
0x20b: {  	v3 =	vld [tilespmem:s18+$0xFFFFFF40]  }
0x20c: {  	v4 =	vld [tilespmem:s18+$0xFFFFFF30]  }
0x20d: {  	v5 =	vld [tilespmem:s18+$0xFFFFFF20]  }
0x20e: {  	v6 =	vld [tilespmem:s18+$0xFFFFFF10]  }
0x20f: {  	v7 =	vld [tilespmem:s18+$0xFFFFFF70]  }
0x210: {  	v8 =	vld [tilespmem:s18+$0xFFFFFF80]  }
0x211: {  	v9 =	vld [tilespmem:s18+$0xFFFFFF90]  }
0x212: {  	v10 =	vld [tilespmem:s18+$0xFFFFFFA0]  }
0x213: {  	v11 =	vld [tilespmem:s18+$0xFFFFFFB0]  }
0x214: {  	v12 =	vld [tilespmem:s18+$0xFFFFFFC0]  }
0x215: {  	v13 =	vld [tilespmem:s18+$0xFFFFFFD0]  }
0x216: {  	v14 =	vld [tilespmem:s18+$0xFFFFFFE0]  }
0x217: {  	v15 =	vld [tilespmem:s18+$0xFFFFFFF0]  }
0x218: {  	v16 =	vld [tilespmem:s18+$0x0]  }
0x219: {  	v17 =	vld [tilespmem:s18+$0x10]  }
0x21a: {  	v18 =	vld [tilespmem:s18+$0x20]  }
0x21b: {  	v39 =	vld [tilespmem:s18+$0x30]  }
0x21c: {  	v40 =	vld [tilespmem:s18+$0x40]  }
0x21d: {  	v42 =	vld [tilespmem:s18+$0x50]  }
0x21e: {  	v43 =	vld [tilespmem:s18+$0x60]  }
0x21f: {  	v41 =	vshll.u32 v41, v1;
	v44 =	vld [tilespmem:s18+$0x70]  }
0x220: {  	v41 =	vbroadcast v41, $0x0;
	v45 =	vld [tilespmem:s18+$0xFFFFFF00]  }
0x221: {  	v46 =	vld [tilespmem:s18+$0x80]  }
0x222: {  	v49 =	vld [tilespmem:s18+$0x90];
	v60 =	vadd.s32 v61, v41  }
0x223: {  	v51 =	vld [tilespmem:s18+$0xA0];
	v62 =	vadd.s32 v56, v41  }
0x224: {  	v52 =	vld [tilespmem:s18+$0xB0]  }
0x225: {  	v54 =	vld [tilespmem:s18+$0xC0];
	v45 =	vadd.f32 v45, v36  }
0x226: {  	v55 =	vld [tilespmem:s18+$0xD0];
	v6 =	vadd.f32 v6, v37  }
0x227: {  	v47 =	vshll.u32 v47, v1;
	[tilespmem:v60+s6+$0x0] =	vst.idx.msk $0xffff, v45;
	v60 =	vld [tilespmem:$0x1FF30]  }
0x228: {  	v47 =	vbroadcast v47, $0x0;
	v53 =	vadd.s32 v57, v41;
	[tilespmem:v62+s6+$0x0] =	vst.idx.msk $0xffff, v6;
	v62 =	vld [tilespmem:$0x1FF40]  }
0x229: {  	v41 =	vadd.s32 v58, v41  }
0x22a: {  	v48 =	vadd.s32 v59, v47  }
0x22b: {  	v5 =	vadd.f32 v5, v34  }
0x22c: {  	s30 =	simm.s32 $0x2;
	v4 =	vadd.f32 v4, v33;
	v50 =	vadd.s32 v60, v47  }
0x22d: {  	v63 =	vmov s30;
	v3 =	vadd.f32 v3, v36;
	[tilespmem:v53+s6+$0x0] =	vst.idx.msk $0xffff, v5;
	v53 =	vadd.s32 v62, v47  }
0x22e: {  	v6 =	vshrl.u32 v63, $0x3;
	v63 =	vld [tilespmem:$0x1FF50];
	[tilespmem:v41+s6+$0x0] =	vst.idx.msk $0xffff, v4  }
0x22f: {  	v2 =	vadd.f32 v2, v37;
	[tilespmem:v48+s6+$0x0] =	vst.idx.msk $0xffff, v3;
	v3 =	vld [tilespmem:$0x1FF80]  }
0x230: {  	v0 =	vadd.f32 v0, v34;
	v48 =	vld [tilespmem:$0x1FF90]  }
0x231: {  	v6 =	vshll.u32 v6, v1;
	[tilespmem:v50+s6+$0x0] =	vst.idx.msk $0xffff, v2;
	v50 =	vld [tilespmem:$0x1FFA0]  }
0x232: {  	s31 =	simm.s32 $0x3;
	v6 =	vbroadcast v6, $0x0;
	[tilespmem:v53+s6+$0x0] =	vst.idx.msk $0xffff, v0;
	v0 =	vld [tilespmem:$0x1FFB0]  }
0x233: {  	v4 =	vadd.s32 v63, v47;
	v47 =	vmov s31  }
0x234: {  	v41 =	vshrl.u32 v47, $0x3;
	v3 =	vadd.s32 v3, v6  }
0x235: {  	v41 =	vshll.u32 v41, v1;
	v47 =	vadd.s32 v48, v6  }
0x236: {  	v41 =	vbroadcast v41, $0x0;
	v2 =	vadd.f32 v7, v33;
	v7 =	vadd.s32 v50, v6  }
0x237: {  	v53 =	vadd.f32 v8, v36;
	v0 =	vadd.s32 v0, v6  }
0x238: {  	s30 =	simm.s32 $0x4;
	v45 =	vadd.s32 v24, v41;
	[tilespmem:v4+s6+$0x0] =	vst.idx.msk $0xffff, v2;
	v2 =	vadd.f32 v9, v37  }
0x239: {  	v48 =	vadd.f32 v10, v34;
	[tilespmem:v3+s6+$0x0] =	vst.idx.msk $0xffff, v53;
	v3 =	vmov s30;
	v50 =	vadd.s32 v25, v41  }
0x23a: {  	v53 =	vadd.s32 v26, v41;
	[tilespmem:v47+s6+$0x0] =	vst.idx.msk $0xffff, v2;
	v2 =	vadd.f32 v11, v33;
	v3 =	vshrl.u32 v3, $0x3  }
0x23b: {  	v12 =	vadd.f32 v12, v36;
	v3 =	vshll.u32 v3, v1;
	[tilespmem:v7+s6+$0x0] =	vst.idx.msk $0xffff, v48  }
0x23c: {  	v3 =	vbroadcast v3, $0x0;
	[tilespmem:v0+s6+$0x0] =	vst.idx.msk $0xffff, v2;
	v0 =	vadd.f32 v13, v37  }
0x23d: {  	v2 =	vadd.s32 v27, v41;
	[tilespmem:v45+s6+$0x0] =	vst.idx.msk $0xffff, v12;
	v45 =	vadd.f32 v14, v34  }
0x23e: {  	v48 =	vadd.s32 v28, v3;
	[tilespmem:v50+s6+$0x0] =	vst.idx.msk $0xffff, v0  }
0x23f: {  	[tilespmem:v53+s6+$0x0] =	vst.idx.msk $0xffff, v45;
	v53 =	vadd.s32 v29, v3  }
0x240: {  	v47 =	vadd.f32 v15, v33;
	v14 =	vadd.s32 v30, v3  }
0x241: {  	v50 =	vadd.f32 v16, v36;
	v3 =	vadd.s32 v31, v3  }
0x242: {  	v12 =	vadd.f32 v17, v37;
	[tilespmem:v2+s6+$0x0] =	vst.idx.msk $0xffff, v47  }
0x243: {  	v13 =	vadd.f32 v18, v34;
	[tilespmem:v48+s6+$0x0] =	vst.idx.msk $0xffff, v50  }
0x244: {  	v21 =	vmov v19;
	v19 =	vld [tilespmem:$0x1FF60];
	v2 =	vadd.f32 v39, v33;
	[tilespmem:v53+s6+$0x0] =	vst.idx.msk $0xffff, v12  }
0x245: {  	s31 =	simm.s32 $0x5;
	v50 =	vld [tilespmem:$0x1FFF0];
	[tilespmem:v14+s6+$0x0] =	vst.idx.msk $0xffff, v13  }
0x246: {  	v0 =	vmov s31;
	[tilespmem:v3+s6+$0x0] =	vst.idx.msk $0xffff, v2;
	v3 =	vld [tilespmem:$0x1FFD0]  }
0x247: {  	v0 =	vshrl.u32 v0, $0x3;
	v53 =	vld [tilespmem:$0x1FFE0]  }
0x248: {  	v0 =	vshll.u32 v0, v1  }
0x249: {  	s30 =	simm.s32 $0x6;
	v41 =	vadd.f32 v44, v33;
	v0 =	vbroadcast v0, $0x0  }
0x24a: {  	v44 =	vadd.f32 v49, v37;
	s31 =	simm.s32 $0x7;
	v45 =	vadd.f32 v52, v33;
	v48 =	vmov s30  }
0x24b: {  	v2 =	vmov s31;
	v5 =	vadd.s32 v50, v0;
	v52 =	vadd.s32 v3, v0;
	v3 =	vld [tilespmem:$0x1FE80]  }
0x24c: {  	v50 =	vadd.s32 v19, v0;
	v49 =	vadd.s32 v53, v0;
	v0 =	vshrl.u32 v2, $0x3;
	v2 =	vld [tilespmem:$0x1FE90]  }
0x24d: {  	v15 =	vadd.f32 v40, v36;
	v4 =	vshrl.u32 v48, $0x3  }
0x24e: {  	v40 =	vadd.f32 v42, v37;
	v42 =	vadd.f32 v46, v36;
	v4 =	vshll.u32 v4, v1  }
0x24f: {  	v46 =	vadd.f32 v54, v36;
	v25 =	vld [tilespmem:$0x1FF70];
	v39 =	vadd.f32 v43, v34;
	v48 =	vbroadcast v4, $0x0  }
0x250: {  	v26 =	vld [tilespmem:$0x1FEB0];
	v28 =	vmov v21;
	v43 =	vadd.f32 v51, v34;
	v47 =	vadd.f32 v55, v37;
	[tilespmem:v5+s6+$0x0] =	vst.idx.msk $0xffff, v15  }
0x251: {  	s15 =	simm.s32 $0xF;
	v27 =	vmovc v22;
	v54 =	vshll.u32 v0, v1;
	v53 =	vadd.s32 v3, v48;
	v51 =	vadd.s32 v2, v48  }
.LBB2_5:
0x252: {  	_ = 	snop  }
0x253: {  	[tilespmem:v49+s6+$0x0] =	vst.idx.msk $0xffff, v40;
	v0 =	vadd.s32 v32, v48;
	v2 =	vbroadcast v54, $0x0  }
0x254: {  	s30 =	smov.u32 s15;
	v3 =	vadd.s32 v25, v48;
	[tilespmem:v50+s6+$0x0] =	vst.idx.msk $0xffff, v39  }
0x255: {  	s31 =	sadd.s32 $0xFFFFFFF9, s30;
	[tilespmem:v52+s6+$0x0] =	vst.idx.msk $0xffff, v41;
	v4 =	vadd.s32 v26, v2  }
0x256: {  	v5 =	vadd.s32 v27, v2;
	v12 =	vmov s31;
	s31 =	sadd.s32 $0xFFFFFFFA, s30;
	[tilespmem:v53+s6+$0x0] =	vst.idx.msk $0xffff, v42  }
0x257: {  	v6 =	vadd.s32 v28, v2;
	v12 =	vshrl.u32 v12, $0x3;
	v17 =	vmov s31;
	s31 =	sadd.s32 $0xFFFFFFFB, s30;
	[tilespmem:v51+s6+$0x0] =	vst.idx.msk $0xffff, v44  }
0x258: {  	v21 =	vld [tilespmem:$0x1FF80];
	v12 =	vshll.u32 v12, v1;
	v52 =	vmov s31;
	[tilespmem:v0+s6+$0x0] =	vst.idx.msk $0xffff, v43;
	v0 =	vadd.s32 v23, v2  }
0x259: {  	v12 =	vbroadcast v12, $0x0;
	[tilespmem:v3+s6+$0x0] =	vst.idx.msk $0xffff, v45;
	v45 =	vshrl.u32 v52, $0x3  }
0x25a: {  	v2 =	vadd.f32 v38, v34;
	[tilespmem:v4+s6+$0x0] =	vst.idx.msk $0xffff, v46;
	v45 =	vshll.u32 v45, v1  }
0x25b: {  	v3 =	vadd.f32 v35, v33;
	v39 =	vadd.s32 v61, v12;
	[tilespmem:v5+s6+$0x0] =	vst.idx.msk $0xffff, v47;
	v45 =	vbroadcast v45, $0x0  }
0x25c: {  	v29 =	vld [tilespmem:$0x1FF90];
	v41 =	vadd.s32 v56, v12;
	v43 =	vadd.s32 v57, v12;
	[tilespmem:v6+s6+$0x0] =	vst.idx.msk $0xffff, v2  }
0x25d: {  	s18 =	sadd.s32 $0x200, s18;
	v12 =	vadd.s32 v58, v12;
	[tilespmem:v0+s6+$0x0] =	vst.idx.msk $0xffff, v3;
	v58 =	vadd.s32 v21, v45;
	v21 =	vld [tilespmem:$0x1FFB0]  }
0x25e: {  	v35 =	vld [tilespmem:s18+$0xF0]  }
0x25f: {  	v38 =	vld [tilespmem:s18+$0xE0]  }
0x260: {  	v0 =	vld [tilespmem:s18+$0xFFFFFF60]  }
0x261: {  	v2 =	vld [tilespmem:s18+$0xFFFFFF50]  }
0x262: {  	v3 =	vld [tilespmem:s18+$0xFFFFFF40]  }
0x263: {  	v4 =	vld [tilespmem:s18+$0xFFFFFF30]  }
0x264: {  	v5 =	vld [tilespmem:s18+$0xFFFFFF20]  }
0x265: {  	v6 =	vld [tilespmem:s18+$0xFFFFFF10]  }
0x266: {  	v7 =	vld [tilespmem:s18+$0xFFFFFF70]  }
0x267: {  	v8 =	vld [tilespmem:s18+$0xFFFFFF80]  }
0x268: {  	v9 =	vld [tilespmem:s18+$0xFFFFFF90]  }
0x269: {  	v10 =	vld [tilespmem:s18+$0xFFFFFFA0]  }
0x26a: {  	v11 =	vld [tilespmem:s18+$0xFFFFFFB0]  }
0x26b: {  	v13 =	vld [tilespmem:s18+$0xFFFFFFC0]  }
0x26c: {  	v14 =	vld [tilespmem:s18+$0xFFFFFFD0]  }
0x26d: {  	v15 =	vld [tilespmem:s18+$0xFFFFFFE0]  }
0x26e: {  	v16 =	vld [tilespmem:s18+$0xFFFFFFF0]  }
0x26f: {  	v18 =	vld [tilespmem:s18+$0x0]  }
0x270: {  	v40 =	vld [tilespmem:s18+$0x10]  }
0x271: {  	v42 =	vld [tilespmem:s18+$0x20]  }
0x272: {  	v44 =	vld [tilespmem:s18+$0x30]  }
0x273: {  	v46 =	vld [tilespmem:s18+$0x40]  }
0x274: {  	v48 =	vld [tilespmem:s18+$0x50]  }
0x275: {  	v50 =	vld [tilespmem:s18+$0x60]  }
0x276: {  	v53 =	vld [tilespmem:s18+$0xFFFFFF00]  }
0x277: {  	v17 =	vshrl.u32 v17, $0x3;
	v52 =	vld [tilespmem:s18+$0x70]  }
0x278: {  	v17 =	vshll.u32 v17, v1;
	v54 =	vld [tilespmem:s18+$0x80]  }
0x279: {  	v17 =	vbroadcast v17, $0x0;
	v55 =	vld [tilespmem:s18+$0x90]  }
0x27a: {  	v57 =	vld [tilespmem:s18+$0xA0]  }
0x27b: {  	v49 =	vadd.s32 v60, v17;
	v60 =	vld [tilespmem:s18+$0xB0];
	v53 =	vadd.f32 v53, v36  }
0x27c: {  	v47 =	vadd.s32 v59, v17;
	v51 =	vadd.s32 v62, v17;
	v62 =	vld [tilespmem:s18+$0xC0];
	v6 =	vadd.f32 v6, v37  }
0x27d: {  	v17 =	vadd.s32 v63, v17;
	v63 =	vld [tilespmem:s18+$0xD0];
	v5 =	vadd.f32 v5, v34;
	[tilespmem:v39+s6+$0x0] =	vst.idx.msk $0xffff, v53  }
0x27e: {  	v59 =	vadd.s32 v21, v45;
	v4 =	vadd.f32 v4, v33;
	[tilespmem:v41+s6+$0x0] =	vst.idx.msk $0xffff, v6  }
0x27f: {  	s31 =	sadd.s32 $0xFFFFFFFC, s30;
	v21 =	vmov v61;
	v61 =	vadd.s32 v29, v45;
	v29 =	vld [tilespmem:$0x1FFA0];
	v3 =	vadd.f32 v3, v36;
	[tilespmem:v43+s6+$0x0] =	vst.idx.msk $0xffff, v5  }
0x280: {  	v56 =	vmov s31;
	[tilespmem:v12+s6+$0x0] =	vst.idx.msk $0xffff, v4  }
0x281: {  	v56 =	vshrl.u32 v56, $0x3;
	v2 =	vadd.f32 v2, v37;
	[tilespmem:v47+s6+$0x0] =	vst.idx.msk $0xffff, v3;
	v3 =	vld [tilespmem:$0x1FE10]  }
0x282: {  	v56 =	vshll.u32 v56, v1;
	v0 =	vadd.f32 v0, v34;
	v43 =	vld [tilespmem:$0x1FE20]  }
0x283: {  	v7 =	vadd.f32 v7, v33;
	v9 =	vadd.f32 v9, v37;
	v41 =	vld [tilespmem:$0x1FE30];
	[tilespmem:v49+s6+$0x0] =	vst.idx.msk $0xffff, v2  }
0x284: {  	s31 =	sadd.s32 $0xFFFFFFFD, s30;
	v8 =	vadd.f32 v8, v36;
	v53 =	vbroadcast v56, $0x0;
	v45 =	vadd.s32 v29, v45;
	[tilespmem:v51+s6+$0x0] =	vst.idx.msk $0xffff, v0;
	v0 =	vld [tilespmem:$0x1FE40]  }
0x285: {  	v6 =	vadd.f32 v15, v34;
	v15 =	vadd.f32 v16, v33;
	v16 =	vmov s31;
	v49 =	vld [tilespmem:$0x1FE50]  }
0x286: {  	v10 =	vadd.f32 v10, v34;
	v16 =	vshrl.u32 v16, $0x3;
	v51 =	vld [tilespmem:$0x1FE60];
	[tilespmem:v17+s6+$0x0] =	vst.idx.msk $0xffff, v7;
	v3 =	vadd.s32 v3, v53  }
0x287: {  	v2 =	vshll.u32 v16, v1;
	v4 =	vadd.s32 v43, v53;
	[tilespmem:v58+s6+$0x0] =	vst.idx.msk $0xffff, v8  }
0x288: {  	v11 =	vadd.f32 v11, v33;
	v5 =	vadd.s32 v41, v53;
	v2 =	vbroadcast v2, $0x0;
	[tilespmem:v61+s6+$0x0] =	vst.idx.msk $0xffff, v9  }
0x289: {  	v13 =	vadd.f32 v13, v36;
	[tilespmem:v45+s6+$0x0] =	vst.idx.msk $0xffff, v10;
	v0 =	vadd.s32 v0, v53  }
0x28a: {  	v14 =	vadd.f32 v14, v37;
	v9 =	vadd.s32 v49, v2;
	[tilespmem:v59+s6+$0x0] =	vst.idx.msk $0xffff, v11  }
0x28b: {  	v10 =	vadd.s32 v51, v2;
	[tilespmem:v3+s6+$0x0] =	vst.idx.msk $0xffff, v13  }
0x28c: {  	v8 =	vadd.s32 v30, v2;
	[tilespmem:v4+s6+$0x0] =	vst.idx.msk $0xffff, v14  }
0x28d: {  	s31 =	sadd.s32 $0xFFFFFFFE, s30;
	v12 =	vadd.f32 v18, v36;
	v2 =	vadd.s32 v31, v2;
	[tilespmem:v5+s6+$0x0] =	vst.idx.msk $0xffff, v6  }
0x28e: {  	v18 =	vadd.f32 v40, v37;
	v47 =	vadd.f32 v44, v33;
	v44 =	vmov s31;
	[tilespmem:v0+s6+$0x0] =	vst.idx.msk $0xffff, v15;
	v0 =	vld [tilespmem:$0x1FFE0]  }
0x28f: {  	v16 =	vadd.f32 v42, v34;
	v17 =	vshrl.u32 v44, $0x3;
	[tilespmem:v9+s6+$0x0] =	vst.idx.msk $0xffff, v12  }
0x290: {  	v41 =	vadd.f32 v52, v33;
	v52 =	vshll.u32 v17, v1;
	[tilespmem:v10+s6+$0x0] =	vst.idx.msk $0xffff, v18  }
0x291: {  	s31 =	sadd.s32 $0xFFFFFFFF, s30;
	v42 =	vadd.f32 v54, v36;
	v54 =	vld [tilespmem:$0x1FFF0];
	v3 =	vbroadcast v52, $0x0;
	[tilespmem:v8+s6+$0x0] =	vst.idx.msk $0xffff, v16  }
0x292: {  	v53 =	vmov s31;
	[tilespmem:v2+s6+$0x0] =	vst.idx.msk $0xffff, v47;
	v2 =	vld [tilespmem:$0x1FE80]  }
0x293: {  	v49 =	vadd.s32 v0, v3;
	v0 =	vshrl.u32 v53, $0x3  }
0x294: {  	v56 =	vld [tilespmem:$0x1FEF0];
	v0 =	vshll.u32 v0, v1  }
0x295: {  	v40 =	vadd.f32 v48, v37;
	v43 =	vadd.f32 v57, v34;
	v57 =	vld [tilespmem:$0x1FF00];
	v48 =	vbroadcast v0, $0x0  }
0x296: {  	v44 =	vadd.f32 v55, v37;
	v55 =	vld [tilespmem:$0x1FFD0]  }
0x297: {  	p2 =	sne.s32 s15, $0x7F;
	v5 =	vadd.s32 v54, v3;
	v53 =	vadd.s32 v2, v48;
	v2 =	vld [tilespmem:$0x1FE90]  }
.Ltmp3:
0x298: {  	v7 =	vadd.f32 v46, v36;
	v46 =	vadd.f32 v62, v36;
	v62 =	vld [tilespmem:$0x1FF40];
	(pc) =	sbr.rel @p2 .LBB2_5-.Ltmp3, $4  }
0x299: {  	v39 =	vadd.f32 v50, v34;
	v58 =	vld [tilespmem:$0x1FF10]  }
0x29a: {  	v45 =	vadd.f32 v60, v33;
	v60 =	vld [tilespmem:$0x1FF30];
	v50 =	vadd.s32 v19, v3;
	v0 =	vmov s30  }
0x29b: {  	v59 =	vld [tilespmem:$0x1FF20];
	v52 =	vadd.s32 v55, v3;
	v47 =	vadd.f32 v63, v37;
	v0 =	vshrl.u32 v0, $0x3  }
0x29c: {  	s15 =	sadd.s32 $0x8, s15;
	v61 =	vmov v21;
	v63 =	vld [tilespmem:$0x1FF50];
	[tilespmem:v5+s6+$0x0] =	vst.idx.msk $0xffff, v7;
	v54 =	vshll.u32 v0, v1;
	v51 =	vadd.s32 v2, v48  }
0x29d: {  	_ =	sdelay $0x3  }
0x29e: {  	[tilespmem:v49+s6+$0x0] =	vst.idx.msk $0xffff, v40;
	v0 =	vadd.s32 v32, v48;
	v2 =	vbroadcast v54, $0x0  }
0x29f: {  	v3 =	vadd.s32 v25, v48;
	[tilespmem:v50+s6+$0x0] =	vst.idx.msk $0xffff, v39  }
0x2a0: {  	[tilespmem:v52+s6+$0x0] =	vst.idx.msk $0xffff, v41;
	v4 =	vadd.s32 v26, v2  }
0x2a1: {  	v5 =	vadd.s32 v27, v2;
	[tilespmem:v53+s6+$0x0] =	vst.idx.msk $0xffff, v42  }
0x2a2: {  	v6 =	vadd.s32 v28, v2;
	[tilespmem:v51+s6+$0x0] =	vst.idx.msk $0xffff, v44  }
0x2a3: {  	[tilespmem:v0+s6+$0x0] =	vst.idx.msk $0xffff, v43;
	v0 =	vadd.s32 v23, v2  }
0x2a4: {  	[tilespmem:v3+s6+$0x0] =	vst.idx.msk $0xffff, v45  }
0x2a5: {  	s15 =	sshll.u32 s23, $0x12;
	v2 =	vadd.f32 v38, v34;
	[tilespmem:v4+s6+$0x0] =	vst.idx.msk $0xffff, v46  }
0x2a6: {  	s15 =	sor.u32 s7, s15;
	v3 =	vadd.f32 v35, v33;
	[tilespmem:v5+s6+$0x0] =	vst.idx.msk $0xffff, v47  }
0x2a7: {  	s15 =	sshrl.u32 s15, $0x3;
	[tilespmem:v6+s6+$0x0] =	vst.idx.msk $0xffff, v2  }
0x2a8: {  	s18 =	sadd.s32 s2, s15;
	[tilespmem:v0+s6+$0x0] =	vst.idx.msk $0xffff, v3  }
0x2a9: {  	[hbm4b:s18+s3] =	stream.linear.scatter [tilespmem:s6], [sflag:$0x6], $0x80, $0x38;
	[tilespmem:$0x19E00] =	vst v63  }
0x2aa: {  	s30 =	simm.s32 $0x13888;
	s31 =	sadd.s32 $0x10, s18  }
0x2ab: {  	[hbm4b:s31+s3] =	stream.linear.scatter [tilespmem:s30], [sflag:$0x6], $0x80, $0x38;
	[tilespmem:$0x19E00] =	vst v63  }
0x2ac: {  	s23 =	sadd.s32 $0x20, s18;
	s31 =	simm.s32 $0x13910  }
0x2ad: {  	[hbm4b:s23+s3] =	stream.linear.scatter [tilespmem:s31], [sflag:$0x6], $0x80, $0x38;
	[tilespmem:$0x19E00] =	vst v63  }
0x2ae: {  	s23 =	sadd.s32 $0x30, s18;
	s31 =	simm.s32 $0x13998  }
0x2af: {  	[hbm4b:s23+s3] =	stream.linear.scatter [tilespmem:s31], [sflag:$0x6], $0x80, $0x38;
	[tilespmem:$0x19E00] =	vst v63  }
0x2b0: {  	s23 =	sadd.s32 $0x40, s18;
	s31 =	simm.s32 $0x13A20  }
0x2b1: {  	[hbm4b:s23+s3] =	stream.linear.scatter [tilespmem:s31], [sflag:$0x6], $0x80, $0x38;
	[tilespmem:$0x19E00] =	vst v63  }
0x2b2: {  	s23 =	sadd.s32 $0x50, s18;
	s31 =	simm.s32 $0x13AA8  }
0x2b3: {  	[hbm4b:s23+s3] =	stream.linear.scatter [tilespmem:s31], [sflag:$0x6], $0x80, $0x38;
	[tilespmem:$0x19E00] =	vst v63  }
0x2b4: {  	s23 =	sadd.s32 $0x60, s18;
	s31 =	simm.s32 $0x13B30  }
0x2b5: {  	[hbm4b:s23+s3] =	stream.linear.scatter [tilespmem:s31], [sflag:$0x6], $0x80, $0x38;
	[tilespmem:$0x19E00] =	vst v63  }
0x2b6: {  	s18 =	sadd.s32 $0x70, s18;
	s31 =	simm.s32 $0x13BB8  }
0x2b7: {  	[hbm4b:s18+s3] =	stream.linear.scatter [tilespmem:s31], [sflag:$0x6], $0x80, $0x38;
	[tilespmem:$0x19E00] =	vst v63  }
0x2b8: {  	s30 =	simm.s32 $0x13C40;
	s18 =	sadd.s32 s15, s8  }
0x2b9: {  	[hbm4b:s18+s3] =	stream.linear.scatter [tilespmem:s30], [sflag:$0x6], $0x80, $0x38;
	[tilespmem:$0x19E00] =	vst v63  }
0x2ba: {  	s31 =	simm.s32 $0x13CC8;
	s23 =	sadd.s32 $0x10, s18  }
0x2bb: {  	[hbm4b:s23+s3] =	stream.linear.scatter [tilespmem:s31], [sflag:$0x6], $0x80, $0x38;
	[tilespmem:$0x19E00] =	vst v63  }
0x2bc: {  	s23 =	sadd.s32 $0x20, s18;
	s31 =	simm.s32 $0x13D50  }
0x2bd: {  	[hbm4b:s23+s3] =	stream.linear.scatter [tilespmem:s31], [sflag:$0x6], $0x80, $0x38;
	[tilespmem:$0x19E00] =	vst v63  }
0x2be: {  	s23 =	sadd.s32 $0x30, s18;
	s31 =	simm.s32 $0x13DD8  }
0x2bf: {  	[hbm4b:s23+s3] =	stream.linear.scatter [tilespmem:s31], [sflag:$0x6], $0x80, $0x38;
	[tilespmem:$0x19E00] =	vst v63  }
0x2c0: {  	s23 =	sadd.s32 $0x40, s18;
	s31 =	simm.s32 $0x13E60  }
0x2c1: {  	[hbm4b:s23+s3] =	stream.linear.scatter [tilespmem:s31], [sflag:$0x6], $0x80, $0x38;
	[tilespmem:$0x19E00] =	vst v63  }
0x2c2: {  	s23 =	sadd.s32 $0x50, s18;
	s31 =	simm.s32 $0x13EE8  }
0x2c3: {  	[hbm4b:s23+s3] =	stream.linear.scatter [tilespmem:s31], [sflag:$0x6], $0x80, $0x38;
	[tilespmem:$0x19E00] =	vst v63  }
0x2c4: {  	s23 =	sadd.s32 $0x60, s18;
	s31 =	simm.s32 $0x13F70  }
0x2c5: {  	[hbm4b:s23+s3] =	stream.linear.scatter [tilespmem:s31], [sflag:$0x6], $0x80, $0x38;
	[tilespmem:$0x19E00] =	vst v63  }
0x2c6: {  	s18 =	sadd.s32 $0x70, s18;
	s31 =	simm.s32 $0x13FF8  }
0x2c7: {  	[hbm4b:s18+s3] =	stream.linear.scatter [tilespmem:s31], [sflag:$0x6], $0x80, $0x38;
	[tilespmem:$0x19E00] =	vst v63  }
0x2c8: {  	s30 =	simm.s32 $0x14080;
	s18 =	sadd.s32 s15, s9  }
0x2c9: {  	[hbm4b:s18+s3] =	stream.linear.scatter [tilespmem:s30], [sflag:$0x6], $0x80, $0x38;
	[tilespmem:$0x19E00] =	vst v63  }
0x2ca: {  	s31 =	simm.s32 $0x14108;
	s23 =	sadd.s32 $0x10, s18  }
0x2cb: {  	[hbm4b:s23+s3] =	stream.linear.scatter [tilespmem:s31], [sflag:$0x6], $0x80, $0x38;
	[tilespmem:$0x19E00] =	vst v63  }
0x2cc: {  	s23 =	sadd.s32 $0x20, s18;
	s31 =	simm.s32 $0x14190  }
0x2cd: {  	[hbm4b:s23+s3] =	stream.linear.scatter [tilespmem:s31], [sflag:$0x6], $0x80, $0x38;
	[tilespmem:$0x19E00] =	vst v63  }
0x2ce: {  	s23 =	sadd.s32 $0x30, s18;
	s31 =	simm.s32 $0x14218  }
0x2cf: {  	[hbm4b:s23+s3] =	stream.linear.scatter [tilespmem:s31], [sflag:$0x6], $0x80, $0x38;
	[tilespmem:$0x19E00] =	vst v63  }
0x2d0: {  	s23 =	sadd.s32 $0x40, s18;
	s31 =	simm.s32 $0x142A0  }
0x2d1: {  	[hbm4b:s23+s3] =	stream.linear.scatter [tilespmem:s31], [sflag:$0x6], $0x80, $0x38;
	[tilespmem:$0x19E00] =	vst v63  }
0x2d2: {  	s23 =	sadd.s32 $0x50, s18;
	s31 =	simm.s32 $0x14328  }
0x2d3: {  	[hbm4b:s23+s3] =	stream.linear.scatter [tilespmem:s31], [sflag:$0x6], $0x80, $0x38;
	[tilespmem:$0x19E00] =	vst v63  }
0x2d4: {  	s23 =	sadd.s32 $0x60, s18;
	s31 =	simm.s32 $0x143B0  }
0x2d5: {  	[hbm4b:s23+s3] =	stream.linear.scatter [tilespmem:s31], [sflag:$0x6], $0x80, $0x38;
	[tilespmem:$0x19E00] =	vst v63  }
0x2d6: {  	s18 =	sadd.s32 $0x70, s18;
	s31 =	simm.s32 $0x14438  }
0x2d7: {  	[hbm4b:s18+s3] =	stream.linear.scatter [tilespmem:s31], [sflag:$0x6], $0x80, $0x38;
	[tilespmem:$0x19E00] =	vst v63  }
0x2d8: {  	s30 =	simm.s32 $0x144C0;
	s18 =	sadd.s32 s15, s10  }
0x2d9: {  	[hbm4b:s18+s3] =	stream.linear.scatter [tilespmem:s30], [sflag:$0x6], $0x80, $0x38;
	[tilespmem:$0x19E00] =	vst v63  }
0x2da: {  	s31 =	simm.s32 $0x14548;
	s23 =	sadd.s32 $0x10, s18  }
0x2db: {  	[hbm4b:s23+s3] =	stream.linear.scatter [tilespmem:s31], [sflag:$0x6], $0x80, $0x38;
	[tilespmem:$0x19E00] =	vst v63  }
0x2dc: {  	s23 =	sadd.s32 $0x20, s18;
	s31 =	simm.s32 $0x145D0  }
0x2dd: {  	[hbm4b:s23+s3] =	stream.linear.scatter [tilespmem:s31], [sflag:$0x6], $0x80, $0x38;
	[tilespmem:$0x19E00] =	vst v63  }
0x2de: {  	s23 =	sadd.s32 $0x30, s18;
	s31 =	simm.s32 $0x14658  }
0x2df: {  	[hbm4b:s23+s3] =	stream.linear.scatter [tilespmem:s31], [sflag:$0x6], $0x80, $0x38;
	[tilespmem:$0x19E00] =	vst v63  }
0x2e0: {  	s23 =	sadd.s32 $0x40, s18;
	s31 =	simm.s32 $0x146E0  }
0x2e1: {  	[hbm4b:s23+s3] =	stream.linear.scatter [tilespmem:s31], [sflag:$0x6], $0x80, $0x38;
	[tilespmem:$0x19E00] =	vst v63  }
0x2e2: {  	s23 =	sadd.s32 $0x50, s18;
	s31 =	simm.s32 $0x14768  }
0x2e3: {  	[hbm4b:s23+s3] =	stream.linear.scatter [tilespmem:s31], [sflag:$0x6], $0x80, $0x38;
	[tilespmem:$0x19E00] =	vst v63  }
0x2e4: {  	s23 =	sadd.s32 $0x60, s18;
	s31 =	simm.s32 $0x147F0  }
0x2e5: {  	[hbm4b:s23+s3] =	stream.linear.scatter [tilespmem:s31], [sflag:$0x6], $0x80, $0x38;
	[tilespmem:$0x19E00] =	vst v63  }
0x2e6: {  	s18 =	sadd.s32 $0x70, s18;
	s31 =	simm.s32 $0x14878  }
0x2e7: {  	[hbm4b:s18+s3] =	stream.linear.scatter [tilespmem:s31], [sflag:$0x6], $0x80, $0x38;
	[tilespmem:$0x19E00] =	vst v63  }
0x2e8: {  	s30 =	simm.s32 $0x14900;
	s18 =	sadd.s32 s15, s11  }
0x2e9: {  	[hbm4b:s18+s3] =	stream.linear.scatter [tilespmem:s30], [sflag:$0x6], $0x80, $0x38;
	[tilespmem:$0x19E00] =	vst v63  }
0x2ea: {  	s31 =	simm.s32 $0x14988;
	s23 =	sadd.s32 $0x10, s18  }
0x2eb: {  	[hbm4b:s23+s3] =	stream.linear.scatter [tilespmem:s31], [sflag:$0x6], $0x80, $0x38;
	[tilespmem:$0x19E00] =	vst v63  }
0x2ec: {  	s23 =	sadd.s32 $0x20, s18;
	s31 =	simm.s32 $0x14A10  }
0x2ed: {  	[hbm4b:s23+s3] =	stream.linear.scatter [tilespmem:s31], [sflag:$0x6], $0x80, $0x38;
	[tilespmem:$0x19E00] =	vst v63  }
0x2ee: {  	s23 =	sadd.s32 $0x30, s18;
	s31 =	simm.s32 $0x14A98  }
0x2ef: {  	[hbm4b:s23+s3] =	stream.linear.scatter [tilespmem:s31], [sflag:$0x6], $0x80, $0x38;
	[tilespmem:$0x19E00] =	vst v63  }
0x2f0: {  	s23 =	sadd.s32 $0x40, s18;
	s31 =	simm.s32 $0x14B20  }
0x2f1: {  	[hbm4b:s23+s3] =	stream.linear.scatter [tilespmem:s31], [sflag:$0x6], $0x80, $0x38;
	[tilespmem:$0x19E00] =	vst v63  }
0x2f2: {  	s23 =	sadd.s32 $0x50, s18;
	s31 =	simm.s32 $0x14BA8  }
0x2f3: {  	[hbm4b:s23+s3] =	stream.linear.scatter [tilespmem:s31], [sflag:$0x6], $0x80, $0x38;
	[tilespmem:$0x19E00] =	vst v63  }
0x2f4: {  	s23 =	sadd.s32 $0x60, s18;
	s31 =	simm.s32 $0x14C30  }
0x2f5: {  	[hbm4b:s23+s3] =	stream.linear.scatter [tilespmem:s31], [sflag:$0x6], $0x80, $0x38;
	[tilespmem:$0x19E00] =	vst v63  }
0x2f6: {  	s18 =	sadd.s32 $0x70, s18;
	s31 =	simm.s32 $0x14CB8  }
0x2f7: {  	[hbm4b:s18+s3] =	stream.linear.scatter [tilespmem:s31], [sflag:$0x6], $0x80, $0x38;
	[tilespmem:$0x19E00] =	vst v63  }
0x2f8: {  	s30 =	simm.s32 $0x14D40;
	s18 =	sadd.s32 s15, s12  }
0x2f9: {  	[hbm4b:s18+s3] =	stream.linear.scatter [tilespmem:s30], [sflag:$0x6], $0x80, $0x38;
	[tilespmem:$0x19E00] =	vst v63  }
0x2fa: {  	s31 =	simm.s32 $0x14DC8;
	s23 =	sadd.s32 $0x10, s18  }
0x2fb: {  	[hbm4b:s23+s3] =	stream.linear.scatter [tilespmem:s31], [sflag:$0x6], $0x80, $0x38;
	[tilespmem:$0x19E00] =	vst v63  }
0x2fc: {  	s23 =	sadd.s32 $0x20, s18;
	s31 =	simm.s32 $0x14E50  }
0x2fd: {  	[hbm4b:s23+s3] =	stream.linear.scatter [tilespmem:s31], [sflag:$0x6], $0x80, $0x38;
	[tilespmem:$0x19E00] =	vst v63  }
0x2fe: {  	s23 =	sadd.s32 $0x30, s18;
	s31 =	simm.s32 $0x14ED8  }
0x2ff: {  	[hbm4b:s23+s3] =	stream.linear.scatter [tilespmem:s31], [sflag:$0x6], $0x80, $0x38;
	[tilespmem:$0x19E00] =	vst v63  }
0x300: {  	s23 =	sadd.s32 $0x40, s18;
	s31 =	simm.s32 $0x14F60  }
0x301: {  	[hbm4b:s23+s3] =	stream.linear.scatter [tilespmem:s31], [sflag:$0x6], $0x80, $0x38;
	[tilespmem:$0x19E00] =	vst v63  }
0x302: {  	s23 =	sadd.s32 $0x50, s18;
	s31 =	simm.s32 $0x14FE8  }
0x303: {  	[hbm4b:s23+s3] =	stream.linear.scatter [tilespmem:s31], [sflag:$0x6], $0x80, $0x38;
	[tilespmem:$0x19E00] =	vst v63  }
0x304: {  	s23 =	sadd.s32 $0x60, s18;
	s31 =	simm.s32 $0x15070  }
0x305: {  	[hbm4b:s23+s3] =	stream.linear.scatter [tilespmem:s31], [sflag:$0x6], $0x80, $0x38;
	[tilespmem:$0x19E00] =	vst v63  }
0x306: {  	s18 =	sadd.s32 $0x70, s18;
	s31 =	simm.s32 $0x150F8  }
0x307: {  	[hbm4b:s18+s3] =	stream.linear.scatter [tilespmem:s31], [sflag:$0x6], $0x80, $0x38;
	[tilespmem:$0x19E00] =	vst v63  }
0x308: {  	s30 =	simm.s32 $0x15180;
	s18 =	sadd.s32 s15, s13  }
0x309: {  	[hbm4b:s18+s3] =	stream.linear.scatter [tilespmem:s30], [sflag:$0x6], $0x80, $0x38;
	[tilespmem:$0x19E00] =	vst v63  }
0x30a: {  	s31 =	simm.s32 $0x15208;
	s23 =	sadd.s32 $0x10, s18  }
0x30b: {  	[hbm4b:s23+s3] =	stream.linear.scatter [tilespmem:s31], [sflag:$0x6], $0x80, $0x38;
	[tilespmem:$0x19E00] =	vst v63  }
0x30c: {  	s23 =	sadd.s32 $0x20, s18;
	s31 =	simm.s32 $0x15290  }
0x30d: {  	[hbm4b:s23+s3] =	stream.linear.scatter [tilespmem:s31], [sflag:$0x6], $0x80, $0x38;
	[tilespmem:$0x19E00] =	vst v63  }
0x30e: {  	s23 =	sadd.s32 $0x30, s18;
	s31 =	simm.s32 $0x15318  }
0x30f: {  	[hbm4b:s23+s3] =	stream.linear.scatter [tilespmem:s31], [sflag:$0x6], $0x80, $0x38;
	[tilespmem:$0x19E00] =	vst v63  }
0x310: {  	s23 =	sadd.s32 $0x40, s18;
	s31 =	simm.s32 $0x153A0  }
0x311: {  	[hbm4b:s23+s3] =	stream.linear.scatter [tilespmem:s31], [sflag:$0x6], $0x80, $0x38;
	[tilespmem:$0x19E00] =	vst v63  }
0x312: {  	s23 =	sadd.s32 $0x50, s18;
	s31 =	simm.s32 $0x15428  }
0x313: {  	[hbm4b:s23+s3] =	stream.linear.scatter [tilespmem:s31], [sflag:$0x6], $0x80, $0x38;
	[tilespmem:$0x19E00] =	vst v63  }
0x314: {  	s23 =	sadd.s32 $0x60, s18;
	s31 =	simm.s32 $0x154B0  }
0x315: {  	[hbm4b:s23+s3] =	stream.linear.scatter [tilespmem:s31], [sflag:$0x6], $0x80, $0x38;
	[tilespmem:$0x19E00] =	vst v63  }
0x316: {  	s18 =	sadd.s32 $0x70, s18;
	s31 =	simm.s32 $0x15538  }
0x317: {  	[hbm4b:s18+s3] =	stream.linear.scatter [tilespmem:s31], [sflag:$0x6], $0x80, $0x38;
	[tilespmem:$0x19E00] =	vst v63  }
0x318: {  	s15 =	sadd.s32 s15, s14;
	s23 =	simm.s32 $0x155C0  }
0x319: {  	[hbm4b:s15+s3] =	stream.linear.scatter [tilespmem:s23], [sflag:$0x6], $0x80, $0x38;
	[tilespmem:$0x19E00] =	vst v63  }
0x31a: {  	s30 =	sadd.s32 $0x10, s15;
	s31 =	simm.s32 $0x15648  }
0x31b: {  	[hbm4b:s30+s3] =	stream.linear.scatter [tilespmem:s31], [sflag:$0x6], $0x80, $0x38;
	[tilespmem:$0x19E00] =	vst v63  }
0x31c: {  	s30 =	sadd.s32 $0x20, s15;
	s31 =	simm.s32 $0x156D0  }
0x31d: {  	[hbm4b:s30+s3] =	stream.linear.scatter [tilespmem:s31], [sflag:$0x6], $0x80, $0x38;
	[tilespmem:$0x19E00] =	vst v63  }
0x31e: {  	s30 =	sadd.s32 $0x30, s15;
	s31 =	simm.s32 $0x15758  }
0x31f: {  	[hbm4b:s30+s3] =	stream.linear.scatter [tilespmem:s31], [sflag:$0x6], $0x80, $0x38;
	[tilespmem:$0x19E00] =	vst v63  }
0x320: {  	s30 =	sadd.s32 $0x40, s15;
	s31 =	simm.s32 $0x157E0  }
0x321: {  	[hbm4b:s30+s3] =	stream.linear.scatter [tilespmem:s31], [sflag:$0x6], $0x80, $0x38;
	[tilespmem:$0x19E00] =	vst v63  }
0x322: {  	s30 =	sadd.s32 $0x50, s15;
	s31 =	simm.s32 $0x15868  }
0x323: {  	[hbm4b:s30+s3] =	stream.linear.scatter [tilespmem:s31], [sflag:$0x6], $0x80, $0x38;
	[tilespmem:$0x19E00] =	vst v63  }
0x324: {  	s30 =	sadd.s32 $0x60, s15;
	s31 =	simm.s32 $0x158F0  }
0x325: {  	[hbm4b:s30+s3] =	stream.linear.scatter [tilespmem:s31], [sflag:$0x6], $0x80, $0x38;
	[tilespmem:$0x19E00] =	vst v63  }
0x326: {  	s15 =	sadd.s32 $0x70, s15;
	s30 =	simm.s32 $0x15978  }
0x327: {  	[hbm4b:s15+s3] =	stream.linear.scatter [tilespmem:s30], [sflag:$0x6], $0x80, $0x38;
	[tilespmem:$0x19E00] =	vst v63  }
0x328: {  	s18 =	simm.s32 @!p1 $0x80;
	s23 =	simm.s32 @!p1 $0xB600;
	s15 =	sadd.s32 @!p1 $0x280, s22  }
0x329: {  	[tilespmem:s23], [sflag:$0x2] =	stream.indirect.gather @!p1 [hbm4b:s4+s18], $0x40, s15, s18, $0xb8;
	[tilespmem:$0x19E00] =	vst v63  }
0x32a: {  	_ =	swait.ge [sflag:s28], $0x2000  }
0x32b: {  	[sflag:s28] =	ssyncset.done $0x0  }
0x32c: {  	s15 =	simm.s32 @!p0 $0x7;
	[sflag:s28] =	ssyncadd.s32 $0xFFFFE000  }
0x32d: {  	_ =	swait.ge @!p0 [sflag:s15], $0x400  }
0x32e: {  	[sflag:s15] =	ssyncset.done @!p0 $0x0  }
0x32f: {  	[sflag:s15] =	ssyncadd.s32 @!p0 $0xFFFFFC00  }
0x330: {  	_ =	swait.ge @!p0 [sflag:s15], $0x400  }
0x331: {  	[sflag:s15] =	ssyncset.done @!p0 $0x0  }
0x332: {  	[sflag:s15] =	ssyncadd.s32 @!p0 $0xFFFFFC00  }
0x333: {  	_ =	swait.ge @!p0 [sflag:s15], $0x400  }
0x334: {  	[sflag:s15] =	ssyncset.done @!p0 $0x0  }
0x335: {  	[sflag:s15] =	ssyncadd.s32 @!p0 $0xFFFFFC00  }
0x336: {  	_ =	swait.ge @!p0 [sflag:s15], $0x400  }
0x337: {  	[sflag:s15] =	ssyncset.done @!p0 $0x0  }
0x338: {  	[sflag:s15] =	ssyncadd.s32 @!p0 $0xFFFFFC00  }
0x339: {  	_ =	swait.ge @!p0 [sflag:s15], $0x400  }
0x33a: {  	[sflag:s15] =	ssyncset.done @!p0 $0x0  }
0x33b: {  	[sflag:s15] =	ssyncadd.s32 @!p0 $0xFFFFFC00  }
0x33c: {  	_ =	swait.ge @!p0 [sflag:s15], $0x400  }
0x33d: {  	[sflag:s15] =	ssyncset.done @!p0 $0x0  }
0x33e: {  	[sflag:s15] =	ssyncadd.s32 @!p0 $0xFFFFFC00  }
0x33f: {  	_ =	swait.ge @!p0 [sflag:s15], $0x400  }
0x340: {  	[sflag:s15] =	ssyncset.done @!p0 $0x0  }
0x341: {  	[sflag:s15] =	ssyncadd.s32 @!p0 $0xFFFFFC00  }
0x342: {  	s23 =	sor.u32 $0x2, s21;
	_ =	swait.ge @!p0 [sflag:s15], $0x400  }
0x343: {  	s31 =	sshll.u32 s23, $0x6;
	[sflag:s15] =	ssyncset.done @!p0 $0x0  }
0x344: {  	s18 =	sand.u32 $0x3FFFFFC0, s31;
	[sflag:s15] =	ssyncadd.s32 @!p0 $0xFFFFFC00  }
0x345: {  	v36 =	vld [tilespmem:s18+$0x6400]  }
0x346: {  	v37 =	vld [tilespmem:s18+$0x6410]  }
0x347: {  	v34 =	vld [tilespmem:s18+$0x6420]  }
0x348: {  	v33 =	vld [tilespmem:s18+$0x6430];
	s18 =	simm.s32 $0xD700  }
0x349: {  	v35 =	vld [tilespmem:s18+$0xF0]  }
0x34a: {  	v38 =	vld [tilespmem:s18+$0xE0]  }
0x34b: {  	v0 =	vld [tilespmem:s18+$0xFFFFFF60]  }
0x34c: {  	v2 =	vld [tilespmem:s18+$0xFFFFFF50]  }
0x34d: {  	v3 =	vld [tilespmem:s18+$0xFFFFFF40]  }
0x34e: {  	v4 =	vld [tilespmem:s18+$0xFFFFFF30]  }
0x34f: {  	v5 =	vld [tilespmem:s18+$0xFFFFFF20]  }
0x350: {  	v6 =	vld [tilespmem:s18+$0xFFFFFF10]  }
0x351: {  	v7 =	vld [tilespmem:s18+$0xFFFFFF70]  }
0x352: {  	v8 =	vld [tilespmem:s18+$0xFFFFFF80]  }
0x353: {  	v9 =	vld [tilespmem:s18+$0xFFFFFF90]  }
0x354: {  	v10 =	vld [tilespmem:s18+$0xFFFFFFA0]  }
0x355: {  	v11 =	vld [tilespmem:s18+$0xFFFFFFB0]  }
0x356: {  	v12 =	vld [tilespmem:s18+$0xFFFFFFC0]  }
0x357: {  	v13 =	vld [tilespmem:s18+$0xFFFFFFD0]  }
0x358: {  	v14 =	vld [tilespmem:s18+$0xFFFFFFE0]  }
0x359: {  	v15 =	vld [tilespmem:s18+$0xFFFFFFF0]  }
0x35a: {  	v16 =	vld [tilespmem:s18+$0x0]  }
0x35b: {  	v17 =	vld [tilespmem:s18+$0x10]  }
0x35c: {  	v18 =	vld [tilespmem:s18+$0x20]  }
0x35d: {  	s30 =	simm.s32 $0x0;
	v39 =	vld [tilespmem:s18+$0x30]  }
0x35e: {  	v54 =	vmov s30;
	v40 =	vld [tilespmem:s18+$0x40]  }
0x35f: {  	v41 =	vshrl.u32 v54, $0x3;
	v42 =	vld [tilespmem:s18+$0x50]  }
0x360: {  	v41 =	vshll.u32 v41, v1;
	v43 =	vld [tilespmem:s18+$0x60]  }
0x361: {  	v41 =	vbroadcast v41, $0x0;
	v45 =	vld [tilespmem:s18+$0xFFFFFF00]  }
0x362: {  	s31 =	simm.s32 $0x1;
	v44 =	vld [tilespmem:s18+$0x70]  }
0x363: {  	v55 =	vmov s31;
	v48 =	vadd.s32 v61, v41;
	v46 =	vld [tilespmem:s18+$0x80]  }
0x364: {  	v47 =	vshrl.u32 v55, $0x3;
	v49 =	vld [tilespmem:s18+$0x90]  }
0x365: {  	v50 =	vadd.s32 v56, v41;
	v47 =	vshll.u32 v47, v1;
	v51 =	vld [tilespmem:s18+$0xA0]  }
0x366: {  	v53 =	vadd.s32 v57, v41;
	v47 =	vbroadcast v47, $0x0;
	v52 =	vld [tilespmem:s18+$0xB0];
	v45 =	vadd.f32 v45, v36  }
0x367: {  	v41 =	vadd.s32 v58, v41;
	v54 =	vld [tilespmem:s18+$0xC0]  }
0x368: {  	v55 =	vld [tilespmem:s18+$0xD0];
	v6 =	vadd.f32 v6, v37;
	[tilespmem:v48+s29+$0x0] =	vst.idx.msk $0xffff, v45;
	v48 =	vadd.s32 v59, v47  }
0x369: {  	v5 =	vadd.f32 v5, v34  }
0x36a: {  	v4 =	vadd.f32 v4, v33;
	[tilespmem:v50+s29+$0x0] =	vst.idx.msk $0xffff, v6;
	v50 =	vadd.s32 v60, v47  }
0x36b: {  	v3 =	vadd.f32 v3, v36;
	[tilespmem:v53+s29+$0x0] =	vst.idx.msk $0xffff, v5;
	v53 =	vadd.s32 v62, v47  }
0x36c: {  	s30 =	simm.s32 $0x2;
	[tilespmem:v41+s29+$0x0] =	vst.idx.msk $0xffff, v4  }
0x36d: {  	v2 =	vadd.f32 v2, v37;
	v45 =	vmov s30;
	[tilespmem:v48+s29+$0x0] =	vst.idx.msk $0xffff, v3;
	v3 =	vld [tilespmem:$0x1FF80]  }
0x36e: {  	v29 =	vld [tilespmem:$0x1FF90];
	v0 =	vadd.f32 v0, v34;
	v6 =	vshrl.u32 v45, $0x3  }
0x36f: {  	v6 =	vshll.u32 v6, v1;
	[tilespmem:v50+s29+$0x0] =	vst.idx.msk $0xffff, v2;
	v50 =	vld [tilespmem:$0x1FFA0]  }
0x370: {  	v6 =	vbroadcast v6, $0x0;
	[tilespmem:v53+s29+$0x0] =	vst.idx.msk $0xffff, v0;
	v0 =	vld [tilespmem:$0x1FFB0]  }
0x371: {  	s31 =	simm.s32 $0x3;
	v4 =	vadd.s32 v63, v47  }
0x372: {  	v47 =	vmov s31;
	v3 =	vadd.s32 v3, v6  }
0x373: {  	v41 =	vshrl.u32 v47, $0x3;
	v47 =	vadd.s32 v29, v6  }
0x374: {  	v2 =	vadd.f32 v7, v33;
	v7 =	vadd.s32 v50, v6  }
0x375: {  	v45 =	vld [tilespmem:$0x1FE10];
	v53 =	vadd.f32 v8, v36;
	v0 =	vadd.s32 v0, v6  }
0x376: {  	[tilespmem:v4+s29+$0x0] =	vst.idx.msk $0xffff, v2;
	v2 =	vadd.f32 v9, v37;
	v50 =	vld [tilespmem:$0x1FE20]  }
0x377: {  	v41 =	vshll.u32 v41, v1;
	v48 =	vadd.f32 v10, v34;
	[tilespmem:v3+s29+$0x0] =	vst.idx.msk $0xffff, v53  }
0x378: {  	v41 =	vbroadcast v41, $0x0;
	[tilespmem:v47+s29+$0x0] =	vst.idx.msk $0xffff, v2;
	v2 =	vadd.f32 v11, v33  }
0x379: {  	v53 =	vld [tilespmem:$0x1FE30];
	[tilespmem:v7+s29+$0x0] =	vst.idx.msk $0xffff, v48  }
0x37a: {  	s30 =	simm.s32 $0x4;
	v4 =	vadd.s32 v45, v41;
	[tilespmem:v0+s29+$0x0] =	vst.idx.msk $0xffff, v2;
	v2 =	vld [tilespmem:$0x1FE40]  }
0x37b: {  	v3 =	vmov s30;
	v5 =	vadd.s32 v50, v41;
	v50 =	vld [tilespmem:$0x1FE50]  }
0x37c: {  	v3 =	vshrl.u32 v3, $0x3;
	v11 =	vld [tilespmem:$0x1FE60]  }
0x37d: {  	v45 =	vadd.f32 v12, v36;
	v3 =	vshll.u32 v3, v1  }
0x37e: {  	v0 =	vadd.f32 v13, v37;
	v3 =	vbroadcast v3, $0x0;
	v8 =	vadd.s32 v53, v41  }
0x37f: {  	[tilespmem:v4+s29+$0x0] =	vst.idx.msk $0xffff, v45;
	v2 =	vadd.s32 v2, v41  }
0x380: {  	[tilespmem:v5+s29+$0x0] =	vst.idx.msk $0xffff, v0;
	v5 =	vadd.s32 v50, v3  }
0x381: {  	v47 =	vadd.f32 v14, v34;
	v7 =	vadd.s32 v11, v3  }
0x382: {  	v48 =	vadd.f32 v15, v33;
	v14 =	vadd.s32 v30, v3  }
0x383: {  	v53 =	vadd.f32 v16, v36;
	v3 =	vadd.s32 v31, v3;
	[tilespmem:v8+s29+$0x0] =	vst.idx.msk $0xffff, v47  }
0x384: {  	v12 =	vadd.f32 v17, v37;
	[tilespmem:v2+s29+$0x0] =	vst.idx.msk $0xffff, v48  }
0x385: {  	v13 =	vadd.f32 v18, v34;
	[tilespmem:v5+s29+$0x0] =	vst.idx.msk $0xffff, v53  }
0x386: {  	s31 =	simm.s32 $0x5;
	v50 =	vld [tilespmem:$0x1FFF0];
	v2 =	vadd.f32 v39, v33;
	[tilespmem:v7+s29+$0x0] =	vst.idx.msk $0xffff, v12  }
0x387: {  	v0 =	vmov s31;
	v53 =	vld [tilespmem:$0x1FFE0];
	[tilespmem:v14+s29+$0x0] =	vst.idx.msk $0xffff, v13  }
0x388: {  	v0 =	vshrl.u32 v0, $0x3;
	[tilespmem:v3+s29+$0x0] =	vst.idx.msk $0xffff, v2;
	v3 =	vld [tilespmem:$0x1FFD0]  }
0x389: {  	v0 =	vshll.u32 v0, v1  }
0x38a: {  	v0 =	vbroadcast v0, $0x0  }
0x38b: {  	s30 =	simm.s32 $0x6;
	v45 =	vadd.f32 v52, v33;
	v41 =	vadd.f32 v44, v33  }
0x38c: {  	v44 =	vadd.f32 v49, v37;
	v48 =	vmov s30;
	v5 =	vadd.s32 v50, v0  }
0x38d: {  	v50 =	vadd.s32 v19, v0;
	v49 =	vadd.s32 v53, v0;
	v52 =	vadd.s32 v3, v0;
	v0 =	vld [tilespmem:$0x1FE80]  }
0x38e: {  	v4 =	vshrl.u32 v48, $0x3  }
0x38f: {  	v4 =	vshll.u32 v4, v1  }
0x390: {  	s31 =	simm.s32 $0x7;
	v48 =	vbroadcast v4, $0x0  }
0x391: {  	v2 =	vmov s31  }
0x392: {  	v53 =	vadd.s32 v0, v48;
	v0 =	vshrl.u32 v2, $0x3;
	v2 =	vld [tilespmem:$0x1FE90]  }
0x393: {  	v15 =	vadd.f32 v40, v36  }
0x394: {  	v40 =	vadd.f32 v42, v37;
	v42 =	vadd.f32 v46, v36  }
0x395: {  	v46 =	vadd.f32 v54, v36;
	v47 =	vadd.f32 v55, v37  }
0x396: {  	v39 =	vadd.f32 v43, v34;
	v43 =	vadd.f32 v51, v34  }
0x397: {  	s15 =	simm.s32 $0xF;
	[tilespmem:v5+s29+$0x0] =	vst.idx.msk $0xffff, v15;
	v54 =	vshll.u32 v0, v1;
	v51 =	vadd.s32 v2, v48  }
.LBB2_7:
0x398: {  	_ = 	snop  }
0x399: {  	[tilespmem:v49+s29+$0x0] =	vst.idx.msk $0xffff, v40;
	v0 =	vadd.s32 v32, v48;
	v2 =	vbroadcast v54, $0x0  }
0x39a: {  	s30 =	smov.u32 s15;
	v3 =	vadd.s32 v25, v48;
	[tilespmem:v50+s29+$0x0] =	vst.idx.msk $0xffff, v39  }
0x39b: {  	s31 =	sadd.s32 $0xFFFFFFF9, s30;
	[tilespmem:v52+s29+$0x0] =	vst.idx.msk $0xffff, v41;
	v4 =	vadd.s32 v26, v2  }
0x39c: {  	v5 =	vadd.s32 v27, v2;
	v12 =	vmov s31;
	s31 =	sadd.s32 $0xFFFFFFFA, s30;
	[tilespmem:v53+s29+$0x0] =	vst.idx.msk $0xffff, v42  }
0x39d: {  	v6 =	vadd.s32 v28, v2;
	v12 =	vshrl.u32 v12, $0x3;
	v17 =	vmov s31;
	s31 =	sadd.s32 $0xFFFFFFFB, s30;
	[tilespmem:v51+s29+$0x0] =	vst.idx.msk $0xffff, v44  }
0x39e: {  	v29 =	vld [tilespmem:$0x1FF80];
	v12 =	vshll.u32 v12, v1;
	v52 =	vmov s31;
	[tilespmem:v0+s29+$0x0] =	vst.idx.msk $0xffff, v43;
	v0 =	vadd.s32 v23, v2  }
0x39f: {  	v12 =	vbroadcast v12, $0x0;
	[tilespmem:v3+s29+$0x0] =	vst.idx.msk $0xffff, v45;
	v45 =	vshrl.u32 v52, $0x3  }
0x3a0: {  	v2 =	vadd.f32 v38, v34;
	[tilespmem:v4+s29+$0x0] =	vst.idx.msk $0xffff, v46;
	v45 =	vshll.u32 v45, v1  }
0x3a1: {  	v3 =	vadd.f32 v35, v33;
	v39 =	vadd.s32 v61, v12;
	[tilespmem:v5+s29+$0x0] =	vst.idx.msk $0xffff, v47;
	v45 =	vbroadcast v45, $0x0  }
0x3a2: {  	v41 =	vadd.s32 v56, v12;
	v43 =	vadd.s32 v57, v12;
	[tilespmem:v6+s29+$0x0] =	vst.idx.msk $0xffff, v2  }
0x3a3: {  	s18 =	sadd.s32 $0x200, s18;
	v12 =	vadd.s32 v58, v12;
	[tilespmem:v0+s29+$0x0] =	vst.idx.msk $0xffff, v3;
	v58 =	vadd.s32 v29, v45;
	v29 =	vld [tilespmem:$0x1FFB0]  }
0x3a4: {  	v35 =	vld [tilespmem:s18+$0xF0]  }
0x3a5: {  	v38 =	vld [tilespmem:s18+$0xE0]  }
0x3a6: {  	v0 =	vld [tilespmem:s18+$0xFFFFFF60]  }
0x3a7: {  	v2 =	vld [tilespmem:s18+$0xFFFFFF50]  }
0x3a8: {  	v3 =	vld [tilespmem:s18+$0xFFFFFF40]  }
0x3a9: {  	v4 =	vld [tilespmem:s18+$0xFFFFFF30]  }
0x3aa: {  	v5 =	vld [tilespmem:s18+$0xFFFFFF20]  }
0x3ab: {  	v6 =	vld [tilespmem:s18+$0xFFFFFF10]  }
0x3ac: {  	v7 =	vld [tilespmem:s18+$0xFFFFFF70]  }
0x3ad: {  	v8 =	vld [tilespmem:s18+$0xFFFFFF80]  }
0x3ae: {  	v9 =	vld [tilespmem:s18+$0xFFFFFF90]  }
0x3af: {  	v10 =	vld [tilespmem:s18+$0xFFFFFFA0]  }
0x3b0: {  	v11 =	vld [tilespmem:s18+$0xFFFFFFB0]  }
0x3b1: {  	v13 =	vld [tilespmem:s18+$0xFFFFFFC0]  }
0x3b2: {  	v14 =	vld [tilespmem:s18+$0xFFFFFFD0]  }
0x3b3: {  	v15 =	vld [tilespmem:s18+$0xFFFFFFE0]  }
0x3b4: {  	v16 =	vld [tilespmem:s18+$0xFFFFFFF0]  }
0x3b5: {  	v18 =	vld [tilespmem:s18+$0x0]  }
0x3b6: {  	v40 =	vld [tilespmem:s18+$0x10]  }
0x3b7: {  	v42 =	vld [tilespmem:s18+$0x20]  }
0x3b8: {  	v44 =	vld [tilespmem:s18+$0x30]  }
0x3b9: {  	v46 =	vld [tilespmem:s18+$0x40]  }
0x3ba: {  	v48 =	vld [tilespmem:s18+$0x50]  }
0x3bb: {  	v50 =	vld [tilespmem:s18+$0x60]  }
0x3bc: {  	v52 =	vld [tilespmem:s18+$0x70]  }
0x3bd: {  	v17 =	vshrl.u32 v17, $0x3;
	v53 =	vld [tilespmem:s18+$0xFFFFFF00]  }
0x3be: {  	v17 =	vshll.u32 v17, v1;
	v54 =	vld [tilespmem:s18+$0x80]  }
0x3bf: {  	v17 =	vbroadcast v17, $0x0;
	v55 =	vld [tilespmem:s18+$0x90]  }
0x3c0: {  	v57 =	vld [tilespmem:s18+$0xA0]  }
0x3c1: {  	v47 =	vadd.s32 v59, v17;
	v59 =	vadd.s32 v29, v45;
	v29 =	vld [tilespmem:$0x1FF90]  }
0x3c2: {  	v49 =	vadd.s32 v60, v17;
	v60 =	vld [tilespmem:s18+$0xB0];
	v53 =	vadd.f32 v53, v36  }
0x3c3: {  	v51 =	vadd.s32 v62, v17;
	v62 =	vld [tilespmem:s18+$0xC0];
	v6 =	vadd.f32 v6, v37  }
0x3c4: {  	v17 =	vadd.s32 v63, v17;
	v63 =	vld [tilespmem:s18+$0xD0];
	v5 =	vadd.f32 v5, v34;
	[tilespmem:v39+s29+$0x0] =	vst.idx.msk $0xffff, v53  }
0x3c5: {  	v4 =	vadd.f32 v4, v33;
	[tilespmem:v41+s29+$0x0] =	vst.idx.msk $0xffff, v6  }
0x3c6: {  	s31 =	sadd.s32 $0xFFFFFFFC, s30;
	v3 =	vadd.f32 v3, v36;
	v61 =	vadd.s32 v29, v45;
	v29 =	vld [tilespmem:$0x1FFA0];
	[tilespmem:v43+s29+$0x0] =	vst.idx.msk $0xffff, v5  }
0x3c7: {  	v56 =	vmov s31;
	[tilespmem:v12+s29+$0x0] =	vst.idx.msk $0xffff, v4  }
0x3c8: {  	v56 =	vshrl.u32 v56, $0x3;
	v2 =	vadd.f32 v2, v37;
	[tilespmem:v47+s29+$0x0] =	vst.idx.msk $0xffff, v3;
	v3 =	vld [tilespmem:$0x1FE10]  }
0x3c9: {  	v56 =	vshll.u32 v56, v1;
	v0 =	vadd.f32 v0, v34;
	v43 =	vld [tilespmem:$0x1FE20]  }
0x3ca: {  	v7 =	vadd.f32 v7, v33;
	v9 =	vadd.f32 v9, v37;
	v41 =	vld [tilespmem:$0x1FE30];
	[tilespmem:v49+s29+$0x0] =	vst.idx.msk $0xffff, v2  }
0x3cb: {  	s31 =	sadd.s32 $0xFFFFFFFD, s30;
	v8 =	vadd.f32 v8, v36;
	v53 =	vbroadcast v56, $0x0;
	[tilespmem:v51+s29+$0x0] =	vst.idx.msk $0xffff, v0;
	v0 =	vld [tilespmem:$0x1FE40];
	v45 =	vadd.s32 v29, v45  }
0x3cc: {  	v6 =	vadd.f32 v15, v34;
	v15 =	vadd.f32 v16, v33;
	v16 =	vmov s31;
	v49 =	vld [tilespmem:$0x1FE50]  }
0x3cd: {  	v10 =	vadd.f32 v10, v34;
	v16 =	vshrl.u32 v16, $0x3;
	v51 =	vld [tilespmem:$0x1FE60];
	[tilespmem:v17+s29+$0x0] =	vst.idx.msk $0xffff, v7;
	v3 =	vadd.s32 v3, v53  }
0x3ce: {  	v2 =	vshll.u32 v16, v1;
	v4 =	vadd.s32 v43, v53;
	[tilespmem:v58+s29+$0x0] =	vst.idx.msk $0xffff, v8  }
0x3cf: {  	v11 =	vadd.f32 v11, v33;
	v5 =	vadd.s32 v41, v53;
	v2 =	vbroadcast v2, $0x0;
	[tilespmem:v61+s29+$0x0] =	vst.idx.msk $0xffff, v9  }
0x3d0: {  	v13 =	vadd.f32 v13, v36;
	v0 =	vadd.s32 v0, v53;
	[tilespmem:v45+s29+$0x0] =	vst.idx.msk $0xffff, v10  }
0x3d1: {  	v14 =	vadd.f32 v14, v37;
	v9 =	vadd.s32 v49, v2;
	[tilespmem:v59+s29+$0x0] =	vst.idx.msk $0xffff, v11  }
0x3d2: {  	v10 =	vadd.s32 v51, v2;
	[tilespmem:v3+s29+$0x0] =	vst.idx.msk $0xffff, v13  }
0x3d3: {  	v8 =	vadd.s32 v30, v2;
	[tilespmem:v4+s29+$0x0] =	vst.idx.msk $0xffff, v14  }
0x3d4: {  	s31 =	sadd.s32 $0xFFFFFFFE, s30;
	v12 =	vadd.f32 v18, v36;
	v2 =	vadd.s32 v31, v2;
	[tilespmem:v5+s29+$0x0] =	vst.idx.msk $0xffff, v6  }
0x3d5: {  	v18 =	vadd.f32 v40, v37;
	v47 =	vadd.f32 v44, v33;
	v44 =	vmov s31;
	[tilespmem:v0+s29+$0x0] =	vst.idx.msk $0xffff, v15;
	v0 =	vld [tilespmem:$0x1FFE0]  }
0x3d6: {  	v16 =	vadd.f32 v42, v34;
	v17 =	vshrl.u32 v44, $0x3;
	[tilespmem:v9+s29+$0x0] =	vst.idx.msk $0xffff, v12  }
0x3d7: {  	v41 =	vadd.f32 v52, v33;
	v52 =	vshll.u32 v17, v1;
	[tilespmem:v10+s29+$0x0] =	vst.idx.msk $0xffff, v18  }
0x3d8: {  	s31 =	sadd.s32 $0xFFFFFFFF, s30;
	v42 =	vadd.f32 v54, v36;
	v54 =	vld [tilespmem:$0x1FFF0];
	v3 =	vbroadcast v52, $0x0;
	[tilespmem:v8+s29+$0x0] =	vst.idx.msk $0xffff, v16  }
0x3d9: {  	v53 =	vmov s31;
	[tilespmem:v2+s29+$0x0] =	vst.idx.msk $0xffff, v47;
	v2 =	vld [tilespmem:$0x1FE80]  }
0x3da: {  	v49 =	vadd.s32 v0, v3;
	v0 =	vshrl.u32 v53, $0x3  }
0x3db: {  	v56 =	vld [tilespmem:$0x1FEF0];
	v0 =	vshll.u32 v0, v1  }
0x3dc: {  	v40 =	vadd.f32 v48, v37;
	v43 =	vadd.f32 v57, v34;
	v57 =	vld [tilespmem:$0x1FF00];
	v48 =	vbroadcast v0, $0x0  }
0x3dd: {  	v44 =	vadd.f32 v55, v37;
	v55 =	vld [tilespmem:$0x1FFD0]  }
0x3de: {  	p2 =	sne.s32 s15, $0x7F;
	v5 =	vadd.s32 v54, v3;
	v53 =	vadd.s32 v2, v48;
	v2 =	vld [tilespmem:$0x1FE90]  }
.Ltmp4:
0x3df: {  	v7 =	vadd.f32 v46, v36;
	v46 =	vadd.f32 v62, v36;
	v62 =	vld [tilespmem:$0x1FF40];
	(pc) =	sbr.rel @p2 .LBB2_7-.Ltmp4, $4  }
0x3e0: {  	v39 =	vadd.f32 v50, v34;
	v58 =	vld [tilespmem:$0x1FF10]  }
0x3e1: {  	v45 =	vadd.f32 v60, v33;
	v60 =	vld [tilespmem:$0x1FF30];
	v50 =	vadd.s32 v19, v3;
	v0 =	vmov s30  }
0x3e2: {  	v59 =	vld [tilespmem:$0x1FF20];
	v52 =	vadd.s32 v55, v3;
	v47 =	vadd.f32 v63, v37;
	v0 =	vshrl.u32 v0, $0x3  }
0x3e3: {  	s15 =	sadd.s32 $0x8, s15;
	v61 =	vmov v21;
	v63 =	vld [tilespmem:$0x1FF50];
	[tilespmem:v5+s29+$0x0] =	vst.idx.msk $0xffff, v7;
	v54 =	vshll.u32 v0, v1;
	v51 =	vadd.s32 v2, v48  }
0x3e4: {  	_ =	sdelay $0x3  }
0x3e5: {  	[tilespmem:v49+s29+$0x0] =	vst.idx.msk $0xffff, v40;
	v0 =	vadd.s32 v32, v48;
	v2 =	vbroadcast v54, $0x0  }
0x3e6: {  	v3 =	vadd.s32 v25, v48;
	[tilespmem:v50+s29+$0x0] =	vst.idx.msk $0xffff, v39  }
0x3e7: {  	[tilespmem:v52+s29+$0x0] =	vst.idx.msk $0xffff, v41;
	v4 =	vadd.s32 v26, v2  }
0x3e8: {  	v5 =	vadd.s32 v27, v2;
	[tilespmem:v53+s29+$0x0] =	vst.idx.msk $0xffff, v42  }
0x3e9: {  	v6 =	vadd.s32 v28, v2;
	[tilespmem:v51+s29+$0x0] =	vst.idx.msk $0xffff, v44  }
0x3ea: {  	[tilespmem:v0+s29+$0x0] =	vst.idx.msk $0xffff, v43;
	v0 =	vadd.s32 v23, v2  }
0x3eb: {  	[tilespmem:v3+s29+$0x0] =	vst.idx.msk $0xffff, v45  }
0x3ec: {  	s15 =	sshll.u32 s23, $0x12;
	v2 =	vadd.f32 v38, v34;
	[tilespmem:v4+s29+$0x0] =	vst.idx.msk $0xffff, v46  }
0x3ed: {  	s15 =	sor.u32 s7, s15;
	v3 =	vadd.f32 v35, v33;
	[tilespmem:v5+s29+$0x0] =	vst.idx.msk $0xffff, v47  }
0x3ee: {  	s15 =	sshrl.u32 s15, $0x3;
	[tilespmem:v6+s29+$0x0] =	vst.idx.msk $0xffff, v2  }
0x3ef: {  	s18 =	sadd.s32 s2, s15;
	[tilespmem:v0+s29+$0x0] =	vst.idx.msk $0xffff, v3  }
0x3f0: {  	[hbm4b:s18+s3] =	stream.linear.scatter [tilespmem:s29], [sflag:$0x7], $0x80, $0x38;
	[tilespmem:$0x19E00] =	vst v63  }
0x3f1: {  	s30 =	simm.s32 $0x15A88;
	s31 =	sadd.s32 $0x10, s18  }
0x3f2: {  	[hbm4b:s31+s3] =	stream.linear.scatter [tilespmem:s30], [sflag:$0x7], $0x80, $0x38;
	[tilespmem:$0x19E00] =	vst v63  }
0x3f3: {  	s23 =	sadd.s32 $0x20, s18;
	s31 =	simm.s32 $0x15B10  }
0x3f4: {  	[hbm4b:s23+s3] =	stream.linear.scatter [tilespmem:s31], [sflag:$0x7], $0x80, $0x38;
	[tilespmem:$0x19E00] =	vst v63  }
0x3f5: {  	s23 =	sadd.s32 $0x30, s18;
	s31 =	simm.s32 $0x15B98  }
0x3f6: {  	[hbm4b:s23+s3] =	stream.linear.scatter [tilespmem:s31], [sflag:$0x7], $0x80, $0x38;
	[tilespmem:$0x19E00] =	vst v63  }
0x3f7: {  	s23 =	sadd.s32 $0x40, s18;
	s31 =	simm.s32 $0x15C20  }
0x3f8: {  	[hbm4b:s23+s3] =	stream.linear.scatter [tilespmem:s31], [sflag:$0x7], $0x80, $0x38;
	[tilespmem:$0x19E00] =	vst v63  }
0x3f9: {  	s23 =	sadd.s32 $0x50, s18;
	s31 =	simm.s32 $0x15CA8  }
0x3fa: {  	[hbm4b:s23+s3] =	stream.linear.scatter [tilespmem:s31], [sflag:$0x7], $0x80, $0x38;
	[tilespmem:$0x19E00] =	vst v63  }
0x3fb: {  	s23 =	sadd.s32 $0x60, s18;
	s31 =	simm.s32 $0x15D30  }
0x3fc: {  	[hbm4b:s23+s3] =	stream.linear.scatter [tilespmem:s31], [sflag:$0x7], $0x80, $0x38;
	[tilespmem:$0x19E00] =	vst v63  }
0x3fd: {  	s18 =	sadd.s32 $0x70, s18;
	s31 =	simm.s32 $0x15DB8  }
0x3fe: {  	[hbm4b:s18+s3] =	stream.linear.scatter [tilespmem:s31], [sflag:$0x7], $0x80, $0x38;
	[tilespmem:$0x19E00] =	vst v63  }
0x3ff: {  	s30 =	simm.s32 $0x15E40;
	s18 =	sadd.s32 s15, s8  }
0x400: {  	[hbm4b:s18+s3] =	stream.linear.scatter [tilespmem:s30], [sflag:$0x7], $0x80, $0x38;
	[tilespmem:$0x19E00] =	vst v63  }
0x401: {  	s31 =	simm.s32 $0x15EC8;
	s23 =	sadd.s32 $0x10, s18  }
0x402: {  	[hbm4b:s23+s3] =	stream.linear.scatter [tilespmem:s31], [sflag:$0x7], $0x80, $0x38;
	[tilespmem:$0x19E00] =	vst v63  }
0x403: {  	s23 =	sadd.s32 $0x20, s18;
	s31 =	simm.s32 $0x15F50  }
0x404: {  	[hbm4b:s23+s3] =	stream.linear.scatter [tilespmem:s31], [sflag:$0x7], $0x80, $0x38;
	[tilespmem:$0x19E00] =	vst v63  }
0x405: {  	s23 =	sadd.s32 $0x30, s18;
	s31 =	simm.s32 $0x15FD8  }
0x406: {  	[hbm4b:s23+s3] =	stream.linear.scatter [tilespmem:s31], [sflag:$0x7], $0x80, $0x38;
	[tilespmem:$0x19E00] =	vst v63  }
0x407: {  	s23 =	sadd.s32 $0x40, s18;
	s31 =	simm.s32 $0x16060  }
0x408: {  	[hbm4b:s23+s3] =	stream.linear.scatter [tilespmem:s31], [sflag:$0x7], $0x80, $0x38;
	[tilespmem:$0x19E00] =	vst v63  }
0x409: {  	s23 =	sadd.s32 $0x50, s18;
	s31 =	simm.s32 $0x160E8  }
0x40a: {  	[hbm4b:s23+s3] =	stream.linear.scatter [tilespmem:s31], [sflag:$0x7], $0x80, $0x38;
	[tilespmem:$0x19E00] =	vst v63  }
0x40b: {  	s23 =	sadd.s32 $0x60, s18;
	s31 =	simm.s32 $0x16170  }
0x40c: {  	[hbm4b:s23+s3] =	stream.linear.scatter [tilespmem:s31], [sflag:$0x7], $0x80, $0x38;
	[tilespmem:$0x19E00] =	vst v63  }
0x40d: {  	s18 =	sadd.s32 $0x70, s18;
	s31 =	simm.s32 $0x161F8  }
0x40e: {  	[hbm4b:s18+s3] =	stream.linear.scatter [tilespmem:s31], [sflag:$0x7], $0x80, $0x38;
	[tilespmem:$0x19E00] =	vst v63  }
0x40f: {  	s30 =	simm.s32 $0x16280;
	s18 =	sadd.s32 s15, s9  }
0x410: {  	[hbm4b:s18+s3] =	stream.linear.scatter [tilespmem:s30], [sflag:$0x7], $0x80, $0x38;
	[tilespmem:$0x19E00] =	vst v63  }
0x411: {  	s31 =	simm.s32 $0x16308;
	s23 =	sadd.s32 $0x10, s18  }
0x412: {  	[hbm4b:s23+s3] =	stream.linear.scatter [tilespmem:s31], [sflag:$0x7], $0x80, $0x38;
	[tilespmem:$0x19E00] =	vst v63  }
0x413: {  	s23 =	sadd.s32 $0x20, s18;
	s31 =	simm.s32 $0x16390  }
0x414: {  	[hbm4b:s23+s3] =	stream.linear.scatter [tilespmem:s31], [sflag:$0x7], $0x80, $0x38;
	[tilespmem:$0x19E00] =	vst v63  }
0x415: {  	s23 =	sadd.s32 $0x30, s18;
	s31 =	simm.s32 $0x16418  }
0x416: {  	[hbm4b:s23+s3] =	stream.linear.scatter [tilespmem:s31], [sflag:$0x7], $0x80, $0x38;
	[tilespmem:$0x19E00] =	vst v63  }
0x417: {  	s23 =	sadd.s32 $0x40, s18;
	s31 =	simm.s32 $0x164A0  }
0x418: {  	[hbm4b:s23+s3] =	stream.linear.scatter [tilespmem:s31], [sflag:$0x7], $0x80, $0x38;
	[tilespmem:$0x19E00] =	vst v63  }
0x419: {  	s23 =	sadd.s32 $0x50, s18;
	s31 =	simm.s32 $0x16528  }
0x41a: {  	[hbm4b:s23+s3] =	stream.linear.scatter [tilespmem:s31], [sflag:$0x7], $0x80, $0x38;
	[tilespmem:$0x19E00] =	vst v63  }
0x41b: {  	s23 =	sadd.s32 $0x60, s18;
	s31 =	simm.s32 $0x165B0  }
0x41c: {  	[hbm4b:s23+s3] =	stream.linear.scatter [tilespmem:s31], [sflag:$0x7], $0x80, $0x38;
	[tilespmem:$0x19E00] =	vst v63  }
0x41d: {  	s18 =	sadd.s32 $0x70, s18;
	s31 =	simm.s32 $0x16638  }
0x41e: {  	[hbm4b:s18+s3] =	stream.linear.scatter [tilespmem:s31], [sflag:$0x7], $0x80, $0x38;
	[tilespmem:$0x19E00] =	vst v63  }
0x41f: {  	s30 =	simm.s32 $0x166C0;
	s18 =	sadd.s32 s15, s10  }
0x420: {  	[hbm4b:s18+s3] =	stream.linear.scatter [tilespmem:s30], [sflag:$0x7], $0x80, $0x38;
	[tilespmem:$0x19E00] =	vst v63  }
0x421: {  	s31 =	simm.s32 $0x16748;
	s23 =	sadd.s32 $0x10, s18  }
0x422: {  	[hbm4b:s23+s3] =	stream.linear.scatter [tilespmem:s31], [sflag:$0x7], $0x80, $0x38;
	[tilespmem:$0x19E00] =	vst v63  }
0x423: {  	s23 =	sadd.s32 $0x20, s18;
	s31 =	simm.s32 $0x167D0  }
0x424: {  	[hbm4b:s23+s3] =	stream.linear.scatter [tilespmem:s31], [sflag:$0x7], $0x80, $0x38;
	[tilespmem:$0x19E00] =	vst v63  }
0x425: {  	s23 =	sadd.s32 $0x30, s18;
	s31 =	simm.s32 $0x16858  }
0x426: {  	[hbm4b:s23+s3] =	stream.linear.scatter [tilespmem:s31], [sflag:$0x7], $0x80, $0x38;
	[tilespmem:$0x19E00] =	vst v63  }
0x427: {  	s23 =	sadd.s32 $0x40, s18;
	s31 =	simm.s32 $0x168E0  }
0x428: {  	[hbm4b:s23+s3] =	stream.linear.scatter [tilespmem:s31], [sflag:$0x7], $0x80, $0x38;
	[tilespmem:$0x19E00] =	vst v63  }
0x429: {  	s23 =	sadd.s32 $0x50, s18;
	s31 =	simm.s32 $0x16968  }
0x42a: {  	[hbm4b:s23+s3] =	stream.linear.scatter [tilespmem:s31], [sflag:$0x7], $0x80, $0x38;
	[tilespmem:$0x19E00] =	vst v63  }
0x42b: {  	s23 =	sadd.s32 $0x60, s18;
	s31 =	simm.s32 $0x169F0  }
0x42c: {  	[hbm4b:s23+s3] =	stream.linear.scatter [tilespmem:s31], [sflag:$0x7], $0x80, $0x38;
	[tilespmem:$0x19E00] =	vst v63  }
0x42d: {  	s18 =	sadd.s32 $0x70, s18;
	s31 =	simm.s32 $0x16A78  }
0x42e: {  	[hbm4b:s18+s3] =	stream.linear.scatter [tilespmem:s31], [sflag:$0x7], $0x80, $0x38;
	[tilespmem:$0x19E00] =	vst v63  }
0x42f: {  	s30 =	simm.s32 $0x16B00;
	s18 =	sadd.s32 s15, s11  }
0x430: {  	[hbm4b:s18+s3] =	stream.linear.scatter [tilespmem:s30], [sflag:$0x7], $0x80, $0x38;
	[tilespmem:$0x19E00] =	vst v63  }
0x431: {  	s31 =	simm.s32 $0x16B88;
	s23 =	sadd.s32 $0x10, s18  }
0x432: {  	[hbm4b:s23+s3] =	stream.linear.scatter [tilespmem:s31], [sflag:$0x7], $0x80, $0x38;
	[tilespmem:$0x19E00] =	vst v63  }
0x433: {  	s23 =	sadd.s32 $0x20, s18;
	s31 =	simm.s32 $0x16C10  }
0x434: {  	[hbm4b:s23+s3] =	stream.linear.scatter [tilespmem:s31], [sflag:$0x7], $0x80, $0x38;
	[tilespmem:$0x19E00] =	vst v63  }
0x435: {  	s23 =	sadd.s32 $0x30, s18;
	s31 =	simm.s32 $0x16C98  }
0x436: {  	[hbm4b:s23+s3] =	stream.linear.scatter [tilespmem:s31], [sflag:$0x7], $0x80, $0x38;
	[tilespmem:$0x19E00] =	vst v63  }
0x437: {  	s23 =	sadd.s32 $0x40, s18;
	s31 =	simm.s32 $0x16D20  }
0x438: {  	[hbm4b:s23+s3] =	stream.linear.scatter [tilespmem:s31], [sflag:$0x7], $0x80, $0x38;
	[tilespmem:$0x19E00] =	vst v63  }
0x439: {  	s23 =	sadd.s32 $0x50, s18;
	s31 =	simm.s32 $0x16DA8  }
0x43a: {  	[hbm4b:s23+s3] =	stream.linear.scatter [tilespmem:s31], [sflag:$0x7], $0x80, $0x38;
	[tilespmem:$0x19E00] =	vst v63  }
0x43b: {  	s23 =	sadd.s32 $0x60, s18;
	s31 =	simm.s32 $0x16E30  }
0x43c: {  	[hbm4b:s23+s3] =	stream.linear.scatter [tilespmem:s31], [sflag:$0x7], $0x80, $0x38;
	[tilespmem:$0x19E00] =	vst v63  }
0x43d: {  	s18 =	sadd.s32 $0x70, s18;
	s31 =	simm.s32 $0x16EB8  }
0x43e: {  	[hbm4b:s18+s3] =	stream.linear.scatter [tilespmem:s31], [sflag:$0x7], $0x80, $0x38;
	[tilespmem:$0x19E00] =	vst v63  }
0x43f: {  	s30 =	simm.s32 $0x16F40;
	s18 =	sadd.s32 s15, s12  }
0x440: {  	[hbm4b:s18+s3] =	stream.linear.scatter [tilespmem:s30], [sflag:$0x7], $0x80, $0x38;
	[tilespmem:$0x19E00] =	vst v63  }
0x441: {  	s31 =	simm.s32 $0x16FC8;
	s23 =	sadd.s32 $0x10, s18  }
0x442: {  	[hbm4b:s23+s3] =	stream.linear.scatter [tilespmem:s31], [sflag:$0x7], $0x80, $0x38;
	[tilespmem:$0x19E00] =	vst v63  }
0x443: {  	s23 =	sadd.s32 $0x20, s18;
	s31 =	simm.s32 $0x17050  }
0x444: {  	[hbm4b:s23+s3] =	stream.linear.scatter [tilespmem:s31], [sflag:$0x7], $0x80, $0x38;
	[tilespmem:$0x19E00] =	vst v63  }
0x445: {  	s23 =	sadd.s32 $0x30, s18;
	s31 =	simm.s32 $0x170D8  }
0x446: {  	[hbm4b:s23+s3] =	stream.linear.scatter [tilespmem:s31], [sflag:$0x7], $0x80, $0x38;
	[tilespmem:$0x19E00] =	vst v63  }
0x447: {  	s23 =	sadd.s32 $0x40, s18;
	s31 =	simm.s32 $0x17160  }
0x448: {  	[hbm4b:s23+s3] =	stream.linear.scatter [tilespmem:s31], [sflag:$0x7], $0x80, $0x38;
	[tilespmem:$0x19E00] =	vst v63  }
0x449: {  	s23 =	sadd.s32 $0x50, s18;
	s31 =	simm.s32 $0x171E8  }
0x44a: {  	[hbm4b:s23+s3] =	stream.linear.scatter [tilespmem:s31], [sflag:$0x7], $0x80, $0x38;
	[tilespmem:$0x19E00] =	vst v63  }
0x44b: {  	s23 =	sadd.s32 $0x60, s18;
	s31 =	simm.s32 $0x17270  }
0x44c: {  	[hbm4b:s23+s3] =	stream.linear.scatter [tilespmem:s31], [sflag:$0x7], $0x80, $0x38;
	[tilespmem:$0x19E00] =	vst v63  }
0x44d: {  	s18 =	sadd.s32 $0x70, s18;
	s31 =	simm.s32 $0x172F8  }
0x44e: {  	[hbm4b:s18+s3] =	stream.linear.scatter [tilespmem:s31], [sflag:$0x7], $0x80, $0x38;
	[tilespmem:$0x19E00] =	vst v63  }
0x44f: {  	s30 =	simm.s32 $0x17380;
	s18 =	sadd.s32 s15, s13  }
0x450: {  	[hbm4b:s18+s3] =	stream.linear.scatter [tilespmem:s30], [sflag:$0x7], $0x80, $0x38;
	[tilespmem:$0x19E00] =	vst v63  }
0x451: {  	s31 =	simm.s32 $0x17408;
	s23 =	sadd.s32 $0x10, s18  }
0x452: {  	[hbm4b:s23+s3] =	stream.linear.scatter [tilespmem:s31], [sflag:$0x7], $0x80, $0x38;
	[tilespmem:$0x19E00] =	vst v63  }
0x453: {  	s23 =	sadd.s32 $0x20, s18;
	s31 =	simm.s32 $0x17490  }
0x454: {  	[hbm4b:s23+s3] =	stream.linear.scatter [tilespmem:s31], [sflag:$0x7], $0x80, $0x38;
	[tilespmem:$0x19E00] =	vst v63  }
0x455: {  	s23 =	sadd.s32 $0x30, s18;
	s31 =	simm.s32 $0x17518  }
0x456: {  	[hbm4b:s23+s3] =	stream.linear.scatter [tilespmem:s31], [sflag:$0x7], $0x80, $0x38;
	[tilespmem:$0x19E00] =	vst v63  }
0x457: {  	s23 =	sadd.s32 $0x40, s18;
	s31 =	simm.s32 $0x175A0  }
0x458: {  	[hbm4b:s23+s3] =	stream.linear.scatter [tilespmem:s31], [sflag:$0x7], $0x80, $0x38;
	[tilespmem:$0x19E00] =	vst v63  }
0x459: {  	s23 =	sadd.s32 $0x50, s18;
	s31 =	simm.s32 $0x17628  }
0x45a: {  	[hbm4b:s23+s3] =	stream.linear.scatter [tilespmem:s31], [sflag:$0x7], $0x80, $0x38;
	[tilespmem:$0x19E00] =	vst v63  }
0x45b: {  	s23 =	sadd.s32 $0x60, s18;
	s31 =	simm.s32 $0x176B0  }
0x45c: {  	[hbm4b:s23+s3] =	stream.linear.scatter [tilespmem:s31], [sflag:$0x7], $0x80, $0x38;
	[tilespmem:$0x19E00] =	vst v63  }
0x45d: {  	s18 =	sadd.s32 $0x70, s18;
	s31 =	simm.s32 $0x17738  }
0x45e: {  	[hbm4b:s18+s3] =	stream.linear.scatter [tilespmem:s31], [sflag:$0x7], $0x80, $0x38;
	[tilespmem:$0x19E00] =	vst v63  }
0x45f: {  	s15 =	sadd.s32 s15, s14;
	s23 =	simm.s32 $0x177C0  }
0x460: {  	[hbm4b:s15+s3] =	stream.linear.scatter [tilespmem:s23], [sflag:$0x7], $0x80, $0x38;
	[tilespmem:$0x19E00] =	vst v63  }
0x461: {  	s30 =	sadd.s32 $0x10, s15;
	s31 =	simm.s32 $0x17848  }
0x462: {  	[hbm4b:s30+s3] =	stream.linear.scatter [tilespmem:s31], [sflag:$0x7], $0x80, $0x38;
	[tilespmem:$0x19E00] =	vst v63  }
0x463: {  	s30 =	sadd.s32 $0x20, s15;
	s31 =	simm.s32 $0x178D0  }
0x464: {  	[hbm4b:s30+s3] =	stream.linear.scatter [tilespmem:s31], [sflag:$0x7], $0x80, $0x38;
	[tilespmem:$0x19E00] =	vst v63  }
0x465: {  	s30 =	sadd.s32 $0x30, s15;
	s31 =	simm.s32 $0x17958  }
0x466: {  	[hbm4b:s30+s3] =	stream.linear.scatter [tilespmem:s31], [sflag:$0x7], $0x80, $0x38;
	[tilespmem:$0x19E00] =	vst v63  }
0x467: {  	s30 =	sadd.s32 $0x40, s15;
	s31 =	simm.s32 $0x179E0  }
0x468: {  	[hbm4b:s30+s3] =	stream.linear.scatter [tilespmem:s31], [sflag:$0x7], $0x80, $0x38;
	[tilespmem:$0x19E00] =	vst v63  }
0x469: {  	s30 =	sadd.s32 $0x50, s15;
	s31 =	simm.s32 $0x17A68  }
0x46a: {  	[hbm4b:s30+s3] =	stream.linear.scatter [tilespmem:s31], [sflag:$0x7], $0x80, $0x38;
	[tilespmem:$0x19E00] =	vst v63  }
0x46b: {  	s30 =	sadd.s32 $0x60, s15;
	s31 =	simm.s32 $0x17AF0  }
0x46c: {  	[hbm4b:s30+s3] =	stream.linear.scatter [tilespmem:s31], [sflag:$0x7], $0x80, $0x38;
	[tilespmem:$0x19E00] =	vst v63  }
0x46d: {  	s15 =	sadd.s32 $0x70, s15;
	s30 =	simm.s32 $0x17B78  }
0x46e: {  	[hbm4b:s15+s3] =	stream.linear.scatter [tilespmem:s30], [sflag:$0x7], $0x80, $0x38;
	[tilespmem:$0x19E00] =	vst v63  }
0x46f: {  	s18 =	simm.s32 @!p1 $0x80;
	s15 =	sadd.s32 @!p1 $0x300, s22;
	s22 =	simm.s32 @!p1 $0xD600  }
0x470: {  	[tilespmem:s22], [sflag:$0x3] =	stream.indirect.gather @!p1 [hbm4b:s4+s18], $0x40, s15, s18, $0xb8;
	[tilespmem:$0x19E00] =	vst v63  }
0x471: {  	_ =	swait.ge [sflag:s16], $0x2000  }
0x472: {  	[sflag:s16] =	ssyncset.done $0x0  }
0x473: {  	s15 =	simm.s32 @!p0 $0x8;
	[sflag:s16] =	ssyncadd.s32 $0xFFFFE000  }
0x474: {  	_ =	swait.ge @!p0 [sflag:s15], $0x400  }
0x475: {  	[sflag:s15] =	ssyncset.done @!p0 $0x0  }
0x476: {  	[sflag:s15] =	ssyncadd.s32 @!p0 $0xFFFFFC00  }
0x477: {  	_ =	swait.ge @!p0 [sflag:s15], $0x400  }
0x478: {  	[sflag:s15] =	ssyncset.done @!p0 $0x0  }
0x479: {  	[sflag:s15] =	ssyncadd.s32 @!p0 $0xFFFFFC00  }
0x47a: {  	_ =	swait.ge @!p0 [sflag:s15], $0x400  }
0x47b: {  	[sflag:s15] =	ssyncset.done @!p0 $0x0  }
0x47c: {  	[sflag:s15] =	ssyncadd.s32 @!p0 $0xFFFFFC00  }
0x47d: {  	_ =	swait.ge @!p0 [sflag:s15], $0x400  }
0x47e: {  	[sflag:s15] =	ssyncset.done @!p0 $0x0  }
0x47f: {  	[sflag:s15] =	ssyncadd.s32 @!p0 $0xFFFFFC00  }
0x480: {  	_ =	swait.ge @!p0 [sflag:s15], $0x400  }
0x481: {  	[sflag:s15] =	ssyncset.done @!p0 $0x0  }
0x482: {  	[sflag:s15] =	ssyncadd.s32 @!p0 $0xFFFFFC00  }
0x483: {  	_ =	swait.ge @!p0 [sflag:s15], $0x400  }
0x484: {  	[sflag:s15] =	ssyncset.done @!p0 $0x0  }
0x485: {  	[sflag:s15] =	ssyncadd.s32 @!p0 $0xFFFFFC00  }
0x486: {  	_ =	swait.ge @!p0 [sflag:s15], $0x400  }
0x487: {  	[sflag:s15] =	ssyncset.done @!p0 $0x0  }
0x488: {  	[sflag:s15] =	ssyncadd.s32 @!p0 $0xFFFFFC00  }
0x489: {  	s21 =	sor.u32 $0x3, s21;
	_ =	swait.ge @!p0 [sflag:s15], $0x400  }
0x48a: {  	s31 =	sshll.u32 s21, $0x6;
	[sflag:s15] =	ssyncset.done @!p0 $0x0  }
0x48b: {  	s18 =	sand.u32 $0x3FFFFFC0, s31;
	[sflag:s15] =	ssyncadd.s32 @!p0 $0xFFFFFC00  }
0x48c: {  	v36 =	vld [tilespmem:s18+$0x6400]  }
0x48d: {  	v37 =	vld [tilespmem:s18+$0x6410]  }
0x48e: {  	v34 =	vld [tilespmem:s18+$0x6420]  }
0x48f: {  	v33 =	vld [tilespmem:s18+$0x6430];
	s18 =	simm.s32 $0xF700  }
0x490: {  	v35 =	vld [tilespmem:s18+$0xF0]  }
0x491: {  	v38 =	vld [tilespmem:s18+$0xE0]  }
0x492: {  	v0 =	vld [tilespmem:s18+$0xFFFFFF60]  }
0x493: {  	v2 =	vld [tilespmem:s18+$0xFFFFFF50]  }
0x494: {  	v3 =	vld [tilespmem:s18+$0xFFFFFF40]  }
0x495: {  	v4 =	vld [tilespmem:s18+$0xFFFFFF30]  }
0x496: {  	v5 =	vld [tilespmem:s18+$0xFFFFFF20]  }
0x497: {  	v6 =	vld [tilespmem:s18+$0xFFFFFF10]  }
0x498: {  	v7 =	vld [tilespmem:s18+$0xFFFFFF70]  }
0x499: {  	v8 =	vld [tilespmem:s18+$0xFFFFFF80]  }
0x49a: {  	v9 =	vld [tilespmem:s18+$0xFFFFFF90]  }
0x49b: {  	v10 =	vld [tilespmem:s18+$0xFFFFFFA0]  }
0x49c: {  	v11 =	vld [tilespmem:s18+$0xFFFFFFB0]  }
0x49d: {  	v12 =	vld [tilespmem:s18+$0xFFFFFFC0]  }
0x49e: {  	v13 =	vld [tilespmem:s18+$0xFFFFFFD0]  }
0x49f: {  	v14 =	vld [tilespmem:s18+$0xFFFFFFE0]  }
0x4a0: {  	v15 =	vld [tilespmem:s18+$0xFFFFFFF0]  }
0x4a1: {  	v16 =	vld [tilespmem:s18+$0x0]  }
0x4a2: {  	v17 =	vld [tilespmem:s18+$0x10]  }
0x4a3: {  	v18 =	vld [tilespmem:s18+$0x20]  }
0x4a4: {  	s22 =	simm.s32 $0x0;
	v39 =	vld [tilespmem:s18+$0x30]  }
0x4a5: {  	v54 =	vmov s22;
	v40 =	vld [tilespmem:s18+$0x40]  }
0x4a6: {  	v41 =	vshrl.u32 v54, $0x3;
	v42 =	vld [tilespmem:s18+$0x50]  }
0x4a7: {  	v41 =	vshll.u32 v41, v1;
	v43 =	vld [tilespmem:s18+$0x60]  }
0x4a8: {  	v41 =	vbroadcast v41, $0x0;
	v45 =	vld [tilespmem:s18+$0xFFFFFF00]  }
0x4a9: {  	s23 =	simm.s32 $0x1;
	v44 =	vld [tilespmem:s18+$0x70]  }
0x4aa: {  	v20 =	vmov v32;
	v55 =	vmov s23;
	v32 =	vadd.s32 v61, v41;
	v46 =	vld [tilespmem:s18+$0x80]  }
0x4ab: {  	v47 =	vshrl.u32 v55, $0x3;
	v49 =	vld [tilespmem:s18+$0x90]  }
0x4ac: {  	v47 =	vshll.u32 v47, v1;
	v50 =	vadd.s32 v56, v41;
	v51 =	vld [tilespmem:s18+$0xA0]  }
0x4ad: {  	v47 =	vbroadcast v47, $0x0;
	v53 =	vadd.s32 v57, v41;
	v52 =	vld [tilespmem:s18+$0xB0];
	v45 =	vadd.f32 v45, v36  }
0x4ae: {  	v41 =	vadd.s32 v58, v41;
	v54 =	vld [tilespmem:s18+$0xC0]  }
0x4af: {  	s30 =	simm.s32 $0x2;
	v55 =	vld [tilespmem:s18+$0xD0];
	v6 =	vadd.f32 v6, v37;
	[tilespmem:v32+s24+$0x0] =	vst.idx.msk $0xffff, v45;
	v32 =	vadd.s32 v59, v47  }
0x4b0: {  	v5 =	vadd.f32 v5, v34;
	v45 =	vmov s30  }
0x4b1: {  	v4 =	vadd.f32 v4, v33;
	[tilespmem:v50+s24+$0x0] =	vst.idx.msk $0xffff, v6;
	v6 =	vshrl.u32 v45, $0x3;
	v45 =	vadd.s32 v60, v47  }
0x4b2: {  	v3 =	vadd.f32 v3, v36;
	[tilespmem:v53+s24+$0x0] =	vst.idx.msk $0xffff, v5;
	v5 =	vadd.s32 v62, v47  }
0x4b3: {  	[tilespmem:v41+s24+$0x0] =	vst.idx.msk $0xffff, v4  }
0x4b4: {  	v2 =	vadd.f32 v2, v37;
	[tilespmem:v32+s24+$0x0] =	vst.idx.msk $0xffff, v3;
	v3 =	vld [tilespmem:$0x1FF80]  }
0x4b5: {  	v29 =	vld [tilespmem:$0x1FF90];
	v0 =	vadd.f32 v0, v34  }
0x4b6: {  	v6 =	vshll.u32 v6, v1;
	[tilespmem:v45+s24+$0x0] =	vst.idx.msk $0xffff, v2;
	v2 =	vadd.f32 v7, v33;
	v7 =	vld [tilespmem:$0x1FFA0]  }
0x4b7: {  	v6 =	vbroadcast v6, $0x0;
	[tilespmem:v5+s24+$0x0] =	vst.idx.msk $0xffff, v0;
	v0 =	vld [tilespmem:$0x1FFB0]  }
0x4b8: {  	v50 =	vadd.s32 v63, v47  }
0x4b9: {  	v3 =	vadd.s32 v3, v6  }
0x4ba: {  	v32 =	vadd.s32 v29, v6  }
0x4bb: {  	s31 =	simm.s32 $0x3;
	v7 =	vadd.s32 v7, v6  }
0x4bc: {  	v48 =	vld [tilespmem:$0x1FE10];
	v53 =	vmov s31;
	v45 =	vadd.f32 v8, v36;
	v0 =	vadd.s32 v0, v6  }
0x4bd: {  	v41 =	vshrl.u32 v53, $0x3;
	[tilespmem:v50+s24+$0x0] =	vst.idx.msk $0xffff, v2;
	v2 =	vadd.f32 v9, v37;
	v50 =	vld [tilespmem:$0x1FE20]  }
0x4be: {  	v41 =	vshll.u32 v41, v1;
	v6 =	vadd.f32 v10, v34;
	[tilespmem:v3+s24+$0x0] =	vst.idx.msk $0xffff, v45  }
0x4bf: {  	v41 =	vbroadcast v41, $0x0;
	[tilespmem:v32+s24+$0x0] =	vst.idx.msk $0xffff, v2;
	v2 =	vadd.f32 v11, v33  }
0x4c0: {  	v8 =	vld [tilespmem:$0x1FE30];
	[tilespmem:v7+s24+$0x0] =	vst.idx.msk $0xffff, v6  }
0x4c1: {  	s22 =	simm.s32 $0x4;
	v4 =	vadd.s32 v48, v41;
	[tilespmem:v0+s24+$0x0] =	vst.idx.msk $0xffff, v2;
	v2 =	vld [tilespmem:$0x1FE40]  }
0x4c2: {  	v5 =	vadd.s32 v50, v41;
	v3 =	vmov s22;
	v6 =	vadd.f32 v12, v36;
	v12 =	vld [tilespmem:$0x1FE50]  }
0x4c3: {  	v3 =	vshrl.u32 v3, $0x3;
	v7 =	vld [tilespmem:$0x1FE60]  }
0x4c4: {  	v47 =	vadd.f32 v55, v37;
	v53 =	vadd.f32 v14, v34;
	v3 =	vshll.u32 v3, v1  }
0x4c5: {  	v8 =	vadd.s32 v8, v41;
	v0 =	vadd.f32 v13, v37;
	v3 =	vbroadcast v3, $0x0  }
0x4c6: {  	v9 =	vadd.f32 v18, v34;
	[tilespmem:v4+s24+$0x0] =	vst.idx.msk $0xffff, v6;
	v2 =	vadd.s32 v2, v41  }
0x4c7: {  	v10 =	vadd.f32 v40, v36;
	[tilespmem:v5+s24+$0x0] =	vst.idx.msk $0xffff, v0;
	v5 =	vadd.s32 v12, v3  }
0x4c8: {  	s23 =	simm.s32 $0x5;
	v40 =	vadd.f32 v42, v37;
	v42 =	vadd.f32 v46, v36;
	v7 =	vadd.s32 v7, v3  }
0x4c9: {  	v46 =	vadd.f32 v54, v36;
	v32 =	vld [tilespmem:$0x1FFF0];
	v6 =	vadd.f32 v15, v33;
	v0 =	vmov s23  }
0x4ca: {  	v22 =	vld [tilespmem:$0x1FE80];
	s30 =	simm.s32 $0x6;
	v13 =	vadd.f32 v16, v36;
	[tilespmem:v8+s24+$0x0] =	vst.idx.msk $0xffff, v53;
	v0 =	vshrl.u32 v0, $0x3;
	v8 =	vadd.f32 v17, v37  }
0x4cb: {  	v14 =	vmov s30;
	v11 =	vld [tilespmem:$0x1FFE0];
	v0 =	vshll.u32 v0, v1;
	[tilespmem:v2+s24+$0x0] =	vst.idx.msk $0xffff, v6;
	v6 =	vadd.s32 v30, v3  }
0x4cc: {  	v4 =	vshrl.u32 v14, $0x3;
	v0 =	vbroadcast v0, $0x0;
	v3 =	vadd.s32 v31, v3;
	[tilespmem:v5+s24+$0x0] =	vst.idx.msk $0xffff, v13  }
0x4cd: {  	v45 =	vadd.f32 v52, v33;
	v4 =	vshll.u32 v4, v1;
	[tilespmem:v7+s24+$0x0] =	vst.idx.msk $0xffff, v8;
	v8 =	vld [tilespmem:$0x1FFD0]  }
0x4ce: {  	v24 =	vmovc v23;
	v23 =	vld [tilespmem:$0x1FE90];
	v48 =	vbroadcast v4, $0x0;
	v41 =	vadd.f32 v44, v33;
	v15 =	vadd.s32 v32, v0  }
0x4cf: {  	v25 =	vmov v26;
	v44 =	vadd.f32 v49, v37;
	v2 =	vadd.f32 v39, v33  }
0x4d0: {  	v26 =	vmov v27;
	s31 =	simm.s32 $0x7;
	v53 =	vadd.s32 v22, v48;
	v49 =	vadd.s32 v11, v0;
	[tilespmem:v6+s24+$0x0] =	vst.idx.msk $0xffff, v9  }
0x4d1: {  	v27 =	vmovc v28;
	v29 =	vld [tilespmem:$0x1FF70];
	v50 =	vadd.s32 v19, v0;
	v39 =	vadd.f32 v43, v34;
	[tilespmem:v3+s24+$0x0] =	vst.idx.msk $0xffff, v2;
	v2 =	vmov s31  }
0x4d2: {  	v28 =	vmovc v24;
	v24 =	vmovc v20;
	v43 =	vadd.f32 v51, v34;
	v52 =	vadd.s32 v8, v0;
	v0 =	vshrl.u32 v2, $0x3  }
0x4d3: {  	s15 =	simm.s32 $0xF;
	v19 =	vmov v11;
	v51 =	vadd.s32 v23, v48;
	[tilespmem:v15+s24+$0x0] =	vst.idx.msk $0xffff, v10;
	v54 =	vshll.u32 v0, v1  }
.LBB2_9:
0x4d4: {  	_ = 	snop  }
0x4d5: {  	[tilespmem:v49+s24+$0x0] =	vst.idx.msk $0xffff, v40;
	v0 =	vadd.s32 v24, v48;
	v2 =	vbroadcast v54, $0x0;
	s22 =	smov.u32 s15  }
0x4d6: {  	v3 =	vadd.s32 v29, v48;
	[tilespmem:v50+s24+$0x0] =	vst.idx.msk $0xffff, v39;
	s23 =	sadd.s32 $0xFFFFFFF9, s22  }
0x4d7: {  	s30 =	sadd.s32 $0xFFFFFFFA, s22;
	[tilespmem:v52+s24+$0x0] =	vst.idx.msk $0xffff, v41;
	v4 =	vadd.s32 v25, v2;
	v12 =	vmov s23  }
0x4d8: {  	v5 =	vadd.s32 v26, v2;
	v17 =	vmov s30;
	[tilespmem:v53+s24+$0x0] =	vst.idx.msk $0xffff, v42;
	v12 =	vshrl.u32 v12, $0x3  }
0x4d9: {  	v6 =	vadd.s32 v27, v2;
	v17 =	vshrl.u32 v17, $0x3;
	[tilespmem:v51+s24+$0x0] =	vst.idx.msk $0xffff, v44;
	v12 =	vshll.u32 v12, v1  }
0x4da: {  	v17 =	vshll.u32 v17, v1;
	[tilespmem:v0+s24+$0x0] =	vst.idx.msk $0xffff, v43;
	v0 =	vadd.s32 v28, v2;
	v12 =	vbroadcast v12, $0x0  }
0x4db: {  	v2 =	vadd.f32 v38, v34;
	v17 =	vbroadcast v17, $0x0;
	[tilespmem:v3+s24+$0x0] =	vst.idx.msk $0xffff, v45  }
0x4dc: {  	v3 =	vadd.f32 v35, v33;
	[tilespmem:v4+s24+$0x0] =	vst.idx.msk $0xffff, v46;
	v39 =	vadd.s32 v61, v12  }
0x4dd: {  	s31 =	sadd.s32 $0xFFFFFFFB, s22;
	v49 =	vadd.s32 v60, v17;
	v51 =	vadd.s32 v62, v17;
	v62 =	vld [tilespmem:$0x1FF80];
	[tilespmem:v5+s24+$0x0] =	vst.idx.msk $0xffff, v47  }
0x4de: {  	v61 =	vmov s31;
	v47 =	vadd.s32 v59, v17;
	v17 =	vadd.s32 v63, v17;
	v63 =	vld [tilespmem:$0x1FFB0];
	[tilespmem:v6+s24+$0x0] =	vst.idx.msk $0xffff, v2  }
0x4df: {  	s18 =	sadd.s32 $0x200, s18;
	v45 =	vshrl.u32 v61, $0x3;
	v61 =	vld [tilespmem:$0x1FF90];
	[tilespmem:v0+s24+$0x0] =	vst.idx.msk $0xffff, v3  }
0x4e0: {  	v35 =	vld [tilespmem:s18+$0xF0]  }
0x4e1: {  	v38 =	vld [tilespmem:s18+$0xE0]  }
0x4e2: {  	v0 =	vld [tilespmem:s18+$0xFFFFFF60]  }
0x4e3: {  	v2 =	vld [tilespmem:s18+$0xFFFFFF50]  }
0x4e4: {  	v3 =	vld [tilespmem:s18+$0xFFFFFF40]  }
0x4e5: {  	v4 =	vld [tilespmem:s18+$0xFFFFFF30]  }
0x4e6: {  	v5 =	vld [tilespmem:s18+$0xFFFFFF20]  }
0x4e7: {  	v6 =	vld [tilespmem:s18+$0xFFFFFF10]  }
0x4e8: {  	v7 =	vld [tilespmem:s18+$0xFFFFFF70]  }
0x4e9: {  	v20 =	vmov v8;
	v8 =	vld [tilespmem:s18+$0xFFFFFF80]  }
0x4ea: {  	v9 =	vld [tilespmem:s18+$0xFFFFFF90]  }
0x4eb: {  	v10 =	vld [tilespmem:s18+$0xFFFFFFA0]  }
0x4ec: {  	v11 =	vld [tilespmem:s18+$0xFFFFFFB0]  }
0x4ed: {  	v13 =	vld [tilespmem:s18+$0xFFFFFFC0]  }
0x4ee: {  	v14 =	vld [tilespmem:s18+$0xFFFFFFD0]  }
0x4ef: {  	v15 =	vld [tilespmem:s18+$0xFFFFFFE0]  }
0x4f0: {  	v16 =	vld [tilespmem:s18+$0xFFFFFFF0]  }
0x4f1: {  	v18 =	vld [tilespmem:s18+$0x0]  }
0x4f2: {  	v40 =	vld [tilespmem:s18+$0x10]  }
0x4f3: {  	v42 =	vld [tilespmem:s18+$0x20]  }
0x4f4: {  	v44 =	vld [tilespmem:s18+$0x30]  }
0x4f5: {  	v46 =	vld [tilespmem:s18+$0x40]  }
0x4f6: {  	v48 =	vld [tilespmem:s18+$0x50]  }
0x4f7: {  	v50 =	vld [tilespmem:s18+$0x60]  }
0x4f8: {  	v45 =	vshll.u32 v45, v1;
	v52 =	vld [tilespmem:s18+$0x70]  }
0x4f9: {  	v45 =	vbroadcast v45, $0x0;
	v53 =	vld [tilespmem:s18+$0xFFFFFF00]  }
0x4fa: {  	v54 =	vld [tilespmem:s18+$0x80]  }
0x4fb: {  	v59 =	vadd.s32 v63, v45;
	v63 =	vld [tilespmem:$0x1FFA0]  }
0x4fc: {  	v41 =	vadd.s32 v56, v12;
	v55 =	vld [tilespmem:s18+$0x90]  }
0x4fd: {  	v43 =	vadd.s32 v57, v12;
	v57 =	vld [tilespmem:s18+$0xA0]  }
0x4fe: {  	v12 =	vadd.s32 v58, v12;
	v60 =	vld [tilespmem:s18+$0xB0];
	v53 =	vadd.f32 v53, v36  }
0x4ff: {  	s30 =	sadd.s32 $0xFFFFFFFC, s22;
	v58 =	vadd.s32 v62, v45;
	v62 =	vld [tilespmem:s18+$0xC0];
	v61 =	vadd.s32 v61, v45;
	v6 =	vadd.f32 v6, v37  }
0x500: {  	v56 =	vmov s30;
	v5 =	vadd.f32 v5, v34;
	v45 =	vadd.s32 v63, v45;
	v63 =	vld [tilespmem:s18+$0xD0];
	[tilespmem:v39+s24+$0x0] =	vst.idx.msk $0xffff, v53  }
0x501: {  	v56 =	vshrl.u32 v56, $0x3;
	v4 =	vadd.f32 v4, v33;
	[tilespmem:v41+s24+$0x0] =	vst.idx.msk $0xffff, v6  }
0x502: {  	v56 =	vshll.u32 v56, v1;
	v3 =	vadd.f32 v3, v36;
	[tilespmem:v43+s24+$0x0] =	vst.idx.msk $0xffff, v5  }
0x503: {  	v2 =	vadd.f32 v2, v37;
	v0 =	vadd.f32 v0, v34;
	[tilespmem:v12+s24+$0x0] =	vst.idx.msk $0xffff, v4  }
0x504: {  	v7 =	vadd.f32 v7, v33;
	v9 =	vadd.f32 v9, v37;
	[tilespmem:v47+s24+$0x0] =	vst.idx.msk $0xffff, v3  }
0x505: {  	v10 =	vadd.f32 v10, v34;
	v11 =	vadd.f32 v11, v33;
	v3 =	vld [tilespmem:$0x1FE10];
	[tilespmem:v49+s24+$0x0] =	vst.idx.msk $0xffff, v2  }
0x506: {  	v13 =	vadd.f32 v13, v36;
	v8 =	vadd.f32 v8, v36;
	v43 =	vld [tilespmem:$0x1FE20];
	[tilespmem:v51+s24+$0x0] =	vst.idx.msk $0xffff, v0  }
0x507: {  	v14 =	vadd.f32 v14, v37;
	v39 =	vadd.f32 v50, v34;
	v41 =	vld [tilespmem:$0x1FE30];
	[tilespmem:v17+s24+$0x0] =	vst.idx.msk $0xffff, v7  }
0x508: {  	s31 =	sadd.s32 $0xFFFFFFFD, s22;
	v53 =	vbroadcast v56, $0x0;
	v6 =	vadd.f32 v15, v34;
	v15 =	vadd.f32 v16, v33;
	v0 =	vld [tilespmem:$0x1FE40];
	[tilespmem:v58+s24+$0x0] =	vst.idx.msk $0xffff, v8  }
0x509: {  	v16 =	vmov s31;
	v12 =	vadd.f32 v18, v36;
	v18 =	vadd.f32 v40, v37;
	[tilespmem:v61+s24+$0x0] =	vst.idx.msk $0xffff, v9;
	v9 =	vld [tilespmem:$0x1FE50]  }
0x50a: {  	v16 =	vshrl.u32 v16, $0x3;
	v40 =	vadd.f32 v48, v37;
	v3 =	vadd.s32 v3, v53;
	[tilespmem:v45+s24+$0x0] =	vst.idx.msk $0xffff, v10;
	v10 =	vld [tilespmem:$0x1FE60]  }
0x50b: {  	v47 =	vadd.f32 v44, v33;
	v2 =	vshll.u32 v16, v1;
	v4 =	vadd.s32 v43, v53  }
0x50c: {  	s30 =	sadd.s32 $0xFFFFFFFE, s22;
	v44 =	vadd.f32 v55, v37;
	v5 =	vadd.s32 v41, v53;
	v2 =	vbroadcast v2, $0x0  }
0x50d: {  	v16 =	vadd.f32 v42, v34;
	v0 =	vadd.s32 v0, v53;
	v53 =	vmov s30  }
0x50e: {  	v42 =	vadd.f32 v54, v36;
	[tilespmem:v59+s24+$0x0] =	vst.idx.msk $0xffff, v11;
	v17 =	vshrl.u32 v53, $0x3;
	v9 =	vadd.s32 v9, v2  }
0x50f: {  	v11 =	vshll.u32 v17, v1;
	[tilespmem:v3+s24+$0x0] =	vst.idx.msk $0xffff, v13;
	v10 =	vadd.s32 v10, v2  }
0x510: {  	s31 =	sadd.s32 $0xFFFFFFFF, s22;
	v54 =	vld [tilespmem:$0x1FF60];
	v41 =	vadd.f32 v52, v33;
	v8 =	vadd.s32 v30, v2;
	v3 =	vbroadcast v11, $0x0;
	[tilespmem:v4+s24+$0x0] =	vst.idx.msk $0xffff, v14  }
0x511: {  	v56 =	vld [tilespmem:$0x1FEF0];
	v55 =	vmov s31;
	v7 =	vadd.f32 v46, v36;
	v2 =	vadd.s32 v31, v2;
	[tilespmem:v5+s24+$0x0] =	vst.idx.msk $0xffff, v6  }
0x512: {  	p0 =	sne.s32 s15, $0x7F;
	v43 =	vadd.f32 v57, v34;
	v57 =	vld [tilespmem:$0x1FF00];
	v14 =	vadd.s32 v32, v3;
	[tilespmem:v0+s24+$0x0] =	vst.idx.msk $0xffff, v15;
	v0 =	vshrl.u32 v55, $0x3  }
.Ltmp5:
0x513: {  	v46 =	vadd.f32 v62, v36;
	v62 =	vld [tilespmem:$0x1FF40];
	v0 =	vshll.u32 v0, v1;
	[tilespmem:v9+s24+$0x0] =	vst.idx.msk $0xffff, v12;
	(pc) =	sbr.rel @p0 .LBB2_9-.Ltmp5, $4  }
0x514: {  	v58 =	vld [tilespmem:$0x1FF10];
	v45 =	vadd.f32 v60, v33;
	v49 =	vadd.s32 v19, v3;
	v48 =	vbroadcast v0, $0x0;
	[tilespmem:v10+s24+$0x0] =	vst.idx.msk $0xffff, v18  }
0x515: {  	v61 =	vmovc v21;
	v60 =	vld [tilespmem:$0x1FF30];
	v50 =	vadd.s32 v54, v3;
	v52 =	vadd.s32 v20, v3;
	v0 =	vmov s22;
	[tilespmem:v8+s24+$0x0] =	vst.idx.msk $0xffff, v16  }
0x516: {  	v59 =	vld [tilespmem:$0x1FF20];
	v0 =	vshrl.u32 v0, $0x3;
	v53 =	vadd.s32 v22, v48;
	v51 =	vadd.s32 v23, v48;
	[tilespmem:v2+s24+$0x0] =	vst.idx.msk $0xffff, v47  }
0x517: {  	s15 =	sadd.s32 $0x8, s15;
	v8 =	vmov v20;
	v54 =	vshll.u32 v0, v1;
	v47 =	vadd.f32 v63, v37;
	v63 =	vld [tilespmem:$0x1FF50];
	[tilespmem:v14+s24+$0x0] =	vst.idx.msk $0xffff, v7  }
0x518: {  	_ =	sdelay $0x3  }
0x519: {  	[tilespmem:v49+s24+$0x0] =	vst.idx.msk $0xffff, v40;
	v0 =	vadd.s32 v24, v48;
	v2 =	vbroadcast v54, $0x0  }
0x51a: {  	v3 =	vadd.s32 v29, v48;
	[tilespmem:v50+s24+$0x0] =	vst.idx.msk $0xffff, v39  }
0x51b: {  	[tilespmem:v52+s24+$0x0] =	vst.idx.msk $0xffff, v41;
	v4 =	vadd.s32 v25, v2  }
0x51c: {  	v5 =	vadd.s32 v26, v2;
	[tilespmem:v53+s24+$0x0] =	vst.idx.msk $0xffff, v42  }
0x51d: {  	v6 =	vadd.s32 v27, v2;
	[tilespmem:v51+s24+$0x0] =	vst.idx.msk $0xffff, v44  }
0x51e: {  	[tilespmem:v0+s24+$0x0] =	vst.idx.msk $0xffff, v43;
	v0 =	vadd.s32 v28, v2  }
0x51f: {  	[tilespmem:v3+s24+$0x0] =	vst.idx.msk $0xffff, v45  }
0x520: {  	s15 =	sshll.u32 s21, $0x12;
	v2 =	vadd.f32 v38, v34;
	[tilespmem:v4+s24+$0x0] =	vst.idx.msk $0xffff, v46  }
0x521: {  	s15 =	sor.u32 s7, s15;
	v3 =	vadd.f32 v35, v33;
	[tilespmem:v5+s24+$0x0] =	vst.idx.msk $0xffff, v47  }
0x522: {  	s15 =	sshrl.u32 s15, $0x3;
	[tilespmem:v6+s24+$0x0] =	vst.idx.msk $0xffff, v2  }
0x523: {  	s18 =	sadd.s32 s2, s15;
	[tilespmem:v0+s24+$0x0] =	vst.idx.msk $0xffff, v3  }
0x524: {  	[hbm4b:s18+s3] =	stream.linear.scatter [tilespmem:s24], [sflag:$0x8], $0x80, $0x38;
	[tilespmem:$0x19E00] =	vst v63  }
0x525: {  	s22 =	simm.s32 $0x17C88;
	s23 =	sadd.s32 $0x10, s18  }
0x526: {  	[hbm4b:s23+s3] =	stream.linear.scatter [tilespmem:s22], [sflag:$0x8], $0x80, $0x38;
	[tilespmem:$0x19E00] =	vst v63  }
0x527: {  	s31 =	simm.s32 $0x17D10;
	s30 =	sadd.s32 $0x20, s18  }
0x528: {  	[hbm4b:s30+s3] =	stream.linear.scatter [tilespmem:s31], [sflag:$0x8], $0x80, $0x38;
	[tilespmem:$0x19E00] =	vst v63  }
0x529: {  	s22 =	sadd.s32 $0x30, s18;
	s23 =	simm.s32 $0x17D98  }
0x52a: {  	[hbm4b:s22+s3] =	stream.linear.scatter [tilespmem:s23], [sflag:$0x8], $0x80, $0x38;
	[tilespmem:$0x19E00] =	vst v63  }
0x52b: {  	s30 =	sadd.s32 $0x40, s18;
	s31 =	simm.s32 $0x17E20  }
0x52c: {  	[hbm4b:s30+s3] =	stream.linear.scatter [tilespmem:s31], [sflag:$0x8], $0x80, $0x38;
	[tilespmem:$0x19E00] =	vst v63  }
0x52d: {  	s22 =	sadd.s32 $0x50, s18;
	s23 =	simm.s32 $0x17EA8  }
0x52e: {  	[hbm4b:s22+s3] =	stream.linear.scatter [tilespmem:s23], [sflag:$0x8], $0x80, $0x38;
	[tilespmem:$0x19E00] =	vst v63  }
0x52f: {  	s30 =	sadd.s32 $0x60, s18;
	s31 =	simm.s32 $0x17F30  }
0x530: {  	[hbm4b:s30+s3] =	stream.linear.scatter [tilespmem:s31], [sflag:$0x8], $0x80, $0x38;
	[tilespmem:$0x19E00] =	vst v63  }
0x531: {  	s18 =	sadd.s32 $0x70, s18;
	s22 =	simm.s32 $0x17FB8  }
0x532: {  	[hbm4b:s18+s3] =	stream.linear.scatter [tilespmem:s22], [sflag:$0x8], $0x80, $0x38;
	[tilespmem:$0x19E00] =	vst v63  }
0x533: {  	s23 =	simm.s32 $0x18040;
	s18 =	sadd.s32 s15, s8  }
0x534: {  	[hbm4b:s18+s3] =	stream.linear.scatter [tilespmem:s23], [sflag:$0x8], $0x80, $0x38;
	[tilespmem:$0x19E00] =	vst v63  }
0x535: {  	s31 =	simm.s32 $0x180C8;
	s30 =	sadd.s32 $0x10, s18  }
0x536: {  	[hbm4b:s30+s3] =	stream.linear.scatter [tilespmem:s31], [sflag:$0x8], $0x80, $0x38;
	[tilespmem:$0x19E00] =	vst v63  }
0x537: {  	s22 =	sadd.s32 $0x20, s18;
	s23 =	simm.s32 $0x18150  }
0x538: {  	[hbm4b:s22+s3] =	stream.linear.scatter [tilespmem:s23], [sflag:$0x8], $0x80, $0x38;
	[tilespmem:$0x19E00] =	vst v63  }
0x539: {  	s30 =	sadd.s32 $0x30, s18;
	s31 =	simm.s32 $0x181D8  }
0x53a: {  	[hbm4b:s30+s3] =	stream.linear.scatter [tilespmem:s31], [sflag:$0x8], $0x80, $0x38;
	[tilespmem:$0x19E00] =	vst v63  }
0x53b: {  	s22 =	sadd.s32 $0x40, s18;
	s23 =	simm.s32 $0x18260  }
0x53c: {  	[hbm4b:s22+s3] =	stream.linear.scatter [tilespmem:s23], [sflag:$0x8], $0x80, $0x38;
	[tilespmem:$0x19E00] =	vst v63  }
0x53d: {  	s30 =	sadd.s32 $0x50, s18;
	s31 =	simm.s32 $0x182E8  }
0x53e: {  	[hbm4b:s30+s3] =	stream.linear.scatter [tilespmem:s31], [sflag:$0x8], $0x80, $0x38;
	[tilespmem:$0x19E00] =	vst v63  }
0x53f: {  	s22 =	sadd.s32 $0x60, s18;
	s23 =	simm.s32 $0x18370  }
0x540: {  	[hbm4b:s22+s3] =	stream.linear.scatter [tilespmem:s23], [sflag:$0x8], $0x80, $0x38;
	[tilespmem:$0x19E00] =	vst v63  }
0x541: {  	s18 =	sadd.s32 $0x70, s18;
	s30 =	simm.s32 $0x183F8  }
0x542: {  	[hbm4b:s18+s3] =	stream.linear.scatter [tilespmem:s30], [sflag:$0x8], $0x80, $0x38;
	[tilespmem:$0x19E00] =	vst v63  }
0x543: {  	s31 =	simm.s32 $0x18480;
	s18 =	sadd.s32 s15, s9  }
0x544: {  	[hbm4b:s18+s3] =	stream.linear.scatter [tilespmem:s31], [sflag:$0x8], $0x80, $0x38;
	[tilespmem:$0x19E00] =	vst v63  }
0x545: {  	s23 =	simm.s32 $0x18508;
	s22 =	sadd.s32 $0x10, s18  }
0x546: {  	[hbm4b:s22+s3] =	stream.linear.scatter [tilespmem:s23], [sflag:$0x8], $0x80, $0x38;
	[tilespmem:$0x19E00] =	vst v63  }
0x547: {  	s30 =	sadd.s32 $0x20, s18;
	s31 =	simm.s32 $0x18590  }
0x548: {  	[hbm4b:s30+s3] =	stream.linear.scatter [tilespmem:s31], [sflag:$0x8], $0x80, $0x38;
	[tilespmem:$0x19E00] =	vst v63  }
0x549: {  	s22 =	sadd.s32 $0x30, s18;
	s23 =	simm.s32 $0x18618  }
0x54a: {  	[hbm4b:s22+s3] =	stream.linear.scatter [tilespmem:s23], [sflag:$0x8], $0x80, $0x38;
	[tilespmem:$0x19E00] =	vst v63  }
0x54b: {  	s30 =	sadd.s32 $0x40, s18;
	s31 =	simm.s32 $0x186A0  }
0x54c: {  	[hbm4b:s30+s3] =	stream.linear.scatter [tilespmem:s31], [sflag:$0x8], $0x80, $0x38;
	[tilespmem:$0x19E00] =	vst v63  }
0x54d: {  	s22 =	sadd.s32 $0x50, s18;
	s23 =	simm.s32 $0x18728  }
0x54e: {  	[hbm4b:s22+s3] =	stream.linear.scatter [tilespmem:s23], [sflag:$0x8], $0x80, $0x38;
	[tilespmem:$0x19E00] =	vst v63  }
0x54f: {  	s30 =	sadd.s32 $0x60, s18;
	s31 =	simm.s32 $0x187B0  }
0x550: {  	[hbm4b:s30+s3] =	stream.linear.scatter [tilespmem:s31], [sflag:$0x8], $0x80, $0x38;
	[tilespmem:$0x19E00] =	vst v63  }
0x551: {  	s18 =	sadd.s32 $0x70, s18;
	s22 =	simm.s32 $0x18838  }
0x552: {  	[hbm4b:s18+s3] =	stream.linear.scatter [tilespmem:s22], [sflag:$0x8], $0x80, $0x38;
	[tilespmem:$0x19E00] =	vst v63  }
0x553: {  	s23 =	simm.s32 $0x188C0;
	s18 =	sadd.s32 s15, s10  }
0x554: {  	[hbm4b:s18+s3] =	stream.linear.scatter [tilespmem:s23], [sflag:$0x8], $0x80, $0x38;
	[tilespmem:$0x19E00] =	vst v63  }
0x555: {  	s31 =	simm.s32 $0x18948;
	s30 =	sadd.s32 $0x10, s18  }
0x556: {  	[hbm4b:s30+s3] =	stream.linear.scatter [tilespmem:s31], [sflag:$0x8], $0x80, $0x38;
	[tilespmem:$0x19E00] =	vst v63  }
0x557: {  	s22 =	sadd.s32 $0x20, s18;
	s23 =	simm.s32 $0x189D0  }
0x558: {  	[hbm4b:s22+s3] =	stream.linear.scatter [tilespmem:s23], [sflag:$0x8], $0x80, $0x38;
	[tilespmem:$0x19E00] =	vst v63  }
0x559: {  	s30 =	sadd.s32 $0x30, s18;
	s31 =	simm.s32 $0x18A58  }
0x55a: {  	[hbm4b:s30+s3] =	stream.linear.scatter [tilespmem:s31], [sflag:$0x8], $0x80, $0x38;
	[tilespmem:$0x19E00] =	vst v63  }
0x55b: {  	s22 =	sadd.s32 $0x40, s18;
	s23 =	simm.s32 $0x18AE0  }
0x55c: {  	[hbm4b:s22+s3] =	stream.linear.scatter [tilespmem:s23], [sflag:$0x8], $0x80, $0x38;
	[tilespmem:$0x19E00] =	vst v63  }
0x55d: {  	s30 =	sadd.s32 $0x50, s18;
	s31 =	simm.s32 $0x18B68  }
0x55e: {  	[hbm4b:s30+s3] =	stream.linear.scatter [tilespmem:s31], [sflag:$0x8], $0x80, $0x38;
	[tilespmem:$0x19E00] =	vst v63  }
0x55f: {  	s23 =	sadd.s32 $0x60, s18;
	s30 =	simm.s32 $0x18BF0  }
0x560: {  	[hbm4b:s23+s3] =	stream.linear.scatter [tilespmem:s30], [sflag:$0x8], $0x80, $0x38;
	[tilespmem:$0x19E00] =	vst v63  }
0x561: {  	s18 =	sadd.s32 $0x70, s18;
	s31 =	simm.s32 $0x18C78  }
0x562: {  	[hbm4b:s18+s3] =	stream.linear.scatter [tilespmem:s31], [sflag:$0x8], $0x80, $0x38;
	[tilespmem:$0x19E00] =	vst v63  }
0x563: {  	s22 =	simm.s32 $0x18D00;
	s18 =	sadd.s32 s15, s11  }
0x564: {  	[hbm4b:s18+s3] =	stream.linear.scatter [tilespmem:s22], [sflag:$0x8], $0x80, $0x38;
	[tilespmem:$0x19E00] =	vst v63  }
0x565: {  	s23 =	sadd.s32 $0x10, s18  }
0x566: {  	[hbm4b:s23+s3] =	stream.linear.scatter [tilespmem:s1], [sflag:$0x8], $0x80, $0x38;
	[tilespmem:$0x19E00] =	vst v63  }
0x567: {  	s30 =	sadd.s32 $0x20, s18  }
0x568: {  	[hbm4b:s30+s3] =	stream.linear.scatter [tilespmem:s17], [sflag:$0x8], $0x80, $0x38;
	[tilespmem:$0x19E00] =	vst v63  }
0x569: {  	s31 =	sadd.s32 $0x30, s18  }
0x56a: {  	[hbm4b:s31+s3] =	stream.linear.scatter [tilespmem:s19], [sflag:$0x8], $0x80, $0x38;
	[tilespmem:$0x19E00] =	vst v63  }
0x56b: {  	s22 =	sadd.s32 $0x40, s18;
	s23 =	simm.s32 $0x18F20  }
0x56c: {  	[hbm4b:s22+s3] =	stream.linear.scatter [tilespmem:s23], [sflag:$0x8], $0x80, $0x38;
	[tilespmem:$0x19E00] =	vst v63  }
0x56d: {  	s30 =	sadd.s32 $0x50, s18;
	s31 =	simm.s32 $0x18FA8  }
0x56e: {  	[hbm4b:s30+s3] =	stream.linear.scatter [tilespmem:s31], [sflag:$0x8], $0x80, $0x38;
	[tilespmem:$0x19E00] =	vst v63  }
0x56f: {  	s22 =	sadd.s32 $0x60, s18;
	s23 =	simm.s32 $0x19030  }
0x570: {  	[hbm4b:s22+s3] =	stream.linear.scatter [tilespmem:s23], [sflag:$0x8], $0x80, $0x38;
	[tilespmem:$0x19E00] =	vst v63  }
0x571: {  	s18 =	sadd.s32 $0x70, s18;
	s30 =	simm.s32 $0x190B8  }
0x572: {  	[hbm4b:s18+s3] =	stream.linear.scatter [tilespmem:s30], [sflag:$0x8], $0x80, $0x38;
	[tilespmem:$0x19E00] =	vst v63  }
0x573: {  	s31 =	simm.s32 $0x19140;
	s18 =	sadd.s32 s15, s12  }
0x574: {  	[hbm4b:s18+s3] =	stream.linear.scatter [tilespmem:s31], [sflag:$0x8], $0x80, $0x38;
	[tilespmem:$0x19E00] =	vst v63  }
0x575: {  	s23 =	simm.s32 $0x191C8;
	s22 =	sadd.s32 $0x10, s18  }
0x576: {  	[hbm4b:s22+s3] =	stream.linear.scatter [tilespmem:s23], [sflag:$0x8], $0x80, $0x38;
	[tilespmem:$0x19E00] =	vst v63  }
0x577: {  	s30 =	sadd.s32 $0x20, s18;
	s31 =	simm.s32 $0x19250  }
0x578: {  	[hbm4b:s30+s3] =	stream.linear.scatter [tilespmem:s31], [sflag:$0x8], $0x80, $0x38;
	[tilespmem:$0x19E00] =	vst v63  }
0x579: {  	s22 =	sadd.s32 $0x30, s18;
	s23 =	simm.s32 $0x192D8  }
0x57a: {  	[hbm4b:s22+s3] =	stream.linear.scatter [tilespmem:s23], [sflag:$0x8], $0x80, $0x38;
	[tilespmem:$0x19E00] =	vst v63  }
0x57b: {  	s30 =	sadd.s32 $0x40, s18;
	s31 =	simm.s32 $0x19360  }
0x57c: {  	[hbm4b:s30+s3] =	stream.linear.scatter [tilespmem:s31], [sflag:$0x8], $0x80, $0x38;
	[tilespmem:$0x19E00] =	vst v63  }
0x57d: {  	s22 =	sadd.s32 $0x50, s18;
	s23 =	simm.s32 $0x193E8  }
0x57e: {  	[hbm4b:s22+s3] =	stream.linear.scatter [tilespmem:s23], [sflag:$0x8], $0x80, $0x38;
	[tilespmem:$0x19E00] =	vst v63  }
0x57f: {  	s30 =	sadd.s32 $0x60, s18;
	s31 =	simm.s32 $0x19470  }
0x580: {  	[hbm4b:s30+s3] =	stream.linear.scatter [tilespmem:s31], [sflag:$0x8], $0x80, $0x38;
	[tilespmem:$0x19E00] =	vst v63  }
0x581: {  	s18 =	sadd.s32 $0x70, s18;
	s22 =	simm.s32 $0x194F8  }
0x582: {  	[hbm4b:s18+s3] =	stream.linear.scatter [tilespmem:s22], [sflag:$0x8], $0x80, $0x38;
	[tilespmem:$0x19E00] =	vst v63  }
0x583: {  	s23 =	simm.s32 $0x19580;
	s18 =	sadd.s32 s15, s13  }
0x584: {  	[hbm4b:s18+s3] =	stream.linear.scatter [tilespmem:s23], [sflag:$0x8], $0x80, $0x38;
	[tilespmem:$0x19E00] =	vst v63  }
0x585: {  	s31 =	simm.s32 $0x19608;
	s30 =	sadd.s32 $0x10, s18  }
0x586: {  	[hbm4b:s30+s3] =	stream.linear.scatter [tilespmem:s31], [sflag:$0x8], $0x80, $0x38;
	[tilespmem:$0x19E00] =	vst v63  }
0x587: {  	s22 =	sadd.s32 $0x20, s18;
	s23 =	simm.s32 $0x19690  }
0x588: {  	[hbm4b:s22+s3] =	stream.linear.scatter [tilespmem:s23], [sflag:$0x8], $0x80, $0x38;
	[tilespmem:$0x19E00] =	vst v63  }
0x589: {  	s30 =	sadd.s32 $0x30, s18;
	s31 =	simm.s32 $0x19718  }
0x58a: {  	[hbm4b:s30+s3] =	stream.linear.scatter [tilespmem:s31], [sflag:$0x8], $0x80, $0x38;
	[tilespmem:$0x19E00] =	vst v63  }
0x58b: {  	s22 =	sadd.s32 $0x40, s18;
	s23 =	simm.s32 $0x197A0  }
0x58c: {  	[hbm4b:s22+s3] =	stream.linear.scatter [tilespmem:s23], [sflag:$0x8], $0x80, $0x38;
	[tilespmem:$0x19E00] =	vst v63  }
0x58d: {  	s30 =	sadd.s32 $0x50, s18;
	s31 =	simm.s32 $0x19828  }
0x58e: {  	[hbm4b:s30+s3] =	stream.linear.scatter [tilespmem:s31], [sflag:$0x8], $0x80, $0x38;
	[tilespmem:$0x19E00] =	vst v63  }
0x58f: {  	s23 =	sadd.s32 $0x60, s18;
	s30 =	simm.s32 $0x198B0  }
0x590: {  	[hbm4b:s23+s3] =	stream.linear.scatter [tilespmem:s30], [sflag:$0x8], $0x80, $0x38;
	[tilespmem:$0x19E00] =	vst v63  }
0x591: {  	s18 =	sadd.s32 $0x70, s18;
	s31 =	simm.s32 $0x19938  }
0x592: {  	[hbm4b:s18+s3] =	stream.linear.scatter [tilespmem:s31], [sflag:$0x8], $0x80, $0x38;
	[tilespmem:$0x19E00] =	vst v63  }
0x593: {  	s21 =	simm.s32 $0x199C0;
	s15 =	sadd.s32 s15, s14  }
0x594: {  	[hbm4b:s15+s3] =	stream.linear.scatter [tilespmem:s21], [sflag:$0x8], $0x80, $0x38;
	[tilespmem:$0x19E00] =	vst v63  }
0x595: {  	s22 =	sadd.s32 $0x10, s15;
	s23 =	simm.s32 $0x19A48  }
0x596: {  	[hbm4b:s22+s3] =	stream.linear.scatter [tilespmem:s23], [sflag:$0x8], $0x80, $0x38;
	[tilespmem:$0x19E00] =	vst v63  }
0x597: {  	s30 =	sadd.s32 $0x20, s15;
	s31 =	simm.s32 $0x19AD0  }
0x598: {  	[hbm4b:s30+s3] =	stream.linear.scatter [tilespmem:s31], [sflag:$0x8], $0x80, $0x38;
	[tilespmem:$0x19E00] =	vst v63  }
0x599: {  	s22 =	sadd.s32 $0x30, s15;
	s23 =	simm.s32 $0x19B58  }
0x59a: {  	[hbm4b:s22+s3] =	stream.linear.scatter [tilespmem:s23], [sflag:$0x8], $0x80, $0x38;
	[tilespmem:$0x19E00] =	vst v63  }
0x59b: {  	s30 =	sadd.s32 $0x40, s15;
	s31 =	simm.s32 $0x19BE0  }
0x59c: {  	[hbm4b:s30+s3] =	stream.linear.scatter [tilespmem:s31], [sflag:$0x8], $0x80, $0x38;
	[tilespmem:$0x19E00] =	vst v63  }
0x59d: {  	s21 =	sadd.s32 $0x50, s15;
	s22 =	simm.s32 $0x19C68  }
0x59e: {  	[hbm4b:s21+s3] =	stream.linear.scatter [tilespmem:s22], [sflag:$0x8], $0x80, $0x38;
	[tilespmem:$0x19E00] =	vst v63  }
.Ltmp6:
0x59f: {  	_ = 	snop;
	(pc) =	sbr.rel @p1 .LBB2_12-.Ltmp6, $4  }
0x5a0: {  	v23 =	vld [tilespmem:$0x1FFB0];
	s23 =	sadd.s32 $0x60, s15;
	s30 =	simm.s32 $0x19CF0  }
0x5a1: {  	v22 =	vld [tilespmem:$0x1FFA0];
	[hbm4b:s23+s3] =	stream.linear.scatter [tilespmem:s30], [sflag:$0x8], $0x80, $0x38  }
0x5a2: {  	v21 =	vld [tilespmem:$0x1FF90];
	s15 =	sadd.s32 $0x70, s15;
	s31 =	simm.s32 $0x19D78  }
0x5a3: {  	v20 =	vld [tilespmem:$0x1FF80];
	[hbm4b:s15+s3] =	stream.linear.scatter [tilespmem:s31], [sflag:$0x8], $0x80, $0x38  }
.Ltmp7:
0x5a4: {  	(pc) =	sbr.rel .LBB2_2-.Ltmp7, $4  }
0x5a5: {  	s15 =	sshll.u32 s20, $0x9  }
0x5a6: {  	s15 =	sand.u32 $0x3FFFFE00, s15  }
0x5a7: {  	s18 =	simm.s32 $0xF600;
	s20 =	sadd.s32 $0x1, s20;
	s15 =	sadd.s32 $0x380, s15  }
0x5a8: {  	[tilespmem:s18], [sflag:$0x4] =	stream.indirect.gather [hbm4b:s4+s0], $0x40, s15, s0, $0xb8;
	v2 =	vmov v21;
	[tilespmem:$0x19E00] =	vst v63  }
.LBB2_13:
0x5a9: {  	_ =	sfence.sel $0x180000  }
0x5aa: {  	[bflag:$0x0] =	sbarrier.arrive $0xFFFF  }
0x5ab: {  	_ =	strace $0x90000047  }
0x5ac: {  	s0 =	stileid.u32;
	[bflag:$0x2] =	sbarrier.arrive $0xFFFF  }
0x5ad: {  	p0 =	sne.s32 s0, $0x0;
	s0 =	rddreg [dreg:$0x3]  }
0x5ae: {  	s0 =	sadd.s32 @!p0 $0x100000, s0  }
0x5af: {  	[sflag:s0] =	ssyncadd.tile.s32 @!p0 $0x1;
	_ =	shalt  }
.Lfunc_end2:
_tile_overlayer_lowered:
.L_overlay_start_2:
0x5b0: {  	(tag) =	ssettag $0x2  }
0x5b1: {  	s0 =	rddreg [dreg:$0x0];
	s2 =	stileid.u32  }
0x5b2: {  	s1 =	rddreg [dreg:$0x1];
	p0 =	sne.s32 s2, $0x0  }
0x5b3: {  	s3 =	rddreg [dreg:$0x2];
	[bflag:$0x3] =	sbarrier.arrive $0xFFFF;
	s2 =	simm.s32 @!p0 $0x1C09  }
0x5b4: {  	[timem:s3], [sflag:s2] =	dma.local @!p0 [hbm:s0], s1  }
0x5b5: {  	s0 =	simm.s32 @!p0 $0x9  }
0x5b6: {  	_ =	swait.ge @!p0 [sflag:s0], s1  }
0x5b7: {  	s1 =	ssub.s32 @!p0 $0x0, s1;
	[sflag:s0] =	ssyncset.done @!p0 $0x0  }
0x5b8: {  	[sflag:s0] =	ssyncadd.s32 @!p0 s1  }
0x5b9: {  	[bflag:$0x3] =	sbarrier.arrive $0xFFFF  }
0x5ba: {  	_ =	shalt  }

</sc_bundles>
